<compile_context>
chip_gen: v7x
topology: tpu7x:2x2x1
jax: 0.10.2.dev20260603
libtpu: 0.0.44.dev20260713+nightly
codegen_flags: <defaults>
</compile_context>

<pallas_src>
import functools

import jax
import jax.numpy as jnp
from jax import lax
from jax.experimental import pallas as pl
from jax.experimental.pallas import tpu as pltpu
from jax.experimental.pallas import tpu_sc as plsc

NC, NS = 2, 16
NW = NC * NS
CH = 80


def _sc_gather2(tA, tB, idxA3, idxB3):
    _, rows_w, _ = idxA3.shape
    E = NW * rows_w * CH
    DA = tA.shape[1]
    DB = tB.shape[1]
    mesh = plsc.VectorSubcoreMesh(core_axis_name="c", subcore_axis_name="s")

    @functools.partial(
        pl.kernel,
        out_type=[jax.ShapeDtypeStruct((E, DA), jnp.float32),
                  jax.ShapeDtypeStruct((E, DB), jnp.float32)],
        mesh=mesh,
        compiler_params=pltpu.CompilerParams(needs_layout_passes=False),
        scratch_types=[
            pltpu.VMEM((rows_w, CH), jnp.int32),
            pltpu.VMEM((rows_w, CH), jnp.int32),
        ] + [pltpu.VMEM((CH, DA), jnp.float32)] * 2
          + [pltpu.VMEM((CH, DB), jnp.float32)] * 2
          + [pltpu.SemaphoreType.DMA] * 4,
    )
    def k(tA_h, tB_h, iA_h, iB_h, outA, outB, idxA_v, idxB_v, *rest):
        wid = lax.axis_index("s") * NC + lax.axis_index("c")
        row0 = wid * rows_w
        pltpu.sync_copy(iA_h.at[wid], idxA_v)
        pltpu.sync_copy(iB_h.at[wid], idxB_v)
        bufA = rest[0:2]
        bufB = rest[2:4]
        sA = rest[4:6]
        sB = rest[6:8]

        def issue(i, s):
            pltpu.async_copy(tA_h.at[idxA_v.at[i]], bufA[s], sA[s])
            pltpu.async_copy(tB_h.at[idxB_v.at[i]], bufB[s], sB[s])

        def finish(i, s):
            off = (row0 + i) * CH
            pltpu.make_async_copy(tA_h.at[idxA_v.at[i]], bufA[s], sA[s]).wait()
            pltpu.sync_copy(bufA[s], outA.at[pl.ds(off, CH)])
            pltpu.make_async_copy(tB_h.at[idxB_v.at[i]], bufB[s], sB[s]).wait()
            pltpu.sync_copy(bufB[s], outB.at[pl.ds(off, CH)])

        issue(0, 0)

        def body(g, _):
            for b in range(2):
                i = 2 * g + b

                @pl.when(i + 1 < rows_w)
                def _():
                    issue(i + 1, 1 - b)

                finish(i, b)
            return 0

        lax.fori_loop(0, rows_w // 2, body, 0)

    return k(tA, tB, idxA3, idxB3)


def _sc_scatter_add(m, dst3, n_rows, zslab):
    E, D = m.shape
    rows_w = E // (NW * CH)
    slab = n_rows // NS
    mesh = plsc.VectorSubcoreMesh(core_axis_name="c", subcore_axis_name="s")

    @functools.partial(
        pl.kernel,
        out_type=jax.ShapeDtypeStruct((NC, n_rows, D), jnp.float32),
        mesh=mesh,
        compiler_params=pltpu.CompilerParams(needs_layout_passes=False),
        scratch_types=[
            pltpu.VMEM((rows_w, CH), jnp.int32),
            pltpu.VMEM_SHARED((n_rows, D), jnp.float32),
        ] + [pltpu.VMEM((CH, D), jnp.float32)] * 2
          + [pltpu.SemaphoreType.DMA] * 2,
    )
    def k(m_h, dst_h, z_h, out, idx_v, acc, *bufs):
        nbuf = 2
        buf = bufs[:nbuf]
        sem = bufs[nbuf:2 * nbuf]
        cid = lax.axis_index("c")
        sid = lax.axis_index("s")
        wid = sid * NC + cid
        row0 = wid * rows_w
        pltpu.sync_copy(z_h, acc.at[pl.ds(sid * slab, slab)])
        pltpu.sync_copy(dst_h.at[wid], idx_v)
        plsc.subcore_barrier()

        def l_issue(i, s):
            pltpu.async_copy(m_h.at[pl.ds((row0 + i) * CH, CH)], buf[s], sem[s])

        def l_wait(i, s):
            pltpu.make_async_copy(
                m_h.at[pl.ds((row0 + i) * CH, CH)], buf[s], sem[s]).wait()

        l_issue(0, 0)

        def body(g, _):
            for b in range(nbuf):
                i = nbuf * g + b

                @pl.when(i + 1 < rows_w)
                def _():
                    l_issue(i + 1, 1 - b)

                l_wait(i, b)
                pltpu.sync_copy(buf[b], acc.at[idx_v.at[i]], add=True)
            return 0

        lax.fori_loop(0, rows_w // nbuf, body, 0)
        plsc.subcore_barrier()
        pltpu.sync_copy(acc.at[pl.ds(sid * slab, slab)],
                        out.at[cid, pl.ds(sid * slab, slab)])

    return k(m, dst3, zslab)


def _sc_edge_sumsq(pos4, il3, ir3):
    _, rows_w, _ = il3.shape
    E = NW * rows_w * CH
    per_w = rows_w * CH
    N4 = pos4.shape[0]
    groups = CH // 16
    mesh = plsc.VectorSubcoreMesh(core_axis_name="c", subcore_axis_name="s")

    @functools.partial(
        pl.kernel,
        out_type=jax.ShapeDtypeStruct((E,), jnp.float32),
        mesh=mesh,
        compiler_params=pltpu.CompilerParams(needs_layout_passes=False),
        scratch_types=[
            pltpu.VMEM((N4,), jnp.float32),
            pltpu.VMEM((rows_w, CH), jnp.int32),
            pltpu.VMEM((rows_w, CH), jnp.int32),
            pltpu.VMEM((per_w,), jnp.float32),
        ],
    )
    def k(pos_h, iL_h, iR_h, out, pos_v, iL_v, iR_v, out_v):
        wid = lax.axis_index("s") * NC + lax.axis_index("c")
        pltpu.sync_copy(pos_h, pos_v)
        pltpu.sync_copy(iL_h.at[wid], iL_v)
        pltpu.sync_copy(iR_h.at[wid], iR_v)

        def body(r, _):
            for g in range(groups):
                il = iL_v[r, pl.ds(g * 16, 16)] * 4
                ir = iR_v[r, pl.ds(g * 16, 16)] * 4
                acc = jnp.zeros((16,), jnp.float32)
                for c in range(3):
                    a = plsc.load_gather(pos_v, [il + c])
                    b = plsc.load_gather(pos_v, [ir + c])
                    d = a - b
                    acc = acc + d * d
                out_v[pl.ds(r * CH + g * 16, 16)] = acc
            return 0

        lax.fori_loop(0, rows_w, body, 0)
        pltpu.sync_copy(out_v, out.at[pl.ds(wid * per_w, per_w)])

    return k(pos4, il3, ir3)


def _silu(v):
    return v * jax.nn.sigmoid(v)


def _tc_embed(xg, W_emb, b_emb, WA, WB, nb):
    N, D = xg.shape
    H = W_emb.shape[1]
    grid = N // nb

    def body(x_ref, we, be, wa, wb, h_ref, a_ref, b_ref):
        h = jnp.dot(x_ref[...], we[...],
                    preferred_element_type=jnp.float32) + be[...]
        h_ref[...] = h
        a_ref[...] = jnp.dot(h, wa[...], preferred_element_type=jnp.float32)
        b_ref[...] = jnp.dot(h, wb[...], preferred_element_type=jnp.float32)

    w_spec = [pl.BlockSpec((D, H), lambda i: (0, 0)),
              pl.BlockSpec((1, H), lambda i: (0, 0)),
              pl.BlockSpec((H, H), lambda i: (0, 0)),
              pl.BlockSpec((H, H), lambda i: (0, 0))]
    return pl.pallas_call(
        body,
        grid=(grid,),
        in_specs=[pl.BlockSpec((nb, D), lambda i: (i, 0))] + w_spec,
        out_specs=[pl.BlockSpec((nb, H), lambda i: (i, 0))] * 3,
        out_shape=[jax.ShapeDtypeStruct((N, H), jnp.float32)] * 3,
    )(xg, W_emb, b_emb, WA, WB)


def _tc_message(Asrc, Bdst, sumsq_c, w_inv, bm1, Wm2, bm2, eb):
    E, H = Asrc.shape
    grid = E // eb
    rb = eb // 128

    def body(a_ref, b_ref, s_ref, wi, b1, w2, b2, m_ref):
        invc = jnp.sqrt(s_ref[...] + 1e-12)
        row = lax.broadcasted_iota(jnp.int32, (eb, rb), 0) // 128
        col = lax.broadcasted_iota(jnp.int32, (eb, rb), 1)
        sel = (row == col).astype(jnp.float32)
        t = jnp.dot(sel, invc, preferred_element_type=jnp.float32)
        lane = lax.broadcasted_iota(jnp.int32, (eb, 128), 1)
        rmod = lax.broadcasted_iota(jnp.int32, (eb, 128), 0) % 128
        inv_col = jnp.sum(jnp.where(lane == rmod, t, 0.0), axis=1,
                          keepdims=True)
        z = a_ref[...] + b_ref[...] + inv_col * wi[...] + b1[...]
        z = _silu(z)
        mm = jnp.dot(z, w2[...], preferred_element_type=jnp.float32) + b2[...]
        m_ref[...] = _silu(mm)

    return pl.pallas_call(
        body,
        grid=(grid,),
        in_specs=[
            pl.BlockSpec((eb, H), lambda i: (i, 0)),
            pl.BlockSpec((eb, H), lambda i: (i, 0)),
            pl.BlockSpec((rb, 128), lambda i: (i, 0)),
            pl.BlockSpec((1, H), lambda i: (0, 0)),
            pl.BlockSpec((1, H), lambda i: (0, 0)),
            pl.BlockSpec((H, H), lambda i: (0, 0)),
            pl.BlockSpec((1, H), lambda i: (0, 0)),
        ],
        out_specs=pl.BlockSpec((eb, H), lambda i: (i, 0)),
        out_shape=jax.ShapeDtypeStruct((E, H), jnp.float32),
    )(Asrc, Bdst, sumsq_c, w_inv, bm1, Wm2, bm2)


def _tc_update(h, agg0, agg1, W1h, W1a, b1, W2, b2, WA, WB, nb):
    N, H = h.shape
    grid = N // nb
    n_out = 3 if WA is not None else 1

    def body(h_ref, a0_ref, a1_ref, w1h, w1a, b1r, w2, b2r, *outs):
        h_blk = h_ref[...]
        agg = a0_ref[...] + a1_ref[...]
        u = jnp.dot(h_blk, w1h[...], preferred_element_type=jnp.float32)
        u += jnp.dot(agg, w1a[...], preferred_element_type=jnp.float32)
        u = _silu(u + b1r[...])
        u = jnp.dot(u, w2[...], preferred_element_type=jnp.float32) + b2r[...]
        hn = h_blk + u
        if n_out == 3:
            wa, wb, hn_ref, a_ref, b_ref = outs
            hn_ref[...] = hn
            a_ref[...] = jnp.dot(hn, wa[...],
                                 preferred_element_type=jnp.float32)
            b_ref[...] = jnp.dot(hn, wb[...],
                                 preferred_element_type=jnp.float32)
        else:
            (hn_ref,) = outs
            hn_ref[...] = hn

    in_specs = [
        pl.BlockSpec((nb, H), lambda i: (i, 0)),
        pl.BlockSpec((nb, H), lambda i: (i, 0)),
        pl.BlockSpec((nb, H), lambda i: (i, 0)),
        pl.BlockSpec((H, H), lambda i: (0, 0)),
        pl.BlockSpec((H, H), lambda i: (0, 0)),
        pl.BlockSpec((1, H), lambda i: (0, 0)),
        pl.BlockSpec((H, H), lambda i: (0, 0)),
        pl.BlockSpec((1, H), lambda i: (0, 0)),
    ]
    args = [h, agg0, agg1, W1h, W1a, b1, W2, b2]
    if n_out == 3:
        in_specs += [pl.BlockSpec((H, H), lambda i: (0, 0))] * 2
        args += [WA, WB]
    return pl.pallas_call(
        body,
        grid=(grid,),
        in_specs=in_specs,
        out_specs=[pl.BlockSpec((nb, H), lambda i: (i, 0))] * n_out,
        out_shape=[jax.ShapeDtypeStruct((N, H), jnp.float32)] * n_out,
    )(*args)


def _tc_pool(h, xb_row, Wp1, bp1, Wp2, bp2, Wq1, bq1, Wq2, bq2, n_graphs, nb):
    N, H = h.shape
    grid = N // nb

    def body(h_ref, xb_ref, wp1, bp1r, wp2, bp2r, wq1, bq1r, wq2, bq2r,
             out_ref, acc):
        step = pl.program_id(0)

        @pl.when(step == 0)
        def _():
            acc[...] = jnp.zeros_like(acc)

        hp = _silu(jnp.dot(h_ref[...], wp1[...],
                           preferred_element_type=jnp.float32) + bp1r[...])
        hp = jnp.dot(hp, wp2[...], preferred_element_type=jnp.float32) \
            + bp2r[...]
        rows = lax.broadcasted_iota(jnp.int32, (n_graphs, nb), 0)
        mask = (rows == xb_ref[0]).astype(jnp.float32)
        acc[...] += jnp.dot(mask, hp, preferred_element_type=jnp.float32)

        @pl.when(step == grid - 1)
        def _():
            p = acc[...]
            q = _silu(jnp.dot(p, wq1[...],
                              preferred_element_type=jnp.float32) + bq1r[...])
            out_ref[...] = jnp.dot(q, wq2[...],
                                   preferred_element_type=jnp.float32) \
                + bq2r[...]

    return pl.pallas_call(
        body,
        grid=(grid,),
        in_specs=[
            pl.BlockSpec((nb, H), lambda i: (i, 0)),
            pl.BlockSpec((1, 1, nb), lambda i: (i, 0, 0)),
            pl.BlockSpec((H, H), lambda i: (0, 0)),
            pl.BlockSpec((1, H), lambda i: (0, 0)),
            pl.BlockSpec((H, H), lambda i: (0, 0)),
            pl.BlockSpec((1, H), lambda i: (0, 0)),
            pl.BlockSpec((H, H), lambda i: (0, 0)),
            pl.BlockSpec((1, H), lambda i: (0, 0)),
            pl.BlockSpec((H, 1), lambda i: (0, 0)),
            pl.BlockSpec((1, 1), lambda i: (0, 0)),
        ],
        out_specs=pl.BlockSpec((n_graphs, 1), lambda i: (0, 0)),
        out_shape=jax.ShapeDtypeStruct((n_graphs, 1), jnp.float32),
        scratch_shapes=[pltpu.VMEM((n_graphs, H), jnp.float32)],
    )(h, xb_row, Wp1, bp1, Wp2, bp2, Wq1, bq1, Wq2, bq2)


def kernel(x, pos, feat_ind, adj, inv_ind, x_batch, W_emb, b_emb, Wm1, bm1,
           Wm2, bm2, Wu1, bu1, Wu2, bu2, Wpre1, bpre1, Wpre2, bpre2, Wpost1,
           bpost1, Wpost2, bpost2):
    N, D = x.shape
    H = W_emb.shape[1]
    L = Wm1.shape[0]
    E = adj.shape[1]
    n_graphs = 64

    xg = jnp.take(x, feat_ind, axis=0)
    NP = 10112
    EP = 327680
    pad = EP - E
    rows_w = EP // (NW * CH)
    src3 = jnp.concatenate([adj[0], jnp.zeros((pad,), jnp.int32)]
                           ).reshape(NW, rows_w, CH)
    dst3 = jnp.concatenate([adj[1], jnp.full((pad,), N, jnp.int32)]
                           ).reshape(NW, rows_w, CH)
    il3 = jnp.concatenate([inv_ind[0], jnp.zeros((pad,), jnp.int32)]
                          ).reshape(NW, rows_w, CH)
    ir3 = jnp.concatenate([inv_ind[1], jnp.zeros((pad,), jnp.int32)]
                          ).reshape(NW, rows_w, CH)
    pos4 = jnp.concatenate([pos, jnp.zeros((N, 1), jnp.float32)],
                           axis=1).reshape(-1)
    zslab = jnp.zeros((NP // NS, H), jnp.float32)

    h, A, Bt = _tc_embed(xg, W_emb, b_emb[None], Wm1[0, :H], Wm1[0, H:2 * H],
                         nb=2000)

    sumsq = _sc_edge_sumsq(pos4, il3, ir3).reshape(EP // 128, 128)

    for l in range(L):
        Asrc, Bdst = _sc_gather2(A, Bt, src3, dst3)
        m = _tc_message(Asrc, Bdst, sumsq, Wm1[l, 2 * H:2 * H + 1, :],
                        bm1[l][None], Wm2[l], bm2[l][None], eb=2048)
        aggp = _sc_scatter_add(m, dst3, NP, zslab)
        if l < L - 1:
            h, A, Bt = _tc_update(h, aggp[0], aggp[1], Wu1[l, :H],
                                  Wu1[l, H:], bu1[l][None], Wu2[l],
                                  bu2[l][None], Wm1[l + 1, :H],
                                  Wm1[l + 1, H:2 * H], nb=2000)
        else:
            (h,) = _tc_update(h, aggp[0], aggp[1], Wu1[l, :H], Wu1[l, H:],
                              bu1[l][None], Wu2[l], bu2[l][None],
                              None, None, nb=2000)

    xb3 = x_batch.astype(jnp.int32).reshape(N // 2000, 1, 2000)
    out = _tc_pool(h, xb3, Wpre1, bpre1[None],
                   Wpre2, bpre2[None], Wpost1, bpost1[None], Wpost2,
                   bpost2[None, :], n_graphs, nb=2000)
    return jnp.squeeze(out)

# --- scband reference (transcript-rebuilt; emitter-appended) ---
"""Pipeline reference for scband-egnn-46334107189560 (READ-ONLY COPY).

The authoritative reference and input builder live on the scoring server;
editing this copy changes nothing except your own understanding.
"""

import jax, jax.numpy as jnp
import numpy as np

N = 10000
E = 320000
D = 128
H = 128
L = 4
B = 64


def _w(key, shape):
    fan_in = shape[-2] if len(shape) >= 2 else shape[-1]
    return jax.random.normal(key, shape, jnp.float32) * (1.0 / np.sqrt(fan_in))


def setup_inputs(seed: int = 0) -> dict:
    key = jax.random.key(seed)
    ks = jax.random.split(key, 30)
    inp = {}
    inp['x'] = jax.random.normal(ks[0], (N, D), jnp.float32)
    inp['pos'] = jax.random.normal(ks[1], (N, 3), jnp.float32)
    inp['feat_ind'] = jnp.arange(N, dtype=jnp.int32)
    inp['adj'] = jax.random.randint(ks[2], (2, E), 0, N, dtype=jnp.int32)
    inp['inv_ind'] = jax.random.randint(ks[3], (2, E), 0, N, dtype=jnp.int32)
    inp['x_batch'] = jnp.sort(jax.random.randint(ks[4], (N,), 0, B, dtype=jnp.int32))
    inp['W_emb'] = _w(ks[5], (D, H))
    inp['b_emb'] = jnp.zeros((H,), jnp.float32)
    inp['Wm1'] = _w(ks[6], (L, 2 * H + 1, H))
    inp['bm1'] = jnp.zeros((L, H), jnp.float32)
    inp['Wm2'] = _w(ks[7], (L, H, H))
    inp['bm2'] = jnp.zeros((L, H), jnp.float32)
    inp['Wu1'] = _w(ks[8], (L, 2 * H, H))
    inp['bu1'] = jnp.zeros((L, H), jnp.float32)
    inp['Wu2'] = _w(ks[9], (L, H, H))
    inp['bu2'] = jnp.zeros((L, H), jnp.float32)
    inp['Wpre1'] = _w(ks[10], (H, H))
    inp['bpre1'] = jnp.zeros((H,), jnp.float32)
    inp['Wpre2'] = _w(ks[11], (H, H))
    inp['bpre2'] = jnp.zeros((H,), jnp.float32)
    inp['Wpost1'] = _w(ks[12], (H, H))
    inp['bpost1'] = jnp.zeros((H,), jnp.float32)
    inp['Wpost2'] = _w(ks[13], (H, 1))
    inp['bpost2'] = jnp.zeros((1,), jnp.float32)
    return inp


def reference(x, pos, feat_ind, adj, inv_ind, x_batch, W_emb, b_emb, Wm1, bm1, Wm2, bm2, Wu1, bu1, Wu2, bu2, Wpre1, bpre1, Wpre2, bpre2, Wpost1, bpost1, Wpost2, bpost2):
    silu = jax.nn.silu
    # feature gather (graph.x[feat_ind])
    h = jnp.take(x, feat_ind, axis=0)
    # edge-wise invariant: pairwise distance
    diff = jnp.take(pos, inv_ind[0], axis=0) - jnp.take(pos, inv_ind[1], axis=0)
    inv = jnp.sqrt(jnp.sum(diff * diff, axis=1, keepdims=True) + 1e-12)
    # feature embedding
    h = h @ W_emb + b_emb
    src = adj[0]
    dst = adj[1]
    for l in range(L):
        h_src = jnp.take(h, src, axis=0)
        h_dst = jnp.take(h, dst, axis=0)
        m_in = jnp.concatenate([h_src, h_dst, inv], axis=-1)
        m = silu(m_in @ Wm1[l] + bm1[l])
        m = silu(m @ Wm2[l] + bm2[l])
        agg = jax.ops.segment_sum(m, dst, num_segments=N)
        u_in = jnp.concatenate([h, agg], axis=-1)
        u = silu(u_in @ Wu1[l] + bu1[l])
        u = u @ Wu2[l] + bu2[l]
        h = h + u
    # pre-pool MLP
    h = silu(h @ Wpre1 + bpre1) @ Wpre2 + bpre2
    # global add pool over graphs in batch
    pooled = jax.ops.segment_sum(h, x_batch, num_segments=B)
    # post-pool MLP
    out = silu(pooled @ Wpost1 + bpost1) @ Wpost2 + bpost2
    return jnp.squeeze(out)

if __name__ == "__main__":
    import jax
    _d = setup_inputs()
    print(jax.jit(kernel)(*tuple(_d.values())))

</pallas_src>

<mosaic_0001>
#map = affine_map<(d0, d1) -> (0, 0)>
#map1 = affine_map<(d0, d1) -> (0, 0, 0)>
module attributes {stable_mosaic.version = 14 : i64} {
  func.func @k(%arg0: i32, %arg1: i32, %arg2: memref<327680x128xf32, #tpu.memory_space<hbm>>, %arg3: memref<32x128x80xi32, #tpu.memory_space<hbm>>, %arg4: memref<632x128xf32, #tpu.memory_space<hbm>>, %arg5: memref<2x10112x128xf32, #tpu.memory_space<hbm>>, %arg6: memref<128x80xi32, #tpu.memory_space<vmem>>, %arg7: memref<10112x128xf32, #tpu.memory_space<vmem_shared>>, %arg8: memref<80x128xf32, #tpu.memory_space<vmem>>, %arg9: memref<80x128xf32, #tpu.memory_space<vmem>>, %arg10: memref<!tpu.dma_semaphore, #tpu.memory_space<semaphore_mem>>, %arg11: memref<!tpu.dma_semaphore, #tpu.memory_space<semaphore_mem>>) attributes {dimension_semantics = [#tpu.dimension_semantics<core_parallel>, #tpu.dimension_semantics<subcore_parallel>], iteration_bounds = array<i64: 2, 16>, scalar_prefetch = 0 : i64, scratch_operands = 6 : i64, tpu.core_type = #tpu.core_type<sc_vector_subcore>, window_params = [{transform_indices = #map}, {transform_indices = #map1}, {transform_indices = #map}, {transform_indices = #map1}]} {
    %mul3A = arith.constant 2 : i32
    %mul3A_0 = arith.muli %arg1, %mul3A : i32
    %add3A = arith.addi %mul3A_0, %arg0 : i32
    %mul3A_1 = arith.constant 128 : i32
    %mul3A_2 = arith.muli %add3A, %mul3A_1 : i32
    %mul3A_3 = arith.constant 632 : i32
    %mul3A_4 = arith.muli %arg1, %mul3A_3 : i32
    "tpu.region"() ({
      %run_scoped3A = tpu.sem_alloc : memref<!tpu.dma_semaphore, #tpu.memory_space<semaphore_mem>>
      %dma_start3A_23 = arith.constant 0 : i32
      %dma_start3A_24 = tpu.memref_slice %arg7[%mul3A_4, %dma_start3A_23] : memref<10112x128xf32, #tpu.memory_space<vmem_shared>> -> memref<632x128xf32, #tpu.memory_space<vmem_shared>>
      tpu.enqueue_dma source(%arg4 : memref<632x128xf32, #tpu.memory_space<hbm>>) target(%dma_start3A_24 : memref<632x128xf32, #tpu.memory_space<vmem_shared>>) target_semaphore(%run_scoped3A : memref<!tpu.dma_semaphore, #tpu.memory_space<semaphore_mem>>)
      %dma_wait3A = arith.constant 0 : i32
      %dma_wait3A_25 = tpu.memref_slice %arg7[%mul3A_4, %dma_wait3A] : memref<10112x128xf32, #tpu.memory_space<vmem_shared>> -> memref<632x128xf32, #tpu.memory_space<vmem_shared>>
      tpu.wait_dma2 semaphore(%run_scoped3A : memref<!tpu.dma_semaphore, #tpu.memory_space<semaphore_mem>>) src(%arg4 : memref<632x128xf32, #tpu.memory_space<hbm>>) dst(%dma_wait3A_25 : memref<632x128xf32, #tpu.memory_space<vmem_shared>>)
      tpu.yield
    }) : () -> ()
    "tpu.region"() ({
      %run_scoped3A = tpu.sem_alloc : memref<!tpu.dma_semaphore, #tpu.memory_space<semaphore_mem>>
      %dma_start3A_23 = arith.constant 0 : i32
      %dma_start3A_24 = arith.constant 0 : i32
      %dma_start3A_25 = tpu.memref_slice %arg3[%add3A, %dma_start3A_23, %dma_start3A_24] : memref<32x128x80xi32, #tpu.memory_space<hbm>> -> memref<1x128x80xi32, #tpu.memory_space<hbm>>
      %dma_start3A_26 = tpu.memref_squeeze %dma_start3A_25 : memref<1x128x80xi32, #tpu.memory_space<hbm>> -> memref<128x80xi32, #tpu.memory_space<hbm>>
      %dma_start3A_27 = arith.constant 0 : i32
      %dma_start3A_28 = arith.constant 0 : i32
      %dma_start3A_29 = tpu.memref_slice %arg3[%add3A, %dma_start3A_27, %dma_start3A_28] : memref<32x128x80xi32, #tpu.memory_space<hbm>> -> memref<1x128x80xi32, #tpu.memory_space<hbm>>
      %dma_start3A_30 = tpu.memref_squeeze %dma_start3A_29 : memref<1x128x80xi32, #tpu.memory_space<hbm>> -> memref<128x80xi32, #tpu.memory_space<hbm>>
      tpu.enqueue_dma source(%dma_start3A_30 : memref<128x80xi32, #tpu.memory_space<hbm>>) target(%arg6 : memref<128x80xi32, #tpu.memory_space<vmem>>) target_semaphore(%run_scoped3A : memref<!tpu.dma_semaphore, #tpu.memory_space<semaphore_mem>>)
      %dma_wait3A = arith.constant 0 : i32
      %dma_wait3A_31 = arith.constant 0 : i32
      %dma_wait3A_32 = tpu.memref_slice %arg3[%add3A, %dma_wait3A, %dma_wait3A_31] : memref<32x128x80xi32, #tpu.memory_space<hbm>> -> memref<1x128x80xi32, #tpu.memory_space<hbm>>
      %dma_wait3A_33 = tpu.memref_squeeze %dma_wait3A_32 : memref<1x128x80xi32, #tpu.memory_space<hbm>> -> memref<128x80xi32, #tpu.memory_space<hbm>>
      %dma_wait3A_34 = arith.constant 0 : i32
      %dma_wait3A_35 = arith.constant 0 : i32
      %dma_wait3A_36 = tpu.memref_slice %arg3[%add3A, %dma_wait3A_34, %dma_wait3A_35] : memref<32x128x80xi32, #tpu.memory_space<hbm>> -> memref<1x128x80xi32, #tpu.memory_space<hbm>>
      %dma_wait3A_37 = tpu.memref_squeeze %dma_wait3A_36 : memref<1x128x80xi32, #tpu.memory_space<hbm>> -> memref<128x80xi32, #tpu.memory_space<hbm>>
      tpu.wait_dma2 semaphore(%run_scoped3A : memref<!tpu.dma_semaphore, #tpu.memory_space<semaphore_mem>>) src(%dma_wait3A_37 : memref<128x80xi32, #tpu.memory_space<hbm>>) dst(%arg6 : memref<128x80xi32, #tpu.memory_space<vmem>>)
      tpu.yield
    }) : () -> ()
    %barrier3A = arith.constant 0 : index
    tpu.barrier barrier_id(%barrier3A)
    %add3A_5 = arith.constant 0 : i32
    %add3A_6 = arith.addi %mul3A_2, %add3A_5 : i32
    %mul3A_7 = arith.constant 80 : i32
    %mul3A_8 = arith.muli %add3A_6, %mul3A_7 : i32
    %dma_start3A = arith.constant 0 : i32
    %dma_start3A_9 = tpu.memref_slice %arg2[%mul3A_8, %dma_start3A] : memref<327680x128xf32, #tpu.memory_space<hbm>> -> memref<80x128xf32, #tpu.memory_space<hbm>>
    %dma_start3A_10 = arith.constant 0 : i32
    %dma_start3A_11 = tpu.memref_slice %arg2[%mul3A_8, %dma_start3A_10] : memref<327680x128xf32, #tpu.memory_space<hbm>> -> memref<80x128xf32, #tpu.memory_space<hbm>>
    tpu.enqueue_dma source(%dma_start3A_11 : memref<80x128xf32, #tpu.memory_space<hbm>>) target(%arg8 : memref<80x128xf32, #tpu.memory_space<vmem>>) target_semaphore(%arg10 : memref<!tpu.dma_semaphore, #tpu.memory_space<semaphore_mem>>)
    %scan3A = arith.constant 0 : i32
    %scan3A_12 = arith.constant 0 : i32
    %scan3A_13 = arith.constant 64 : i32
    %scan3A_14 = arith.addi %scan3A_12, %scan3A_13 : i32
    %scan3A_15 = arith.constant 1 : i32
    %scan3A_16 = scf.for %scan3A_23 = %scan3A_12 to %scan3A_14 step %scan3A_15 iter_args(%scan3A_24 = %scan3A) -> (i32)  : i32 {
      %mul3A_25 = arith.constant 2 : i32
      %mul3A_26 = arith.muli %mul3A_25, %scan3A_23 : i32
      %add3A_27 = arith.constant 0 : i32
      %add3A_28 = arith.addi %mul3A_26, %add3A_27 : i32
      %add3A_29 = arith.constant 1 : i32
      %add3A_30 = arith.addi %add3A_28, %add3A_29 : i32
      %lt3A = arith.constant 128 : i32
      %lt3A_31 = arith.cmpi slt, %add3A_30, %lt3A : i32
      %convert_element_type3A = arith.extui %lt3A_31 : i1 to i32
      %cond3A = arith.constant 0 : i32
      %cond3A_32 = arith.cmpi ne, %convert_element_type3A, %cond3A : i32
      scf.if %cond3A_32 {
        %add3A_58 = arith.constant 1 : i32
        %add3A_59 = arith.addi %add3A_28, %add3A_58 : i32
        %add3A_60 = arith.addi %mul3A_2, %add3A_59 : i32
        %mul3A_61 = arith.constant 80 : i32
        %mul3A_62 = arith.muli %add3A_60, %mul3A_61 : i32
        %dma_start3A_63 = arith.constant 0 : i32
        %dma_start3A_64 = tpu.memref_slice %arg2[%mul3A_62, %dma_start3A_63] : memref<327680x128xf32, #tpu.memory_space<hbm>> -> memref<80x128xf32, #tpu.memory_space<hbm>>
        %dma_start3A_65 = arith.constant 0 : i32
        %dma_start3A_66 = tpu.memref_slice %arg2[%mul3A_62, %dma_start3A_65] : memref<327680x128xf32, #tpu.memory_space<hbm>> -> memref<80x128xf32, #tpu.memory_space<hbm>>
        tpu.enqueue_dma source(%dma_start3A_66 : memref<80x128xf32, #tpu.memory_space<hbm>>) target(%arg9 : memref<80x128xf32, #tpu.memory_space<vmem>>) target_semaphore(%arg11 : memref<!tpu.dma_semaphore, #tpu.memory_space<semaphore_mem>>)
      } else {
      }
      %add3A_33 = arith.addi %mul3A_2, %add3A_28 : i32
      %mul3A_34 = arith.constant 80 : i32
      %mul3A_35 = arith.muli %add3A_33, %mul3A_34 : i32
      %dma_wait3A = arith.constant 0 : i32
      %dma_wait3A_36 = tpu.memref_slice %arg2[%mul3A_35, %dma_wait3A] : memref<327680x128xf32, #tpu.memory_space<hbm>> -> memref<80x128xf32, #tpu.memory_space<hbm>>
      %dma_wait3A_37 = arith.constant 0 : i32
      %dma_wait3A_38 = tpu.memref_slice %arg2[%mul3A_35, %dma_wait3A_37] : memref<327680x128xf32, #tpu.memory_space<hbm>> -> memref<80x128xf32, #tpu.memory_space<hbm>>
      tpu.wait_dma2 semaphore(%arg10 : memref<!tpu.dma_semaphore, #tpu.memory_space<semaphore_mem>>) src(%dma_wait3A_38 : memref<80x128xf32, #tpu.memory_space<hbm>>) dst(%arg8 : memref<80x128xf32, #tpu.memory_space<vmem>>)
      "tpu.region"() ({
        %run_scoped3A = tpu.sem_alloc : memref<!tpu.dma_semaphore, #tpu.memory_space<semaphore_mem>>
        %dma_start3A_58 = arith.constant 0 : i32
        %dma_start3A_59 = tpu.memref_slice %arg6[%add3A_28, %dma_start3A_58] : memref<128x80xi32, #tpu.memory_space<vmem>> -> memref<1x80xi32, #tpu.memory_space<vmem>>
        %dma_start3A_60 = tpu.memref_squeeze %dma_start3A_59 : memref<1x80xi32, #tpu.memory_space<vmem>> -> memref<80xi32, #tpu.memory_space<vmem>>
        %dma_start3A_61 = arith.constant 0 : i32
        %dma_start3A_62 = arith.constant 0 : i32
        %dma_start3A_63 = tpu.memref_slice %arg7[%dma_start3A_61, %dma_start3A_62] : memref<10112x128xf32, #tpu.memory_space<vmem_shared>> -> memref<10112x128xf32, #tpu.memory_space<vmem_shared>>
        tpu.enqueue_indirect_dma source(%arg8 : memref<80x128xf32, #tpu.memory_space<vmem>>) target(%dma_start3A_63 : memref<10112x128xf32, #tpu.memory_space<vmem_shared>>) offsets(%dma_start3A_60 : memref<80xi32, #tpu.memory_space<vmem>>) semaphore(%run_scoped3A : memref<!tpu.dma_semaphore, #tpu.memory_space<semaphore_mem>>) {add = true}
        %dma_wait3A_64 = arith.constant 0 : i32
        %dma_wait3A_65 = tpu.memref_slice %arg6[%add3A_28, %dma_wait3A_64] : memref<128x80xi32, #tpu.memory_space<vmem>> -> memref<1x80xi32, #tpu.memory_space<vmem>>
        %dma_wait3A_66 = tpu.memref_squeeze %dma_wait3A_65 : memref<1x80xi32, #tpu.memory_space<vmem>> -> memref<80xi32, #tpu.memory_space<vmem>>
        %dma_wait3A_67 = arith.constant 0 : i32
        %dma_wait3A_68 = arith.constant 0 : i32
        %dma_wait3A_69 = tpu.memref_slice %arg7[%dma_wait3A_67, %dma_wait3A_68] : memref<10112x128xf32, #tpu.memory_space<vmem_shared>> -> memref<10112x128xf32, #tpu.memory_space<vmem_shared>>
        tpu.wait_indirect_dma semaphore(%run_scoped3A : memref<!tpu.dma_semaphore, #tpu.memory_space<semaphore_mem>>) src(%arg8 : memref<80x128xf32, #tpu.memory_space<vmem>>) dst(%dma_wait3A_69 : memref<10112x128xf32, #tpu.memory_space<vmem_shared>>)
        tpu.yield
      }) : () -> ()
      %mul3A_39 = arith.constant 2 : i32
      %mul3A_40 = arith.muli %mul3A_39, %scan3A_23 : i32
      %add3A_41 = arith.constant 1 : i32
      %add3A_42 = arith.addi %mul3A_40, %add3A_41 : i32
      %add3A_43 = arith.constant 1 : i32
      %add3A_44 = arith.addi %add3A_42, %add3A_43 : i32
      %lt3A_45 = arith.constant 128 : i32
      %lt3A_46 = arith.cmpi slt, %add3A_44, %lt3A_45 : i32
      %convert_element_type3A_47 = arith.extui %lt3A_46 : i1 to i32
      %cond3A_48 = arith.constant 0 : i32
      %cond3A_49 = arith.cmpi ne, %convert_element_type3A_47, %cond3A_48 : i32
      scf.if %cond3A_49 {
        %add3A_58 = arith.constant 1 : i32
        %add3A_59 = arith.addi %add3A_42, %add3A_58 : i32
        %add3A_60 = arith.addi %mul3A_2, %add3A_59 : i32
        %mul3A_61 = arith.constant 80 : i32
        %mul3A_62 = arith.muli %add3A_60, %mul3A_61 : i32
        %dma_start3A_63 = arith.constant 0 : i32
        %dma_start3A_64 = tpu.memref_slice %arg2[%mul3A_62, %dma_start3A_63] : memref<327680x128xf32, #tpu.memory_space<hbm>> -> memref<80x128xf32, #tpu.memory_space<hbm>>
        %dma_start3A_65 = arith.constant 0 : i32
        %dma_start3A_66 = tpu.memref_slice %arg2[%mul3A_62, %dma_start3A_65] : memref<327680x128xf32, #tpu.memory_space<hbm>> -> memref<80x128xf32, #tpu.memory_space<hbm>>
        tpu.enqueue_dma source(%dma_start3A_66 : memref<80x128xf32, #tpu.memory_space<hbm>>) target(%arg8 : memref<80x128xf32, #tpu.memory_space<vmem>>) target_semaphore(%arg10 : memref<!tpu.dma_semaphore, #tpu.memory_space<semaphore_mem>>)
      } else {
      }
      %add3A_50 = arith.addi %mul3A_2, %add3A_42 : i32
      %mul3A_51 = arith.constant 80 : i32
      %mul3A_52 = arith.muli %add3A_50, %mul3A_51 : i32
      %dma_wait3A_53 = arith.constant 0 : i32
      %dma_wait3A_54 = tpu.memref_slice %arg2[%mul3A_52, %dma_wait3A_53] : memref<327680x128xf32, #tpu.memory_space<hbm>> -> memref<80x128xf32, #tpu.memory_space<hbm>>
      %dma_wait3A_55 = arith.constant 0 : i32
      %dma_wait3A_56 = tpu.memref_slice %arg2[%mul3A_52, %dma_wait3A_55] : memref<327680x128xf32, #tpu.memory_space<hbm>> -> memref<80x128xf32, #tpu.memory_space<hbm>>
      tpu.wait_dma2 semaphore(%arg11 : memref<!tpu.dma_semaphore, #tpu.memory_space<semaphore_mem>>) src(%dma_wait3A_56 : memref<80x128xf32, #tpu.memory_space<hbm>>) dst(%arg9 : memref<80x128xf32, #tpu.memory_space<vmem>>)
      "tpu.region"() ({
        %run_scoped3A = tpu.sem_alloc : memref<!tpu.dma_semaphore, #tpu.memory_space<semaphore_mem>>
        %dma_start3A_58 = arith.constant 0 : i32
        %dma_start3A_59 = tpu.memref_slice %arg6[%add3A_42, %dma_start3A_58] : memref<128x80xi32, #tpu.memory_space<vmem>> -> memref<1x80xi32, #tpu.memory_space<vmem>>
        %dma_start3A_60 = tpu.memref_squeeze %dma_start3A_59 : memref<1x80xi32, #tpu.memory_space<vmem>> -> memref<80xi32, #tpu.memory_space<vmem>>
        %dma_start3A_61 = arith.constant 0 : i32
        %dma_start3A_62 = arith.constant 0 : i32
        %dma_start3A_63 = tpu.memref_slice %arg7[%dma_start3A_61, %dma_start3A_62] : memref<10112x128xf32, #tpu.memory_space<vmem_shared>> -> memref<10112x128xf32, #tpu.memory_space<vmem_shared>>
        tpu.enqueue_indirect_dma source(%arg9 : memref<80x128xf32, #tpu.memory_space<vmem>>) target(%dma_start3A_63 : memref<10112x128xf32, #tpu.memory_space<vmem_shared>>) offsets(%dma_start3A_60 : memref<80xi32, #tpu.memory_space<vmem>>) semaphore(%run_scoped3A : memref<!tpu.dma_semaphore, #tpu.memory_space<semaphore_mem>>) {add = true}
        %dma_wait3A_64 = arith.constant 0 : i32
        %dma_wait3A_65 = tpu.memref_slice %arg6[%add3A_42, %dma_wait3A_64] : memref<128x80xi32, #tpu.memory_space<vmem>> -> memref<1x80xi32, #tpu.memory_space<vmem>>
        %dma_wait3A_66 = tpu.memref_squeeze %dma_wait3A_65 : memref<1x80xi32, #tpu.memory_space<vmem>> -> memref<80xi32, #tpu.memory_space<vmem>>
        %dma_wait3A_67 = arith.constant 0 : i32
        %dma_wait3A_68 = arith.constant 0 : i32
        %dma_wait3A_69 = tpu.memref_slice %arg7[%dma_wait3A_67, %dma_wait3A_68] : memref<10112x128xf32, #tpu.memory_space<vmem_shared>> -> memref<10112x128xf32, #tpu.memory_space<vmem_shared>>
        tpu.wait_indirect_dma semaphore(%run_scoped3A : memref<!tpu.dma_semaphore, #tpu.memory_space<semaphore_mem>>) src(%arg9 : memref<80x128xf32, #tpu.memory_space<vmem>>) dst(%dma_wait3A_69 : memref<10112x128xf32, #tpu.memory_space<vmem_shared>>)
        tpu.yield
      }) : () -> ()
      %scan3A_57 = arith.constant 0 : i32
      scf.yield %scan3A_57 : i32
    }
    %scan3A_17 = arith.constant 64 : i32
    %barrier3A_18 = arith.constant 0 : index
    tpu.barrier barrier_id(%barrier3A_18)
    %mul3A_19 = arith.constant 632 : i32
    %mul3A_20 = arith.muli %arg1, %mul3A_19 : i32
    %mul3A_21 = arith.constant 632 : i32
    %mul3A_22 = arith.muli %arg1, %mul3A_21 : i32
    "tpu.region"() ({
      %run_scoped3A = tpu.sem_alloc : memref<!tpu.dma_semaphore, #tpu.memory_space<semaphore_mem>>
      %dma_start3A_23 = arith.constant 0 : i32
      %dma_start3A_24 = tpu.memref_slice %arg5[%arg0, %mul3A_22, %dma_start3A_23] : memref<2x10112x128xf32, #tpu.memory_space<hbm>> -> memref<1x632x128xf32, #tpu.memory_space<hbm>>
      %dma_start3A_25 = tpu.memref_squeeze %dma_start3A_24 : memref<1x632x128xf32, #tpu.memory_space<hbm>> -> memref<632x128xf32, #tpu.memory_space<hbm>>
      %dma_start3A_26 = arith.constant 0 : i32
      %dma_start3A_27 = tpu.memref_slice %arg7[%mul3A_20, %dma_start3A_26] : memref<10112x128xf32, #tpu.memory_space<vmem_shared>> -> memref<632x128xf32, #tpu.memory_space<vmem_shared>>
      tpu.enqueue_dma source(%dma_start3A_27 : memref<632x128xf32, #tpu.memory_space<vmem_shared>>) target(%dma_start3A_25 : memref<632x128xf32, #tpu.memory_space<hbm>>) target_semaphore(%run_scoped3A : memref<!tpu.dma_semaphore, #tpu.memory_space<semaphore_mem>>)
      %dma_wait3A = arith.constant 0 : i32
      %dma_wait3A_28 = tpu.memref_slice %arg5[%arg0, %mul3A_22, %dma_wait3A] : memref<2x10112x128xf32, #tpu.memory_space<hbm>> -> memref<1x632x128xf32, #tpu.memory_space<hbm>>
      %dma_wait3A_29 = tpu.memref_squeeze %dma_wait3A_28 : memref<1x632x128xf32, #tpu.memory_space<hbm>> -> memref<632x128xf32, #tpu.memory_space<hbm>>
      %dma_wait3A_30 = arith.constant 0 : i32
      %dma_wait3A_31 = tpu.memref_slice %arg7[%mul3A_20, %dma_wait3A_30] : memref<10112x128xf32, #tpu.memory_space<vmem_shared>> -> memref<632x128xf32, #tpu.memory_space<vmem_shared>>
      tpu.wait_dma2 semaphore(%run_scoped3A : memref<!tpu.dma_semaphore, #tpu.memory_space<semaphore_mem>>) src(%dma_wait3A_31 : memref<632x128xf32, #tpu.memory_space<vmem_shared>>) dst(%dma_wait3A_29 : memref<632x128xf32, #tpu.memory_space<hbm>>)
      tpu.yield
    }) : () -> ()
    return
  }
}

#map = affine_map<(d0, d1) -> (0, 0)>
#map1 = affine_map<(d0, d1) -> (0, 0, 0)>
module attributes {stable_mosaic.version = 14 : i64} {
  func.func @k(%arg0: i32, %arg1: i32, %arg2: memref<10000x128xf32, #tpu.memory_space<hbm>>, %arg3: memref<10000x128xf32, #tpu.memory_space<hbm>>, %arg4: memref<32x128x80xi32, #tpu.memory_space<hbm>>, %arg5: memref<32x128x80xi32, #tpu.memory_space<hbm>>, %arg6: memref<327680x128xf32, #tpu.memory_space<hbm>>, %arg7: memref<327680x128xf32, #tpu.memory_space<hbm>>, %arg8: memref<128x80xi32, #tpu.memory_space<vmem>>, %arg9: memref<128x80xi32, #tpu.memory_space<vmem>>, %arg10: memref<80x128xf32, #tpu.memory_space<vmem>>, %arg11: memref<80x128xf32, #tpu.memory_space<vmem>>, %arg12: memref<80x128xf32, #tpu.memory_space<vmem>>, %arg13: memref<80x128xf32, #tpu.memory_space<vmem>>, %arg14: memref<!tpu.dma_semaphore, #tpu.memory_space<semaphore_mem>>, %arg15: memref<!tpu.dma_semaphore, #tpu.memory_space<semaphore_mem>>, %arg16: memref<!tpu.dma_semaphore, #tpu.memory_space<semaphore_mem>>, %arg17: memref<!tpu.dma_semaphore, #tpu.memory_space<semaphore_mem>>) attributes {dimension_semantics = [#tpu.dimension_semantics<core_parallel>, #tpu.dimension_semantics<subcore_parallel>], iteration_bounds = array<i64: 2, 16>, scalar_prefetch = 0 : i64, scratch_operands = 10 : i64, tpu.core_type = #tpu.core_type<sc_vector_subcore>, window_params = [{transform_indices = #map}, {transform_indices = #map}, {transform_indices = #map1}, {transform_indices = #map1}, {transform_indices = #map}, {transform_indices = #map}]} {
    %mul3A = arith.constant 2 : i32
    %mul3A_0 = arith.muli %arg1, %mul3A : i32
    %add3A = arith.addi %mul3A_0, %arg0 : i32
    %mul3A_1 = arith.constant 128 : i32
    %mul3A_2 = arith.muli %add3A, %mul3A_1 : i32
    "tpu.region"() ({
      %run_scoped3A = tpu.sem_alloc : memref<!tpu.dma_semaphore, #tpu.memory_space<semaphore_mem>>
      %dma_start3A_22 = arith.constant 0 : i32
      %dma_start3A_23 = arith.constant 0 : i32
      %dma_start3A_24 = tpu.memref_slice %arg4[%add3A, %dma_start3A_22, %dma_start3A_23] : memref<32x128x80xi32, #tpu.memory_space<hbm>> -> memref<1x128x80xi32, #tpu.memory_space<hbm>>
      %dma_start3A_25 = tpu.memref_squeeze %dma_start3A_24 : memref<1x128x80xi32, #tpu.memory_space<hbm>> -> memref<128x80xi32, #tpu.memory_space<hbm>>
      %dma_start3A_26 = arith.constant 0 : i32
      %dma_start3A_27 = arith.constant 0 : i32
      %dma_start3A_28 = tpu.memref_slice %arg4[%add3A, %dma_start3A_26, %dma_start3A_27] : memref<32x128x80xi32, #tpu.memory_space<hbm>> -> memref<1x128x80xi32, #tpu.memory_space<hbm>>
      %dma_start3A_29 = tpu.memref_squeeze %dma_start3A_28 : memref<1x128x80xi32, #tpu.memory_space<hbm>> -> memref<128x80xi32, #tpu.memory_space<hbm>>
      tpu.enqueue_dma source(%dma_start3A_29 : memref<128x80xi32, #tpu.memory_space<hbm>>) target(%arg8 : memref<128x80xi32, #tpu.memory_space<vmem>>) target_semaphore(%run_scoped3A : memref<!tpu.dma_semaphore, #tpu.memory_space<semaphore_mem>>)
      %dma_wait3A = arith.constant 0 : i32
      %dma_wait3A_30 = arith.constant 0 : i32
      %dma_wait3A_31 = tpu.memref_slice %arg4[%add3A, %dma_wait3A, %dma_wait3A_30] : memref<32x128x80xi32, #tpu.memory_space<hbm>> -> memref<1x128x80xi32, #tpu.memory_space<hbm>>
      %dma_wait3A_32 = tpu.memref_squeeze %dma_wait3A_31 : memref<1x128x80xi32, #tpu.memory_space<hbm>> -> memref<128x80xi32, #tpu.memory_space<hbm>>
      %dma_wait3A_33 = arith.constant 0 : i32
      %dma_wait3A_34 = arith.constant 0 : i32
      %dma_wait3A_35 = tpu.memref_slice %arg4[%add3A, %dma_wait3A_33, %dma_wait3A_34] : memref<32x128x80xi32, #tpu.memory_space<hbm>> -> memref<1x128x80xi32, #tpu.memory_space<hbm>>
      %dma_wait3A_36 = tpu.memref_squeeze %dma_wait3A_35 : memref<1x128x80xi32, #tpu.memory_space<hbm>> -> memref<128x80xi32, #tpu.memory_space<hbm>>
      tpu.wait_dma2 semaphore(%run_scoped3A : memref<!tpu.dma_semaphore, #tpu.memory_space<semaphore_mem>>) src(%dma_wait3A_36 : memref<128x80xi32, #tpu.memory_space<hbm>>) dst(%arg8 : memref<128x80xi32, #tpu.memory_space<vmem>>)
      tpu.yield
    }) : () -> ()
    "tpu.region"() ({
      %run_scoped3A = tpu.sem_alloc : memref<!tpu.dma_semaphore, #tpu.memory_space<semaphore_mem>>
      %dma_start3A_22 = arith.constant 0 : i32
      %dma_start3A_23 = arith.constant 0 : i32
      %dma_start3A_24 = tpu.memref_slice %arg5[%add3A, %dma_start3A_22, %dma_start3A_23] : memref<32x128x80xi32, #tpu.memory_space<hbm>> -> memref<1x128x80xi32, #tpu.memory_space<hbm>>
      %dma_start3A_25 = tpu.memref_squeeze %dma_start3A_24 : memref<1x128x80xi32, #tpu.memory_space<hbm>> -> memref<128x80xi32, #tpu.memory_space<hbm>>
      %dma_start3A_26 = arith.constant 0 : i32
      %dma_start3A_27 = arith.constant 0 : i32
      %dma_start3A_28 = tpu.memref_slice %arg5[%add3A, %dma_start3A_26, %dma_start3A_27] : memref<32x128x80xi32, #tpu.memory_space<hbm>> -> memref<1x128x80xi32, #tpu.memory_space<hbm>>
      %dma_start3A_29 = tpu.memref_squeeze %dma_start3A_28 : memref<1x128x80xi32, #tpu.memory_space<hbm>> -> memref<128x80xi32, #tpu.memory_space<hbm>>
      tpu.enqueue_dma source(%dma_start3A_29 : memref<128x80xi32, #tpu.memory_space<hbm>>) target(%arg9 : memref<128x80xi32, #tpu.memory_space<vmem>>) target_semaphore(%run_scoped3A : memref<!tpu.dma_semaphore, #tpu.memory_space<semaphore_mem>>)
      %dma_wait3A = arith.constant 0 : i32
      %dma_wait3A_30 = arith.constant 0 : i32
      %dma_wait3A_31 = tpu.memref_slice %arg5[%add3A, %dma_wait3A, %dma_wait3A_30] : memref<32x128x80xi32, #tpu.memory_space<hbm>> -> memref<1x128x80xi32, #tpu.memory_space<hbm>>
      %dma_wait3A_32 = tpu.memref_squeeze %dma_wait3A_31 : memref<1x128x80xi32, #tpu.memory_space<hbm>> -> memref<128x80xi32, #tpu.memory_space<hbm>>
      %dma_wait3A_33 = arith.constant 0 : i32
      %dma_wait3A_34 = arith.constant 0 : i32
      %dma_wait3A_35 = tpu.memref_slice %arg5[%add3A, %dma_wait3A_33, %dma_wait3A_34] : memref<32x128x80xi32, #tpu.memory_space<hbm>> -> memref<1x128x80xi32, #tpu.memory_space<hbm>>
      %dma_wait3A_36 = tpu.memref_squeeze %dma_wait3A_35 : memref<1x128x80xi32, #tpu.memory_space<hbm>> -> memref<128x80xi32, #tpu.memory_space<hbm>>
      tpu.wait_dma2 semaphore(%run_scoped3A : memref<!tpu.dma_semaphore, #tpu.memory_space<semaphore_mem>>) src(%dma_wait3A_36 : memref<128x80xi32, #tpu.memory_space<hbm>>) dst(%arg9 : memref<128x80xi32, #tpu.memory_space<vmem>>)
      tpu.yield
    }) : () -> ()
    %dma_start3A = arith.constant 0 : i32
    %dma_start3A_3 = arith.constant 0 : i32
    %dma_start3A_4 = tpu.memref_slice %arg8[%dma_start3A, %dma_start3A_3] : memref<128x80xi32, #tpu.memory_space<vmem>> -> memref<1x80xi32, #tpu.memory_space<vmem>>
    %dma_start3A_5 = tpu.memref_squeeze %dma_start3A_4 : memref<1x80xi32, #tpu.memory_space<vmem>> -> memref<80xi32, #tpu.memory_space<vmem>>
    %dma_start3A_6 = arith.constant 0 : i32
    %dma_start3A_7 = arith.constant 0 : i32
    %dma_start3A_8 = tpu.memref_slice %arg2[%dma_start3A_6, %dma_start3A_7] : memref<10000x128xf32, #tpu.memory_space<hbm>> -> memref<10000x128xf32, #tpu.memory_space<hbm>>
    tpu.enqueue_indirect_dma source(%dma_start3A_8 : memref<10000x128xf32, #tpu.memory_space<hbm>>) target(%arg10 : memref<80x128xf32, #tpu.memory_space<vmem>>) offsets(%dma_start3A_5 : memref<80xi32, #tpu.memory_space<vmem>>) semaphore(%arg14 : memref<!tpu.dma_semaphore, #tpu.memory_space<semaphore_mem>>)
    %dma_start3A_9 = arith.constant 0 : i32
    %dma_start3A_10 = arith.constant 0 : i32
    %dma_start3A_11 = tpu.memref_slice %arg9[%dma_start3A_9, %dma_start3A_10] : memref<128x80xi32, #tpu.memory_space<vmem>> -> memref<1x80xi32, #tpu.memory_space<vmem>>
    %dma_start3A_12 = tpu.memref_squeeze %dma_start3A_11 : memref<1x80xi32, #tpu.memory_space<vmem>> -> memref<80xi32, #tpu.memory_space<vmem>>
    %dma_start3A_13 = arith.constant 0 : i32
    %dma_start3A_14 = arith.constant 0 : i32
    %dma_start3A_15 = tpu.memref_slice %arg3[%dma_start3A_13, %dma_start3A_14] : memref<10000x128xf32, #tpu.memory_space<hbm>> -> memref<10000x128xf32, #tpu.memory_space<hbm>>
    tpu.enqueue_indirect_dma source(%dma_start3A_15 : memref<10000x128xf32, #tpu.memory_space<hbm>>) target(%arg12 : memref<80x128xf32, #tpu.memory_space<vmem>>) offsets(%dma_start3A_12 : memref<80xi32, #tpu.memory_space<vmem>>) semaphore(%arg16 : memref<!tpu.dma_semaphore, #tpu.memory_space<semaphore_mem>>)
    %scan3A = arith.constant 0 : i32
    %scan3A_16 = arith.constant 0 : i32
    %scan3A_17 = arith.constant 64 : i32
    %scan3A_18 = arith.addi %scan3A_16, %scan3A_17 : i32
    %scan3A_19 = arith.constant 1 : i32
    %scan3A_20 = scf.for %scan3A_22 = %scan3A_16 to %scan3A_18 step %scan3A_19 iter_args(%scan3A_23 = %scan3A) -> (i32)  : i32 {
      %mul3A_24 = arith.constant 2 : i32
      %mul3A_25 = arith.muli %mul3A_24, %scan3A_22 : i32
      %add3A_26 = arith.constant 0 : i32
      %add3A_27 = arith.addi %mul3A_25, %add3A_26 : i32
      %add3A_28 = arith.constant 1 : i32
      %add3A_29 = arith.addi %add3A_27, %add3A_28 : i32
      %lt3A = arith.constant 128 : i32
      %lt3A_30 = arith.cmpi slt, %add3A_29, %lt3A : i32
      %convert_element_type3A = arith.extui %lt3A_30 : i1 to i32
      %cond3A = arith.constant 0 : i32
      %cond3A_31 = arith.cmpi ne, %convert_element_type3A, %cond3A : i32
      scf.if %cond3A_31 {
        %add3A_73 = arith.constant 1 : i32
        %add3A_74 = arith.addi %add3A_27, %add3A_73 : i32
        %dma_start3A_75 = arith.constant 0 : i32
        %dma_start3A_76 = tpu.memref_slice %arg8[%add3A_74, %dma_start3A_75] : memref<128x80xi32, #tpu.memory_space<vmem>> -> memref<1x80xi32, #tpu.memory_space<vmem>>
        %dma_start3A_77 = tpu.memref_squeeze %dma_start3A_76 : memref<1x80xi32, #tpu.memory_space<vmem>> -> memref<80xi32, #tpu.memory_space<vmem>>
        %dma_start3A_78 = arith.constant 0 : i32
        %dma_start3A_79 = arith.constant 0 : i32
        %dma_start3A_80 = tpu.memref_slice %arg2[%dma_start3A_78, %dma_start3A_79] : memref<10000x128xf32, #tpu.memory_space<hbm>> -> memref<10000x128xf32, #tpu.memory_space<hbm>>
        tpu.enqueue_indirect_dma source(%dma_start3A_80 : memref<10000x128xf32, #tpu.memory_space<hbm>>) target(%arg11 : memref<80x128xf32, #tpu.memory_space<vmem>>) offsets(%dma_start3A_77 : memref<80xi32, #tpu.memory_space<vmem>>) semaphore(%arg15 : memref<!tpu.dma_semaphore, #tpu.memory_space<semaphore_mem>>)
        %dma_start3A_81 = arith.constant 0 : i32
        %dma_start3A_82 = tpu.memref_slice %arg9[%add3A_74, %dma_start3A_81] : memref<128x80xi32, #tpu.memory_space<vmem>> -> memref<1x80xi32, #tpu.memory_space<vmem>>
        %dma_start3A_83 = tpu.memref_squeeze %dma_start3A_82 : memref<1x80xi32, #tpu.memory_space<vmem>> -> memref<80xi32, #tpu.memory_space<vmem>>
        %dma_start3A_84 = arith.constant 0 : i32
        %dma_start3A_85 = arith.constant 0 : i32
        %dma_start3A_86 = tpu.memref_slice %arg3[%dma_start3A_84, %dma_start3A_85] : memref<10000x128xf32, #tpu.memory_space<hbm>> -> memref<10000x128xf32, #tpu.memory_space<hbm>>
        tpu.enqueue_indirect_dma source(%dma_start3A_86 : memref<10000x128xf32, #tpu.memory_space<hbm>>) target(%arg13 : memref<80x128xf32, #tpu.memory_space<vmem>>) offsets(%dma_start3A_83 : memref<80xi32, #tpu.memory_space<vmem>>) semaphore(%arg17 : memref<!tpu.dma_semaphore, #tpu.memory_space<semaphore_mem>>)
      } else {
      }
      %add3A_32 = arith.addi %mul3A_2, %add3A_27 : i32
      %mul3A_33 = arith.constant 80 : i32
      %mul3A_34 = arith.muli %add3A_32, %mul3A_33 : i32
      %dma_wait3A = arith.constant 0 : i32
      %dma_wait3A_35 = tpu.memref_slice %arg8[%add3A_27, %dma_wait3A] : memref<128x80xi32, #tpu.memory_space<vmem>> -> memref<1x80xi32, #tpu.memory_space<vmem>>
      %dma_wait3A_36 = tpu.memref_squeeze %dma_wait3A_35 : memref<1x80xi32, #tpu.memory_space<vmem>> -> memref<80xi32, #tpu.memory_space<vmem>>
      %dma_wait3A_37 = arith.constant 0 : i32
      %dma_wait3A_38 = arith.constant 0 : i32
      %dma_wait3A_39 = tpu.memref_slice %arg2[%dma_wait3A_37, %dma_wait3A_38] : memref<10000x128xf32, #tpu.memory_space<hbm>> -> memref<10000x128xf32, #tpu.memory_space<hbm>>
      tpu.wait_indirect_dma semaphore(%arg14 : memref<!tpu.dma_semaphore, #tpu.memory_space<semaphore_mem>>) src(%dma_wait3A_39 : memref<10000x128xf32, #tpu.memory_space<hbm>>) dst(%arg10 : memref<80x128xf32, #tpu.memory_space<vmem>>)
      "tpu.region"() ({
        %run_scoped3A = tpu.sem_alloc : memref<!tpu.dma_semaphore, #tpu.memory_space<semaphore_mem>>
        %dma_start3A_73 = arith.constant 0 : i32
        %dma_start3A_74 = tpu.memref_slice %arg6[%mul3A_34, %dma_start3A_73] : memref<327680x128xf32, #tpu.memory_space<hbm>> -> memref<80x128xf32, #tpu.memory_space<hbm>>
        %dma_start3A_75 = arith.constant 0 : i32
        %dma_start3A_76 = tpu.memref_slice %arg6[%mul3A_34, %dma_start3A_75] : memref<327680x128xf32, #tpu.memory_space<hbm>> -> memref<80x128xf32, #tpu.memory_space<hbm>>
        tpu.enqueue_dma source(%arg10 : memref<80x128xf32, #tpu.memory_space<vmem>>) target(%dma_start3A_76 : memref<80x128xf32, #tpu.memory_space<hbm>>) target_semaphore(%run_scoped3A : memref<!tpu.dma_semaphore, #tpu.memory_space<semaphore_mem>>)
        %dma_wait3A_77 = arith.constant 0 : i32
        %dma_wait3A_78 = tpu.memref_slice %arg6[%mul3A_34, %dma_wait3A_77] : memref<327680x128xf32, #tpu.memory_space<hbm>> -> memref<80x128xf32, #tpu.memory_space<hbm>>
        %dma_wait3A_79 = arith.constant 0 : i32
        %dma_wait3A_80 = tpu.memref_slice %arg6[%mul3A_34, %dma_wait3A_79] : memref<327680x128xf32, #tpu.memory_space<hbm>> -> memref<80x128xf32, #tpu.memory_space<hbm>>
        tpu.wait_dma2 semaphore(%run_scoped3A : memref<!tpu.dma_semaphore, #tpu.memory_space<semaphore_mem>>) src(%arg10 : memref<80x128xf32, #tpu.memory_space<vmem>>) dst(%dma_wait3A_80 : memref<80x128xf32, #tpu.memory_space<hbm>>)
        tpu.yield
      }) : () -> ()
      %dma_wait3A_40 = arith.constant 0 : i32
      %dma_wait3A_41 = tpu.memref_slice %arg9[%add3A_27, %dma_wait3A_40] : memref<128x80xi32, #tpu.memory_space<vmem>> -> memref<1x80xi32, #tpu.memory_space<vmem>>
      %dma_wait3A_42 = tpu.memref_squeeze %dma_wait3A_41 : memref<1x80xi32, #tpu.memory_space<vmem>> -> memref<80xi32, #tpu.memory_space<vmem>>
      %dma_wait3A_43 = arith.constant 0 : i32
      %dma_wait3A_44 = arith.constant 0 : i32
      %dma_wait3A_45 = tpu.memref_slice %arg3[%dma_wait3A_43, %dma_wait3A_44] : memref<10000x128xf32, #tpu.memory_space<hbm>> -> memref<10000x128xf32, #tpu.memory_space<hbm>>
      tpu.wait_indirect_dma semaphore(%arg16 : memref<!tpu.dma_semaphore, #tpu.memory_space<semaphore_mem>>) src(%dma_wait3A_45 : memref<10000x128xf32, #tpu.memory_space<hbm>>) dst(%arg12 : memref<80x128xf32, #tpu.memory_space<vmem>>)
      "tpu.region"() ({
        %run_scoped3A = tpu.sem_alloc : memref<!tpu.dma_semaphore, #tpu.memory_space<semaphore_mem>>
        %dma_start3A_73 = arith.constant 0 : i32
        %dma_start3A_74 = tpu.memref_slice %arg7[%mul3A_34, %dma_start3A_73] : memref<327680x128xf32, #tpu.memory_space<hbm>> -> memref<80x128xf32, #tpu.memory_space<hbm>>
        %dma_start3A_75 = arith.constant 0 : i32
        %dma_start3A_76 = tpu.memref_slice %arg7[%mul3A_34, %dma_start3A_75] : memref<327680x128xf32, #tpu.memory_space<hbm>> -> memref<80x128xf32, #tpu.memory_space<hbm>>
        tpu.enqueue_dma source(%arg12 : memref<80x128xf32, #tpu.memory_space<vmem>>) target(%dma_start3A_76 : memref<80x128xf32, #tpu.memory_space<hbm>>) target_semaphore(%run_scoped3A : memref<!tpu.dma_semaphore, #tpu.memory_space<semaphore_mem>>)
        %dma_wait3A_77 = arith.constant 0 : i32
        %dma_wait3A_78 = tpu.memref_slice %arg7[%mul3A_34, %dma_wait3A_77] : memref<327680x128xf32, #tpu.memory_space<hbm>> -> memref<80x128xf32, #tpu.memory_space<hbm>>
        %dma_wait3A_79 = arith.constant 0 : i32
        %dma_wait3A_80 = tpu.memref_slice %arg7[%mul3A_34, %dma_wait3A_79] : memref<327680x128xf32, #tpu.memory_space<hbm>> -> memref<80x128xf32, #tpu.memory_space<hbm>>
        tpu.wait_dma2 semaphore(%run_scoped3A : memref<!tpu.dma_semaphore, #tpu.memory_space<semaphore_mem>>) src(%arg12 : memref<80x128xf32, #tpu.memory_space<vmem>>) dst(%dma_wait3A_80 : memref<80x128xf32, #tpu.memory_space<hbm>>)
        tpu.yield
      }) : () -> ()
      %mul3A_46 = arith.constant 2 : i32
      %mul3A_47 = arith.muli %mul3A_46, %scan3A_22 : i32
      %add3A_48 = arith.constant 1 : i32
      %add3A_49 = arith.addi %mul3A_47, %add3A_48 : i32
      %add3A_50 = arith.constant 1 : i32
      %add3A_51 = arith.addi %add3A_49, %add3A_50 : i32
      %lt3A_52 = arith.constant 128 : i32
      %lt3A_53 = arith.cmpi slt, %add3A_51, %lt3A_52 : i32
      %convert_element_type3A_54 = arith.extui %lt3A_53 : i1 to i32
      %cond3A_55 = arith.constant 0 : i32
      %cond3A_56 = arith.cmpi ne, %convert_element_type3A_54, %cond3A_55 : i32
      scf.if %cond3A_56 {
        %add3A_73 = arith.constant 1 : i32
        %add3A_74 = arith.addi %add3A_49, %add3A_73 : i32
        %dma_start3A_75 = arith.constant 0 : i32
        %dma_start3A_76 = tpu.memref_slice %arg8[%add3A_74, %dma_start3A_75] : memref<128x80xi32, #tpu.memory_space<vmem>> -> memref<1x80xi32, #tpu.memory_space<vmem>>
        %dma_start3A_77 = tpu.memref_squeeze %dma_start3A_76 : memref<1x80xi32, #tpu.memory_space<vmem>> -> memref<80xi32, #tpu.memory_space<vmem>>
        %dma_start3A_78 = arith.constant 0 : i32
        %dma_start3A_79 = arith.constant 0 : i32
        %dma_start3A_80 = tpu.memref_slice %arg2[%dma_start3A_78, %dma_start3A_79] : memref<10000x128xf32, #tpu.memory_space<hbm>> -> memref<10000x128xf32, #tpu.memory_space<hbm>>
        tpu.enqueue_indirect_dma source(%dma_start3A_80 : memref<10000x128xf32, #tpu.memory_space<hbm>>) target(%arg10 : memref<80x128xf32, #tpu.memory_space<vmem>>) offsets(%dma_start3A_77 : memref<80xi32, #tpu.memory_space<vmem>>) semaphore(%arg14 : memref<!tpu.dma_semaphore, #tpu.memory_space<semaphore_mem>>)
        %dma_start3A_81 = arith.constant 0 : i32
        %dma_start3A_82 = tpu.memref_slice %arg9[%add3A_74, %dma_start3A_81] : memref<128x80xi32, #tpu.memory_space<vmem>> -> memref<1x80xi32, #tpu.memory_space<vmem>>
        %dma_start3A_83 = tpu.memref_squeeze %dma_start3A_82 : memref<1x80xi32, #tpu.memory_space<vmem>> -> memref<80xi32, #tpu.memory_space<vmem>>
        %dma_start3A_84 = arith.constant 0 : i32
        %dma_start3A_85 = arith.constant 0 : i32
        %dma_start3A_86 = tpu.memref_slice %arg3[%dma_start3A_84, %dma_start3A_85] : memref<10000x128xf32, #tpu.memory_space<hbm>> -> memref<10000x128xf32, #tpu.memory_space<hbm>>
        tpu.enqueue_indirect_dma source(%dma_start3A_86 : memref<10000x128xf32, #tpu.memory_space<hbm>>) target(%arg12 : memref<80x128xf32, #tpu.memory_space<vmem>>) offsets(%dma_start3A_83 : memref<80xi32, #tpu.memory_space<vmem>>) semaphore(%arg16 : memref<!tpu.dma_semaphore, #tpu.memory_space<semaphore_mem>>)
      } else {
      }
      %add3A_57 = arith.addi %mul3A_2, %add3A_49 : i32
      %mul3A_58 = arith.constant 80 : i32
      %mul3A_59 = arith.muli %add3A_57, %mul3A_58 : i32
      %dma_wait3A_60 = arith.constant 0 : i32
      %dma_wait3A_61 = tpu.memref_slice %arg8[%add3A_49, %dma_wait3A_60] : memref<128x80xi32, #tpu.memory_space<vmem>> -> memref<1x80xi32, #tpu.memory_space<vmem>>
      %dma_wait3A_62 = tpu.memref_squeeze %dma_wait3A_61 : memref<1x80xi32, #tpu.memory_space<vmem>> -> memref<80xi32, #tpu.memory_space<vmem>>
      %dma_wait3A_63 = arith.constant 0 : i32
      %dma_wait3A_64 = arith.constant 0 : i32
      %dma_wait3A_65 = tpu.memref_slice %arg2[%dma_wait3A_63, %dma_wait3A_64] : memref<10000x128xf32, #tpu.memory_space<hbm>> -> memref<10000x128xf32, #tpu.memory_space<hbm>>
      tpu.wait_indirect_dma semaphore(%arg15 : memref<!tpu.dma_semaphore, #tpu.memory_space<semaphore_mem>>) src(%dma_wait3A_65 : memref<10000x128xf32, #tpu.memory_space<hbm>>) dst(%arg11 : memref<80x128xf32, #tpu.memory_space<vmem>>)
      "tpu.region"() ({
        %run_scoped3A = tpu.sem_alloc : memref<!tpu.dma_semaphore, #tpu.memory_space<semaphore_mem>>
        %dma_start3A_73 = arith.constant 0 : i32
        %dma_start3A_74 = tpu.memref_slice %arg6[%mul3A_59, %dma_start3A_73] : memref<327680x128xf32, #tpu.memory_space<hbm>> -> memref<80x128xf32, #tpu.memory_space<hbm>>
        %dma_start3A_75 = arith.constant 0 : i32
        %dma_start3A_76 = tpu.memref_slice %arg6[%mul3A_59, %dma_start3A_75] : memref<327680x128xf32, #tpu.memory_space<hbm>> -> memref<80x128xf32, #tpu.memory_space<hbm>>
        tpu.enqueue_dma source(%arg11 : memref<80x128xf32, #tpu.memory_space<vmem>>) target(%dma_start3A_76 : memref<80x128xf32, #tpu.memory_space<hbm>>) target_semaphore(%run_scoped3A : memref<!tpu.dma_semaphore, #tpu.memory_space<semaphore_mem>>)
        %dma_wait3A_77 = arith.constant 0 : i32
        %dma_wait3A_78 = tpu.memref_slice %arg6[%mul3A_59, %dma_wait3A_77] : memref<327680x128xf32, #tpu.memory_space<hbm>> -> memref<80x128xf32, #tpu.memory_space<hbm>>
        %dma_wait3A_79 = arith.constant 0 : i32
        %dma_wait3A_80 = tpu.memref_slice %arg6[%mul3A_59, %dma_wait3A_79] : memref<327680x128xf32, #tpu.memory_space<hbm>> -> memref<80x128xf32, #tpu.memory_space<hbm>>
        tpu.wait_dma2 semaphore(%run_scoped3A : memref<!tpu.dma_semaphore, #tpu.memory_space<semaphore_mem>>) src(%arg11 : memref<80x128xf32, #tpu.memory_space<vmem>>) dst(%dma_wait3A_80 : memref<80x128xf32, #tpu.memory_space<hbm>>)
        tpu.yield
      }) : () -> ()
      %dma_wait3A_66 = arith.constant 0 : i32
      %dma_wait3A_67 = tpu.memref_slice %arg9[%add3A_49, %dma_wait3A_66] : memref<128x80xi32, #tpu.memory_space<vmem>> -> memref<1x80xi32, #tpu.memory_space<vmem>>
      %dma_wait3A_68 = tpu.memref_squeeze %dma_wait3A_67 : memref<1x80xi32, #tpu.memory_space<vmem>> -> memref<80xi32, #tpu.memory_space<vmem>>
      %dma_wait3A_69 = arith.constant 0 : i32
      %dma_wait3A_70 = arith.constant 0 : i32
      %dma_wait3A_71 = tpu.memref_slice %arg3[%dma_wait3A_69, %dma_wait3A_70] : memref<10000x128xf32, #tpu.memory_space<hbm>> -> memref<10000x128xf32, #tpu.memory_space<hbm>>
      tpu.wait_indirect_dma semaphore(%arg17 : memref<!tpu.dma_semaphore, #tpu.memory_space<semaphore_mem>>) src(%dma_wait3A_71 : memref<10000x128xf32, #tpu.memory_space<hbm>>) dst(%arg13 : memref<80x128xf32, #tpu.memory_space<vmem>>)
      "tpu.region"() ({
        %run_scoped3A = tpu.sem_alloc : memref<!tpu.dma_semaphore, #tpu.memory_space<semaphore_mem>>
        %dma_start3A_73 = arith.constant 0 : i32
        %dma_start3A_74 = tpu.memref_slice %arg7[%mul3A_59, %dma_start3A_73] : memref<327680x128xf32, #tpu.memory_space<hbm>> -> memref<80x128xf32, #tpu.memory_space<hbm>>
        %dma_start3A_75 = arith.constant 0 : i32
        %dma_start3A_76 = tpu.memref_slice %arg7[%mul3A_59, %dma_start3A_75] : memref<327680x128xf32, #tpu.memory_space<hbm>> -> memref<80x128xf32, #tpu.memory_space<hbm>>
        tpu.enqueue_dma source(%arg13 : memref<80x128xf32, #tpu.memory_space<vmem>>) target(%dma_start3A_76 : memref<80x128xf32, #tpu.memory_space<hbm>>) target_semaphore(%run_scoped3A : memref<!tpu.dma_semaphore, #tpu.memory_space<semaphore_mem>>)
        %dma_wait3A_77 = arith.constant 0 : i32
        %dma_wait3A_78 = tpu.memref_slice %arg7[%mul3A_59, %dma_wait3A_77] : memref<327680x128xf32, #tpu.memory_space<hbm>> -> memref<80x128xf32, #tpu.memory_space<hbm>>
        %dma_wait3A_79 = arith.constant 0 : i32
        %dma_wait3A_80 = tpu.memref_slice %arg7[%mul3A_59, %dma_wait3A_79] : memref<327680x128xf32, #tpu.memory_space<hbm>> -> memref<80x128xf32, #tpu.memory_space<hbm>>
        tpu.wait_dma2 semaphore(%run_scoped3A : memref<!tpu.dma_semaphore, #tpu.memory_space<semaphore_mem>>) src(%arg13 : memref<80x128xf32, #tpu.memory_space<vmem>>) dst(%dma_wait3A_80 : memref<80x128xf32, #tpu.memory_space<hbm>>)
        tpu.yield
      }) : () -> ()
      %scan3A_72 = arith.constant 0 : i32
      scf.yield %scan3A_72 : i32
    }
    %scan3A_21 = arith.constant 64 : i32
    return
  }
}

#map = affine_map<(d0, d1) -> (0)>
#map1 = affine_map<(d0, d1) -> (0, 0, 0)>
module attributes {stable_mosaic.version = 14 : i64} {
  func.func @k(%arg0: i32, %arg1: i32, %arg2: memref<40000xf32, #tpu.memory_space<hbm>>, %arg3: memref<32x128x80xi32, #tpu.memory_space<hbm>>, %arg4: memref<32x128x80xi32, #tpu.memory_space<hbm>>, %arg5: memref<327680xf32, #tpu.memory_space<hbm>>, %arg6: memref<40000xf32, #tpu.memory_space<vmem>>, %arg7: memref<128x80xi32, #tpu.memory_space<vmem>>, %arg8: memref<128x80xi32, #tpu.memory_space<vmem>>, %arg9: memref<10240xf32, #tpu.memory_space<vmem>>) attributes {dimension_semantics = [#tpu.dimension_semantics<core_parallel>, #tpu.dimension_semantics<subcore_parallel>], iteration_bounds = array<i64: 2, 16>, scalar_prefetch = 0 : i64, scratch_operands = 4 : i64, tpu.core_type = #tpu.core_type<sc_vector_subcore>, window_params = [{transform_indices = #map}, {transform_indices = #map1}, {transform_indices = #map1}, {transform_indices = #map}]} {
    %mul3A = arith.constant 2 : i32
    %mul3A_0 = arith.muli %arg1, %mul3A : i32
    %add3A = arith.addi %mul3A_0, %arg0 : i32
    "tpu.region"() ({
      %run_scoped3A = tpu.sem_alloc : memref<!tpu.dma_semaphore, #tpu.memory_space<semaphore_mem>>
      tpu.enqueue_dma source(%arg2 : memref<40000xf32, #tpu.memory_space<hbm>>) target(%arg6 : memref<40000xf32, #tpu.memory_space<vmem>>) target_semaphore(%run_scoped3A : memref<!tpu.dma_semaphore, #tpu.memory_space<semaphore_mem>>)
      tpu.wait_dma2 semaphore(%run_scoped3A : memref<!tpu.dma_semaphore, #tpu.memory_space<semaphore_mem>>) src(%arg2 : memref<40000xf32, #tpu.memory_space<hbm>>) dst(%arg6 : memref<40000xf32, #tpu.memory_space<vmem>>)
      tpu.yield
    }) : () -> ()
    "tpu.region"() ({
      %run_scoped3A = tpu.sem_alloc : memref<!tpu.dma_semaphore, #tpu.memory_space<semaphore_mem>>
      %dma_start3A = arith.constant 0 : i32
      %dma_start3A_9 = arith.constant 0 : i32
      %dma_start3A_10 = tpu.memref_slice %arg3[%add3A, %dma_start3A, %dma_start3A_9] : memref<32x128x80xi32, #tpu.memory_space<hbm>> -> memref<1x128x80xi32, #tpu.memory_space<hbm>>
      %dma_start3A_11 = tpu.memref_squeeze %dma_start3A_10 : memref<1x128x80xi32, #tpu.memory_space<hbm>> -> memref<128x80xi32, #tpu.memory_space<hbm>>
      %dma_start3A_12 = arith.constant 0 : i32
      %dma_start3A_13 = arith.constant 0 : i32
      %dma_start3A_14 = tpu.memref_slice %arg3[%add3A, %dma_start3A_12, %dma_start3A_13] : memref<32x128x80xi32, #tpu.memory_space<hbm>> -> memref<1x128x80xi32, #tpu.memory_space<hbm>>
      %dma_start3A_15 = tpu.memref_squeeze %dma_start3A_14 : memref<1x128x80xi32, #tpu.memory_space<hbm>> -> memref<128x80xi32, #tpu.memory_space<hbm>>
      tpu.enqueue_dma source(%dma_start3A_15 : memref<128x80xi32, #tpu.memory_space<hbm>>) target(%arg7 : memref<128x80xi32, #tpu.memory_space<vmem>>) target_semaphore(%run_scoped3A : memref<!tpu.dma_semaphore, #tpu.memory_space<semaphore_mem>>)
      %dma_wait3A = arith.constant 0 : i32
      %dma_wait3A_16 = arith.constant 0 : i32
      %dma_wait3A_17 = tpu.memref_slice %arg3[%add3A, %dma_wait3A, %dma_wait3A_16] : memref<32x128x80xi32, #tpu.memory_space<hbm>> -> memref<1x128x80xi32, #tpu.memory_space<hbm>>
      %dma_wait3A_18 = tpu.memref_squeeze %dma_wait3A_17 : memref<1x128x80xi32, #tpu.memory_space<hbm>> -> memref<128x80xi32, #tpu.memory_space<hbm>>
      %dma_wait3A_19 = arith.constant 0 : i32
      %dma_wait3A_20 = arith.constant 0 : i32
      %dma_wait3A_21 = tpu.memref_slice %arg3[%add3A, %dma_wait3A_19, %dma_wait3A_20] : memref<32x128x80xi32, #tpu.memory_space<hbm>> -> memref<1x128x80xi32, #tpu.memory_space<hbm>>
      %dma_wait3A_22 = tpu.memref_squeeze %dma_wait3A_21 : memref<1x128x80xi32, #tpu.memory_space<hbm>> -> memref<128x80xi32, #tpu.memory_space<hbm>>
      tpu.wait_dma2 semaphore(%run_scoped3A : memref<!tpu.dma_semaphore, #tpu.memory_space<semaphore_mem>>) src(%dma_wait3A_22 : memref<128x80xi32, #tpu.memory_space<hbm>>) dst(%arg7 : memref<128x80xi32, #tpu.memory_space<vmem>>)
      tpu.yield
    }) : () -> ()
    "tpu.region"() ({
      %run_scoped3A = tpu.sem_alloc : memref<!tpu.dma_semaphore, #tpu.memory_space<semaphore_mem>>
      %dma_start3A = arith.constant 0 : i32
      %dma_start3A_9 = arith.constant 0 : i32
      %dma_start3A_10 = tpu.memref_slice %arg4[%add3A, %dma_start3A, %dma_start3A_9] : memref<32x128x80xi32, #tpu.memory_space<hbm>> -> memref<1x128x80xi32, #tpu.memory_space<hbm>>
      %dma_start3A_11 = tpu.memref_squeeze %dma_start3A_10 : memref<1x128x80xi32, #tpu.memory_space<hbm>> -> memref<128x80xi32, #tpu.memory_space<hbm>>
      %dma_start3A_12 = arith.constant 0 : i32
      %dma_start3A_13 = arith.constant 0 : i32
      %dma_start3A_14 = tpu.memref_slice %arg4[%add3A, %dma_start3A_12, %dma_start3A_13] : memref<32x128x80xi32, #tpu.memory_space<hbm>> -> memref<1x128x80xi32, #tpu.memory_space<hbm>>
      %dma_start3A_15 = tpu.memref_squeeze %dma_start3A_14 : memref<1x128x80xi32, #tpu.memory_space<hbm>> -> memref<128x80xi32, #tpu.memory_space<hbm>>
      tpu.enqueue_dma source(%dma_start3A_15 : memref<128x80xi32, #tpu.memory_space<hbm>>) target(%arg8 : memref<128x80xi32, #tpu.memory_space<vmem>>) target_semaphore(%run_scoped3A : memref<!tpu.dma_semaphore, #tpu.memory_space<semaphore_mem>>)
      %dma_wait3A = arith.constant 0 : i32
      %dma_wait3A_16 = arith.constant 0 : i32
      %dma_wait3A_17 = tpu.memref_slice %arg4[%add3A, %dma_wait3A, %dma_wait3A_16] : memref<32x128x80xi32, #tpu.memory_space<hbm>> -> memref<1x128x80xi32, #tpu.memory_space<hbm>>
      %dma_wait3A_18 = tpu.memref_squeeze %dma_wait3A_17 : memref<1x128x80xi32, #tpu.memory_space<hbm>> -> memref<128x80xi32, #tpu.memory_space<hbm>>
      %dma_wait3A_19 = arith.constant 0 : i32
      %dma_wait3A_20 = arith.constant 0 : i32
      %dma_wait3A_21 = tpu.memref_slice %arg4[%add3A, %dma_wait3A_19, %dma_wait3A_20] : memref<32x128x80xi32, #tpu.memory_space<hbm>> -> memref<1x128x80xi32, #tpu.memory_space<hbm>>
      %dma_wait3A_22 = tpu.memref_squeeze %dma_wait3A_21 : memref<1x128x80xi32, #tpu.memory_space<hbm>> -> memref<128x80xi32, #tpu.memory_space<hbm>>
      tpu.wait_dma2 semaphore(%run_scoped3A : memref<!tpu.dma_semaphore, #tpu.memory_space<semaphore_mem>>) src(%dma_wait3A_22 : memref<128x80xi32, #tpu.memory_space<hbm>>) dst(%arg8 : memref<128x80xi32, #tpu.memory_space<vmem>>)
      tpu.yield
    }) : () -> ()
    %scan3A = arith.constant 0 : i32
    %scan3A_1 = arith.constant 0 : i32
    %scan3A_2 = arith.constant 128 : i32
    %scan3A_3 = arith.addi %scan3A_1, %scan3A_2 : i32
    %scan3A_4 = arith.constant 1 : i32
    %scan3A_5 = scf.for %scan3A_9 = %scan3A_1 to %scan3A_3 step %scan3A_4 iter_args(%scan3A_10 = %scan3A) -> (i32)  : i32 {
      %get3A = arith.index_cast %scan3A_9 : i32 to index
      %get3A_11 = arith.constant 0 : index
      %get3A_12 = tpu.vector_load %arg7[%get3A, %get3A_11] {strides = array<i32>} : memref<128x80xi32, #tpu.memory_space<vmem>>, vector<16xi32>,
      %mul3A_13 = arith.constant 4 : i32
      %mul3A_14 = vector.broadcast %mul3A_13 : i32 to vector<16xi32>
      %mul3A_15 = arith.muli %get3A_12, %mul3A_14 : vector<16xi32>
      %get3A_16 = arith.index_cast %scan3A_9 : i32 to index
      %get3A_17 = arith.constant 0 : index
      %get3A_18 = tpu.vector_load %arg8[%get3A_16, %get3A_17] {strides = array<i32>} : memref<128x80xi32, #tpu.memory_space<vmem>>, vector<16xi32>,
      %mul3A_19 = arith.constant 4 : i32
      %mul3A_20 = vector.broadcast %mul3A_19 : i32 to vector<16xi32>
      %mul3A_21 = arith.muli %get3A_18, %mul3A_20 : vector<16xi32>
      %broadcast_in_dim3A = arith.constant 0.000000e+00 : f32
      %broadcast_in_dim3A_22 = vector.broadcast %broadcast_in_dim3A : f32 to vector<16xf32>
      %add3A_23 = arith.constant 0 : i32
      %add3A_24 = vector.broadcast %add3A_23 : i32 to vector<16xi32>
      %add3A_25 = arith.addi %mul3A_15, %add3A_24 : vector<16xi32>
      %gather3A = tpu.vector_load_idx %arg6[%add3A_25] : memref<40000xf32, #tpu.memory_space<vmem>>[vector<16xi32>], vector<16xf32>,
      %add3A_26 = arith.constant 0 : i32
      %add3A_27 = vector.broadcast %add3A_26 : i32 to vector<16xi32>
      %add3A_28 = arith.addi %mul3A_21, %add3A_27 : vector<16xi32>
      %gather3A_29 = tpu.vector_load_idx %arg6[%add3A_28] : memref<40000xf32, #tpu.memory_space<vmem>>[vector<16xi32>], vector<16xf32>,
      %sub3A = arith.subf %gather3A, %gather3A_29 : vector<16xf32>
      %mul3A_30 = arith.mulf %sub3A, %sub3A : vector<16xf32>
      %add3A_31 = arith.addf %broadcast_in_dim3A_22, %mul3A_30 : vector<16xf32>
      %add3A_32 = arith.constant 1 : i32
      %add3A_33 = vector.broadcast %add3A_32 : i32 to vector<16xi32>
      %add3A_34 = arith.addi %mul3A_15, %add3A_33 : vector<16xi32>
      %gather3A_35 = tpu.vector_load_idx %arg6[%add3A_34] : memref<40000xf32, #tpu.memory_space<vmem>>[vector<16xi32>], vector<16xf32>,
      %add3A_36 = arith.constant 1 : i32
      %add3A_37 = vector.broadcast %add3A_36 : i32 to vector<16xi32>
      %add3A_38 = arith.addi %mul3A_21, %add3A_37 : vector<16xi32>
      %gather3A_39 = tpu.vector_load_idx %arg6[%add3A_38] : memref<40000xf32, #tpu.memory_space<vmem>>[vector<16xi32>], vector<16xf32>,
      %sub3A_40 = arith.subf %gather3A_35, %gather3A_39 : vector<16xf32>
      %mul3A_41 = arith.mulf %sub3A_40, %sub3A_40 : vector<16xf32>
      %add3A_42 = arith.addf %add3A_31, %mul3A_41 : vector<16xf32>
      %add3A_43 = arith.constant 2 : i32
      %add3A_44 = vector.broadcast %add3A_43 : i32 to vector<16xi32>
      %add3A_45 = arith.addi %mul3A_15, %add3A_44 : vector<16xi32>
      %gather3A_46 = tpu.vector_load_idx %arg6[%add3A_45] : memref<40000xf32, #tpu.memory_space<vmem>>[vector<16xi32>], vector<16xf32>,
      %add3A_47 = arith.constant 2 : i32
      %add3A_48 = vector.broadcast %add3A_47 : i32 to vector<16xi32>
      %add3A_49 = arith.addi %mul3A_21, %add3A_48 : vector<16xi32>
      %gather3A_50 = tpu.vector_load_idx %arg6[%add3A_49] : memref<40000xf32, #tpu.memory_space<vmem>>[vector<16xi32>], vector<16xf32>,
      %sub3A_51 = arith.subf %gather3A_46, %gather3A_50 : vector<16xf32>
      %mul3A_52 = arith.mulf %sub3A_51, %sub3A_51 : vector<16xf32>
      %add3A_53 = arith.addf %add3A_42, %mul3A_52 : vector<16xf32>
      %mul3A_54 = arith.constant 80 : i32
      %mul3A_55 = arith.muli %scan3A_9, %mul3A_54 : i32
      %add3A_56 = arith.constant 0 : i32
      %add3A_57 = arith.addi %mul3A_55, %add3A_56 : i32
      %swap3A = arith.index_cast %add3A_57 : i32 to index
      %swap3A_58 = tpu.vector_load %arg9[%swap3A] {strides = array<i32>} : memref<10240xf32, #tpu.memory_space<vmem>>, vector<16xf32>,
      tpu.vector_store %arg9[%swap3A], %add3A_53 {strides = array<i32>} : memref<10240xf32, #tpu.memory_space<vmem>>, vector<16xf32>,
      %get3A_59 = arith.index_cast %scan3A_9 : i32 to index
      %get3A_60 = arith.constant 16 : index
      %get3A_61 = tpu.vector_load %arg7[%get3A_59, %get3A_60] {strides = array<i32>} : memref<128x80xi32, #tpu.memory_space<vmem>>, vector<16xi32>,
      %mul3A_62 = arith.constant 4 : i32
      %mul3A_63 = vector.broadcast %mul3A_62 : i32 to vector<16xi32>
      %mul3A_64 = arith.muli %get3A_61, %mul3A_63 : vector<16xi32>
      %get3A_65 = arith.index_cast %scan3A_9 : i32 to index
      %get3A_66 = arith.constant 16 : index
      %get3A_67 = tpu.vector_load %arg8[%get3A_65, %get3A_66] {strides = array<i32>} : memref<128x80xi32, #tpu.memory_space<vmem>>, vector<16xi32>,
      %mul3A_68 = arith.constant 4 : i32
      %mul3A_69 = vector.broadcast %mul3A_68 : i32 to vector<16xi32>
      %mul3A_70 = arith.muli %get3A_67, %mul3A_69 : vector<16xi32>
      %broadcast_in_dim3A_71 = arith.constant 0.000000e+00 : f32
      %broadcast_in_dim3A_72 = vector.broadcast %broadcast_in_dim3A_71 : f32 to vector<16xf32>
      %add3A_73 = arith.constant 0 : i32
      %add3A_74 = vector.broadcast %add3A_73 : i32 to vector<16xi32>
      %add3A_75 = arith.addi %mul3A_64, %add3A_74 : vector<16xi32>
      %gather3A_76 = tpu.vector_load_idx %arg6[%add3A_75] : memref<40000xf32, #tpu.memory_space<vmem>>[vector<16xi32>], vector<16xf32>,
      %add3A_77 = arith.constant 0 : i32
      %add3A_78 = vector.broadcast %add3A_77 : i32 to vector<16xi32>
      %add3A_79 = arith.addi %mul3A_70, %add3A_78 : vector<16xi32>
      %gather3A_80 = tpu.vector_load_idx %arg6[%add3A_79] : memref<40000xf32, #tpu.memory_space<vmem>>[vector<16xi32>], vector<16xf32>,
      %sub3A_81 = arith.subf %gather3A_76, %gather3A_80 : vector<16xf32>
      %mul3A_82 = arith.mulf %sub3A_81, %sub3A_81 : vector<16xf32>
      %add3A_83 = arith.addf %broadcast_in_dim3A_72, %mul3A_82 : vector<16xf32>
      %add3A_84 = arith.constant 1 : i32
      %add3A_85 = vector.broadcast %add3A_84 : i32 to vector<16xi32>
      %add3A_86 = arith.addi %mul3A_64, %add3A_85 : vector<16xi32>
      %gather3A_87 = tpu.vector_load_idx %arg6[%add3A_86] : memref<40000xf32, #tpu.memory_space<vmem>>[vector<16xi32>], vector<16xf32>,
      %add3A_88 = arith.constant 1 : i32
      %add3A_89 = vector.broadcast %add3A_88 : i32 to vector<16xi32>
      %add3A_90 = arith.addi %mul3A_70, %add3A_89 : vector<16xi32>
      %gather3A_91 = tpu.vector_load_idx %arg6[%add3A_90] : memref<40000xf32, #tpu.memory_space<vmem>>[vector<16xi32>], vector<16xf32>,
      %sub3A_92 = arith.subf %gather3A_87, %gather3A_91 : vector<16xf32>
      %mul3A_93 = arith.mulf %sub3A_92, %sub3A_92 : vector<16xf32>
      %add3A_94 = arith.addf %add3A_83, %mul3A_93 : vector<16xf32>
      %add3A_95 = arith.constant 2 : i32
      %add3A_96 = vector.broadcast %add3A_95 : i32 to vector<16xi32>
      %add3A_97 = arith.addi %mul3A_64, %add3A_96 : vector<16xi32>
      %gather3A_98 = tpu.vector_load_idx %arg6[%add3A_97] : memref<40000xf32, #tpu.memory_space<vmem>>[vector<16xi32>], vector<16xf32>,
      %add3A_99 = arith.constant 2 : i32
      %add3A_100 = vector.broadcast %add3A_99 : i32 to vector<16xi32>
      %add3A_101 = arith.addi %mul3A_70, %add3A_100 : vector<16xi32>
      %gather3A_102 = tpu.vector_load_idx %arg6[%add3A_101] : memref<40000xf32, #tpu.memory_space<vmem>>[vector<16xi32>], vector<16xf32>,
      %sub3A_103 = arith.subf %gather3A_98, %gather3A_102 : vector<16xf32>
      %mul3A_104 = arith.mulf %sub3A_103, %sub3A_103 : vector<16xf32>
      %add3A_105 = arith.addf %add3A_94, %mul3A_104 : vector<16xf32>
      %mul3A_106 = arith.constant 80 : i32
      %mul3A_107 = arith.muli %scan3A_9, %mul3A_106 : i32
      %add3A_108 = arith.constant 16 : i32
      %add3A_109 = arith.addi %mul3A_107, %add3A_108 : i32
      %swap3A_110 = arith.index_cast %add3A_109 : i32 to index
      %swap3A_111 = tpu.vector_load %arg9[%swap3A_110] {strides = array<i32>} : memref<10240xf32, #tpu.memory_space<vmem>>, vector<16xf32>,
      tpu.vector_store %arg9[%swap3A_110], %add3A_105 {strides = array<i32>} : memref<10240xf32, #tpu.memory_space<vmem>>, vector<16xf32>,
      %get3A_112 = arith.index_cast %scan3A_9 : i32 to index
      %get3A_113 = arith.constant 32 : index
      %get3A_114 = tpu.vector_load %arg7[%get3A_112, %get3A_113] {strides = array<i32>} : memref<128x80xi32, #tpu.memory_space<vmem>>, vector<16xi32>,
      %mul3A_115 = arith.constant 4 : i32
      %mul3A_116 = vector.broadcast %mul3A_115 : i32 to vector<16xi32>
      %mul3A_117 = arith.muli %get3A_114, %mul3A_116 : vector<16xi32>
      %get3A_118 = arith.index_cast %scan3A_9 : i32 to index
      %get3A_119 = arith.constant 32 : index
      %get3A_120 = tpu.vector_load %arg8[%get3A_118, %get3A_119] {strides = array<i32>} : memref<128x80xi32, #tpu.memory_space<vmem>>, vector<16xi32>,
      %mul3A_121 = arith.constant 4 : i32
      %mul3A_122 = vector.broadcast %mul3A_121 : i32 to vector<16xi32>
      %mul3A_123 = arith.muli %get3A_120, %mul3A_122 : vector<16xi32>
      %broadcast_in_dim3A_124 = arith.constant 0.000000e+00 : f32
      %broadcast_in_dim3A_125 = vector.broadcast %broadcast_in_dim3A_124 : f32 to vector<16xf32>
      %add3A_126 = arith.constant 0 : i32
      %add3A_127 = vector.broadcast %add3A_126 : i32 to vector<16xi32>
      %add3A_128 = arith.addi %mul3A_117, %add3A_127 : vector<16xi32>
      %gather3A_129 = tpu.vector_load_idx %arg6[%add3A_128] : memref<40000xf32, #tpu.memory_space<vmem>>[vector<16xi32>], vector<16xf32>,
      %add3A_130 = arith.constant 0 : i32
      %add3A_131 = vector.broadcast %add3A_130 : i32 to vector<16xi32>
      %add3A_132 = arith.addi %mul3A_123, %add3A_131 : vector<16xi32>
      %gather3A_133 = tpu.vector_load_idx %arg6[%add3A_132] : memref<40000xf32, #tpu.memory_space<vmem>>[vector<16xi32>], vector<16xf32>,
      %sub3A_134 = arith.subf %gather3A_129, %gather3A_133 : vector<16xf32>
      %mul3A_135 = arith.mulf %sub3A_134, %sub3A_134 : vector<16xf32>
      %add3A_136 = arith.addf %broadcast_in_dim3A_125, %mul3A_135 : vector<16xf32>
      %add3A_137 = arith.constant 1 : i32
      %add3A_138 = vector.broadcast %add3A_137 : i32 to vector<16xi32>
      %add3A_139 = arith.addi %mul3A_117, %add3A_138 : vector<16xi32>
      %gather3A_140 = tpu.vector_load_idx %arg6[%add3A_139] : memref<40000xf32, #tpu.memory_space<vmem>>[vector<16xi32>], vector<16xf32>,
      %add3A_141 = arith.constant 1 : i32
      %add3A_142 = vector.broadcast %add3A_141 : i32 to vector<16xi32>
      %add3A_143 = arith.addi %mul3A_123, %add3A_142 : vector<16xi32>
      %gather3A_144 = tpu.vector_load_idx %arg6[%add3A_143] : memref<40000xf32, #tpu.memory_space<vmem>>[vector<16xi32>], vector<16xf32>,
      %sub3A_145 = arith.subf %gather3A_140, %gather3A_144 : vector<16xf32>
      %mul3A_146 = arith.mulf %sub3A_145, %sub3A_145 : vector<16xf32>
      %add3A_147 = arith.addf %add3A_136, %mul3A_146 : vector<16xf32>
      %add3A_148 = arith.constant 2 : i32
      %add3A_149 = vector.broadcast %add3A_148 : i32 to vector<16xi32>
      %add3A_150 = arith.addi %mul3A_117, %add3A_149 : vector<16xi32>
      %gather3A_151 = tpu.vector_load_idx %arg6[%add3A_150] : memref<40000xf32, #tpu.memory_space<vmem>>[vector<16xi32>], vector<16xf32>,
      %add3A_152 = arith.constant 2 : i32
      %add3A_153 = vector.broadcast %add3A_152 : i32 to vector<16xi32>
      %add3A_154 = arith.addi %mul3A_123, %add3A_153 : vector<16xi32>
      %gather3A_155 = tpu.vector_load_idx %arg6[%add3A_154] : memref<40000xf32, #tpu.memory_space<vmem>>[vector<16xi32>], vector<16xf32>,
      %sub3A_156 = arith.subf %gather3A_151, %gather3A_155 : vector<16xf32>
      %mul3A_157 = arith.mulf %sub3A_156, %sub3A_156 : vector<16xf32>
      %add3A_158 = arith.addf %add3A_147, %mul3A_157 : vector<16xf32>
      %mul3A_159 = arith.constant 80 : i32
      %mul3A_160 = arith.muli %scan3A_9, %mul3A_159 : i32
      %add3A_161 = arith.constant 32 : i32
      %add3A_162 = arith.addi %mul3A_160, %add3A_161 : i32
      %swap3A_163 = arith.index_cast %add3A_162 : i32 to index
      %swap3A_164 = tpu.vector_load %arg9[%swap3A_163] {strides = array<i32>} : memref<10240xf32, #tpu.memory_space<vmem>>, vector<16xf32>,
      tpu.vector_store %arg9[%swap3A_163], %add3A_158 {strides = array<i32>} : memref<10240xf32, #tpu.memory_space<vmem>>, vector<16xf32>,
      %get3A_165 = arith.index_cast %scan3A_9 : i32 to index
      %get3A_166 = arith.constant 48 : index
      %get3A_167 = tpu.vector_load %arg7[%get3A_165, %get3A_166] {strides = array<i32>} : memref<128x80xi32, #tpu.memory_space<vmem>>, vector<16xi32>,
      %mul3A_168 = arith.constant 4 : i32
      %mul3A_169 = vector.broadcast %mul3A_168 : i32 to vector<16xi32>
      %mul3A_170 = arith.muli %get3A_167, %mul3A_169 : vector<16xi32>
      %get3A_171 = arith.index_cast %scan3A_9 : i32 to index
      %get3A_172 = arith.constant 48 : index
      %get3A_173 = tpu.vector_load %arg8[%get3A_171, %get3A_172] {strides = array<i32>} : memref<128x80xi32, #tpu.memory_space<vmem>>, vector<16xi32>,
      %mul3A_174 = arith.constant 4 : i32
      %mul3A_175 = vector.broadcast %mul3A_174 : i32 to vector<16xi32>
      %mul3A_176 = arith.muli %get3A_173, %mul3A_175 : vector<16xi32>
      %broadcast_in_dim3A_177 = arith.constant 0.000000e+00 : f32
      %broadcast_in_dim3A_178 = vector.broadcast %broadcast_in_dim3A_177 : f32 to vector<16xf32>
      %add3A_179 = arith.constant 0 : i32
      %add3A_180 = vector.broadcast %add3A_179 : i32 to vector<16xi32>
      %add3A_181 = arith.addi %mul3A_170, %add3A_180 : vector<16xi32>
      %gather3A_182 = tpu.vector_load_idx %arg6[%add3A_181] : memref<40000xf32, #tpu.memory_space<vmem>>[vector<16xi32>], vector<16xf32>,
      %add3A_183 = arith.constant 0 : i32
      %add3A_184 = vector.broadcast %add3A_183 : i32 to vector<16xi32>
      %add3A_185 = arith.addi %mul3A_176, %add3A_184 : vector<16xi32>
      %gather3A_186 = tpu.vector_load_idx %arg6[%add3A_185] : memref<40000xf32, #tpu.memory_space<vmem>>[vector<16xi32>], vector<16xf32>,
      %sub3A_187 = arith.subf %gather3A_182, %gather3A_186 : vector<16xf32>
      %mul3A_188 = arith.mulf %sub3A_187, %sub3A_187 : vector<16xf32>
      %add3A_189 = arith.addf %broadcast_in_dim3A_178, %mul3A_188 : vector<16xf32>
      %add3A_190 = arith.constant 1 : i32
      %add3A_191 = vector.broadcast %add3A_190 : i32 to vector<16xi32>
      %add3A_192 = arith.addi %mul3A_170, %add3A_191 : vector<16xi32>
      %gather3A_193 = tpu.vector_load_idx %arg6[%add3A_192] : memref<40000xf32, #tpu.memory_space<vmem>>[vector<16xi32>], vector<16xf32>,
      %add3A_194 = arith.constant 1 : i32
      %add3A_195 = vector.broadcast %add3A_194 : i32 to vector<16xi32>
      %add3A_196 = arith.addi %mul3A_176, %add3A_195 : vector<16xi32>
      %gather3A_197 = tpu.vector_load_idx %arg6[%add3A_196] : memref<40000xf32, #tpu.memory_space<vmem>>[vector<16xi32>], vector<16xf32>,
      %sub3A_198 = arith.subf %gather3A_193, %gather3A_197 : vector<16xf32>
      %mul3A_199 = arith.mulf %sub3A_198, %sub3A_198 : vector<16xf32>
      %add3A_200 = arith.addf %add3A_189, %mul3A_199 : vector<16xf32>
      %add3A_201 = arith.constant 2 : i32
      %add3A_202 = vector.broadcast %add3A_201 : i32 to vector<16xi32>
      %add3A_203 = arith.addi %mul3A_170, %add3A_202 : vector<16xi32>
      %gather3A_204 = tpu.vector_load_idx %arg6[%add3A_203] : memref<40000xf32, #tpu.memory_space<vmem>>[vector<16xi32>], vector<16xf32>,
      %add3A_205 = arith.constant 2 : i32
      %add3A_206 = vector.broadcast %add3A_205 : i32 to vector<16xi32>
      %add3A_207 = arith.addi %mul3A_176, %add3A_206 : vector<16xi32>
      %gather3A_208 = tpu.vector_load_idx %arg6[%add3A_207] : memref<40000xf32, #tpu.memory_space<vmem>>[vector<16xi32>], vector<16xf32>,
      %sub3A_209 = arith.subf %gather3A_204, %gather3A_208 : vector<16xf32>
      %mul3A_210 = arith.mulf %sub3A_209, %sub3A_209 : vector<16xf32>
      %add3A_211 = arith.addf %add3A_200, %mul3A_210 : vector<16xf32>
      %mul3A_212 = arith.constant 80 : i32
      %mul3A_213 = arith.muli %scan3A_9, %mul3A_212 : i32
      %add3A_214 = arith.constant 48 : i32
      %add3A_215 = arith.addi %mul3A_213, %add3A_214 : i32
      %swap3A_216 = arith.index_cast %add3A_215 : i32 to index
      %swap3A_217 = tpu.vector_load %arg9[%swap3A_216] {strides = array<i32>} : memref<10240xf32, #tpu.memory_space<vmem>>, vector<16xf32>,
      tpu.vector_store %arg9[%swap3A_216], %add3A_211 {strides = array<i32>} : memref<10240xf32, #tpu.memory_space<vmem>>, vector<16xf32>,
      %get3A_218 = arith.index_cast %scan3A_9 : i32 to index
      %get3A_219 = arith.constant 64 : index
      %get3A_220 = tpu.vector_load %arg7[%get3A_218, %get3A_219] {strides = array<i32>} : memref<128x80xi32, #tpu.memory_space<vmem>>, vector<16xi32>,
      %mul3A_221 = arith.constant 4 : i32
      %mul3A_222 = vector.broadcast %mul3A_221 : i32 to vector<16xi32>
      %mul3A_223 = arith.muli %get3A_220, %mul3A_222 : vector<16xi32>
      %get3A_224 = arith.index_cast %scan3A_9 : i32 to index
      %get3A_225 = arith.constant 64 : index
      %get3A_226 = tpu.vector_load %arg8[%get3A_224, %get3A_225] {strides = array<i32>} : memref<128x80xi32, #tpu.memory_space<vmem>>, vector<16xi32>,
      %mul3A_227 = arith.constant 4 : i32
      %mul3A_228 = vector.broadcast %mul3A_227 : i32 to vector<16xi32>
      %mul3A_229 = arith.muli %get3A_226, %mul3A_228 : vector<16xi32>
      %broadcast_in_dim3A_230 = arith.constant 0.000000e+00 : f32
      %broadcast_in_dim3A_231 = vector.broadcast %broadcast_in_dim3A_230 : f32 to vector<16xf32>
      %add3A_232 = arith.constant 0 : i32
      %add3A_233 = vector.broadcast %add3A_232 : i32 to vector<16xi32>
      %add3A_234 = arith.addi %mul3A_223, %add3A_233 : vector<16xi32>
      %gather3A_235 = tpu.vector_load_idx %arg6[%add3A_234] : memref<40000xf32, #tpu.memory_space<vmem>>[vector<16xi32>], vector<16xf32>,
      %add3A_236 = arith.constant 0 : i32
      %add3A_237 = vector.broadcast %add3A_236 : i32 to vector<16xi32>
      %add3A_238 = arith.addi %mul3A_229, %add3A_237 : vector<16xi32>
      %gather3A_239 = tpu.vector_load_idx %arg6[%add3A_238] : memref<40000xf32, #tpu.memory_space<vmem>>[vector<16xi32>], vector<16xf32>,
      %sub3A_240 = arith.subf %gather3A_235, %gather3A_239 : vector<16xf32>
      %mul3A_241 = arith.mulf %sub3A_240, %sub3A_240 : vector<16xf32>
      %add3A_242 = arith.addf %broadcast_in_dim3A_231, %mul3A_241 : vector<16xf32>
      %add3A_243 = arith.constant 1 : i32
      %add3A_244 = vector.broadcast %add3A_243 : i32 to vector<16xi32>
      %add3A_245 = arith.addi %mul3A_223, %add3A_244 : vector<16xi32>
      %gather3A_246 = tpu.vector_load_idx %arg6[%add3A_245] : memref<40000xf32, #tpu.memory_space<vmem>>[vector<16xi32>], vector<16xf32>,
      %add3A_247 = arith.constant 1 : i32
      %add3A_248 = vector.broadcast %add3A_247 : i32 to vector<16xi32>
      %add3A_249 = arith.addi %mul3A_229, %add3A_248 : vector<16xi32>
      %gather3A_250 = tpu.vector_load_idx %arg6[%add3A_249] : memref<40000xf32, #tpu.memory_space<vmem>>[vector<16xi32>], vector<16xf32>,
      %sub3A_251 = arith.subf %gather3A_246, %gather3A_250 : vector<16xf32>
      %mul3A_252 = arith.mulf %sub3A_251, %sub3A_251 : vector<16xf32>
      %add3A_253 = arith.addf %add3A_242, %mul3A_252 : vector<16xf32>
      %add3A_254 = arith.constant 2 : i32
      %add3A_255 = vector.broadcast %add3A_254 : i32 to vector<16xi32>
      %add3A_256 = arith.addi %mul3A_223, %add3A_255 : vector<16xi32>
      %gather3A_257 = tpu.vector_load_idx %arg6[%add3A_256] : memref<40000xf32, #tpu.memory_space<vmem>>[vector<16xi32>], vector<16xf32>,
      %add3A_258 = arith.constant 2 : i32
      %add3A_259 = vector.broadcast %add3A_258 : i32 to vector<16xi32>
      %add3A_260 = arith.addi %mul3A_229, %add3A_259 : vector<16xi32>
      %gather3A_261 = tpu.vector_load_idx %arg6[%add3A_260] : memref<40000xf32, #tpu.memory_space<vmem>>[vector<16xi32>], vector<16xf32>,
      %sub3A_262 = arith.subf %gather3A_257, %gather3A_261 : vector<16xf32>
      %mul3A_263 = arith.mulf %sub3A_262, %sub3A_262 : vector<16xf32>
      %add3A_264 = arith.addf %add3A_253, %mul3A_263 : vector<16xf32>
      %mul3A_265 = arith.constant 80 : i32
      %mul3A_266 = arith.muli %scan3A_9, %mul3A_265 : i32
      %add3A_267 = arith.constant 64 : i32
      %add3A_268 = arith.addi %mul3A_266, %add3A_267 : i32
      %swap3A_269 = arith.index_cast %add3A_268 : i32 to index
      %swap3A_270 = tpu.vector_load %arg9[%swap3A_269] {strides = array<i32>} : memref<10240xf32, #tpu.memory_space<vmem>>, vector<16xf32>,
      tpu.vector_store %arg9[%swap3A_269], %add3A_264 {strides = array<i32>} : memref<10240xf32, #tpu.memory_space<vmem>>, vector<16xf32>,
      %scan3A_271 = arith.constant 0 : i32
      scf.yield %scan3A_271 : i32
    }
    %scan3A_6 = arith.constant 128 : i32
    %mul3A_7 = arith.constant 10240 : i32
    %mul3A_8 = arith.muli %add3A, %mul3A_7 : i32
    "tpu.region"() ({
      %run_scoped3A = tpu.sem_alloc : memref<!tpu.dma_semaphore, #tpu.memory_space<semaphore_mem>>
      %dma_start3A = tpu.memref_slice %arg5[%mul3A_8] : memref<327680xf32, #tpu.memory_space<hbm>> -> memref<10240xf32, #tpu.memory_space<hbm>>
      %dma_start3A_9 = tpu.memref_slice %arg5[%mul3A_8] : memref<327680xf32, #tpu.memory_space<hbm>> -> memref<10240xf32, #tpu.memory_space<hbm>>
      tpu.enqueue_dma source(%arg9 : memref<10240xf32, #tpu.memory_space<vmem>>) target(%dma_start3A_9 : memref<10240xf32, #tpu.memory_space<hbm>>) target_semaphore(%run_scoped3A : memref<!tpu.dma_semaphore, #tpu.memory_space<semaphore_mem>>)
      %dma_wait3A = tpu.memref_slice %arg5[%mul3A_8] : memref<327680xf32, #tpu.memory_space<hbm>> -> memref<10240xf32, #tpu.memory_space<hbm>>
      %dma_wait3A_10 = tpu.memref_slice %arg5[%mul3A_8] : memref<327680xf32, #tpu.memory_space<hbm>> -> memref<10240xf32, #tpu.memory_space<hbm>>
      tpu.wait_dma2 semaphore(%run_scoped3A : memref<!tpu.dma_semaphore, #tpu.memory_space<semaphore_mem>>) src(%arg9 : memref<10240xf32, #tpu.memory_space<vmem>>) dst(%dma_wait3A_10 : memref<10240xf32, #tpu.memory_space<hbm>>)
      tpu.yield
    }) : () -> ()
    return
  }
}

#map = affine_map<(d0, d1) -> (0, 0)>
#map1 = affine_map<(d0, d1) -> (0, 0, 0)>
module attributes {stable_mosaic.version = 14 : i64} {
  func.func @k(%arg0: i32, %arg1: i32, %arg2: memref<10000x128xf32, #tpu.memory_space<hbm>>, %arg3: memref<10000x128xf32, #tpu.memory_space<hbm>>, %arg4: memref<32x128x80xi32, #tpu.memory_space<hbm>>, %arg5: memref<32x128x80xi32, #tpu.memory_space<hbm>>, %arg6: memref<327680x128xf32, #tpu.memory_space<hbm>>, %arg7: memref<327680x128xf32, #tpu.memory_space<hbm>>, %arg8: memref<128x80xi32, #tpu.memory_space<vmem>>, %arg9: memref<128x80xi32, #tpu.memory_space<vmem>>, %arg10: memref<80x128xf32, #tpu.memory_space<vmem>>, %arg11: memref<80x128xf32, #tpu.memory_space<vmem>>, %arg12: memref<80x128xf32, #tpu.memory_space<vmem>>, %arg13: memref<80x128xf32, #tpu.memory_space<vmem>>, %arg14: memref<!tpu.dma_semaphore, #tpu.memory_space<semaphore_mem>>, %arg15: memref<!tpu.dma_semaphore, #tpu.memory_space<semaphore_mem>>, %arg16: memref<!tpu.dma_semaphore, #tpu.memory_space<semaphore_mem>>, %arg17: memref<!tpu.dma_semaphore, #tpu.memory_space<semaphore_mem>>) attributes {dimension_semantics = [#tpu.dimension_semantics<core_parallel>, #tpu.dimension_semantics<subcore_parallel>], iteration_bounds = array<i64: 2, 16>, scalar_prefetch = 0 : i64, scratch_operands = 10 : i64, tpu.core_type = #tpu.core_type<sc_vector_subcore>, window_params = [{transform_indices = #map}, {transform_indices = #map}, {transform_indices = #map1}, {transform_indices = #map1}, {transform_indices = #map}, {transform_indices = #map}]} {
    %mul3A = arith.constant 2 : i32
    %mul3A_0 = arith.muli %arg1, %mul3A : i32
    %add3A = arith.addi %mul3A_0, %arg0 : i32
    %mul3A_1 = arith.constant 128 : i32
    %mul3A_2 = arith.muli %add3A, %mul3A_1 : i32
    "tpu.region"() ({
      %run_scoped3A = tpu.sem_alloc : memref<!tpu.dma_semaphore, #tpu.memory_space<semaphore_mem>>
      %dma_start3A_22 = arith.constant 0 : i32
      %dma_start3A_23 = arith.constant 0 : i32
      %dma_start3A_24 = tpu.memref_slice %arg4[%add3A, %dma_start3A_22, %dma_start3A_23] : memref<32x128x80xi32, #tpu.memory_space<hbm>> -> memref<1x128x80xi32, #tpu.memory_space<hbm>>
      %dma_start3A_25 = tpu.memref_squeeze %dma_start3A_24 : memref<1x128x80xi32, #tpu.memory_space<hbm>> -> memref<128x80xi32, #tpu.memory_space<hbm>>
      %dma_start3A_26 = arith.constant 0 : i32
      %dma_start3A_27 = arith.constant 0 : i32
      %dma_start3A_28 = tpu.memref_slice %arg4[%add3A, %dma_start3A_26, %dma_start3A_27] : memref<32x128x80xi32, #tpu.memory_space<hbm>> -> memref<1x128x80xi32, #tpu.memory_space<hbm>>
      %dma_start3A_29 = tpu.memref_squeeze %dma_start3A_28 : memref<1x128x80xi32, #tpu.memory_space<hbm>> -> memref<128x80xi32, #tpu.memory_space<hbm>>
      tpu.enqueue_dma source(%dma_start3A_29 : memref<128x80xi32, #tpu.memory_space<hbm>>) target(%arg8 : memref<128x80xi32, #tpu.memory_space<vmem>>) target_semaphore(%run_scoped3A : memref<!tpu.dma_semaphore, #tpu.memory_space<semaphore_mem>>)
      %dma_wait3A = arith.constant 0 : i32
      %dma_wait3A_30 = arith.constant 0 : i32
      %dma_wait3A_31 = tpu.memref_slice %arg4[%add3A, %dma_wait3A, %dma_wait3A_30] : memref<32x128x80xi32, #tpu.memory_space<hbm>> -> memref<1x128x80xi32, #tpu.memory_space<hbm>>
      %dma_wait3A_32 = tpu.memref_squeeze %dma_wait3A_31 : memref<1x128x80xi32, #tpu.memory_space<hbm>> -> memref<128x80xi32, #tpu.memory_space<hbm>>
      %dma_wait3A_33 = arith.constant 0 : i32
      %dma_wait3A_34 = arith.constant 0 : i32
      %dma_wait3A_35 = tpu.memref_slice %arg4[%add3A, %dma_wait3A_33, %dma_wait3A_34] : memref<32x128x80xi32, #tpu.memory_space<hbm>> -> memref<1x128x80xi32, #tpu.memory_space<hbm>>
      %dma_wait3A_36 = tpu.memref_squeeze %dma_wait3A_35 : memref<1x128x80xi32, #tpu.memory_space<hbm>> -> memref<128x80xi32, #tpu.memory_space<hbm>>
      tpu.wait_dma2 semaphore(%run_scoped3A : memref<!tpu.dma_semaphore, #tpu.memory_space<semaphore_mem>>) src(%dma_wait3A_36 : memref<128x80xi32, #tpu.memory_space<hbm>>) dst(%arg8 : memref<128x80xi32, #tpu.memory_space<vmem>>)
      tpu.yield
    }) : () -> ()
    "tpu.region"() ({
      %run_scoped3A = tpu.sem_alloc : memref<!tpu.dma_semaphore, #tpu.memory_space<semaphore_mem>>
      %dma_start3A_22 = arith.constant 0 : i32
      %dma_start3A_23 = arith.constant 0 : i32
      %dma_start3A_24 = tpu.memref_slice %arg5[%add3A, %dma_start3A_22, %dma_start3A_23] : memref<32x128x80xi32, #tpu.memory_space<hbm>> -> memref<1x128x80xi32, #tpu.memory_space<hbm>>
      %dma_start3A_25 = tpu.memref_squeeze %dma_start3A_24 : memref<1x128x80xi32, #tpu.memory_space<hbm>> -> memref<128x80xi32, #tpu.memory_space<hbm>>
      %dma_start3A_26 = arith.constant 0 : i32
      %dma_start3A_27 = arith.constant 0 : i32
      %dma_start3A_28 = tpu.memref_slice %arg5[%add3A, %dma_start3A_26, %dma_start3A_27] : memref<32x128x80xi32, #tpu.memory_space<hbm>> -> memref<1x128x80xi32, #tpu.memory_space<hbm>>
      %dma_start3A_29 = tpu.memref_squeeze %dma_start3A_28 : memref<1x128x80xi32, #tpu.memory_space<hbm>> -> memref<128x80xi32, #tpu.memory_space<hbm>>
      tpu.enqueue_dma source(%dma_start3A_29 : memref<128x80xi32, #tpu.memory_space<hbm>>) target(%arg9 : memref<128x80xi32, #tpu.memory_space<vmem>>) target_semaphore(%run_scoped3A : memref<!tpu.dma_semaphore, #tpu.memory_space<semaphore_mem>>)
      %dma_wait3A = arith.constant 0 : i32
      %dma_wait3A_30 = arith.constant 0 : i32
      %dma_wait3A_31 = tpu.memref_slice %arg5[%add3A, %dma_wait3A, %dma_wait3A_30] : memref<32x128x80xi32, #tpu.memory_space<hbm>> -> memref<1x128x80xi32, #tpu.memory_space<hbm>>
      %dma_wait3A_32 = tpu.memref_squeeze %dma_wait3A_31 : memref<1x128x80xi32, #tpu.memory_space<hbm>> -> memref<128x80xi32, #tpu.memory_space<hbm>>
      %dma_wait3A_33 = arith.constant 0 : i32
      %dma_wait3A_34 = arith.constant 0 : i32
      %dma_wait3A_35 = tpu.memref_slice %arg5[%add3A, %dma_wait3A_33, %dma_wait3A_34] : memref<32x128x80xi32, #tpu.memory_space<hbm>> -> memref<1x128x80xi32, #tpu.memory_space<hbm>>
      %dma_wait3A_36 = tpu.memref_squeeze %dma_wait3A_35 : memref<1x128x80xi32, #tpu.memory_space<hbm>> -> memref<128x80xi32, #tpu.memory_space<hbm>>
      tpu.wait_dma2 semaphore(%run_scoped3A : memref<!tpu.dma_semaphore, #tpu.memory_space<semaphore_mem>>) src(%dma_wait3A_36 : memref<128x80xi32, #tpu.memory_space<hbm>>) dst(%arg9 : memref<128x80xi32, #tpu.memory_space<vmem>>)
      tpu.yield
    }) : () -> ()
    %dma_start3A = arith.constant 0 : i32
    %dma_start3A_3 = arith.constant 0 : i32
    %dma_start3A_4 = tpu.memref_slice %arg8[%dma_start3A, %dma_start3A_3] : memref<128x80xi32, #tpu.memory_space<vmem>> -> memref<1x80xi32, #tpu.memory_space<vmem>>
    %dma_start3A_5 = tpu.memref_squeeze %dma_start3A_4 : memref<1x80xi32, #tpu.memory_space<vmem>> -> memref<80xi32, #tpu.memory_space<vmem>>
    %dma_start3A_6 = arith.constant 0 : i32
    %dma_start3A_7 = arith.constant 0 : i32
    %dma_start3A_8 = tpu.memref_slice %arg2[%dma_start3A_6, %dma_start3A_7] : memref<10000x128xf32, #tpu.memory_space<hbm>> -> memref<10000x128xf32, #tpu.memory_space<hbm>>
    tpu.enqueue_indirect_dma source(%dma_start3A_8 : memref<10000x128xf32, #tpu.memory_space<hbm>>) target(%arg10 : memref<80x128xf32, #tpu.memory_space<vmem>>) offsets(%dma_start3A_5 : memref<80xi32, #tpu.memory_space<vmem>>) semaphore(%arg14 : memref<!tpu.dma_semaphore, #tpu.memory_space<semaphore_mem>>)
    %dma_start3A_9 = arith.constant 0 : i32
    %dma_start3A_10 = arith.constant 0 : i32
    %dma_start3A_11 = tpu.memref_slice %arg9[%dma_start3A_9, %dma_start3A_10] : memref<128x80xi32, #tpu.memory_space<vmem>> -> memref<1x80xi32, #tpu.memory_space<vmem>>
    %dma_start3A_12 = tpu.memref_squeeze %dma_start3A_11 : memref<1x80xi32, #tpu.memory_space<vmem>> -> memref<80xi32, #tpu.memory_space<vmem>>
    %dma_start3A_13 = arith.constant 0 : i32
    %dma_start3A_14 = arith.constant 0 : i32
    %dma_start3A_15 = tpu.memref_slice %arg3[%dma_start3A_13, %dma_start3A_14] : memref<10000x128xf32, #tpu.memory_space<hbm>> -> memref<10000x128xf32, #tpu.memory_space<hbm>>
    tpu.enqueue_indirect_dma source(%dma_start3A_15 : memref<10000x128xf32, #tpu.memory_space<hbm>>) target(%arg12 : memref<80x128xf32, #tpu.memory_space<vmem>>) offsets(%dma_start3A_12 : memref<80xi32, #tpu.memory_space<vmem>>) semaphore(%arg16 : memref<!tpu.dma_semaphore, #tpu.memory_space<semaphore_mem>>)
    %scan3A = arith.constant 0 : i32
    %scan3A_16 = arith.constant 0 : i32
    %scan3A_17 = arith.constant 64 : i32
    %scan3A_18 = arith.addi %scan3A_16, %scan3A_17 : i32
    %scan3A_19 = arith.constant 1 : i32
    %scan3A_20 = scf.for %scan3A_22 = %scan3A_16 to %scan3A_18 step %scan3A_19 iter_args(%scan3A_23 = %scan3A) -> (i32)  : i32 {
      %mul3A_24 = arith.constant 2 : i32
      %mul3A_25 = arith.muli %mul3A_24, %scan3A_22 : i32
      %add3A_26 = arith.constant 0 : i32
      %add3A_27 = arith.addi %mul3A_25, %add3A_26 : i32
      %add3A_28 = arith.constant 1 : i32
      %add3A_29 = arith.addi %add3A_27, %add3A_28 : i32
      %lt3A = arith.constant 128 : i32
      %lt3A_30 = arith.cmpi slt, %add3A_29, %lt3A : i32
      %convert_element_type3A = arith.extui %lt3A_30 : i1 to i32
      %cond3A = arith.constant 0 : i32
      %cond3A_31 = arith.cmpi ne, %convert_element_type3A, %cond3A : i32
      scf.if %cond3A_31 {
        %add3A_73 = arith.constant 1 : i32
        %add3A_74 = arith.addi %add3A_27, %add3A_73 : i32
        %dma_start3A_75 = arith.constant 0 : i32
        %dma_start3A_76 = tpu.memref_slice %arg8[%add3A_74, %dma_start3A_75] : memref<128x80xi32, #tpu.memory_space<vmem>> -> memref<1x80xi32, #tpu.memory_space<vmem>>
        %dma_start3A_77 = tpu.memref_squeeze %dma_start3A_76 : memref<1x80xi32, #tpu.memory_space<vmem>> -> memref<80xi32, #tpu.memory_space<vmem>>
        %dma_start3A_78 = arith.constant 0 : i32
        %dma_start3A_79 = arith.constant 0 : i32
        %dma_start3A_80 = tpu.memref_slice %arg2[%dma_start3A_78, %dma_start3A_79] : memref<10000x128xf32, #tpu.memory_space<hbm>> -> memref<10000x128xf32, #tpu.memory_space<hbm>>
        tpu.enqueue_indirect_dma source(%dma_start3A_80 : memref<10000x128xf32, #tpu.memory_space<hbm>>) target(%arg11 : memref<80x128xf32, #tpu.memory_space<vmem>>) offsets(%dma_start3A_77 : memref<80xi32, #tpu.memory_space<vmem>>) semaphore(%arg15 : memref<!tpu.dma_semaphore, #tpu.memory_space<semaphore_mem>>)
        %dma_start3A_81 = arith.constant 0 : i32
        %dma_start3A_82 = tpu.memref_slice %arg9[%add3A_74, %dma_start3A_81] : memref<128x80xi32, #tpu.memory_space<vmem>> -> memref<1x80xi32, #tpu.memory_space<vmem>>
        %dma_start3A_83 = tpu.memref_squeeze %dma_start3A_82 : memref<1x80xi32, #tpu.memory_space<vmem>> -> memref<80xi32, #tpu.memory_space<vmem>>
        %dma_start3A_84 = arith.constant 0 : i32
        %dma_start3A_85 = arith.constant 0 : i32
        %dma_start3A_86 = tpu.memref_slice %arg3[%dma_start3A_84, %dma_start3A_85] : memref<10000x128xf32, #tpu.memory_space<hbm>> -> memref<10000x128xf32, #tpu.memory_space<hbm>>
        tpu.enqueue_indirect_dma source(%dma_start3A_86 : memref<10000x128xf32, #tpu.memory_space<hbm>>) target(%arg13 : memref<80x128xf32, #tpu.memory_space<vmem>>) offsets(%dma_start3A_83 : memref<80xi32, #tpu.memory_space<vmem>>) semaphore(%arg17 : memref<!tpu.dma_semaphore, #tpu.memory_space<semaphore_mem>>)
      } else {
      }
      %add3A_32 = arith.addi %mul3A_2, %add3A_27 : i32
      %mul3A_33 = arith.constant 80 : i32
      %mul3A_34 = arith.muli %add3A_32, %mul3A_33 : i32
      %dma_wait3A = arith.constant 0 : i32
      %dma_wait3A_35 = tpu.memref_slice %arg8[%add3A_27, %dma_wait3A] : memref<128x80xi32, #tpu.memory_space<vmem>> -> memref<1x80xi32, #tpu.memory_space<vmem>>
      %dma_wait3A_36 = tpu.memref_squeeze %dma_wait3A_35 : memref<1x80xi32, #tpu.memory_space<vmem>> -> memref<80xi32, #tpu.memory_space<vmem>>
      %dma_wait3A_37 = arith.constant 0 : i32
      %dma_wait3A_38 = arith.constant 0 : i32
      %dma_wait3A_39 = tpu.memref_slice %arg2[%dma_wait3A_37, %dma_wait3A_38] : memref<10000x128xf32, #tpu.memory_space<hbm>> -> memref<10000x128xf32, #tpu.memory_space<hbm>>
      tpu.wait_indirect_dma semaphore(%arg14 : memref<!tpu.dma_semaphore, #tpu.memory_space<semaphore_mem>>) src(%dma_wait3A_39 : memref<10000x128xf32, #tpu.memory_space<hbm>>) dst(%arg10 : memref<80x128xf32, #tpu.memory_space<vmem>>)
      "tpu.region"() ({
        %run_scoped3A = tpu.sem_alloc : memref<!tpu.dma_semaphore, #tpu.memory_space<semaphore_mem>>
        %dma_start3A_73 = arith.constant 0 : i32
        %dma_start3A_74 = tpu.memref_slice %arg6[%mul3A_34, %dma_start3A_73] : memref<327680x128xf32, #tpu.memory_space<hbm>> -> memref<80x128xf32, #tpu.memory_space<hbm>>
        %dma_start3A_75 = arith.constant 0 : i32
        %dma_start3A_76 = tpu.memref_slice %arg6[%mul3A_34, %dma_start3A_75] : memref<327680x128xf32, #tpu.memory_space<hbm>> -> memref<80x128xf32, #tpu.memory_space<hbm>>
        tpu.enqueue_dma source(%arg10 : memref<80x128xf32, #tpu.memory_space<vmem>>) target(%dma_start3A_76 : memref<80x128xf32, #tpu.memory_space<hbm>>) target_semaphore(%run_scoped3A : memref<!tpu.dma_semaphore, #tpu.memory_space<semaphore_mem>>)
        %dma_wait3A_77 = arith.constant 0 : i32
        %dma_wait3A_78 = tpu.memref_slice %arg6[%mul3A_34, %dma_wait3A_77] : memref<327680x128xf32, #tpu.memory_space<hbm>> -> memref<80x128xf32, #tpu.memory_space<hbm>>
        %dma_wait3A_79 = arith.constant 0 : i32
        %dma_wait3A_80 = tpu.memref_slice %arg6[%mul3A_34, %dma_wait3A_79] : memref<327680x128xf32, #tpu.memory_space<hbm>> -> memref<80x128xf32, #tpu.memory_space<hbm>>
        tpu.wait_dma2 semaphore(%run_scoped3A : memref<!tpu.dma_semaphore, #tpu.memory_space<semaphore_mem>>) src(%arg10 : memref<80x128xf32, #tpu.memory_space<vmem>>) dst(%dma_wait3A_80 : memref<80x128xf32, #tpu.memory_space<hbm>>)
        tpu.yield
      }) : () -> ()
      %dma_wait3A_40 = arith.constant 0 : i32
      %dma_wait3A_41 = tpu.memref_slice %arg9[%add3A_27, %dma_wait3A_40] : memref<128x80xi32, #tpu.memory_space<vmem>> -> memref<1x80xi32, #tpu.memory_space<vmem>>
      %dma_wait3A_42 = tpu.memref_squeeze %dma_wait3A_41 : memref<1x80xi32, #tpu.memory_space<vmem>> -> memref<80xi32, #tpu.memory_space<vmem>>
      %dma_wait3A_43 = arith.constant 0 : i32
      %dma_wait3A_44 = arith.constant 0 : i32
      %dma_wait3A_45 = tpu.memref_slice %arg3[%dma_wait3A_43, %dma_wait3A_44] : memref<10000x128xf32, #tpu.memory_space<hbm>> -> memref<10000x128xf32, #tpu.memory_space<hbm>>
      tpu.wait_indirect_dma semaphore(%arg16 : memref<!tpu.dma_semaphore, #tpu.memory_space<semaphore_mem>>) src(%dma_wait3A_45 : memref<10000x128xf32, #tpu.memory_space<hbm>>) dst(%arg12 : memref<80x128xf32, #tpu.memory_space<vmem>>)
      "tpu.region"() ({
        %run_scoped3A = tpu.sem_alloc : memref<!tpu.dma_semaphore, #tpu.memory_space<semaphore_mem>>
        %dma_start3A_73 = arith.constant 0 : i32
        %dma_start3A_74 = tpu.memref_slice %arg7[%mul3A_34, %dma_start3A_73] : memref<327680x128xf32, #tpu.memory_space<hbm>> -> memref<80x128xf32, #tpu.memory_space<hbm>>
        %dma_start3A_75 = arith.constant 0 : i32
        %dma_start3A_76 = tpu.memref_slice %arg7[%mul3A_34, %dma_start3A_75] : memref<327680x128xf32, #tpu.memory_space<hbm>> -> memref<80x128xf32, #tpu.memory_space<hbm>>
        tpu.enqueue_dma source(%arg12 : memref<80x128xf32, #tpu.memory_space<vmem>>) target(%dma_start3A_76 : memref<80x128xf32, #tpu.memory_space<hbm>>) target_semaphore(%run_scoped3A : memref<!tpu.dma_semaphore, #tpu.memory_space<semaphore_mem>>)
        %dma_wait3A_77 = arith.constant 0 : i32
        %dma_wait3A_78 = tpu.memref_slice %arg7[%mul3A_34, %dma_wait3A_77] : memref<327680x128xf32, #tpu.memory_space<hbm>> -> memref<80x128xf32, #tpu.memory_space<hbm>>
        %dma_wait3A_79 = arith.constant 0 : i32
        %dma_wait3A_80 = tpu.memref_slice %arg7[%mul3A_34, %dma_wait3A_79] : memref<327680x128xf32, #tpu.memory_space<hbm>> -> memref<80x128xf32, #tpu.memory_space<hbm>>
        tpu.wait_dma2 semaphore(%run_scoped3A : memref<!tpu.dma_semaphore, #tpu.memory_space<semaphore_mem>>) src(%arg12 : memref<80x128xf32, #tpu.memory_space<vmem>>) dst(%dma_wait3A_80 : memref<80x128xf32, #tpu.memory_space<hbm>>)
        tpu.yield
      }) : () -> ()
      %mul3A_46 = arith.constant 2 : i32
      %mul3A_47 = arith.muli %mul3A_46, %scan3A_22 : i32
      %add3A_48 = arith.constant 1 : i32
      %add3A_49 = arith.addi %mul3A_47, %add3A_48 : i32
      %add3A_50 = arith.constant 1 : i32
      %add3A_51 = arith.addi %add3A_49, %add3A_50 : i32
      %lt3A_52 = arith.constant 128 : i32
      %lt3A_53 = arith.cmpi slt, %add3A_51, %lt3A_52 : i32
      %convert_element_type3A_54 = arith.extui %lt3A_53 : i1 to i32
      %cond3A_55 = arith.constant 0 : i32
      %cond3A_56 = arith.cmpi ne, %convert_element_type3A_54, %cond3A_55 : i32
      scf.if %cond3A_56 {
        %add3A_73 = arith.constant 1 : i32
        %add3A_74 = arith.addi %add3A_49, %add3A_73 : i32
        %dma_start3A_75 = arith.constant 0 : i32
        %dma_start3A_76 = tpu.memref_slice %arg8[%add3A_74, %dma_start3A_75] : memref<128x80xi32, #tpu.memory_space<vmem>> -> memref<1x80xi32, #tpu.memory_space<vmem>>
        %dma_start3A_77 = tpu.memref_squeeze %dma_start3A_76 : memref<1x80xi32, #tpu.memory_space<vmem>> -> memref<80xi32, #tpu.memory_space<vmem>>
        %dma_start3A_78 = arith.constant 0 : i32
        %dma_start3A_79 = arith.constant 0 : i32
        %dma_start3A_80 = tpu.memref_slice %arg2[%dma_start3A_78, %dma_start3A_79] : memref<10000x128xf32, #tpu.memory_space<hbm>> -> memref<10000x128xf32, #tpu.memory_space<hbm>>
        tpu.enqueue_indirect_dma source(%dma_start3A_80 : memref<10000x128xf32, #tpu.memory_space<hbm>>) target(%arg10 : memref<80x128xf32, #tpu.memory_space<vmem>>) offsets(%dma_start3A_77 : memref<80xi32, #tpu.memory_space<vmem>>) semaphore(%arg14 : memref<!tpu.dma_semaphore, #tpu.memory_space<semaphore_mem>>)
        %dma_start3A_81 = arith.constant 0 : i32
        %dma_start3A_82 = tpu.memref_slice %arg9[%add3A_74, %dma_start3A_81] : memref<128x80xi32, #tpu.memory_space<vmem>> -> memref<1x80xi32, #tpu.memory_space<vmem>>
        %dma_start3A_83 = tpu.memref_squeeze %dma_start3A_82 : memref<1x80xi32, #tpu.memory_space<vmem>> -> memref<80xi32, #tpu.memory_space<vmem>>
        %dma_start3A_84 = arith.constant 0 : i32
        %dma_start3A_85 = arith.constant 0 : i32
        %dma_start3A_86 = tpu.memref_slice %arg3[%dma_start3A_84, %dma_start3A_85] : memref<10000x128xf32, #tpu.memory_space<hbm>> -> memref<10000x128xf32, #tpu.memory_space<hbm>>
        tpu.enqueue_indirect_dma source(%dma_start3A_86 : memref<10000x128xf32, #tpu.memory_space<hbm>>) target(%arg12 : memref<80x128xf32, #tpu.memory_space<vmem>>) offsets(%dma_start3A_83 : memref<80xi32, #tpu.memory_space<vmem>>) semaphore(%arg16 : memref<!tpu.dma_semaphore, #tpu.memory_space<semaphore_mem>>)
      } else {
      }
      %add3A_57 = arith.addi %mul3A_2, %add3A_49 : i32
      %mul3A_58 = arith.constant 80 : i32
      %mul3A_59 = arith.muli %add3A_57, %mul3A_58 : i32
      %dma_wait3A_60 = arith.constant 0 : i32
      %dma_wait3A_61 = tpu.memref_slice %arg8[%add3A_49, %dma_wait3A_60] : memref<128x80xi32, #tpu.memory_space<vmem>> -> memref<1x80xi32, #tpu.memory_space<vmem>>
      %dma_wait3A_62 = tpu.memref_squeeze %dma_wait3A_61 : memref<1x80xi32, #tpu.memory_space<vmem>> -> memref<80xi32, #tpu.memory_space<vmem>>
      %dma_wait3A_63 = arith.constant 0 : i32
      %dma_wait3A_64 = arith.constant 0 : i32
      %dma_wait3A_65 = tpu.memref_slice %arg2[%dma_wait3A_63, %dma_wait3A_64] : memref<10000x128xf32, #tpu.memory_space<hbm>> -> memref<10000x128xf32, #tpu.memory_space<hbm>>
      tpu.wait_indirect_dma semaphore(%arg15 : memref<!tpu.dma_semaphore, #tpu.memory_space<semaphore_mem>>) src(%dma_wait3A_65 : memref<10000x128xf32, #tpu.memory_space<hbm>>) dst(%arg11 : memref<80x128xf32, #tpu.memory_space<vmem>>)
      "tpu.region"() ({
        %run_scoped3A = tpu.sem_alloc : memref<!tpu.dma_semaphore, #tpu.memory_space<semaphore_mem>>
        %dma_start3A_73 = arith.constant 0 : i32
        %dma_start3A_74 = tpu.memref_slice %arg6[%mul3A_59, %dma_start3A_73] : memref<327680x128xf32, #tpu.memory_space<hbm>> -> memref<80x128xf32, #tpu.memory_space<hbm>>
        %dma_start3A_75 = arith.constant 0 : i32
        %dma_start3A_76 = tpu.memref_slice %arg6[%mul3A_59, %dma_start3A_75] : memref<327680x128xf32, #tpu.memory_space<hbm>> -> memref<80x128xf32, #tpu.memory_space<hbm>>
        tpu.enqueue_dma source(%arg11 : memref<80x128xf32, #tpu.memory_space<vmem>>) target(%dma_start3A_76 : memref<80x128xf32, #tpu.memory_space<hbm>>) target_semaphore(%run_scoped3A : memref<!tpu.dma_semaphore, #tpu.memory_space<semaphore_mem>>)
        %dma_wait3A_77 = arith.constant 0 : i32
        %dma_wait3A_78 = tpu.memref_slice %arg6[%mul3A_59, %dma_wait3A_77] : memref<327680x128xf32, #tpu.memory_space<hbm>> -> memref<80x128xf32, #tpu.memory_space<hbm>>
        %dma_wait3A_79 = arith.constant 0 : i32
        %dma_wait3A_80 = tpu.memref_slice %arg6[%mul3A_59, %dma_wait3A_79] : memref<327680x128xf32, #tpu.memory_space<hbm>> -> memref<80x128xf32, #tpu.memory_space<hbm>>
        tpu.wait_dma2 semaphore(%run_scoped3A : memref<!tpu.dma_semaphore, #tpu.memory_space<semaphore_mem>>) src(%arg11 : memref<80x128xf32, #tpu.memory_space<vmem>>) dst(%dma_wait3A_80 : memref<80x128xf32, #tpu.memory_space<hbm>>)
        tpu.yield
      }) : () -> ()
      %dma_wait3A_66 = arith.constant 0 : i32
      %dma_wait3A_67 = tpu.memref_slice %arg9[%add3A_49, %dma_wait3A_66] : memref<128x80xi32, #tpu.memory_space<vmem>> -> memref<1x80xi32, #tpu.memory_space<vmem>>
      %dma_wait3A_68 = tpu.memref_squeeze %dma_wait3A_67 : memref<1x80xi32, #tpu.memory_space<vmem>> -> memref<80xi32, #tpu.memory_space<vmem>>
      %dma_wait3A_69 = arith.constant 0 : i32
      %dma_wait3A_70 = arith.constant 0 : i32
      %dma_wait3A_71 = tpu.memref_slice %arg3[%dma_wait3A_69, %dma_wait3A_70] : memref<10000x128xf32, #tpu.memory_space<hbm>> -> memref<10000x128xf32, #tpu.memory_space<hbm>>
      tpu.wait_indirect_dma semaphore(%arg17 : memref<!tpu.dma_semaphore, #tpu.memory_space<semaphore_mem>>) src(%dma_wait3A_71 : memref<10000x128xf32, #tpu.memory_space<hbm>>) dst(%arg13 : memref<80x128xf32, #tpu.memory_space<vmem>>)
      "tpu.region"() ({
        %run_scoped3A = tpu.sem_alloc : memref<!tpu.dma_semaphore, #tpu.memory_space<semaphore_mem>>
        %dma_start3A_73 = arith.constant 0 : i32
        %dma_start3A_74 = tpu.memref_slice %arg7[%mul3A_59, %dma_start3A_73] : memref<327680x128xf32, #tpu.memory_space<hbm>> -> memref<80x128xf32, #tpu.memory_space<hbm>>
        %dma_start3A_75 = arith.constant 0 : i32
        %dma_start3A_76 = tpu.memref_slice %arg7[%mul3A_59, %dma_start3A_75] : memref<327680x128xf32, #tpu.memory_space<hbm>> -> memref<80x128xf32, #tpu.memory_space<hbm>>
        tpu.enqueue_dma source(%arg13 : memref<80x128xf32, #tpu.memory_space<vmem>>) target(%dma_start3A_76 : memref<80x128xf32, #tpu.memory_space<hbm>>) target_semaphore(%run_scoped3A : memref<!tpu.dma_semaphore, #tpu.memory_space<semaphore_mem>>)
        %dma_wait3A_77 = arith.constant 0 : i32
        %dma_wait3A_78 = tpu.memref_slice %arg7[%mul3A_59, %dma_wait3A_77] : memref<327680x128xf32, #tpu.memory_space<hbm>> -> memref<80x128xf32, #tpu.memory_space<hbm>>
        %dma_wait3A_79 = arith.constant 0 : i32
        %dma_wait3A_80 = tpu.memref_slice %arg7[%mul3A_59, %dma_wait3A_79] : memref<327680x128xf32, #tpu.memory_space<hbm>> -> memref<80x128xf32, #tpu.memory_space<hbm>>
        tpu.wait_dma2 semaphore(%run_scoped3A : memref<!tpu.dma_semaphore, #tpu.memory_space<semaphore_mem>>) src(%arg13 : memref<80x128xf32, #tpu.memory_space<vmem>>) dst(%dma_wait3A_80 : memref<80x128xf32, #tpu.memory_space<hbm>>)
        tpu.yield
      }) : () -> ()
      %scan3A_72 = arith.constant 0 : i32
      scf.yield %scan3A_72 : i32
    }
    %scan3A_21 = arith.constant 64 : i32
    return
  }
}

#map = affine_map<(d0, d1) -> (0, 0)>
#map1 = affine_map<(d0, d1) -> (0, 0, 0)>
module attributes {stable_mosaic.version = 14 : i64} {
  func.func @k(%arg0: i32, %arg1: i32, %arg2: memref<327680x128xf32, #tpu.memory_space<hbm>>, %arg3: memref<32x128x80xi32, #tpu.memory_space<hbm>>, %arg4: memref<632x128xf32, #tpu.memory_space<hbm>>, %arg5: memref<2x10112x128xf32, #tpu.memory_space<hbm>>, %arg6: memref<128x80xi32, #tpu.memory_space<vmem>>, %arg7: memref<10112x128xf32, #tpu.memory_space<vmem_shared>>, %arg8: memref<80x128xf32, #tpu.memory_space<vmem>>, %arg9: memref<80x128xf32, #tpu.memory_space<vmem>>, %arg10: memref<!tpu.dma_semaphore, #tpu.memory_space<semaphore_mem>>, %arg11: memref<!tpu.dma_semaphore, #tpu.memory_space<semaphore_mem>>) attributes {dimension_semantics = [#tpu.dimension_semantics<core_parallel>, #tpu.dimension_semantics<subcore_parallel>], iteration_bounds = array<i64: 2, 16>, scalar_prefetch = 0 : i64, scratch_operands = 6 : i64, tpu.core_type = #tpu.core_type<sc_vector_subcore>, window_params = [{transform_indices = #map}, {transform_indices = #map1}, {transform_indices = #map}, {transform_indices = #map1}]} {
    %mul3A = arith.constant 2 : i32
    %mul3A_0 = arith.muli %arg1, %mul3A : i32
    %add3A = arith.addi %mul3A_0, %arg0 : i32
    %mul3A_1 = arith.constant 128 : i32
    %mul3A_2 = arith.muli %add3A, %mul3A_1 : i32
    %mul3A_3 = arith.constant 632 : i32
    %mul3A_4 = arith.muli %arg1, %mul3A_3 : i32
    "tpu.region"() ({
      %run_scoped3A = tpu.sem_alloc : memref<!tpu.dma_semaphore, #tpu.memory_space<semaphore_mem>>
      %dma_start3A_23 = arith.constant 0 : i32
      %dma_start3A_24 = tpu.memref_slice %arg7[%mul3A_4, %dma_start3A_23] : memref<10112x128xf32, #tpu.memory_space<vmem_shared>> -> memref<632x128xf32, #tpu.memory_space<vmem_shared>>
      tpu.enqueue_dma source(%arg4 : memref<632x128xf32, #tpu.memory_space<hbm>>) target(%dma_start3A_24 : memref<632x128xf32, #tpu.memory_space<vmem_shared>>) target_semaphore(%run_scoped3A : memref<!tpu.dma_semaphore, #tpu.memory_space<semaphore_mem>>)
      %dma_wait3A = arith.constant 0 : i32
      %dma_wait3A_25 = tpu.memref_slice %arg7[%mul3A_4, %dma_wait3A] : memref<10112x128xf32, #tpu.memory_space<vmem_shared>> -> memref<632x128xf32, #tpu.memory_space<vmem_shared>>
      tpu.wait_dma2 semaphore(%run_scoped3A : memref<!tpu.dma_semaphore, #tpu.memory_space<semaphore_mem>>) src(%arg4 : memref<632x128xf32, #tpu.memory_space<hbm>>) dst(%dma_wait3A_25 : memref<632x128xf32, #tpu.memory_space<vmem_shared>>)
      tpu.yield
    }) : () -> ()
    "tpu.region"() ({
      %run_scoped3A = tpu.sem_alloc : memref<!tpu.dma_semaphore, #tpu.memory_space<semaphore_mem>>
      %dma_start3A_23 = arith.constant 0 : i32
      %dma_start3A_24 = arith.constant 0 : i32
      %dma_start3A_25 = tpu.memref_slice %arg3[%add3A, %dma_start3A_23, %dma_start3A_24] : memref<32x128x80xi32, #tpu.memory_space<hbm>> -> memref<1x128x80xi32, #tpu.memory_space<hbm>>
      %dma_start3A_26 = tpu.memref_squeeze %dma_start3A_25 : memref<1x128x80xi32, #tpu.memory_space<hbm>> -> memref<128x80xi32, #tpu.memory_space<hbm>>
      %dma_start3A_27 = arith.constant 0 : i32
      %dma_start3A_28 = arith.constant 0 : i32
      %dma_start3A_29 = tpu.memref_slice %arg3[%add3A, %dma_start3A_27, %dma_start3A_28] : memref<32x128x80xi32, #tpu.memory_space<hbm>> -> memref<1x128x80xi32, #tpu.memory_space<hbm>>
      %dma_start3A_30 = tpu.memref_squeeze %dma_start3A_29 : memref<1x128x80xi32, #tpu.memory_space<hbm>> -> memref<128x80xi32, #tpu.memory_space<hbm>>
      tpu.enqueue_dma source(%dma_start3A_30 : memref<128x80xi32, #tpu.memory_space<hbm>>) target(%arg6 : memref<128x80xi32, #tpu.memory_space<vmem>>) target_semaphore(%run_scoped3A : memref<!tpu.dma_semaphore, #tpu.memory_space<semaphore_mem>>)
      %dma_wait3A = arith.constant 0 : i32
      %dma_wait3A_31 = arith.constant 0 : i32
      %dma_wait3A_32 = tpu.memref_slice %arg3[%add3A, %dma_wait3A, %dma_wait3A_31] : memref<32x128x80xi32, #tpu.memory_space<hbm>> -> memref<1x128x80xi32, #tpu.memory_space<hbm>>
      %dma_wait3A_33 = tpu.memref_squeeze %dma_wait3A_32 : memref<1x128x80xi32, #tpu.memory_space<hbm>> -> memref<128x80xi32, #tpu.memory_space<hbm>>
      %dma_wait3A_34 = arith.constant 0 : i32
      %dma_wait3A_35 = arith.constant 0 : i32
      %dma_wait3A_36 = tpu.memref_slice %arg3[%add3A, %dma_wait3A_34, %dma_wait3A_35] : memref<32x128x80xi32, #tpu.memory_space<hbm>> -> memref<1x128x80xi32, #tpu.memory_space<hbm>>
      %dma_wait3A_37 = tpu.memref_squeeze %dma_wait3A_36 : memref<1x128x80xi32, #tpu.memory_space<hbm>> -> memref<128x80xi32, #tpu.memory_space<hbm>>
      tpu.wait_dma2 semaphore(%run_scoped3A : memref<!tpu.dma_semaphore, #tpu.memory_space<semaphore_mem>>) src(%dma_wait3A_37 : memref<128x80xi32, #tpu.memory_space<hbm>>) dst(%arg6 : memref<128x80xi32, #tpu.memory_space<vmem>>)
      tpu.yield
    }) : () -> ()
    %barrier3A = arith.constant 0 : index
    tpu.barrier barrier_id(%barrier3A)
    %add3A_5 = arith.constant 0 : i32
    %add3A_6 = arith.addi %mul3A_2, %add3A_5 : i32
    %mul3A_7 = arith.constant 80 : i32
    %mul3A_8 = arith.muli %add3A_6, %mul3A_7 : i32
    %dma_start3A = arith.constant 0 : i32
    %dma_start3A_9 = tpu.memref_slice %arg2[%mul3A_8, %dma_start3A] : memref<327680x128xf32, #tpu.memory_space<hbm>> -> memref<80x128xf32, #tpu.memory_space<hbm>>
    %dma_start3A_10 = arith.constant 0 : i32
    %dma_start3A_11 = tpu.memref_slice %arg2[%mul3A_8, %dma_start3A_10] : memref<327680x128xf32, #tpu.memory_space<hbm>> -> memref<80x128xf32, #tpu.memory_space<hbm>>
    tpu.enqueue_dma source(%dma_start3A_11 : memref<80x128xf32, #tpu.memory_space<hbm>>) target(%arg8 : memref<80x128xf32, #tpu.memory_space<vmem>>) target_semaphore(%arg10 : memref<!tpu.dma_semaphore, #tpu.memory_space<semaphore_mem>>)
    %scan3A = arith.constant 0 : i32
    %scan3A_12 = arith.constant 0 : i32
    %scan3A_13 = arith.constant 64 : i32
    %scan3A_14 = arith.addi %scan3A_12, %scan3A_13 : i32
    %scan3A_15 = arith.constant 1 : i32
    %scan3A_16 = scf.for %scan3A_23 = %scan3A_12 to %scan3A_14 step %scan3A_15 iter_args(%scan3A_24 = %scan3A) -> (i32)  : i32 {
      %mul3A_25 = arith.constant 2 : i32
      %mul3A_26 = arith.muli %mul3A_25, %scan3A_23 : i32
      %add3A_27 = arith.constant 0 : i32
      %add3A_28 = arith.addi %mul3A_26, %add3A_27 : i32
      %add3A_29 = arith.constant 1 : i32
      %add3A_30 = arith.addi %add3A_28, %add3A_29 : i32
      %lt3A = arith.constant 128 : i32
      %lt3A_31 = arith.cmpi slt, %add3A_30, %lt3A : i32
      %convert_element_type3A = arith.extui %lt3A_31 : i1 to i32
      %cond3A = arith.constant 0 : i32
      %cond3A_32 = arith.cmpi ne, %convert_element_type3A, %cond3A : i32
      scf.if %cond3A_32 {
        %add3A_58 = arith.constant 1 : i32
        %add3A_59 = arith.addi %add3A_28, %add3A_58 : i32
        %add3A_60 = arith.addi %mul3A_2, %add3A_59 : i32
        %mul3A_61 = arith.constant 80 : i32
        %mul3A_62 = arith.muli %add3A_60, %mul3A_61 : i32
        %dma_start3A_63 = arith.constant 0 : i32
        %dma_start3A_64 = tpu.memref_slice %arg2[%mul3A_62, %dma_start3A_63] : memref<327680x128xf32, #tpu.memory_space<hbm>> -> memref<80x128xf32, #tpu.memory_space<hbm>>
        %dma_start3A_65 = arith.constant 0 : i32
        %dma_start3A_66 = tpu.memref_slice %arg2[%mul3A_62, %dma_start3A_65] : memref<327680x128xf32, #tpu.memory_space<hbm>> -> memref<80x128xf32, #tpu.memory_space<hbm>>
        tpu.enqueue_dma source(%dma_start3A_66 : memref<80x128xf32, #tpu.memory_space<hbm>>) target(%arg9 : memref<80x128xf32, #tpu.memory_space<vmem>>) target_semaphore(%arg11 : memref<!tpu.dma_semaphore, #tpu.memory_space<semaphore_mem>>)
      } else {
      }
      %add3A_33 = arith.addi %mul3A_2, %add3A_28 : i32
      %mul3A_34 = arith.constant 80 : i32
      %mul3A_35 = arith.muli %add3A_33, %mul3A_34 : i32
      %dma_wait3A = arith.constant 0 : i32
      %dma_wait3A_36 = tpu.memref_slice %arg2[%mul3A_35, %dma_wait3A] : memref<327680x128xf32, #tpu.memory_space<hbm>> -> memref<80x128xf32, #tpu.memory_space<hbm>>
      %dma_wait3A_37 = arith.constant 0 : i32
      %dma_wait3A_38 = tpu.memref_slice %arg2[%mul3A_35, %dma_wait3A_37] : memref<327680x128xf32, #tpu.memory_space<hbm>> -> memref<80x128xf32, #tpu.memory_space<hbm>>
      tpu.wait_dma2 semaphore(%arg10 : memref<!tpu.dma_semaphore, #tpu.memory_space<semaphore_mem>>) src(%dma_wait3A_38 : memref<80x128xf32, #tpu.memory_space<hbm>>) dst(%arg8 : memref<80x128xf32, #tpu.memory_space<vmem>>)
      "tpu.region"() ({
        %run_scoped3A = tpu.sem_alloc : memref<!tpu.dma_semaphore, #tpu.memory_space<semaphore_mem>>
        %dma_start3A_58 = arith.constant 0 : i32
        %dma_start3A_59 = tpu.memref_slice %arg6[%add3A_28, %dma_start3A_58] : memref<128x80xi32, #tpu.memory_space<vmem>> -> memref<1x80xi32, #tpu.memory_space<vmem>>
        %dma_start3A_60 = tpu.memref_squeeze %dma_start3A_59 : memref<1x80xi32, #tpu.memory_space<vmem>> -> memref<80xi32, #tpu.memory_space<vmem>>
        %dma_start3A_61 = arith.constant 0 : i32
        %dma_start3A_62 = arith.constant 0 : i32
        %dma_start3A_63 = tpu.memref_slice %arg7[%dma_start3A_61, %dma_start3A_62] : memref<10112x128xf32, #tpu.memory_space<vmem_shared>> -> memref<10112x128xf32, #tpu.memory_space<vmem_shared>>
        tpu.enqueue_indirect_dma source(%arg8 : memref<80x128xf32, #tpu.memory_space<vmem>>) target(%dma_start3A_63 : memref<10112x128xf32, #tpu.memory_space<vmem_shared>>) offsets(%dma_start3A_60 : memref<80xi32, #tpu.memory_space<vmem>>) semaphore(%run_scoped3A : memref<!tpu.dma_semaphore, #tpu.memory_space<semaphore_mem>>) {add = true}
        %dma_wait3A_64 = arith.constant 0 : i32
        %dma_wait3A_65 = tpu.memref_slice %arg6[%add3A_28, %dma_wait3A_64] : memref<128x80xi32, #tpu.memory_space<vmem>> -> memref<1x80xi32, #tpu.memory_space<vmem>>
        %dma_wait3A_66 = tpu.memref_squeeze %dma_wait3A_65 : memref<1x80xi32, #tpu.memory_space<vmem>> -> memref<80xi32, #tpu.memory_space<vmem>>
        %dma_wait3A_67 = arith.constant 0 : i32
        %dma_wait3A_68 = arith.constant 0 : i32
        %dma_wait3A_69 = tpu.memref_slice %arg7[%dma_wait3A_67, %dma_wait3A_68] : memref<10112x128xf32, #tpu.memory_space<vmem_shared>> -> memref<10112x128xf32, #tpu.memory_space<vmem_shared>>
        tpu.wait_indirect_dma semaphore(%run_scoped3A : memref<!tpu.dma_semaphore, #tpu.memory_space<semaphore_mem>>) src(%arg8 : memref<80x128xf32, #tpu.memory_space<vmem>>) dst(%dma_wait3A_69 : memref<10112x128xf32, #tpu.memory_space<vmem_shared>>)
        tpu.yield
      }) : () -> ()
      %mul3A_39 = arith.constant 2 : i32
      %mul3A_40 = arith.muli %mul3A_39, %scan3A_23 : i32
      %add3A_41 = arith.constant 1 : i32
      %add3A_42 = arith.addi %mul3A_40, %add3A_41 : i32
      %add3A_43 = arith.constant 1 : i32
      %add3A_44 = arith.addi %add3A_42, %add3A_43 : i32
      %lt3A_45 = arith.constant 128 : i32
      %lt3A_46 = arith.cmpi slt, %add3A_44, %lt3A_45 : i32
      %convert_element_type3A_47 = arith.extui %lt3A_46 : i1 to i32
      %cond3A_48 = arith.constant 0 : i32
      %cond3A_49 = arith.cmpi ne, %convert_element_type3A_47, %cond3A_48 : i32
      scf.if %cond3A_49 {
        %add3A_58 = arith.constant 1 : i32
        %add3A_59 = arith.addi %add3A_42, %add3A_58 : i32
        %add3A_60 = arith.addi %mul3A_2, %add3A_59 : i32
        %mul3A_61 = arith.constant 80 : i32
        %mul3A_62 = arith.muli %add3A_60, %mul3A_61 : i32
        %dma_start3A_63 = arith.constant 0 : i32
        %dma_start3A_64 = tpu.memref_slice %arg2[%mul3A_62, %dma_start3A_63] : memref<327680x128xf32, #tpu.memory_space<hbm>> -> memref<80x128xf32, #tpu.memory_space<hbm>>
        %dma_start3A_65 = arith.constant 0 : i32
        %dma_start3A_66 = tpu.memref_slice %arg2[%mul3A_62, %dma_start3A_65] : memref<327680x128xf32, #tpu.memory_space<hbm>> -> memref<80x128xf32, #tpu.memory_space<hbm>>
        tpu.enqueue_dma source(%dma_start3A_66 : memref<80x128xf32, #tpu.memory_space<hbm>>) target(%arg8 : memref<80x128xf32, #tpu.memory_space<vmem>>) target_semaphore(%arg10 : memref<!tpu.dma_semaphore, #tpu.memory_space<semaphore_mem>>)
      } else {
      }
      %add3A_50 = arith.addi %mul3A_2, %add3A_42 : i32
      %mul3A_51 = arith.constant 80 : i32
      %mul3A_52 = arith.muli %add3A_50, %mul3A_51 : i32
      %dma_wait3A_53 = arith.constant 0 : i32
      %dma_wait3A_54 = tpu.memref_slice %arg2[%mul3A_52, %dma_wait3A_53] : memref<327680x128xf32, #tpu.memory_space<hbm>> -> memref<80x128xf32, #tpu.memory_space<hbm>>
      %dma_wait3A_55 = arith.constant 0 : i32
      %dma_wait3A_56 = tpu.memref_slice %arg2[%mul3A_52, %dma_wait3A_55] : memref<327680x128xf32, #tpu.memory_space<hbm>> -> memref<80x128xf32, #tpu.memory_space<hbm>>
      tpu.wait_dma2 semaphore(%arg11 : memref<!tpu.dma_semaphore, #tpu.memory_space<semaphore_mem>>) src(%dma_wait3A_56 : memref<80x128xf32, #tpu.memory_space<hbm>>) dst(%arg9 : memref<80x128xf32, #tpu.memory_space<vmem>>)
      "tpu.region"() ({
        %run_scoped3A = tpu.sem_alloc : memref<!tpu.dma_semaphore, #tpu.memory_space<semaphore_mem>>
        %dma_start3A_58 = arith.constant 0 : i32
        %dma_start3A_59 = tpu.memref_slice %arg6[%add3A_42, %dma_start3A_58] : memref<128x80xi32, #tpu.memory_space<vmem>> -> memref<1x80xi32, #tpu.memory_space<vmem>>
        %dma_start3A_60 = tpu.memref_squeeze %dma_start3A_59 : memref<1x80xi32, #tpu.memory_space<vmem>> -> memref<80xi32, #tpu.memory_space<vmem>>
        %dma_start3A_61 = arith.constant 0 : i32
        %dma_start3A_62 = arith.constant 0 : i32
        %dma_start3A_63 = tpu.memref_slice %arg7[%dma_start3A_61, %dma_start3A_62] : memref<10112x128xf32, #tpu.memory_space<vmem_shared>> -> memref<10112x128xf32, #tpu.memory_space<vmem_shared>>
        tpu.enqueue_indirect_dma source(%arg9 : memref<80x128xf32, #tpu.memory_space<vmem>>) target(%dma_start3A_63 : memref<10112x128xf32, #tpu.memory_space<vmem_shared>>) offsets(%dma_start3A_60 : memref<80xi32, #tpu.memory_space<vmem>>) semaphore(%run_scoped3A : memref<!tpu.dma_semaphore, #tpu.memory_space<semaphore_mem>>) {add = true}
        %dma_wait3A_64 = arith.constant 0 : i32
        %dma_wait3A_65 = tpu.memref_slice %arg6[%add3A_42, %dma_wait3A_64] : memref<128x80xi32, #tpu.memory_space<vmem>> -> memref<1x80xi32, #tpu.memory_space<vmem>>
        %dma_wait3A_66 = tpu.memref_squeeze %dma_wait3A_65 : memref<1x80xi32, #tpu.memory_space<vmem>> -> memref<80xi32, #tpu.memory_space<vmem>>
        %dma_wait3A_67 = arith.constant 0 : i32
        %dma_wait3A_68 = arith.constant 0 : i32
        %dma_wait3A_69 = tpu.memref_slice %arg7[%dma_wait3A_67, %dma_wait3A_68] : memref<10112x128xf32, #tpu.memory_space<vmem_shared>> -> memref<10112x128xf32, #tpu.memory_space<vmem_shared>>
        tpu.wait_indirect_dma semaphore(%run_scoped3A : memref<!tpu.dma_semaphore, #tpu.memory_space<semaphore_mem>>) src(%arg9 : memref<80x128xf32, #tpu.memory_space<vmem>>) dst(%dma_wait3A_69 : memref<10112x128xf32, #tpu.memory_space<vmem_shared>>)
        tpu.yield
      }) : () -> ()
      %scan3A_57 = arith.constant 0 : i32
      scf.yield %scan3A_57 : i32
    }
    %scan3A_17 = arith.constant 64 : i32
    %barrier3A_18 = arith.constant 0 : index
    tpu.barrier barrier_id(%barrier3A_18)
    %mul3A_19 = arith.constant 632 : i32
    %mul3A_20 = arith.muli %arg1, %mul3A_19 : i32
    %mul3A_21 = arith.constant 632 : i32
    %mul3A_22 = arith.muli %arg1, %mul3A_21 : i32
    "tpu.region"() ({
      %run_scoped3A = tpu.sem_alloc : memref<!tpu.dma_semaphore, #tpu.memory_space<semaphore_mem>>
      %dma_start3A_23 = arith.constant 0 : i32
      %dma_start3A_24 = tpu.memref_slice %arg5[%arg0, %mul3A_22, %dma_start3A_23] : memref<2x10112x128xf32, #tpu.memory_space<hbm>> -> memref<1x632x128xf32, #tpu.memory_space<hbm>>
      %dma_start3A_25 = tpu.memref_squeeze %dma_start3A_24 : memref<1x632x128xf32, #tpu.memory_space<hbm>> -> memref<632x128xf32, #tpu.memory_space<hbm>>
      %dma_start3A_26 = arith.constant 0 : i32
      %dma_start3A_27 = tpu.memref_slice %arg7[%mul3A_20, %dma_start3A_26] : memref<10112x128xf32, #tpu.memory_space<vmem_shared>> -> memref<632x128xf32, #tpu.memory_space<vmem_shared>>
      tpu.enqueue_dma source(%dma_start3A_27 : memref<632x128xf32, #tpu.memory_space<vmem_shared>>) target(%dma_start3A_25 : memref<632x128xf32, #tpu.memory_space<hbm>>) target_semaphore(%run_scoped3A : memref<!tpu.dma_semaphore, #tpu.memory_space<semaphore_mem>>)
      %dma_wait3A = arith.constant 0 : i32
      %dma_wait3A_28 = tpu.memref_slice %arg5[%arg0, %mul3A_22, %dma_wait3A] : memref<2x10112x128xf32, #tpu.memory_space<hbm>> -> memref<1x632x128xf32, #tpu.memory_space<hbm>>
      %dma_wait3A_29 = tpu.memref_squeeze %dma_wait3A_28 : memref<1x632x128xf32, #tpu.memory_space<hbm>> -> memref<632x128xf32, #tpu.memory_space<hbm>>
      %dma_wait3A_30 = arith.constant 0 : i32
      %dma_wait3A_31 = tpu.memref_slice %arg7[%mul3A_20, %dma_wait3A_30] : memref<10112x128xf32, #tpu.memory_space<vmem_shared>> -> memref<632x128xf32, #tpu.memory_space<vmem_shared>>
      tpu.wait_dma2 semaphore(%run_scoped3A : memref<!tpu.dma_semaphore, #tpu.memory_space<semaphore_mem>>) src(%dma_wait3A_31 : memref<632x128xf32, #tpu.memory_space<vmem_shared>>) dst(%dma_wait3A_29 : memref<632x128xf32, #tpu.memory_space<hbm>>)
      tpu.yield
    }) : () -> ()
    return
  }
}

#map = affine_map<(d0, d1) -> (0, 0)>
#map1 = affine_map<(d0, d1) -> (0, 0, 0)>
module attributes {stable_mosaic.version = 14 : i64} {
  func.func @k(%arg0: i32, %arg1: i32, %arg2: memref<10000x128xf32, #tpu.memory_space<hbm>>, %arg3: memref<10000x128xf32, #tpu.memory_space<hbm>>, %arg4: memref<32x128x80xi32, #tpu.memory_space<hbm>>, %arg5: memref<32x128x80xi32, #tpu.memory_space<hbm>>, %arg6: memref<327680x128xf32, #tpu.memory_space<hbm>>, %arg7: memref<327680x128xf32, #tpu.memory_space<hbm>>, %arg8: memref<128x80xi32, #tpu.memory_space<vmem>>, %arg9: memref<128x80xi32, #tpu.memory_space<vmem>>, %arg10: memref<80x128xf32, #tpu.memory_space<vmem>>, %arg11: memref<80x128xf32, #tpu.memory_space<vmem>>, %arg12: memref<80x128xf32, #tpu.memory_space<vmem>>, %arg13: memref<80x128xf32, #tpu.memory_space<vmem>>, %arg14: memref<!tpu.dma_semaphore, #tpu.memory_space<semaphore_mem>>, %arg15: memref<!tpu.dma_semaphore, #tpu.memory_space<semaphore_mem>>, %arg16: memref<!tpu.dma_semaphore, #tpu.memory_space<semaphore_mem>>, %arg17: memref<!tpu.dma_semaphore, #tpu.memory_space<semaphore_mem>>) attributes {dimension_semantics = [#tpu.dimension_semantics<core_parallel>, #tpu.dimension_semantics<subcore_parallel>], iteration_bounds = array<i64: 2, 16>, scalar_prefetch = 0 : i64, scratch_operands = 10 : i64, tpu.core_type = #tpu.core_type<sc_vector_subcore>, window_params = [{transform_indices = #map}, {transform_indices = #map}, {transform_indices = #map1}, {transform_indices = #map1}, {transform_indices = #map}, {transform_indices = #map}]} {
    %mul3A = arith.constant 2 : i32
    %mul3A_0 = arith.muli %arg1, %mul3A : i32
    %add3A = arith.addi %mul3A_0, %arg0 : i32
    %mul3A_1 = arith.constant 128 : i32
    %mul3A_2 = arith.muli %add3A, %mul3A_1 : i32
    "tpu.region"() ({
      %run_scoped3A = tpu.sem_alloc : memref<!tpu.dma_semaphore, #tpu.memory_space<semaphore_mem>>
      %dma_start3A_22 = arith.constant 0 : i32
      %dma_start3A_23 = arith.constant 0 : i32
      %dma_start3A_24 = tpu.memref_slice %arg4[%add3A, %dma_start3A_22, %dma_start3A_23] : memref<32x128x80xi32, #tpu.memory_space<hbm>> -> memref<1x128x80xi32, #tpu.memory_space<hbm>>
      %dma_start3A_25 = tpu.memref_squeeze %dma_start3A_24 : memref<1x128x80xi32, #tpu.memory_space<hbm>> -> memref<128x80xi32, #tpu.memory_space<hbm>>
      %dma_start3A_26 = arith.constant 0 : i32
      %dma_start3A_27 = arith.constant 0 : i32
      %dma_start3A_28 = tpu.memref_slice %arg4[%add3A, %dma_start3A_26, %dma_start3A_27] : memref<32x128x80xi32, #tpu.memory_space<hbm>> -> memref<1x128x80xi32, #tpu.memory_space<hbm>>
      %dma_start3A_29 = tpu.memref_squeeze %dma_start3A_28 : memref<1x128x80xi32, #tpu.memory_space<hbm>> -> memref<128x80xi32, #tpu.memory_space<hbm>>
      tpu.enqueue_dma source(%dma_start3A_29 : memref<128x80xi32, #tpu.memory_space<hbm>>) target(%arg8 : memref<128x80xi32, #tpu.memory_space<vmem>>) target_semaphore(%run_scoped3A : memref<!tpu.dma_semaphore, #tpu.memory_space<semaphore_mem>>)
      %dma_wait3A = arith.constant 0 : i32
      %dma_wait3A_30 = arith.constant 0 : i32
      %dma_wait3A_31 = tpu.memref_slice %arg4[%add3A, %dma_wait3A, %dma_wait3A_30] : memref<32x128x80xi32, #tpu.memory_space<hbm>> -> memref<1x128x80xi32, #tpu.memory_space<hbm>>
      %dma_wait3A_32 = tpu.memref_squeeze %dma_wait3A_31 : memref<1x128x80xi32, #tpu.memory_space<hbm>> -> memref<128x80xi32, #tpu.memory_space<hbm>>
      %dma_wait3A_33 = arith.constant 0 : i32
      %dma_wait3A_34 = arith.constant 0 : i32
      %dma_wait3A_35 = tpu.memref_slice %arg4[%add3A, %dma_wait3A_33, %dma_wait3A_34] : memref<32x128x80xi32, #tpu.memory_space<hbm>> -> memref<1x128x80xi32, #tpu.memory_space<hbm>>
      %dma_wait3A_36 = tpu.memref_squeeze %dma_wait3A_35 : memref<1x128x80xi32, #tpu.memory_space<hbm>> -> memref<128x80xi32, #tpu.memory_space<hbm>>
      tpu.wait_dma2 semaphore(%run_scoped3A : memref<!tpu.dma_semaphore, #tpu.memory_space<semaphore_mem>>) src(%dma_wait3A_36 : memref<128x80xi32, #tpu.memory_space<hbm>>) dst(%arg8 : memref<128x80xi32, #tpu.memory_space<vmem>>)
      tpu.yield
    }) : () -> ()
    "tpu.region"() ({
      %run_scoped3A = tpu.sem_alloc : memref<!tpu.dma_semaphore, #tpu.memory_space<semaphore_mem>>
      %dma_start3A_22 = arith.constant 0 : i32
      %dma_start3A_23 = arith.constant 0 : i32
      %dma_start3A_24 = tpu.memref_slice %arg5[%add3A, %dma_start3A_22, %dma_start3A_23] : memref<32x128x80xi32, #tpu.memory_space<hbm>> -> memref<1x128x80xi32, #tpu.memory_space<hbm>>
      %dma_start3A_25 = tpu.memref_squeeze %dma_start3A_24 : memref<1x128x80xi32, #tpu.memory_space<hbm>> -> memref<128x80xi32, #tpu.memory_space<hbm>>
      %dma_start3A_26 = arith.constant 0 : i32
      %dma_start3A_27 = arith.constant 0 : i32
      %dma_start3A_28 = tpu.memref_slice %arg5[%add3A, %dma_start3A_26, %dma_start3A_27] : memref<32x128x80xi32, #tpu.memory_space<hbm>> -> memref<1x128x80xi32, #tpu.memory_space<hbm>>
      %dma_start3A_29 = tpu.memref_squeeze %dma_start3A_28 : memref<1x128x80xi32, #tpu.memory_space<hbm>> -> memref<128x80xi32, #tpu.memory_space<hbm>>
      tpu.enqueue_dma source(%dma_start3A_29 : memref<128x80xi32, #tpu.memory_space<hbm>>) target(%arg9 : memref<128x80xi32, #tpu.memory_space<vmem>>) target_semaphore(%run_scoped3A : memref<!tpu.dma_semaphore, #tpu.memory_space<semaphore_mem>>)
      %dma_wait3A = arith.constant 0 : i32
      %dma_wait3A_30 = arith.constant 0 : i32
      %dma_wait3A_31 = tpu.memref_slice %arg5[%add3A, %dma_wait3A, %dma_wait3A_30] : memref<32x128x80xi32, #tpu.memory_space<hbm>> -> memref<1x128x80xi32, #tpu.memory_space<hbm>>
      %dma_wait3A_32 = tpu.memref_squeeze %dma_wait3A_31 : memref<1x128x80xi32, #tpu.memory_space<hbm>> -> memref<128x80xi32, #tpu.memory_space<hbm>>
      %dma_wait3A_33 = arith.constant 0 : i32
      %dma_wait3A_34 = arith.constant 0 : i32
      %dma_wait3A_35 = tpu.memref_slice %arg5[%add3A, %dma_wait3A_33, %dma_wait3A_34] : memref<32x128x80xi32, #tpu.memory_space<hbm>> -> memref<1x128x80xi32, #tpu.memory_space<hbm>>
      %dma_wait3A_36 = tpu.memref_squeeze %dma_wait3A_35 : memref<1x128x80xi32, #tpu.memory_space<hbm>> -> memref<128x80xi32, #tpu.memory_space<hbm>>
      tpu.wait_dma2 semaphore(%run_scoped3A : memref<!tpu.dma_semaphore, #tpu.memory_space<semaphore_mem>>) src(%dma_wait3A_36 : memref<128x80xi32, #tpu.memory_space<hbm>>) dst(%arg9 : memref<128x80xi32, #tpu.memory_space<vmem>>)
      tpu.yield
    }) : () -> ()
    %dma_start3A = arith.constant 0 : i32
    %dma_start3A_3 = arith.constant 0 : i32
    %dma_start3A_4 = tpu.memref_slice %arg8[%dma_start3A, %dma_start3A_3] : memref<128x80xi32, #tpu.memory_space<vmem>> -> memref<1x80xi32, #tpu.memory_space<vmem>>
    %dma_start3A_5 = tpu.memref_squeeze %dma_start3A_4 : memref<1x80xi32, #tpu.memory_space<vmem>> -> memref<80xi32, #tpu.memory_space<vmem>>
    %dma_start3A_6 = arith.constant 0 : i32
    %dma_start3A_7 = arith.constant 0 : i32
    %dma_start3A_8 = tpu.memref_slice %arg2[%dma_start3A_6, %dma_start3A_7] : memref<10000x128xf32, #tpu.memory_space<hbm>> -> memref<10000x128xf32, #tpu.memory_space<hbm>>
    tpu.enqueue_indirect_dma source(%dma_start3A_8 : memref<10000x128xf32, #tpu.memory_space<hbm>>) target(%arg10 : memref<80x128xf32, #tpu.memory_space<vmem>>) offsets(%dma_start3A_5 : memref<80xi32, #tpu.memory_space<vmem>>) semaphore(%arg14 : memref<!tpu.dma_semaphore, #tpu.memory_space<semaphore_mem>>)
    %dma_start3A_9 = arith.constant 0 : i32
    %dma_start3A_10 = arith.constant 0 : i32
    %dma_start3A_11 = tpu.memref_slice %arg9[%dma_start3A_9, %dma_start3A_10] : memref<128x80xi32, #tpu.memory_space<vmem>> -> memref<1x80xi32, #tpu.memory_space<vmem>>
    %dma_start3A_12 = tpu.memref_squeeze %dma_start3A_11 : memref<1x80xi32, #tpu.memory_space<vmem>> -> memref<80xi32, #tpu.memory_space<vmem>>
    %dma_start3A_13 = arith.constant 0 : i32
    %dma_start3A_14 = arith.constant 0 : i32
    %dma_start3A_15 = tpu.memref_slice %arg3[%dma_start3A_13, %dma_start3A_14] : memref<10000x128xf32, #tpu.memory_space<hbm>> -> memref<10000x128xf32, #tpu.memory_space<hbm>>
    tpu.enqueue_indirect_dma source(%dma_start3A_15 : memref<10000x128xf32, #tpu.memory_space<hbm>>) target(%arg12 : memref<80x128xf32, #tpu.memory_space<vmem>>) offsets(%dma_start3A_12 : memref<80xi32, #tpu.memory_space<vmem>>) semaphore(%arg16 : memref<!tpu.dma_semaphore, #tpu.memory_space<semaphore_mem>>)
    %scan3A = arith.constant 0 : i32
    %scan3A_16 = arith.constant 0 : i32
    %scan3A_17 = arith.constant 64 : i32
    %scan3A_18 = arith.addi %scan3A_16, %scan3A_17 : i32
    %scan3A_19 = arith.constant 1 : i32
    %scan3A_20 = scf.for %scan3A_22 = %scan3A_16 to %scan3A_18 step %scan3A_19 iter_args(%scan3A_23 = %scan3A) -> (i32)  : i32 {
      %mul3A_24 = arith.constant 2 : i32
      %mul3A_25 = arith.muli %mul3A_24, %scan3A_22 : i32
      %add3A_26 = arith.constant 0 : i32
      %add3A_27 = arith.addi %mul3A_25, %add3A_26 : i32
      %add3A_28 = arith.constant 1 : i32
      %add3A_29 = arith.addi %add3A_27, %add3A_28 : i32
      %lt3A = arith.constant 128 : i32
      %lt3A_30 = arith.cmpi slt, %add3A_29, %lt3A : i32
      %convert_element_type3A = arith.extui %lt3A_30 : i1 to i32
      %cond3A = arith.constant 0 : i32
      %cond3A_31 = arith.cmpi ne, %convert_element_type3A, %cond3A : i32
      scf.if %cond3A_31 {
        %add3A_73 = arith.constant 1 : i32
        %add3A_74 = arith.addi %add3A_27, %add3A_73 : i32
        %dma_start3A_75 = arith.constant 0 : i32
        %dma_start3A_76 = tpu.memref_slice %arg8[%add3A_74, %dma_start3A_75] : memref<128x80xi32, #tpu.memory_space<vmem>> -> memref<1x80xi32, #tpu.memory_space<vmem>>
        %dma_start3A_77 = tpu.memref_squeeze %dma_start3A_76 : memref<1x80xi32, #tpu.memory_space<vmem>> -> memref<80xi32, #tpu.memory_space<vmem>>
        %dma_start3A_78 = arith.constant 0 : i32
        %dma_start3A_79 = arith.constant 0 : i32
        %dma_start3A_80 = tpu.memref_slice %arg2[%dma_start3A_78, %dma_start3A_79] : memref<10000x128xf32, #tpu.memory_space<hbm>> -> memref<10000x128xf32, #tpu.memory_space<hbm>>
        tpu.enqueue_indirect_dma source(%dma_start3A_80 : memref<10000x128xf32, #tpu.memory_space<hbm>>) target(%arg11 : memref<80x128xf32, #tpu.memory_space<vmem>>) offsets(%dma_start3A_77 : memref<80xi32, #tpu.memory_space<vmem>>) semaphore(%arg15 : memref<!tpu.dma_semaphore, #tpu.memory_space<semaphore_mem>>)
        %dma_start3A_81 = arith.constant 0 : i32
        %dma_start3A_82 = tpu.memref_slice %arg9[%add3A_74, %dma_start3A_81] : memref<128x80xi32, #tpu.memory_space<vmem>> -> memref<1x80xi32, #tpu.memory_space<vmem>>
        %dma_start3A_83 = tpu.memref_squeeze %dma_start3A_82 : memref<1x80xi32, #tpu.memory_space<vmem>> -> memref<80xi32, #tpu.memory_space<vmem>>
        %dma_start3A_84 = arith.constant 0 : i32
        %dma_start3A_85 = arith.constant 0 : i32
        %dma_start3A_86 = tpu.memref_slice %arg3[%dma_start3A_84, %dma_start3A_85] : memref<10000x128xf32, #tpu.memory_space<hbm>> -> memref<10000x128xf32, #tpu.memory_space<hbm>>
        tpu.enqueue_indirect_dma source(%dma_start3A_86 : memref<10000x128xf32, #tpu.memory_space<hbm>>) target(%arg13 : memref<80x128xf32, #tpu.memory_space<vmem>>) offsets(%dma_start3A_83 : memref<80xi32, #tpu.memory_space<vmem>>) semaphore(%arg17 : memref<!tpu.dma_semaphore, #tpu.memory_space<semaphore_mem>>)
      } else {
      }
      %add3A_32 = arith.addi %mul3A_2, %add3A_27 : i32
      %mul3A_33 = arith.constant 80 : i32
      %mul3A_34 = arith.muli %add3A_32, %mul3A_33 : i32
      %dma_wait3A = arith.constant 0 : i32
      %dma_wait3A_35 = tpu.memref_slice %arg8[%add3A_27, %dma_wait3A] : memref<128x80xi32, #tpu.memory_space<vmem>> -> memref<1x80xi32, #tpu.memory_space<vmem>>
      %dma_wait3A_36 = tpu.memref_squeeze %dma_wait3A_35 : memref<1x80xi32, #tpu.memory_space<vmem>> -> memref<80xi32, #tpu.memory_space<vmem>>
      %dma_wait3A_37 = arith.constant 0 : i32
      %dma_wait3A_38 = arith.constant 0 : i32
      %dma_wait3A_39 = tpu.memref_slice %arg2[%dma_wait3A_37, %dma_wait3A_38] : memref<10000x128xf32, #tpu.memory_space<hbm>> -> memref<10000x128xf32, #tpu.memory_space<hbm>>
      tpu.wait_indirect_dma semaphore(%arg14 : memref<!tpu.dma_semaphore, #tpu.memory_space<semaphore_mem>>) src(%dma_wait3A_39 : memref<10000x128xf32, #tpu.memory_space<hbm>>) dst(%arg10 : memref<80x128xf32, #tpu.memory_space<vmem>>)
      "tpu.region"() ({
        %run_scoped3A = tpu.sem_alloc : memref<!tpu.dma_semaphore, #tpu.memory_space<semaphore_mem>>
        %dma_start3A_73 = arith.constant 0 : i32
        %dma_start3A_74 = tpu.memref_slice %arg6[%mul3A_34, %dma_start3A_73] : memref<327680x128xf32, #tpu.memory_space<hbm>> -> memref<80x128xf32, #tpu.memory_space<hbm>>
        %dma_start3A_75 = arith.constant 0 : i32
        %dma_start3A_76 = tpu.memref_slice %arg6[%mul3A_34, %dma_start3A_75] : memref<327680x128xf32, #tpu.memory_space<hbm>> -> memref<80x128xf32, #tpu.memory_space<hbm>>
        tpu.enqueue_dma source(%arg10 : memref<80x128xf32, #tpu.memory_space<vmem>>) target(%dma_start3A_76 : memref<80x128xf32, #tpu.memory_space<hbm>>) target_semaphore(%run_scoped3A : memref<!tpu.dma_semaphore, #tpu.memory_space<semaphore_mem>>)
        %dma_wait3A_77 = arith.constant 0 : i32
        %dma_wait3A_78 = tpu.memref_slice %arg6[%mul3A_34, %dma_wait3A_77] : memref<327680x128xf32, #tpu.memory_space<hbm>> -> memref<80x128xf32, #tpu.memory_space<hbm>>
        %dma_wait3A_79 = arith.constant 0 : i32
        %dma_wait3A_80 = tpu.memref_slice %arg6[%mul3A_34, %dma_wait3A_79] : memref<327680x128xf32, #tpu.memory_space<hbm>> -> memref<80x128xf32, #tpu.memory_space<hbm>>
        tpu.wait_dma2 semaphore(%run_scoped3A : memref<!tpu.dma_semaphore, #tpu.memory_space<semaphore_mem>>) src(%arg10 : memref<80x128xf32, #tpu.memory_space<vmem>>) dst(%dma_wait3A_80 : memref<80x128xf32, #tpu.memory_space<hbm>>)
        tpu.yield
      }) : () -> ()
      %dma_wait3A_40 = arith.constant 0 : i32
      %dma_wait3A_41 = tpu.memref_slice %arg9[%add3A_27, %dma_wait3A_40] : memref<128x80xi32, #tpu.memory_space<vmem>> -> memref<1x80xi32, #tpu.memory_space<vmem>>
      %dma_wait3A_42 = tpu.memref_squeeze %dma_wait3A_41 : memref<1x80xi32, #tpu.memory_space<vmem>> -> memref<80xi32, #tpu.memory_space<vmem>>
      %dma_wait3A_43 = arith.constant 0 : i32
      %dma_wait3A_44 = arith.constant 0 : i32
      %dma_wait3A_45 = tpu.memref_slice %arg3[%dma_wait3A_43, %dma_wait3A_44] : memref<10000x128xf32, #tpu.memory_space<hbm>> -> memref<10000x128xf32, #tpu.memory_space<hbm>>
      tpu.wait_indirect_dma semaphore(%arg16 : memref<!tpu.dma_semaphore, #tpu.memory_space<semaphore_mem>>) src(%dma_wait3A_45 : memref<10000x128xf32, #tpu.memory_space<hbm>>) dst(%arg12 : memref<80x128xf32, #tpu.memory_space<vmem>>)
      "tpu.region"() ({
        %run_scoped3A = tpu.sem_alloc : memref<!tpu.dma_semaphore, #tpu.memory_space<semaphore_mem>>
        %dma_start3A_73 = arith.constant 0 : i32
        %dma_start3A_74 = tpu.memref_slice %arg7[%mul3A_34, %dma_start3A_73] : memref<327680x128xf32, #tpu.memory_space<hbm>> -> memref<80x128xf32, #tpu.memory_space<hbm>>
        %dma_start3A_75 = arith.constant 0 : i32
        %dma_start3A_76 = tpu.memref_slice %arg7[%mul3A_34, %dma_start3A_75] : memref<327680x128xf32, #tpu.memory_space<hbm>> -> memref<80x128xf32, #tpu.memory_space<hbm>>
        tpu.enqueue_dma source(%arg12 : memref<80x128xf32, #tpu.memory_space<vmem>>) target(%dma_start3A_76 : memref<80x128xf32, #tpu.memory_space<hbm>>) target_semaphore(%run_scoped3A : memref<!tpu.dma_semaphore, #tpu.memory_space<semaphore_mem>>)
        %dma_wait3A_77 = arith.constant 0 : i32
        %dma_wait3A_78 = tpu.memref_slice %arg7[%mul3A_34, %dma_wait3A_77] : memref<327680x128xf32, #tpu.memory_space<hbm>> -> memref<80x128xf32, #tpu.memory_space<hbm>>
        %dma_wait3A_79 = arith.constant 0 : i32
        %dma_wait3A_80 = tpu.memref_slice %arg7[%mul3A_34, %dma_wait3A_79] : memref<327680x128xf32, #tpu.memory_space<hbm>> -> memref<80x128xf32, #tpu.memory_space<hbm>>
        tpu.wait_dma2 semaphore(%run_scoped3A : memref<!tpu.dma_semaphore, #tpu.memory_space<semaphore_mem>>) src(%arg12 : memref<80x128xf32, #tpu.memory_space<vmem>>) dst(%dma_wait3A_80 : memref<80x128xf32, #tpu.memory_space<hbm>>)
        tpu.yield
      }) : () -> ()
      %mul3A_46 = arith.constant 2 : i32
      %mul3A_47 = arith.muli %mul3A_46, %scan3A_22 : i32
      %add3A_48 = arith.constant 1 : i32
      %add3A_49 = arith.addi %mul3A_47, %add3A_48 : i32
      %add3A_50 = arith.constant 1 : i32
      %add3A_51 = arith.addi %add3A_49, %add3A_50 : i32
      %lt3A_52 = arith.constant 128 : i32
      %lt3A_53 = arith.cmpi slt, %add3A_51, %lt3A_52 : i32
      %convert_element_type3A_54 = arith.extui %lt3A_53 : i1 to i32
      %cond3A_55 = arith.constant 0 : i32
      %cond3A_56 = arith.cmpi ne, %convert_element_type3A_54, %cond3A_55 : i32
      scf.if %cond3A_56 {
        %add3A_73 = arith.constant 1 : i32
        %add3A_74 = arith.addi %add3A_49, %add3A_73 : i32
        %dma_start3A_75 = arith.constant 0 : i32
        %dma_start3A_76 = tpu.memref_slice %arg8[%add3A_74, %dma_start3A_75] : memref<128x80xi32, #tpu.memory_space<vmem>> -> memref<1x80xi32, #tpu.memory_space<vmem>>
        %dma_start3A_77 = tpu.memref_squeeze %dma_start3A_76 : memref<1x80xi32, #tpu.memory_space<vmem>> -> memref<80xi32, #tpu.memory_space<vmem>>
        %dma_start3A_78 = arith.constant 0 : i32
        %dma_start3A_79 = arith.constant 0 : i32
        %dma_start3A_80 = tpu.memref_slice %arg2[%dma_start3A_78, %dma_start3A_79] : memref<10000x128xf32, #tpu.memory_space<hbm>> -> memref<10000x128xf32, #tpu.memory_space<hbm>>
        tpu.enqueue_indirect_dma source(%dma_start3A_80 : memref<10000x128xf32, #tpu.memory_space<hbm>>) target(%arg10 : memref<80x128xf32, #tpu.memory_space<vmem>>) offsets(%dma_start3A_77 : memref<80xi32, #tpu.memory_space<vmem>>) semaphore(%arg14 : memref<!tpu.dma_semaphore, #tpu.memory_space<semaphore_mem>>)
        %dma_start3A_81 = arith.constant 0 : i32
        %dma_start3A_82 = tpu.memref_slice %arg9[%add3A_74, %dma_start3A_81] : memref<128x80xi32, #tpu.memory_space<vmem>> -> memref<1x80xi32, #tpu.memory_space<vmem>>
        %dma_start3A_83 = tpu.memref_squeeze %dma_start3A_82 : memref<1x80xi32, #tpu.memory_space<vmem>> -> memref<80xi32, #tpu.memory_space<vmem>>
        %dma_start3A_84 = arith.constant 0 : i32
        %dma_start3A_85 = arith.constant 0 : i32
        %dma_start3A_86 = tpu.memref_slice %arg3[%dma_start3A_84, %dma_start3A_85] : memref<10000x128xf32, #tpu.memory_space<hbm>> -> memref<10000x128xf32, #tpu.memory_space<hbm>>
        tpu.enqueue_indirect_dma source(%dma_start3A_86 : memref<10000x128xf32, #tpu.memory_space<hbm>>) target(%arg12 : memref<80x128xf32, #tpu.memory_space<vmem>>) offsets(%dma_start3A_83 : memref<80xi32, #tpu.memory_space<vmem>>) semaphore(%arg16 : memref<!tpu.dma_semaphore, #tpu.memory_space<semaphore_mem>>)
      } else {
      }
      %add3A_57 = arith.addi %mul3A_2, %add3A_49 : i32
      %mul3A_58 = arith.constant 80 : i32
      %mul3A_59 = arith.muli %add3A_57, %mul3A_58 : i32
      %dma_wait3A_60 = arith.constant 0 : i32
      %dma_wait3A_61 = tpu.memref_slice %arg8[%add3A_49, %dma_wait3A_60] : memref<128x80xi32, #tpu.memory_space<vmem>> -> memref<1x80xi32, #tpu.memory_space<vmem>>
      %dma_wait3A_62 = tpu.memref_squeeze %dma_wait3A_61 : memref<1x80xi32, #tpu.memory_space<vmem>> -> memref<80xi32, #tpu.memory_space<vmem>>
      %dma_wait3A_63 = arith.constant 0 : i32
      %dma_wait3A_64 = arith.constant 0 : i32
      %dma_wait3A_65 = tpu.memref_slice %arg2[%dma_wait3A_63, %dma_wait3A_64] : memref<10000x128xf32, #tpu.memory_space<hbm>> -> memref<10000x128xf32, #tpu.memory_space<hbm>>
      tpu.wait_indirect_dma semaphore(%arg15 : memref<!tpu.dma_semaphore, #tpu.memory_space<semaphore_mem>>) src(%dma_wait3A_65 : memref<10000x128xf32, #tpu.memory_space<hbm>>) dst(%arg11 : memref<80x128xf32, #tpu.memory_space<vmem>>)
      "tpu.region"() ({
        %run_scoped3A = tpu.sem_alloc : memref<!tpu.dma_semaphore, #tpu.memory_space<semaphore_mem>>
        %dma_start3A_73 = arith.constant 0 : i32
        %dma_start3A_74 = tpu.memref_slice %arg6[%mul3A_59, %dma_start3A_73] : memref<327680x128xf32, #tpu.memory_space<hbm>> -> memref<80x128xf32, #tpu.memory_space<hbm>>
        %dma_start3A_75 = arith.constant 0 : i32
        %dma_start3A_76 = tpu.memref_slice %arg6[%mul3A_59, %dma_start3A_75] : memref<327680x128xf32, #tpu.memory_space<hbm>> -> memref<80x128xf32, #tpu.memory_space<hbm>>
        tpu.enqueue_dma source(%arg11 : memref<80x128xf32, #tpu.memory_space<vmem>>) target(%dma_start3A_76 : memref<80x128xf32, #tpu.memory_space<hbm>>) target_semaphore(%run_scoped3A : memref<!tpu.dma_semaphore, #tpu.memory_space<semaphore_mem>>)
        %dma_wait3A_77 = arith.constant 0 : i32
        %dma_wait3A_78 = tpu.memref_slice %arg6[%mul3A_59, %dma_wait3A_77] : memref<327680x128xf32, #tpu.memory_space<hbm>> -> memref<80x128xf32, #tpu.memory_space<hbm>>
        %dma_wait3A_79 = arith.constant 0 : i32
        %dma_wait3A_80 = tpu.memref_slice %arg6[%mul3A_59, %dma_wait3A_79] : memref<327680x128xf32, #tpu.memory_space<hbm>> -> memref<80x128xf32, #tpu.memory_space<hbm>>
        tpu.wait_dma2 semaphore(%run_scoped3A : memref<!tpu.dma_semaphore, #tpu.memory_space<semaphore_mem>>) src(%arg11 : memref<80x128xf32, #tpu.memory_space<vmem>>) dst(%dma_wait3A_80 : memref<80x128xf32, #tpu.memory_space<hbm>>)
        tpu.yield
      }) : () -> ()
      %dma_wait3A_66 = arith.constant 0 : i32
      %dma_wait3A_67 = tpu.memref_slice %arg9[%add3A_49, %dma_wait3A_66] : memref<128x80xi32, #tpu.memory_space<vmem>> -> memref<1x80xi32, #tpu.memory_space<vmem>>
      %dma_wait3A_68 = tpu.memref_squeeze %dma_wait3A_67 : memref<1x80xi32, #tpu.memory_space<vmem>> -> memref<80xi32, #tpu.memory_space<vmem>>
      %dma_wait3A_69 = arith.constant 0 : i32
      %dma_wait3A_70 = arith.constant 0 : i32
      %dma_wait3A_71 = tpu.memref_slice %arg3[%dma_wait3A_69, %dma_wait3A_70] : memref<10000x128xf32, #tpu.memory_space<hbm>> -> memref<10000x128xf32, #tpu.memory_space<hbm>>
      tpu.wait_indirect_dma semaphore(%arg17 : memref<!tpu.dma_semaphore, #tpu.memory_space<semaphore_mem>>) src(%dma_wait3A_71 : memref<10000x128xf32, #tpu.memory_space<hbm>>) dst(%arg13 : memref<80x128xf32, #tpu.memory_space<vmem>>)
      "tpu.region"() ({
        %run_scoped3A = tpu.sem_alloc : memref<!tpu.dma_semaphore, #tpu.memory_space<semaphore_mem>>
        %dma_start3A_73 = arith.constant 0 : i32
        %dma_start3A_74 = tpu.memref_slice %arg7[%mul3A_59, %dma_start3A_73] : memref<327680x128xf32, #tpu.memory_space<hbm>> -> memref<80x128xf32, #tpu.memory_space<hbm>>
        %dma_start3A_75 = arith.constant 0 : i32
        %dma_start3A_76 = tpu.memref_slice %arg7[%mul3A_59, %dma_start3A_75] : memref<327680x128xf32, #tpu.memory_space<hbm>> -> memref<80x128xf32, #tpu.memory_space<hbm>>
        tpu.enqueue_dma source(%arg13 : memref<80x128xf32, #tpu.memory_space<vmem>>) target(%dma_start3A_76 : memref<80x128xf32, #tpu.memory_space<hbm>>) target_semaphore(%run_scoped3A : memref<!tpu.dma_semaphore, #tpu.memory_space<semaphore_mem>>)
        %dma_wait3A_77 = arith.constant 0 : i32
        %dma_wait3A_78 = tpu.memref_slice %arg7[%mul3A_59, %dma_wait3A_77] : memref<327680x128xf32, #tpu.memory_space<hbm>> -> memref<80x128xf32, #tpu.memory_space<hbm>>
        %dma_wait3A_79 = arith.constant 0 : i32
        %dma_wait3A_80 = tpu.memref_slice %arg7[%mul3A_59, %dma_wait3A_79] : memref<327680x128xf32, #tpu.memory_space<hbm>> -> memref<80x128xf32, #tpu.memory_space<hbm>>
        tpu.wait_dma2 semaphore(%run_scoped3A : memref<!tpu.dma_semaphore, #tpu.memory_space<semaphore_mem>>) src(%arg13 : memref<80x128xf32, #tpu.memory_space<vmem>>) dst(%dma_wait3A_80 : memref<80x128xf32, #tpu.memory_space<hbm>>)
        tpu.yield
      }) : () -> ()
      %scan3A_72 = arith.constant 0 : i32
      scf.yield %scan3A_72 : i32
    }
    %scan3A_21 = arith.constant 64 : i32
    return
  }
}

#map = affine_map<(d0, d1) -> (0, 0)>
#map1 = affine_map<(d0, d1) -> (0, 0, 0)>
module attributes {stable_mosaic.version = 14 : i64} {
  func.func @k(%arg0: i32, %arg1: i32, %arg2: memref<327680x128xf32, #tpu.memory_space<hbm>>, %arg3: memref<32x128x80xi32, #tpu.memory_space<hbm>>, %arg4: memref<632x128xf32, #tpu.memory_space<hbm>>, %arg5: memref<2x10112x128xf32, #tpu.memory_space<hbm>>, %arg6: memref<128x80xi32, #tpu.memory_space<vmem>>, %arg7: memref<10112x128xf32, #tpu.memory_space<vmem_shared>>, %arg8: memref<80x128xf32, #tpu.memory_space<vmem>>, %arg9: memref<80x128xf32, #tpu.memory_space<vmem>>, %arg10: memref<!tpu.dma_semaphore, #tpu.memory_space<semaphore_mem>>, %arg11: memref<!tpu.dma_semaphore, #tpu.memory_space<semaphore_mem>>) attributes {dimension_semantics = [#tpu.dimension_semantics<core_parallel>, #tpu.dimension_semantics<subcore_parallel>], iteration_bounds = array<i64: 2, 16>, scalar_prefetch = 0 : i64, scratch_operands = 6 : i64, tpu.core_type = #tpu.core_type<sc_vector_subcore>, window_params = [{transform_indices = #map}, {transform_indices = #map1}, {transform_indices = #map}, {transform_indices = #map1}]} {
    %mul3A = arith.constant 2 : i32
    %mul3A_0 = arith.muli %arg1, %mul3A : i32
    %add3A = arith.addi %mul3A_0, %arg0 : i32
    %mul3A_1 = arith.constant 128 : i32
    %mul3A_2 = arith.muli %add3A, %mul3A_1 : i32
    %mul3A_3 = arith.constant 632 : i32
    %mul3A_4 = arith.muli %arg1, %mul3A_3 : i32
    "tpu.region"() ({
      %run_scoped3A = tpu.sem_alloc : memref<!tpu.dma_semaphore, #tpu.memory_space<semaphore_mem>>
      %dma_start3A_23 = arith.constant 0 : i32
      %dma_start3A_24 = tpu.memref_slice %arg7[%mul3A_4, %dma_start3A_23] : memref<10112x128xf32, #tpu.memory_space<vmem_shared>> -> memref<632x128xf32, #tpu.memory_space<vmem_shared>>
      tpu.enqueue_dma source(%arg4 : memref<632x128xf32, #tpu.memory_space<hbm>>) target(%dma_start3A_24 : memref<632x128xf32, #tpu.memory_space<vmem_shared>>) target_semaphore(%run_scoped3A : memref<!tpu.dma_semaphore, #tpu.memory_space<semaphore_mem>>)
      %dma_wait3A = arith.constant 0 : i32
      %dma_wait3A_25 = tpu.memref_slice %arg7[%mul3A_4, %dma_wait3A] : memref<10112x128xf32, #tpu.memory_space<vmem_shared>> -> memref<632x128xf32, #tpu.memory_space<vmem_shared>>
      tpu.wait_dma2 semaphore(%run_scoped3A : memref<!tpu.dma_semaphore, #tpu.memory_space<semaphore_mem>>) src(%arg4 : memref<632x128xf32, #tpu.memory_space<hbm>>) dst(%dma_wait3A_25 : memref<632x128xf32, #tpu.memory_space<vmem_shared>>)
      tpu.yield
    }) : () -> ()
    "tpu.region"() ({
      %run_scoped3A = tpu.sem_alloc : memref<!tpu.dma_semaphore, #tpu.memory_space<semaphore_mem>>
      %dma_start3A_23 = arith.constant 0 : i32
      %dma_start3A_24 = arith.constant 0 : i32
      %dma_start3A_25 = tpu.memref_slice %arg3[%add3A, %dma_start3A_23, %dma_start3A_24] : memref<32x128x80xi32, #tpu.memory_space<hbm>> -> memref<1x128x80xi32, #tpu.memory_space<hbm>>
      %dma_start3A_26 = tpu.memref_squeeze %dma_start3A_25 : memref<1x128x80xi32, #tpu.memory_space<hbm>> -> memref<128x80xi32, #tpu.memory_space<hbm>>
      %dma_start3A_27 = arith.constant 0 : i32
      %dma_start3A_28 = arith.constant 0 : i32
      %dma_start3A_29 = tpu.memref_slice %arg3[%add3A, %dma_start3A_27, %dma_start3A_28] : memref<32x128x80xi32, #tpu.memory_space<hbm>> -> memref<1x128x80xi32, #tpu.memory_space<hbm>>
      %dma_start3A_30 = tpu.memref_squeeze %dma_start3A_29 : memref<1x128x80xi32, #tpu.memory_space<hbm>> -> memref<128x80xi32, #tpu.memory_space<hbm>>
      tpu.enqueue_dma source(%dma_start3A_30 : memref<128x80xi32, #tpu.memory_space<hbm>>) target(%arg6 : memref<128x80xi32, #tpu.memory_space<vmem>>) target_semaphore(%run_scoped3A : memref<!tpu.dma_semaphore, #tpu.memory_space<semaphore_mem>>)
      %dma_wait3A = arith.constant 0 : i32
      %dma_wait3A_31 = arith.constant 0 : i32
      %dma_wait3A_32 = tpu.memref_slice %arg3[%add3A, %dma_wait3A, %dma_wait3A_31] : memref<32x128x80xi32, #tpu.memory_space<hbm>> -> memref<1x128x80xi32, #tpu.memory_space<hbm>>
      %dma_wait3A_33 = tpu.memref_squeeze %dma_wait3A_32 : memref<1x128x80xi32, #tpu.memory_space<hbm>> -> memref<128x80xi32, #tpu.memory_space<hbm>>
      %dma_wait3A_34 = arith.constant 0 : i32
      %dma_wait3A_35 = arith.constant 0 : i32
      %dma_wait3A_36 = tpu.memref_slice %arg3[%add3A, %dma_wait3A_34, %dma_wait3A_35] : memref<32x128x80xi32, #tpu.memory_space<hbm>> -> memref<1x128x80xi32, #tpu.memory_space<hbm>>
      %dma_wait3A_37 = tpu.memref_squeeze %dma_wait3A_36 : memref<1x128x80xi32, #tpu.memory_space<hbm>> -> memref<128x80xi32, #tpu.memory_space<hbm>>
      tpu.wait_dma2 semaphore(%run_scoped3A : memref<!tpu.dma_semaphore, #tpu.memory_space<semaphore_mem>>) src(%dma_wait3A_37 : memref<128x80xi32, #tpu.memory_space<hbm>>) dst(%arg6 : memref<128x80xi32, #tpu.memory_space<vmem>>)
      tpu.yield
    }) : () -> ()
    %barrier3A = arith.constant 0 : index
    tpu.barrier barrier_id(%barrier3A)
    %add3A_5 = arith.constant 0 : i32
    %add3A_6 = arith.addi %mul3A_2, %add3A_5 : i32
    %mul3A_7 = arith.constant 80 : i32
    %mul3A_8 = arith.muli %add3A_6, %mul3A_7 : i32
    %dma_start3A = arith.constant 0 : i32
    %dma_start3A_9 = tpu.memref_slice %arg2[%mul3A_8, %dma_start3A] : memref<327680x128xf32, #tpu.memory_space<hbm>> -> memref<80x128xf32, #tpu.memory_space<hbm>>
    %dma_start3A_10 = arith.constant 0 : i32
    %dma_start3A_11 = tpu.memref_slice %arg2[%mul3A_8, %dma_start3A_10] : memref<327680x128xf32, #tpu.memory_space<hbm>> -> memref<80x128xf32, #tpu.memory_space<hbm>>
    tpu.enqueue_dma source(%dma_start3A_11 : memref<80x128xf32, #tpu.memory_space<hbm>>) target(%arg8 : memref<80x128xf32, #tpu.memory_space<vmem>>) target_semaphore(%arg10 : memref<!tpu.dma_semaphore, #tpu.memory_space<semaphore_mem>>)
    %scan3A = arith.constant 0 : i32
    %scan3A_12 = arith.constant 0 : i32
    %scan3A_13 = arith.constant 64 : i32
    %scan3A_14 = arith.addi %scan3A_12, %scan3A_13 : i32
    %scan3A_15 = arith.constant 1 : i32
    %scan3A_16 = scf.for %scan3A_23 = %scan3A_12 to %scan3A_14 step %scan3A_15 iter_args(%scan3A_24 = %scan3A) -> (i32)  : i32 {
      %mul3A_25 = arith.constant 2 : i32
      %mul3A_26 = arith.muli %mul3A_25, %scan3A_23 : i32
      %add3A_27 = arith.constant 0 : i32
      %add3A_28 = arith.addi %mul3A_26, %add3A_27 : i32
      %add3A_29 = arith.constant 1 : i32
      %add3A_30 = arith.addi %add3A_28, %add3A_29 : i32
      %lt3A = arith.constant 128 : i32
      %lt3A_31 = arith.cmpi slt, %add3A_30, %lt3A : i32
      %convert_element_type3A = arith.extui %lt3A_31 : i1 to i32
      %cond3A = arith.constant 0 : i32
      %cond3A_32 = arith.cmpi ne, %convert_element_type3A, %cond3A : i32
      scf.if %cond3A_32 {
        %add3A_58 = arith.constant 1 : i32
        %add3A_59 = arith.addi %add3A_28, %add3A_58 : i32
        %add3A_60 = arith.addi %mul3A_2, %add3A_59 : i32
        %mul3A_61 = arith.constant 80 : i32
        %mul3A_62 = arith.muli %add3A_60, %mul3A_61 : i32
        %dma_start3A_63 = arith.constant 0 : i32
        %dma_start3A_64 = tpu.memref_slice %arg2[%mul3A_62, %dma_start3A_63] : memref<327680x128xf32, #tpu.memory_space<hbm>> -> memref<80x128xf32, #tpu.memory_space<hbm>>
        %dma_start3A_65 = arith.constant 0 : i32
        %dma_start3A_66 = tpu.memref_slice %arg2[%mul3A_62, %dma_start3A_65] : memref<327680x128xf32, #tpu.memory_space<hbm>> -> memref<80x128xf32, #tpu.memory_space<hbm>>
        tpu.enqueue_dma source(%dma_start3A_66 : memref<80x128xf32, #tpu.memory_space<hbm>>) target(%arg9 : memref<80x128xf32, #tpu.memory_space<vmem>>) target_semaphore(%arg11 : memref<!tpu.dma_semaphore, #tpu.memory_space<semaphore_mem>>)
      } else {
      }
      %add3A_33 = arith.addi %mul3A_2, %add3A_28 : i32
      %mul3A_34 = arith.constant 80 : i32
      %mul3A_35 = arith.muli %add3A_33, %mul3A_34 : i32
      %dma_wait3A = arith.constant 0 : i32
      %dma_wait3A_36 = tpu.memref_slice %arg2[%mul3A_35, %dma_wait3A] : memref<327680x128xf32, #tpu.memory_space<hbm>> -> memref<80x128xf32, #tpu.memory_space<hbm>>
      %dma_wait3A_37 = arith.constant 0 : i32
      %dma_wait3A_38 = tpu.memref_slice %arg2[%mul3A_35, %dma_wait3A_37] : memref<327680x128xf32, #tpu.memory_space<hbm>> -> memref<80x128xf32, #tpu.memory_space<hbm>>
      tpu.wait_dma2 semaphore(%arg10 : memref<!tpu.dma_semaphore, #tpu.memory_space<semaphore_mem>>) src(%dma_wait3A_38 : memref<80x128xf32, #tpu.memory_space<hbm>>) dst(%arg8 : memref<80x128xf32, #tpu.memory_space<vmem>>)
      "tpu.region"() ({
        %run_scoped3A = tpu.sem_alloc : memref<!tpu.dma_semaphore, #tpu.memory_space<semaphore_mem>>
        %dma_start3A_58 = arith.constant 0 : i32
        %dma_start3A_59 = tpu.memref_slice %arg6[%add3A_28, %dma_start3A_58] : memref<128x80xi32, #tpu.memory_space<vmem>> -> memref<1x80xi32, #tpu.memory_space<vmem>>
        %dma_start3A_60 = tpu.memref_squeeze %dma_start3A_59 : memref<1x80xi32, #tpu.memory_space<vmem>> -> memref<80xi32, #tpu.memory_space<vmem>>
        %dma_start3A_61 = arith.constant 0 : i32
        %dma_start3A_62 = arith.constant 0 : i32
        %dma_start3A_63 = tpu.memref_slice %arg7[%dma_start3A_61, %dma_start3A_62] : memref<10112x128xf32, #tpu.memory_space<vmem_shared>> -> memref<10112x128xf32, #tpu.memory_space<vmem_shared>>
        tpu.enqueue_indirect_dma source(%arg8 : memref<80x128xf32, #tpu.memory_space<vmem>>) target(%dma_start3A_63 : memref<10112x128xf32, #tpu.memory_space<vmem_shared>>) offsets(%dma_start3A_60 : memref<80xi32, #tpu.memory_space<vmem>>) semaphore(%run_scoped3A : memref<!tpu.dma_semaphore, #tpu.memory_space<semaphore_mem>>) {add = true}
        %dma_wait3A_64 = arith.constant 0 : i32
        %dma_wait3A_65 = tpu.memref_slice %arg6[%add3A_28, %dma_wait3A_64] : memref<128x80xi32, #tpu.memory_space<vmem>> -> memref<1x80xi32, #tpu.memory_space<vmem>>
        %dma_wait3A_66 = tpu.memref_squeeze %dma_wait3A_65 : memref<1x80xi32, #tpu.memory_space<vmem>> -> memref<80xi32, #tpu.memory_space<vmem>>
        %dma_wait3A_67 = arith.constant 0 : i32
        %dma_wait3A_68 = arith.constant 0 : i32
        %dma_wait3A_69 = tpu.memref_slice %arg7[%dma_wait3A_67, %dma_wait3A_68] : memref<10112x128xf32, #tpu.memory_space<vmem_shared>> -> memref<10112x128xf32, #tpu.memory_space<vmem_shared>>
        tpu.wait_indirect_dma semaphore(%run_scoped3A : memref<!tpu.dma_semaphore, #tpu.memory_space<semaphore_mem>>) src(%arg8 : memref<80x128xf32, #tpu.memory_space<vmem>>) dst(%dma_wait3A_69 : memref<10112x128xf32, #tpu.memory_space<vmem_shared>>)
        tpu.yield
      }) : () -> ()
      %mul3A_39 = arith.constant 2 : i32
      %mul3A_40 = arith.muli %mul3A_39, %scan3A_23 : i32
      %add3A_41 = arith.constant 1 : i32
      %add3A_42 = arith.addi %mul3A_40, %add3A_41 : i32
      %add3A_43 = arith.constant 1 : i32
      %add3A_44 = arith.addi %add3A_42, %add3A_43 : i32
      %lt3A_45 = arith.constant 128 : i32
      %lt3A_46 = arith.cmpi slt, %add3A_44, %lt3A_45 : i32
      %convert_element_type3A_47 = arith.extui %lt3A_46 : i1 to i32
      %cond3A_48 = arith.constant 0 : i32
      %cond3A_49 = arith.cmpi ne, %convert_element_type3A_47, %cond3A_48 : i32
      scf.if %cond3A_49 {
        %add3A_58 = arith.constant 1 : i32
        %add3A_59 = arith.addi %add3A_42, %add3A_58 : i32
        %add3A_60 = arith.addi %mul3A_2, %add3A_59 : i32
        %mul3A_61 = arith.constant 80 : i32
        %mul3A_62 = arith.muli %add3A_60, %mul3A_61 : i32
        %dma_start3A_63 = arith.constant 0 : i32
        %dma_start3A_64 = tpu.memref_slice %arg2[%mul3A_62, %dma_start3A_63] : memref<327680x128xf32, #tpu.memory_space<hbm>> -> memref<80x128xf32, #tpu.memory_space<hbm>>
        %dma_start3A_65 = arith.constant 0 : i32
        %dma_start3A_66 = tpu.memref_slice %arg2[%mul3A_62, %dma_start3A_65] : memref<327680x128xf32, #tpu.memory_space<hbm>> -> memref<80x128xf32, #tpu.memory_space<hbm>>
        tpu.enqueue_dma source(%dma_start3A_66 : memref<80x128xf32, #tpu.memory_space<hbm>>) target(%arg8 : memref<80x128xf32, #tpu.memory_space<vmem>>) target_semaphore(%arg10 : memref<!tpu.dma_semaphore, #tpu.memory_space<semaphore_mem>>)
      } else {
      }
      %add3A_50 = arith.addi %mul3A_2, %add3A_42 : i32
      %mul3A_51 = arith.constant 80 : i32
      %mul3A_52 = arith.muli %add3A_50, %mul3A_51 : i32
      %dma_wait3A_53 = arith.constant 0 : i32
      %dma_wait3A_54 = tpu.memref_slice %arg2[%mul3A_52, %dma_wait3A_53] : memref<327680x128xf32, #tpu.memory_space<hbm>> -> memref<80x128xf32, #tpu.memory_space<hbm>>
      %dma_wait3A_55 = arith.constant 0 : i32
      %dma_wait3A_56 = tpu.memref_slice %arg2[%mul3A_52, %dma_wait3A_55] : memref<327680x128xf32, #tpu.memory_space<hbm>> -> memref<80x128xf32, #tpu.memory_space<hbm>>
      tpu.wait_dma2 semaphore(%arg11 : memref<!tpu.dma_semaphore, #tpu.memory_space<semaphore_mem>>) src(%dma_wait3A_56 : memref<80x128xf32, #tpu.memory_space<hbm>>) dst(%arg9 : memref<80x128xf32, #tpu.memory_space<vmem>>)
      "tpu.region"() ({
        %run_scoped3A = tpu.sem_alloc : memref<!tpu.dma_semaphore, #tpu.memory_space<semaphore_mem>>
        %dma_start3A_58 = arith.constant 0 : i32
        %dma_start3A_59 = tpu.memref_slice %arg6[%add3A_42, %dma_start3A_58] : memref<128x80xi32, #tpu.memory_space<vmem>> -> memref<1x80xi32, #tpu.memory_space<vmem>>
        %dma_start3A_60 = tpu.memref_squeeze %dma_start3A_59 : memref<1x80xi32, #tpu.memory_space<vmem>> -> memref<80xi32, #tpu.memory_space<vmem>>
        %dma_start3A_61 = arith.constant 0 : i32
        %dma_start3A_62 = arith.constant 0 : i32
        %dma_start3A_63 = tpu.memref_slice %arg7[%dma_start3A_61, %dma_start3A_62] : memref<10112x128xf32, #tpu.memory_space<vmem_shared>> -> memref<10112x128xf32, #tpu.memory_space<vmem_shared>>
        tpu.enqueue_indirect_dma source(%arg9 : memref<80x128xf32, #tpu.memory_space<vmem>>) target(%dma_start3A_63 : memref<10112x128xf32, #tpu.memory_space<vmem_shared>>) offsets(%dma_start3A_60 : memref<80xi32, #tpu.memory_space<vmem>>) semaphore(%run_scoped3A : memref<!tpu.dma_semaphore, #tpu.memory_space<semaphore_mem>>) {add = true}
        %dma_wait3A_64 = arith.constant 0 : i32
        %dma_wait3A_65 = tpu.memref_slice %arg6[%add3A_42, %dma_wait3A_64] : memref<128x80xi32, #tpu.memory_space<vmem>> -> memref<1x80xi32, #tpu.memory_space<vmem>>
        %dma_wait3A_66 = tpu.memref_squeeze %dma_wait3A_65 : memref<1x80xi32, #tpu.memory_space<vmem>> -> memref<80xi32, #tpu.memory_space<vmem>>
        %dma_wait3A_67 = arith.constant 0 : i32
        %dma_wait3A_68 = arith.constant 0 : i32
        %dma_wait3A_69 = tpu.memref_slice %arg7[%dma_wait3A_67, %dma_wait3A_68] : memref<10112x128xf32, #tpu.memory_space<vmem_shared>> -> memref<10112x128xf32, #tpu.memory_space<vmem_shared>>
        tpu.wait_indirect_dma semaphore(%run_scoped3A : memref<!tpu.dma_semaphore, #tpu.memory_space<semaphore_mem>>) src(%arg9 : memref<80x128xf32, #tpu.memory_space<vmem>>) dst(%dma_wait3A_69 : memref<10112x128xf32, #tpu.memory_space<vmem_shared>>)
        tpu.yield
      }) : () -> ()
      %scan3A_57 = arith.constant 0 : i32
      scf.yield %scan3A_57 : i32
    }
    %scan3A_17 = arith.constant 64 : i32
    %barrier3A_18 = arith.constant 0 : index
    tpu.barrier barrier_id(%barrier3A_18)
    %mul3A_19 = arith.constant 632 : i32
    %mul3A_20 = arith.muli %arg1, %mul3A_19 : i32
    %mul3A_21 = arith.constant 632 : i32
    %mul3A_22 = arith.muli %arg1, %mul3A_21 : i32
    "tpu.region"() ({
      %run_scoped3A = tpu.sem_alloc : memref<!tpu.dma_semaphore, #tpu.memory_space<semaphore_mem>>
      %dma_start3A_23 = arith.constant 0 : i32
      %dma_start3A_24 = tpu.memref_slice %arg5[%arg0, %mul3A_22, %dma_start3A_23] : memref<2x10112x128xf32, #tpu.memory_space<hbm>> -> memref<1x632x128xf32, #tpu.memory_space<hbm>>
      %dma_start3A_25 = tpu.memref_squeeze %dma_start3A_24 : memref<1x632x128xf32, #tpu.memory_space<hbm>> -> memref<632x128xf32, #tpu.memory_space<hbm>>
      %dma_start3A_26 = arith.constant 0 : i32
      %dma_start3A_27 = tpu.memref_slice %arg7[%mul3A_20, %dma_start3A_26] : memref<10112x128xf32, #tpu.memory_space<vmem_shared>> -> memref<632x128xf32, #tpu.memory_space<vmem_shared>>
      tpu.enqueue_dma source(%dma_start3A_27 : memref<632x128xf32, #tpu.memory_space<vmem_shared>>) target(%dma_start3A_25 : memref<632x128xf32, #tpu.memory_space<hbm>>) target_semaphore(%run_scoped3A : memref<!tpu.dma_semaphore, #tpu.memory_space<semaphore_mem>>)
      %dma_wait3A = arith.constant 0 : i32
      %dma_wait3A_28 = tpu.memref_slice %arg5[%arg0, %mul3A_22, %dma_wait3A] : memref<2x10112x128xf32, #tpu.memory_space<hbm>> -> memref<1x632x128xf32, #tpu.memory_space<hbm>>
      %dma_wait3A_29 = tpu.memref_squeeze %dma_wait3A_28 : memref<1x632x128xf32, #tpu.memory_space<hbm>> -> memref<632x128xf32, #tpu.memory_space<hbm>>
      %dma_wait3A_30 = arith.constant 0 : i32
      %dma_wait3A_31 = tpu.memref_slice %arg7[%mul3A_20, %dma_wait3A_30] : memref<10112x128xf32, #tpu.memory_space<vmem_shared>> -> memref<632x128xf32, #tpu.memory_space<vmem_shared>>
      tpu.wait_dma2 semaphore(%run_scoped3A : memref<!tpu.dma_semaphore, #tpu.memory_space<semaphore_mem>>) src(%dma_wait3A_31 : memref<632x128xf32, #tpu.memory_space<vmem_shared>>) dst(%dma_wait3A_29 : memref<632x128xf32, #tpu.memory_space<hbm>>)
      tpu.yield
    }) : () -> ()
    return
  }
}

#map = affine_map<(d0, d1) -> (0, 0)>
#map1 = affine_map<(d0, d1) -> (0, 0, 0)>
module attributes {stable_mosaic.version = 14 : i64} {
  func.func @k(%arg0: i32, %arg1: i32, %arg2: memref<10000x128xf32, #tpu.memory_space<hbm>>, %arg3: memref<10000x128xf32, #tpu.memory_space<hbm>>, %arg4: memref<32x128x80xi32, #tpu.memory_space<hbm>>, %arg5: memref<32x128x80xi32, #tpu.memory_space<hbm>>, %arg6: memref<327680x128xf32, #tpu.memory_space<hbm>>, %arg7: memref<327680x128xf32, #tpu.memory_space<hbm>>, %arg8: memref<128x80xi32, #tpu.memory_space<vmem>>, %arg9: memref<128x80xi32, #tpu.memory_space<vmem>>, %arg10: memref<80x128xf32, #tpu.memory_space<vmem>>, %arg11: memref<80x128xf32, #tpu.memory_space<vmem>>, %arg12: memref<80x128xf32, #tpu.memory_space<vmem>>, %arg13: memref<80x128xf32, #tpu.memory_space<vmem>>, %arg14: memref<!tpu.dma_semaphore, #tpu.memory_space<semaphore_mem>>, %arg15: memref<!tpu.dma_semaphore, #tpu.memory_space<semaphore_mem>>, %arg16: memref<!tpu.dma_semaphore, #tpu.memory_space<semaphore_mem>>, %arg17: memref<!tpu.dma_semaphore, #tpu.memory_space<semaphore_mem>>) attributes {dimension_semantics = [#tpu.dimension_semantics<core_parallel>, #tpu.dimension_semantics<subcore_parallel>], iteration_bounds = array<i64: 2, 16>, scalar_prefetch = 0 : i64, scratch_operands = 10 : i64, tpu.core_type = #tpu.core_type<sc_vector_subcore>, window_params = [{transform_indices = #map}, {transform_indices = #map}, {transform_indices = #map1}, {transform_indices = #map1}, {transform_indices = #map}, {transform_indices = #map}]} {
    %mul3A = arith.constant 2 : i32
    %mul3A_0 = arith.muli %arg1, %mul3A : i32
    %add3A = arith.addi %mul3A_0, %arg0 : i32
    %mul3A_1 = arith.constant 128 : i32
    %mul3A_2 = arith.muli %add3A, %mul3A_1 : i32
    "tpu.region"() ({
      %run_scoped3A = tpu.sem_alloc : memref<!tpu.dma_semaphore, #tpu.memory_space<semaphore_mem>>
      %dma_start3A_22 = arith.constant 0 : i32
      %dma_start3A_23 = arith.constant 0 : i32
      %dma_start3A_24 = tpu.memref_slice %arg4[%add3A, %dma_start3A_22, %dma_start3A_23] : memref<32x128x80xi32, #tpu.memory_space<hbm>> -> memref<1x128x80xi32, #tpu.memory_space<hbm>>
      %dma_start3A_25 = tpu.memref_squeeze %dma_start3A_24 : memref<1x128x80xi32, #tpu.memory_space<hbm>> -> memref<128x80xi32, #tpu.memory_space<hbm>>
      %dma_start3A_26 = arith.constant 0 : i32
      %dma_start3A_27 = arith.constant 0 : i32
      %dma_start3A_28 = tpu.memref_slice %arg4[%add3A, %dma_start3A_26, %dma_start3A_27] : memref<32x128x80xi32, #tpu.memory_space<hbm>> -> memref<1x128x80xi32, #tpu.memory_space<hbm>>
      %dma_start3A_29 = tpu.memref_squeeze %dma_start3A_28 : memref<1x128x80xi32, #tpu.memory_space<hbm>> -> memref<128x80xi32, #tpu.memory_space<hbm>>
      tpu.enqueue_dma source(%dma_start3A_29 : memref<128x80xi32, #tpu.memory_space<hbm>>) target(%arg8 : memref<128x80xi32, #tpu.memory_space<vmem>>) target_semaphore(%run_scoped3A : memref<!tpu.dma_semaphore, #tpu.memory_space<semaphore_mem>>)
      %dma_wait3A = arith.constant 0 : i32
      %dma_wait3A_30 = arith.constant 0 : i32
      %dma_wait3A_31 = tpu.memref_slice %arg4[%add3A, %dma_wait3A, %dma_wait3A_30] : memref<32x128x80xi32, #tpu.memory_space<hbm>> -> memref<1x128x80xi32, #tpu.memory_space<hbm>>
      %dma_wait3A_32 = tpu.memref_squeeze %dma_wait3A_31 : memref<1x128x80xi32, #tpu.memory_space<hbm>> -> memref<128x80xi32, #tpu.memory_space<hbm>>
      %dma_wait3A_33 = arith.constant 0 : i32
      %dma_wait3A_34 = arith.constant 0 : i32
      %dma_wait3A_35 = tpu.memref_slice %arg4[%add3A, %dma_wait3A_33, %dma_wait3A_34] : memref<32x128x80xi32, #tpu.memory_space<hbm>> -> memref<1x128x80xi32, #tpu.memory_space<hbm>>
      %dma_wait3A_36 = tpu.memref_squeeze %dma_wait3A_35 : memref<1x128x80xi32, #tpu.memory_space<hbm>> -> memref<128x80xi32, #tpu.memory_space<hbm>>
      tpu.wait_dma2 semaphore(%run_scoped3A : memref<!tpu.dma_semaphore, #tpu.memory_space<semaphore_mem>>) src(%dma_wait3A_36 : memref<128x80xi32, #tpu.memory_space<hbm>>) dst(%arg8 : memref<128x80xi32, #tpu.memory_space<vmem>>)
      tpu.yield
    }) : () -> ()
    "tpu.region"() ({
      %run_scoped3A = tpu.sem_alloc : memref<!tpu.dma_semaphore, #tpu.memory_space<semaphore_mem>>
      %dma_start3A_22 = arith.constant 0 : i32
      %dma_start3A_23 = arith.constant 0 : i32
      %dma_start3A_24 = tpu.memref_slice %arg5[%add3A, %dma_start3A_22, %dma_start3A_23] : memref<32x128x80xi32, #tpu.memory_space<hbm>> -> memref<1x128x80xi32, #tpu.memory_space<hbm>>
      %dma_start3A_25 = tpu.memref_squeeze %dma_start3A_24 : memref<1x128x80xi32, #tpu.memory_space<hbm>> -> memref<128x80xi32, #tpu.memory_space<hbm>>
      %dma_start3A_26 = arith.constant 0 : i32
      %dma_start3A_27 = arith.constant 0 : i32
      %dma_start3A_28 = tpu.memref_slice %arg5[%add3A, %dma_start3A_26, %dma_start3A_27] : memref<32x128x80xi32, #tpu.memory_space<hbm>> -> memref<1x128x80xi32, #tpu.memory_space<hbm>>
      %dma_start3A_29 = tpu.memref_squeeze %dma_start3A_28 : memref<1x128x80xi32, #tpu.memory_space<hbm>> -> memref<128x80xi32, #tpu.memory_space<hbm>>
      tpu.enqueue_dma source(%dma_start3A_29 : memref<128x80xi32, #tpu.memory_space<hbm>>) target(%arg9 : memref<128x80xi32, #tpu.memory_space<vmem>>) target_semaphore(%run_scoped3A : memref<!tpu.dma_semaphore, #tpu.memory_space<semaphore_mem>>)
      %dma_wait3A = arith.constant 0 : i32
      %dma_wait3A_30 = arith.constant 0 : i32
      %dma_wait3A_31 = tpu.memref_slice %arg5[%add3A, %dma_wait3A, %dma_wait3A_30] : memref<32x128x80xi32, #tpu.memory_space<hbm>> -> memref<1x128x80xi32, #tpu.memory_space<hbm>>
      %dma_wait3A_32 = tpu.memref_squeeze %dma_wait3A_31 : memref<1x128x80xi32, #tpu.memory_space<hbm>> -> memref<128x80xi32, #tpu.memory_space<hbm>>
      %dma_wait3A_33 = arith.constant 0 : i32
      %dma_wait3A_34 = arith.constant 0 : i32
      %dma_wait3A_35 = tpu.memref_slice %arg5[%add3A, %dma_wait3A_33, %dma_wait3A_34] : memref<32x128x80xi32, #tpu.memory_space<hbm>> -> memref<1x128x80xi32, #tpu.memory_space<hbm>>
      %dma_wait3A_36 = tpu.memref_squeeze %dma_wait3A_35 : memref<1x128x80xi32, #tpu.memory_space<hbm>> -> memref<128x80xi32, #tpu.memory_space<hbm>>
      tpu.wait_dma2 semaphore(%run_scoped3A : memref<!tpu.dma_semaphore, #tpu.memory_space<semaphore_mem>>) src(%dma_wait3A_36 : memref<128x80xi32, #tpu.memory_space<hbm>>) dst(%arg9 : memref<128x80xi32, #tpu.memory_space<vmem>>)
      tpu.yield
    }) : () -> ()
    %dma_start3A = arith.constant 0 : i32
    %dma_start3A_3 = arith.constant 0 : i32
    %dma_start3A_4 = tpu.memref_slice %arg8[%dma_start3A, %dma_start3A_3] : memref<128x80xi32, #tpu.memory_space<vmem>> -> memref<1x80xi32, #tpu.memory_space<vmem>>
    %dma_start3A_5 = tpu.memref_squeeze %dma_start3A_4 : memref<1x80xi32, #tpu.memory_space<vmem>> -> memref<80xi32, #tpu.memory_space<vmem>>
    %dma_start3A_6 = arith.constant 0 : i32
    %dma_start3A_7 = arith.constant 0 : i32
    %dma_start3A_8 = tpu.memref_slice %arg2[%dma_start3A_6, %dma_start3A_7] : memref<10000x128xf32, #tpu.memory_space<hbm>> -> memref<10000x128xf32, #tpu.memory_space<hbm>>
    tpu.enqueue_indirect_dma source(%dma_start3A_8 : memref<10000x128xf32, #tpu.memory_space<hbm>>) target(%arg10 : memref<80x128xf32, #tpu.memory_space<vmem>>) offsets(%dma_start3A_5 : memref<80xi32, #tpu.memory_space<vmem>>) semaphore(%arg14 : memref<!tpu.dma_semaphore, #tpu.memory_space<semaphore_mem>>)
    %dma_start3A_9 = arith.constant 0 : i32
    %dma_start3A_10 = arith.constant 0 : i32
    %dma_start3A_11 = tpu.memref_slice %arg9[%dma_start3A_9, %dma_start3A_10] : memref<128x80xi32, #tpu.memory_space<vmem>> -> memref<1x80xi32, #tpu.memory_space<vmem>>
    %dma_start3A_12 = tpu.memref_squeeze %dma_start3A_11 : memref<1x80xi32, #tpu.memory_space<vmem>> -> memref<80xi32, #tpu.memory_space<vmem>>
    %dma_start3A_13 = arith.constant 0 : i32
    %dma_start3A_14 = arith.constant 0 : i32
    %dma_start3A_15 = tpu.memref_slice %arg3[%dma_start3A_13, %dma_start3A_14] : memref<10000x128xf32, #tpu.memory_space<hbm>> -> memref<10000x128xf32, #tpu.memory_space<hbm>>
    tpu.enqueue_indirect_dma source(%dma_start3A_15 : memref<10000x128xf32, #tpu.memory_space<hbm>>) target(%arg12 : memref<80x128xf32, #tpu.memory_space<vmem>>) offsets(%dma_start3A_12 : memref<80xi32, #tpu.memory_space<vmem>>) semaphore(%arg16 : memref<!tpu.dma_semaphore, #tpu.memory_space<semaphore_mem>>)
    %scan3A = arith.constant 0 : i32
    %scan3A_16 = arith.constant 0 : i32
    %scan3A_17 = arith.constant 64 : i32
    %scan3A_18 = arith.addi %scan3A_16, %scan3A_17 : i32
    %scan3A_19 = arith.constant 1 : i32
    %scan3A_20 = scf.for %scan3A_22 = %scan3A_16 to %scan3A_18 step %scan3A_19 iter_args(%scan3A_23 = %scan3A) -> (i32)  : i32 {
      %mul3A_24 = arith.constant 2 : i32
      %mul3A_25 = arith.muli %mul3A_24, %scan3A_22 : i32
      %add3A_26 = arith.constant 0 : i32
      %add3A_27 = arith.addi %mul3A_25, %add3A_26 : i32
      %add3A_28 = arith.constant 1 : i32
      %add3A_29 = arith.addi %add3A_27, %add3A_28 : i32
      %lt3A = arith.constant 128 : i32
      %lt3A_30 = arith.cmpi slt, %add3A_29, %lt3A : i32
      %convert_element_type3A = arith.extui %lt3A_30 : i1 to i32
      %cond3A = arith.constant 0 : i32
      %cond3A_31 = arith.cmpi ne, %convert_element_type3A, %cond3A : i32
      scf.if %cond3A_31 {
        %add3A_73 = arith.constant 1 : i32
        %add3A_74 = arith.addi %add3A_27, %add3A_73 : i32
        %dma_start3A_75 = arith.constant 0 : i32
        %dma_start3A_76 = tpu.memref_slice %arg8[%add3A_74, %dma_start3A_75] : memref<128x80xi32, #tpu.memory_space<vmem>> -> memref<1x80xi32, #tpu.memory_space<vmem>>
        %dma_start3A_77 = tpu.memref_squeeze %dma_start3A_76 : memref<1x80xi32, #tpu.memory_space<vmem>> -> memref<80xi32, #tpu.memory_space<vmem>>
        %dma_start3A_78 = arith.constant 0 : i32
        %dma_start3A_79 = arith.constant 0 : i32
        %dma_start3A_80 = tpu.memref_slice %arg2[%dma_start3A_78, %dma_start3A_79] : memref<10000x128xf32, #tpu.memory_space<hbm>> -> memref<10000x128xf32, #tpu.memory_space<hbm>>
        tpu.enqueue_indirect_dma source(%dma_start3A_80 : memref<10000x128xf32, #tpu.memory_space<hbm>>) target(%arg11 : memref<80x128xf32, #tpu.memory_space<vmem>>) offsets(%dma_start3A_77 : memref<80xi32, #tpu.memory_space<vmem>>) semaphore(%arg15 : memref<!tpu.dma_semaphore, #tpu.memory_space<semaphore_mem>>)
        %dma_start3A_81 = arith.constant 0 : i32
        %dma_start3A_82 = tpu.memref_slice %arg9[%add3A_74, %dma_start3A_81] : memref<128x80xi32, #tpu.memory_space<vmem>> -> memref<1x80xi32, #tpu.memory_space<vmem>>
        %dma_start3A_83 = tpu.memref_squeeze %dma_start3A_82 : memref<1x80xi32, #tpu.memory_space<vmem>> -> memref<80xi32, #tpu.memory_space<vmem>>
        %dma_start3A_84 = arith.constant 0 : i32
        %dma_start3A_85 = arith.constant 0 : i32
        %dma_start3A_86 = tpu.memref_slice %arg3[%dma_start3A_84, %dma_start3A_85] : memref<10000x128xf32, #tpu.memory_space<hbm>> -> memref<10000x128xf32, #tpu.memory_space<hbm>>
        tpu.enqueue_indirect_dma source(%dma_start3A_86 : memref<10000x128xf32, #tpu.memory_space<hbm>>) target(%arg13 : memref<80x128xf32, #tpu.memory_space<vmem>>) offsets(%dma_start3A_83 : memref<80xi32, #tpu.memory_space<vmem>>) semaphore(%arg17 : memref<!tpu.dma_semaphore, #tpu.memory_space<semaphore_mem>>)
      } else {
      }
      %add3A_32 = arith.addi %mul3A_2, %add3A_27 : i32
      %mul3A_33 = arith.constant 80 : i32
      %mul3A_34 = arith.muli %add3A_32, %mul3A_33 : i32
      %dma_wait3A = arith.constant 0 : i32
      %dma_wait3A_35 = tpu.memref_slice %arg8[%add3A_27, %dma_wait3A] : memref<128x80xi32, #tpu.memory_space<vmem>> -> memref<1x80xi32, #tpu.memory_space<vmem>>
      %dma_wait3A_36 = tpu.memref_squeeze %dma_wait3A_35 : memref<1x80xi32, #tpu.memory_space<vmem>> -> memref<80xi32, #tpu.memory_space<vmem>>
      %dma_wait3A_37 = arith.constant 0 : i32
      %dma_wait3A_38 = arith.constant 0 : i32
      %dma_wait3A_39 = tpu.memref_slice %arg2[%dma_wait3A_37, %dma_wait3A_38] : memref<10000x128xf32, #tpu.memory_space<hbm>> -> memref<10000x128xf32, #tpu.memory_space<hbm>>
      tpu.wait_indirect_dma semaphore(%arg14 : memref<!tpu.dma_semaphore, #tpu.memory_space<semaphore_mem>>) src(%dma_wait3A_39 : memref<10000x128xf32, #tpu.memory_space<hbm>>) dst(%arg10 : memref<80x128xf32, #tpu.memory_space<vmem>>)
      "tpu.region"() ({
        %run_scoped3A = tpu.sem_alloc : memref<!tpu.dma_semaphore, #tpu.memory_space<semaphore_mem>>
        %dma_start3A_73 = arith.constant 0 : i32
        %dma_start3A_74 = tpu.memref_slice %arg6[%mul3A_34, %dma_start3A_73] : memref<327680x128xf32, #tpu.memory_space<hbm>> -> memref<80x128xf32, #tpu.memory_space<hbm>>
        %dma_start3A_75 = arith.constant 0 : i32
        %dma_start3A_76 = tpu.memref_slice %arg6[%mul3A_34, %dma_start3A_75] : memref<327680x128xf32, #tpu.memory_space<hbm>> -> memref<80x128xf32, #tpu.memory_space<hbm>>
        tpu.enqueue_dma source(%arg10 : memref<80x128xf32, #tpu.memory_space<vmem>>) target(%dma_start3A_76 : memref<80x128xf32, #tpu.memory_space<hbm>>) target_semaphore(%run_scoped3A : memref<!tpu.dma_semaphore, #tpu.memory_space<semaphore_mem>>)
        %dma_wait3A_77 = arith.constant 0 : i32
        %dma_wait3A_78 = tpu.memref_slice %arg6[%mul3A_34, %dma_wait3A_77] : memref<327680x128xf32, #tpu.memory_space<hbm>> -> memref<80x128xf32, #tpu.memory_space<hbm>>
        %dma_wait3A_79 = arith.constant 0 : i32
        %dma_wait3A_80 = tpu.memref_slice %arg6[%mul3A_34, %dma_wait3A_79] : memref<327680x128xf32, #tpu.memory_space<hbm>> -> memref<80x128xf32, #tpu.memory_space<hbm>>
        tpu.wait_dma2 semaphore(%run_scoped3A : memref<!tpu.dma_semaphore, #tpu.memory_space<semaphore_mem>>) src(%arg10 : memref<80x128xf32, #tpu.memory_space<vmem>>) dst(%dma_wait3A_80 : memref<80x128xf32, #tpu.memory_space<hbm>>)
        tpu.yield
      }) : () -> ()
      %dma_wait3A_40 = arith.constant 0 : i32
      %dma_wait3A_41 = tpu.memref_slice %arg9[%add3A_27, %dma_wait3A_40] : memref<128x80xi32, #tpu.memory_space<vmem>> -> memref<1x80xi32, #tpu.memory_space<vmem>>
      %dma_wait3A_42 = tpu.memref_squeeze %dma_wait3A_41 : memref<1x80xi32, #tpu.memory_space<vmem>> -> memref<80xi32, #tpu.memory_space<vmem>>
      %dma_wait3A_43 = arith.constant 0 : i32
      %dma_wait3A_44 = arith.constant 0 : i32
      %dma_wait3A_45 = tpu.memref_slice %arg3[%dma_wait3A_43, %dma_wait3A_44] : memref<10000x128xf32, #tpu.memory_space<hbm>> -> memref<10000x128xf32, #tpu.memory_space<hbm>>
      tpu.wait_indirect_dma semaphore(%arg16 : memref<!tpu.dma_semaphore, #tpu.memory_space<semaphore_mem>>) src(%dma_wait3A_45 : memref<10000x128xf32, #tpu.memory_space<hbm>>) dst(%arg12 : memref<80x128xf32, #tpu.memory_space<vmem>>)
      "tpu.region"() ({
        %run_scoped3A = tpu.sem_alloc : memref<!tpu.dma_semaphore, #tpu.memory_space<semaphore_mem>>
        %dma_start3A_73 = arith.constant 0 : i32
        %dma_start3A_74 = tpu.memref_slice %arg7[%mul3A_34, %dma_start3A_73] : memref<327680x128xf32, #tpu.memory_space<hbm>> -> memref<80x128xf32, #tpu.memory_space<hbm>>
        %dma_start3A_75 = arith.constant 0 : i32
        %dma_start3A_76 = tpu.memref_slice %arg7[%mul3A_34, %dma_start3A_75] : memref<327680x128xf32, #tpu.memory_space<hbm>> -> memref<80x128xf32, #tpu.memory_space<hbm>>
        tpu.enqueue_dma source(%arg12 : memref<80x128xf32, #tpu.memory_space<vmem>>) target(%dma_start3A_76 : memref<80x128xf32, #tpu.memory_space<hbm>>) target_semaphore(%run_scoped3A : memref<!tpu.dma_semaphore, #tpu.memory_space<semaphore_mem>>)
        %dma_wait3A_77 = arith.constant 0 : i32
        %dma_wait3A_78 = tpu.memref_slice %arg7[%mul3A_34, %dma_wait3A_77] : memref<327680x128xf32, #tpu.memory_space<hbm>> -> memref<80x128xf32, #tpu.memory_space<hbm>>
        %dma_wait3A_79 = arith.constant 0 : i32
        %dma_wait3A_80 = tpu.memref_slice %arg7[%mul3A_34, %dma_wait3A_79] : memref<327680x128xf32, #tpu.memory_space<hbm>> -> memref<80x128xf32, #tpu.memory_space<hbm>>
        tpu.wait_dma2 semaphore(%run_scoped3A : memref<!tpu.dma_semaphore, #tpu.memory_space<semaphore_mem>>) src(%arg12 : memref<80x128xf32, #tpu.memory_space<vmem>>) dst(%dma_wait3A_80 : memref<80x128xf32, #tpu.memory_space<hbm>>)
        tpu.yield
      }) : () -> ()
      %mul3A_46 = arith.constant 2 : i32
      %mul3A_47 = arith.muli %mul3A_46, %scan3A_22 : i32
      %add3A_48 = arith.constant 1 : i32
      %add3A_49 = arith.addi %mul3A_47, %add3A_48 : i32
      %add3A_50 = arith.constant 1 : i32
      %add3A_51 = arith.addi %add3A_49, %add3A_50 : i32
      %lt3A_52 = arith.constant 128 : i32
      %lt3A_53 = arith.cmpi slt, %add3A_51, %lt3A_52 : i32
      %convert_element_type3A_54 = arith.extui %lt3A_53 : i1 to i32
      %cond3A_55 = arith.constant 0 : i32
      %cond3A_56 = arith.cmpi ne, %convert_element_type3A_54, %cond3A_55 : i32
      scf.if %cond3A_56 {
        %add3A_73 = arith.constant 1 : i32
        %add3A_74 = arith.addi %add3A_49, %add3A_73 : i32
        %dma_start3A_75 = arith.constant 0 : i32
        %dma_start3A_76 = tpu.memref_slice %arg8[%add3A_74, %dma_start3A_75] : memref<128x80xi32, #tpu.memory_space<vmem>> -> memref<1x80xi32, #tpu.memory_space<vmem>>
        %dma_start3A_77 = tpu.memref_squeeze %dma_start3A_76 : memref<1x80xi32, #tpu.memory_space<vmem>> -> memref<80xi32, #tpu.memory_space<vmem>>
        %dma_start3A_78 = arith.constant 0 : i32
        %dma_start3A_79 = arith.constant 0 : i32
        %dma_start3A_80 = tpu.memref_slice %arg2[%dma_start3A_78, %dma_start3A_79] : memref<10000x128xf32, #tpu.memory_space<hbm>> -> memref<10000x128xf32, #tpu.memory_space<hbm>>
        tpu.enqueue_indirect_dma source(%dma_start3A_80 : memref<10000x128xf32, #tpu.memory_space<hbm>>) target(%arg10 : memref<80x128xf32, #tpu.memory_space<vmem>>) offsets(%dma_start3A_77 : memref<80xi32, #tpu.memory_space<vmem>>) semaphore(%arg14 : memref<!tpu.dma_semaphore, #tpu.memory_space<semaphore_mem>>)
        %dma_start3A_81 = arith.constant 0 : i32
        %dma_start3A_82 = tpu.memref_slice %arg9[%add3A_74, %dma_start3A_81] : memref<128x80xi32, #tpu.memory_space<vmem>> -> memref<1x80xi32, #tpu.memory_space<vmem>>
        %dma_start3A_83 = tpu.memref_squeeze %dma_start3A_82 : memref<1x80xi32, #tpu.memory_space<vmem>> -> memref<80xi32, #tpu.memory_space<vmem>>
        %dma_start3A_84 = arith.constant 0 : i32
        %dma_start3A_85 = arith.constant 0 : i32
        %dma_start3A_86 = tpu.memref_slice %arg3[%dma_start3A_84, %dma_start3A_85] : memref<10000x128xf32, #tpu.memory_space<hbm>> -> memref<10000x128xf32, #tpu.memory_space<hbm>>
        tpu.enqueue_indirect_dma source(%dma_start3A_86 : memref<10000x128xf32, #tpu.memory_space<hbm>>) target(%arg12 : memref<80x128xf32, #tpu.memory_space<vmem>>) offsets(%dma_start3A_83 : memref<80xi32, #tpu.memory_space<vmem>>) semaphore(%arg16 : memref<!tpu.dma_semaphore, #tpu.memory_space<semaphore_mem>>)
      } else {
      }
      %add3A_57 = arith.addi %mul3A_2, %add3A_49 : i32
      %mul3A_58 = arith.constant 80 : i32
      %mul3A_59 = arith.muli %add3A_57, %mul3A_58 : i32
      %dma_wait3A_60 = arith.constant 0 : i32
      %dma_wait3A_61 = tpu.memref_slice %arg8[%add3A_49, %dma_wait3A_60] : memref<128x80xi32, #tpu.memory_space<vmem>> -> memref<1x80xi32, #tpu.memory_space<vmem>>
      %dma_wait3A_62 = tpu.memref_squeeze %dma_wait3A_61 : memref<1x80xi32, #tpu.memory_space<vmem>> -> memref<80xi32, #tpu.memory_space<vmem>>
      %dma_wait3A_63 = arith.constant 0 : i32
      %dma_wait3A_64 = arith.constant 0 : i32
      %dma_wait3A_65 = tpu.memref_slice %arg2[%dma_wait3A_63, %dma_wait3A_64] : memref<10000x128xf32, #tpu.memory_space<hbm>> -> memref<10000x128xf32, #tpu.memory_space<hbm>>
      tpu.wait_indirect_dma semaphore(%arg15 : memref<!tpu.dma_semaphore, #tpu.memory_space<semaphore_mem>>) src(%dma_wait3A_65 : memref<10000x128xf32, #tpu.memory_space<hbm>>) dst(%arg11 : memref<80x128xf32, #tpu.memory_space<vmem>>)
      "tpu.region"() ({
        %run_scoped3A = tpu.sem_alloc : memref<!tpu.dma_semaphore, #tpu.memory_space<semaphore_mem>>
        %dma_start3A_73 = arith.constant 0 : i32
        %dma_start3A_74 = tpu.memref_slice %arg6[%mul3A_59, %dma_start3A_73] : memref<327680x128xf32, #tpu.memory_space<hbm>> -> memref<80x128xf32, #tpu.memory_space<hbm>>
        %dma_start3A_75 = arith.constant 0 : i32
        %dma_start3A_76 = tpu.memref_slice %arg6[%mul3A_59, %dma_start3A_75] : memref<327680x128xf32, #tpu.memory_space<hbm>> -> memref<80x128xf32, #tpu.memory_space<hbm>>
        tpu.enqueue_dma source(%arg11 : memref<80x128xf32, #tpu.memory_space<vmem>>) target(%dma_start3A_76 : memref<80x128xf32, #tpu.memory_space<hbm>>) target_semaphore(%run_scoped3A : memref<!tpu.dma_semaphore, #tpu.memory_space<semaphore_mem>>)
        %dma_wait3A_77 = arith.constant 0 : i32
        %dma_wait3A_78 = tpu.memref_slice %arg6[%mul3A_59, %dma_wait3A_77] : memref<327680x128xf32, #tpu.memory_space<hbm>> -> memref<80x128xf32, #tpu.memory_space<hbm>>
        %dma_wait3A_79 = arith.constant 0 : i32
        %dma_wait3A_80 = tpu.memref_slice %arg6[%mul3A_59, %dma_wait3A_79] : memref<327680x128xf32, #tpu.memory_space<hbm>> -> memref<80x128xf32, #tpu.memory_space<hbm>>
        tpu.wait_dma2 semaphore(%run_scoped3A : memref<!tpu.dma_semaphore, #tpu.memory_space<semaphore_mem>>) src(%arg11 : memref<80x128xf32, #tpu.memory_space<vmem>>) dst(%dma_wait3A_80 : memref<80x128xf32, #tpu.memory_space<hbm>>)
        tpu.yield
      }) : () -> ()
      %dma_wait3A_66 = arith.constant 0 : i32
      %dma_wait3A_67 = tpu.memref_slice %arg9[%add3A_49, %dma_wait3A_66] : memref<128x80xi32, #tpu.memory_space<vmem>> -> memref<1x80xi32, #tpu.memory_space<vmem>>
      %dma_wait3A_68 = tpu.memref_squeeze %dma_wait3A_67 : memref<1x80xi32, #tpu.memory_space<vmem>> -> memref<80xi32, #tpu.memory_space<vmem>>
      %dma_wait3A_69 = arith.constant 0 : i32
      %dma_wait3A_70 = arith.constant 0 : i32
      %dma_wait3A_71 = tpu.memref_slice %arg3[%dma_wait3A_69, %dma_wait3A_70] : memref<10000x128xf32, #tpu.memory_space<hbm>> -> memref<10000x128xf32, #tpu.memory_space<hbm>>
      tpu.wait_indirect_dma semaphore(%arg17 : memref<!tpu.dma_semaphore, #tpu.memory_space<semaphore_mem>>) src(%dma_wait3A_71 : memref<10000x128xf32, #tpu.memory_space<hbm>>) dst(%arg13 : memref<80x128xf32, #tpu.memory_space<vmem>>)
      "tpu.region"() ({
        %run_scoped3A = tpu.sem_alloc : memref<!tpu.dma_semaphore, #tpu.memory_space<semaphore_mem>>
        %dma_start3A_73 = arith.constant 0 : i32
        %dma_start3A_74 = tpu.memref_slice %arg7[%mul3A_59, %dma_start3A_73] : memref<327680x128xf32, #tpu.memory_space<hbm>> -> memref<80x128xf32, #tpu.memory_space<hbm>>
        %dma_start3A_75 = arith.constant 0 : i32
        %dma_start3A_76 = tpu.memref_slice %arg7[%mul3A_59, %dma_start3A_75] : memref<327680x128xf32, #tpu.memory_space<hbm>> -> memref<80x128xf32, #tpu.memory_space<hbm>>
        tpu.enqueue_dma source(%arg13 : memref<80x128xf32, #tpu.memory_space<vmem>>) target(%dma_start3A_76 : memref<80x128xf32, #tpu.memory_space<hbm>>) target_semaphore(%run_scoped3A : memref<!tpu.dma_semaphore, #tpu.memory_space<semaphore_mem>>)
        %dma_wait3A_77 = arith.constant 0 : i32
        %dma_wait3A_78 = tpu.memref_slice %arg7[%mul3A_59, %dma_wait3A_77] : memref<327680x128xf32, #tpu.memory_space<hbm>> -> memref<80x128xf32, #tpu.memory_space<hbm>>
        %dma_wait3A_79 = arith.constant 0 : i32
        %dma_wait3A_80 = tpu.memref_slice %arg7[%mul3A_59, %dma_wait3A_79] : memref<327680x128xf32, #tpu.memory_space<hbm>> -> memref<80x128xf32, #tpu.memory_space<hbm>>
        tpu.wait_dma2 semaphore(%run_scoped3A : memref<!tpu.dma_semaphore, #tpu.memory_space<semaphore_mem>>) src(%arg13 : memref<80x128xf32, #tpu.memory_space<vmem>>) dst(%dma_wait3A_80 : memref<80x128xf32, #tpu.memory_space<hbm>>)
        tpu.yield
      }) : () -> ()
      %scan3A_72 = arith.constant 0 : i32
      scf.yield %scan3A_72 : i32
    }
    %scan3A_21 = arith.constant 64 : i32
    return
  }
}

#map = affine_map<(d0, d1) -> (0, 0)>
#map1 = affine_map<(d0, d1) -> (0, 0, 0)>
module attributes {stable_mosaic.version = 14 : i64} {
  func.func @k(%arg0: i32, %arg1: i32, %arg2: memref<327680x128xf32, #tpu.memory_space<hbm>>, %arg3: memref<32x128x80xi32, #tpu.memory_space<hbm>>, %arg4: memref<632x128xf32, #tpu.memory_space<hbm>>, %arg5: memref<2x10112x128xf32, #tpu.memory_space<hbm>>, %arg6: memref<128x80xi32, #tpu.memory_space<vmem>>, %arg7: memref<10112x128xf32, #tpu.memory_space<vmem_shared>>, %arg8: memref<80x128xf32, #tpu.memory_space<vmem>>, %arg9: memref<80x128xf32, #tpu.memory_space<vmem>>, %arg10: memref<!tpu.dma_semaphore, #tpu.memory_space<semaphore_mem>>, %arg11: memref<!tpu.dma_semaphore, #tpu.memory_space<semaphore_mem>>) attributes {dimension_semantics = [#tpu.dimension_semantics<core_parallel>, #tpu.dimension_semantics<subcore_parallel>], iteration_bounds = array<i64: 2, 16>, scalar_prefetch = 0 : i64, scratch_operands = 6 : i64, tpu.core_type = #tpu.core_type<sc_vector_subcore>, window_params = [{transform_indices = #map}, {transform_indices = #map1}, {transform_indices = #map}, {transform_indices = #map1}]} {
    %mul3A = arith.constant 2 : i32
    %mul3A_0 = arith.muli %arg1, %mul3A : i32
    %add3A = arith.addi %mul3A_0, %arg0 : i32
    %mul3A_1 = arith.constant 128 : i32
    %mul3A_2 = arith.muli %add3A, %mul3A_1 : i32
    %mul3A_3 = arith.constant 632 : i32
    %mul3A_4 = arith.muli %arg1, %mul3A_3 : i32
    "tpu.region"() ({
      %run_scoped3A = tpu.sem_alloc : memref<!tpu.dma_semaphore, #tpu.memory_space<semaphore_mem>>
      %dma_start3A_23 = arith.constant 0 : i32
      %dma_start3A_24 = tpu.memref_slice %arg7[%mul3A_4, %dma_start3A_23] : memref<10112x128xf32, #tpu.memory_space<vmem_shared>> -> memref<632x128xf32, #tpu.memory_space<vmem_shared>>
      tpu.enqueue_dma source(%arg4 : memref<632x128xf32, #tpu.memory_space<hbm>>) target(%dma_start3A_24 : memref<632x128xf32, #tpu.memory_space<vmem_shared>>) target_semaphore(%run_scoped3A : memref<!tpu.dma_semaphore, #tpu.memory_space<semaphore_mem>>)
      %dma_wait3A = arith.constant 0 : i32
      %dma_wait3A_25 = tpu.memref_slice %arg7[%mul3A_4, %dma_wait3A] : memref<10112x128xf32, #tpu.memory_space<vmem_shared>> -> memref<632x128xf32, #tpu.memory_space<vmem_shared>>
      tpu.wait_dma2 semaphore(%run_scoped3A : memref<!tpu.dma_semaphore, #tpu.memory_space<semaphore_mem>>) src(%arg4 : memref<632x128xf32, #tpu.memory_space<hbm>>) dst(%dma_wait3A_25 : memref<632x128xf32, #tpu.memory_space<vmem_shared>>)
      tpu.yield
    }) : () -> ()
    "tpu.region"() ({
      %run_scoped3A = tpu.sem_alloc : memref<!tpu.dma_semaphore, #tpu.memory_space<semaphore_mem>>
      %dma_start3A_23 = arith.constant 0 : i32
      %dma_start3A_24 = arith.constant 0 : i32
      %dma_start3A_25 = tpu.memref_slice %arg3[%add3A, %dma_start3A_23, %dma_start3A_24] : memref<32x128x80xi32, #tpu.memory_space<hbm>> -> memref<1x128x80xi32, #tpu.memory_space<hbm>>
      %dma_start3A_26 = tpu.memref_squeeze %dma_start3A_25 : memref<1x128x80xi32, #tpu.memory_space<hbm>> -> memref<128x80xi32, #tpu.memory_space<hbm>>
      %dma_start3A_27 = arith.constant 0 : i32
      %dma_start3A_28 = arith.constant 0 : i32
      %dma_start3A_29 = tpu.memref_slice %arg3[%add3A, %dma_start3A_27, %dma_start3A_28] : memref<32x128x80xi32, #tpu.memory_space<hbm>> -> memref<1x128x80xi32, #tpu.memory_space<hbm>>
      %dma_start3A_30 = tpu.memref_squeeze %dma_start3A_29 : memref<1x128x80xi32, #tpu.memory_space<hbm>> -> memref<128x80xi32, #tpu.memory_space<hbm>>
      tpu.enqueue_dma source(%dma_start3A_30 : memref<128x80xi32, #tpu.memory_space<hbm>>) target(%arg6 : memref<128x80xi32, #tpu.memory_space<vmem>>) target_semaphore(%run_scoped3A : memref<!tpu.dma_semaphore, #tpu.memory_space<semaphore_mem>>)
      %dma_wait3A = arith.constant 0 : i32
      %dma_wait3A_31 = arith.constant 0 : i32
      %dma_wait3A_32 = tpu.memref_slice %arg3[%add3A, %dma_wait3A, %dma_wait3A_31] : memref<32x128x80xi32, #tpu.memory_space<hbm>> -> memref<1x128x80xi32, #tpu.memory_space<hbm>>
      %dma_wait3A_33 = tpu.memref_squeeze %dma_wait3A_32 : memref<1x128x80xi32, #tpu.memory_space<hbm>> -> memref<128x80xi32, #tpu.memory_space<hbm>>
      %dma_wait3A_34 = arith.constant 0 : i32
      %dma_wait3A_35 = arith.constant 0 : i32
      %dma_wait3A_36 = tpu.memref_slice %arg3[%add3A, %dma_wait3A_34, %dma_wait3A_35] : memref<32x128x80xi32, #tpu.memory_space<hbm>> -> memref<1x128x80xi32, #tpu.memory_space<hbm>>
      %dma_wait3A_37 = tpu.memref_squeeze %dma_wait3A_36 : memref<1x128x80xi32, #tpu.memory_space<hbm>> -> memref<128x80xi32, #tpu.memory_space<hbm>>
      tpu.wait_dma2 semaphore(%run_scoped3A : memref<!tpu.dma_semaphore, #tpu.memory_space<semaphore_mem>>) src(%dma_wait3A_37 : memref<128x80xi32, #tpu.memory_space<hbm>>) dst(%arg6 : memref<128x80xi32, #tpu.memory_space<vmem>>)
      tpu.yield
    }) : () -> ()
    %barrier3A = arith.constant 0 : index
    tpu.barrier barrier_id(%barrier3A)
    %add3A_5 = arith.constant 0 : i32
    %add3A_6 = arith.addi %mul3A_2, %add3A_5 : i32
    %mul3A_7 = arith.constant 80 : i32
    %mul3A_8 = arith.muli %add3A_6, %mul3A_7 : i32
    %dma_start3A = arith.constant 0 : i32
    %dma_start3A_9 = tpu.memref_slice %arg2[%mul3A_8, %dma_start3A] : memref<327680x128xf32, #tpu.memory_space<hbm>> -> memref<80x128xf32, #tpu.memory_space<hbm>>
    %dma_start3A_10 = arith.constant 0 : i32
    %dma_start3A_11 = tpu.memref_slice %arg2[%mul3A_8, %dma_start3A_10] : memref<327680x128xf32, #tpu.memory_space<hbm>> -> memref<80x128xf32, #tpu.memory_space<hbm>>
    tpu.enqueue_dma source(%dma_start3A_11 : memref<80x128xf32, #tpu.memory_space<hbm>>) target(%arg8 : memref<80x128xf32, #tpu.memory_space<vmem>>) target_semaphore(%arg10 : memref<!tpu.dma_semaphore, #tpu.memory_space<semaphore_mem>>)
    %scan3A = arith.constant 0 : i32
    %scan3A_12 = arith.constant 0 : i32
    %scan3A_13 = arith.constant 64 : i32
    %scan3A_14 = arith.addi %scan3A_12, %scan3A_13 : i32
    %scan3A_15 = arith.constant 1 : i32
    %scan3A_16 = scf.for %scan3A_23 = %scan3A_12 to %scan3A_14 step %scan3A_15 iter_args(%scan3A_24 = %scan3A) -> (i32)  : i32 {
      %mul3A_25 = arith.constant 2 : i32
      %mul3A_26 = arith.muli %mul3A_25, %scan3A_23 : i32
      %add3A_27 = arith.constant 0 : i32
      %add3A_28 = arith.addi %mul3A_26, %add3A_27 : i32
      %add3A_29 = arith.constant 1 : i32
      %add3A_30 = arith.addi %add3A_28, %add3A_29 : i32
      %lt3A = arith.constant 128 : i32
      %lt3A_31 = arith.cmpi slt, %add3A_30, %lt3A : i32
      %convert_element_type3A = arith.extui %lt3A_31 : i1 to i32
      %cond3A = arith.constant 0 : i32
      %cond3A_32 = arith.cmpi ne, %convert_element_type3A, %cond3A : i32
      scf.if %cond3A_32 {
        %add3A_58 = arith.constant 1 : i32
        %add3A_59 = arith.addi %add3A_28, %add3A_58 : i32
        %add3A_60 = arith.addi %mul3A_2, %add3A_59 : i32
        %mul3A_61 = arith.constant 80 : i32
        %mul3A_62 = arith.muli %add3A_60, %mul3A_61 : i32
        %dma_start3A_63 = arith.constant 0 : i32
        %dma_start3A_64 = tpu.memref_slice %arg2[%mul3A_62, %dma_start3A_63] : memref<327680x128xf32, #tpu.memory_space<hbm>> -> memref<80x128xf32, #tpu.memory_space<hbm>>
        %dma_start3A_65 = arith.constant 0 : i32
        %dma_start3A_66 = tpu.memref_slice %arg2[%mul3A_62, %dma_start3A_65] : memref<327680x128xf32, #tpu.memory_space<hbm>> -> memref<80x128xf32, #tpu.memory_space<hbm>>
        tpu.enqueue_dma source(%dma_start3A_66 : memref<80x128xf32, #tpu.memory_space<hbm>>) target(%arg9 : memref<80x128xf32, #tpu.memory_space<vmem>>) target_semaphore(%arg11 : memref<!tpu.dma_semaphore, #tpu.memory_space<semaphore_mem>>)
      } else {
      }
      %add3A_33 = arith.addi %mul3A_2, %add3A_28 : i32
      %mul3A_34 = arith.constant 80 : i32
      %mul3A_35 = arith.muli %add3A_33, %mul3A_34 : i32
      %dma_wait3A = arith.constant 0 : i32
      %dma_wait3A_36 = tpu.memref_slice %arg2[%mul3A_35, %dma_wait3A] : memref<327680x128xf32, #tpu.memory_space<hbm>> -> memref<80x128xf32, #tpu.memory_space<hbm>>
      %dma_wait3A_37 = arith.constant 0 : i32
      %dma_wait3A_38 = tpu.memref_slice %arg2[%mul3A_35, %dma_wait3A_37] : memref<327680x128xf32, #tpu.memory_space<hbm>> -> memref<80x128xf32, #tpu.memory_space<hbm>>
      tpu.wait_dma2 semaphore(%arg10 : memref<!tpu.dma_semaphore, #tpu.memory_space<semaphore_mem>>) src(%dma_wait3A_38 : memref<80x128xf32, #tpu.memory_space<hbm>>) dst(%arg8 : memref<80x128xf32, #tpu.memory_space<vmem>>)
      "tpu.region"() ({
        %run_scoped3A = tpu.sem_alloc : memref<!tpu.dma_semaphore, #tpu.memory_space<semaphore_mem>>
        %dma_start3A_58 = arith.constant 0 : i32
        %dma_start3A_59 = tpu.memref_slice %arg6[%add3A_28, %dma_start3A_58] : memref<128x80xi32, #tpu.memory_space<vmem>> -> memref<1x80xi32, #tpu.memory_space<vmem>>
        %dma_start3A_60 = tpu.memref_squeeze %dma_start3A_59 : memref<1x80xi32, #tpu.memory_space<vmem>> -> memref<80xi32, #tpu.memory_space<vmem>>
        %dma_start3A_61 = arith.constant 0 : i32
        %dma_start3A_62 = arith.constant 0 : i32
        %dma_start3A_63 = tpu.memref_slice %arg7[%dma_start3A_61, %dma_start3A_62] : memref<10112x128xf32, #tpu.memory_space<vmem_shared>> -> memref<10112x128xf32, #tpu.memory_space<vmem_shared>>
        tpu.enqueue_indirect_dma source(%arg8 : memref<80x128xf32, #tpu.memory_space<vmem>>) target(%dma_start3A_63 : memref<10112x128xf32, #tpu.memory_space<vmem_shared>>) offsets(%dma_start3A_60 : memref<80xi32, #tpu.memory_space<vmem>>) semaphore(%run_scoped3A : memref<!tpu.dma_semaphore, #tpu.memory_space<semaphore_mem>>) {add = true}
        %dma_wait3A_64 = arith.constant 0 : i32
        %dma_wait3A_65 = tpu.memref_slice %arg6[%add3A_28, %dma_wait3A_64] : memref<128x80xi32, #tpu.memory_space<vmem>> -> memref<1x80xi32, #tpu.memory_space<vmem>>
        %dma_wait3A_66 = tpu.memref_squeeze %dma_wait3A_65 : memref<1x80xi32, #tpu.memory_space<vmem>> -> memref<80xi32, #tpu.memory_space<vmem>>
        %dma_wait3A_67 = arith.constant 0 : i32
        %dma_wait3A_68 = arith.constant 0 : i32
        %dma_wait3A_69 = tpu.memref_slice %arg7[%dma_wait3A_67, %dma_wait3A_68] : memref<10112x128xf32, #tpu.memory_space<vmem_shared>> -> memref<10112x128xf32, #tpu.memory_space<vmem_shared>>
        tpu.wait_indirect_dma semaphore(%run_scoped3A : memref<!tpu.dma_semaphore, #tpu.memory_space<semaphore_mem>>) src(%arg8 : memref<80x128xf32, #tpu.memory_space<vmem>>) dst(%dma_wait3A_69 : memref<10112x128xf32, #tpu.memory_space<vmem_shared>>)
        tpu.yield
      }) : () -> ()
      %mul3A_39 = arith.constant 2 : i32
      %mul3A_40 = arith.muli %mul3A_39, %scan3A_23 : i32
      %add3A_41 = arith.constant 1 : i32
      %add3A_42 = arith.addi %mul3A_40, %add3A_41 : i32
      %add3A_43 = arith.constant 1 : i32
      %add3A_44 = arith.addi %add3A_42, %add3A_43 : i32
      %lt3A_45 = arith.constant 128 : i32
      %lt3A_46 = arith.cmpi slt, %add3A_44, %lt3A_45 : i32
      %convert_element_type3A_47 = arith.extui %lt3A_46 : i1 to i32
      %cond3A_48 = arith.constant 0 : i32
      %cond3A_49 = arith.cmpi ne, %convert_element_type3A_47, %cond3A_48 : i32
      scf.if %cond3A_49 {
        %add3A_58 = arith.constant 1 : i32
        %add3A_59 = arith.addi %add3A_42, %add3A_58 : i32
        %add3A_60 = arith.addi %mul3A_2, %add3A_59 : i32
        %mul3A_61 = arith.constant 80 : i32
        %mul3A_62 = arith.muli %add3A_60, %mul3A_61 : i32
        %dma_start3A_63 = arith.constant 0 : i32
        %dma_start3A_64 = tpu.memref_slice %arg2[%mul3A_62, %dma_start3A_63] : memref<327680x128xf32, #tpu.memory_space<hbm>> -> memref<80x128xf32, #tpu.memory_space<hbm>>
        %dma_start3A_65 = arith.constant 0 : i32
        %dma_start3A_66 = tpu.memref_slice %arg2[%mul3A_62, %dma_start3A_65] : memref<327680x128xf32, #tpu.memory_space<hbm>> -> memref<80x128xf32, #tpu.memory_space<hbm>>
        tpu.enqueue_dma source(%dma_start3A_66 : memref<80x128xf32, #tpu.memory_space<hbm>>) target(%arg8 : memref<80x128xf32, #tpu.memory_space<vmem>>) target_semaphore(%arg10 : memref<!tpu.dma_semaphore, #tpu.memory_space<semaphore_mem>>)
      } else {
      }
      %add3A_50 = arith.addi %mul3A_2, %add3A_42 : i32
      %mul3A_51 = arith.constant 80 : i32
      %mul3A_52 = arith.muli %add3A_50, %mul3A_51 : i32
      %dma_wait3A_53 = arith.constant 0 : i32
      %dma_wait3A_54 = tpu.memref_slice %arg2[%mul3A_52, %dma_wait3A_53] : memref<327680x128xf32, #tpu.memory_space<hbm>> -> memref<80x128xf32, #tpu.memory_space<hbm>>
      %dma_wait3A_55 = arith.constant 0 : i32
      %dma_wait3A_56 = tpu.memref_slice %arg2[%mul3A_52, %dma_wait3A_55] : memref<327680x128xf32, #tpu.memory_space<hbm>> -> memref<80x128xf32, #tpu.memory_space<hbm>>
      tpu.wait_dma2 semaphore(%arg11 : memref<!tpu.dma_semaphore, #tpu.memory_space<semaphore_mem>>) src(%dma_wait3A_56 : memref<80x128xf32, #tpu.memory_space<hbm>>) dst(%arg9 : memref<80x128xf32, #tpu.memory_space<vmem>>)
      "tpu.region"() ({
        %run_scoped3A = tpu.sem_alloc : memref<!tpu.dma_semaphore, #tpu.memory_space<semaphore_mem>>
        %dma_start3A_58 = arith.constant 0 : i32
        %dma_start3A_59 = tpu.memref_slice %arg6[%add3A_42, %dma_start3A_58] : memref<128x80xi32, #tpu.memory_space<vmem>> -> memref<1x80xi32, #tpu.memory_space<vmem>>
        %dma_start3A_60 = tpu.memref_squeeze %dma_start3A_59 : memref<1x80xi32, #tpu.memory_space<vmem>> -> memref<80xi32, #tpu.memory_space<vmem>>
        %dma_start3A_61 = arith.constant 0 : i32
        %dma_start3A_62 = arith.constant 0 : i32
        %dma_start3A_63 = tpu.memref_slice %arg7[%dma_start3A_61, %dma_start3A_62] : memref<10112x128xf32, #tpu.memory_space<vmem_shared>> -> memref<10112x128xf32, #tpu.memory_space<vmem_shared>>
        tpu.enqueue_indirect_dma source(%arg9 : memref<80x128xf32, #tpu.memory_space<vmem>>) target(%dma_start3A_63 : memref<10112x128xf32, #tpu.memory_space<vmem_shared>>) offsets(%dma_start3A_60 : memref<80xi32, #tpu.memory_space<vmem>>) semaphore(%run_scoped3A : memref<!tpu.dma_semaphore, #tpu.memory_space<semaphore_mem>>) {add = true}
        %dma_wait3A_64 = arith.constant 0 : i32
        %dma_wait3A_65 = tpu.memref_slice %arg6[%add3A_42, %dma_wait3A_64] : memref<128x80xi32, #tpu.memory_space<vmem>> -> memref<1x80xi32, #tpu.memory_space<vmem>>
        %dma_wait3A_66 = tpu.memref_squeeze %dma_wait3A_65 : memref<1x80xi32, #tpu.memory_space<vmem>> -> memref<80xi32, #tpu.memory_space<vmem>>
        %dma_wait3A_67 = arith.constant 0 : i32
        %dma_wait3A_68 = arith.constant 0 : i32
        %dma_wait3A_69 = tpu.memref_slice %arg7[%dma_wait3A_67, %dma_wait3A_68] : memref<10112x128xf32, #tpu.memory_space<vmem_shared>> -> memref<10112x128xf32, #tpu.memory_space<vmem_shared>>
        tpu.wait_indirect_dma semaphore(%run_scoped3A : memref<!tpu.dma_semaphore, #tpu.memory_space<semaphore_mem>>) src(%arg9 : memref<80x128xf32, #tpu.memory_space<vmem>>) dst(%dma_wait3A_69 : memref<10112x128xf32, #tpu.memory_space<vmem_shared>>)
        tpu.yield
      }) : () -> ()
      %scan3A_57 = arith.constant 0 : i32
      scf.yield %scan3A_57 : i32
    }
    %scan3A_17 = arith.constant 64 : i32
    %barrier3A_18 = arith.constant 0 : index
    tpu.barrier barrier_id(%barrier3A_18)
    %mul3A_19 = arith.constant 632 : i32
    %mul3A_20 = arith.muli %arg1, %mul3A_19 : i32
    %mul3A_21 = arith.constant 632 : i32
    %mul3A_22 = arith.muli %arg1, %mul3A_21 : i32
    "tpu.region"() ({
      %run_scoped3A = tpu.sem_alloc : memref<!tpu.dma_semaphore, #tpu.memory_space<semaphore_mem>>
      %dma_start3A_23 = arith.constant 0 : i32
      %dma_start3A_24 = tpu.memref_slice %arg5[%arg0, %mul3A_22, %dma_start3A_23] : memref<2x10112x128xf32, #tpu.memory_space<hbm>> -> memref<1x632x128xf32, #tpu.memory_space<hbm>>
      %dma_start3A_25 = tpu.memref_squeeze %dma_start3A_24 : memref<1x632x128xf32, #tpu.memory_space<hbm>> -> memref<632x128xf32, #tpu.memory_space<hbm>>
      %dma_start3A_26 = arith.constant 0 : i32
      %dma_start3A_27 = tpu.memref_slice %arg7[%mul3A_20, %dma_start3A_26] : memref<10112x128xf32, #tpu.memory_space<vmem_shared>> -> memref<632x128xf32, #tpu.memory_space<vmem_shared>>
      tpu.enqueue_dma source(%dma_start3A_27 : memref<632x128xf32, #tpu.memory_space<vmem_shared>>) target(%dma_start3A_25 : memref<632x128xf32, #tpu.memory_space<hbm>>) target_semaphore(%run_scoped3A : memref<!tpu.dma_semaphore, #tpu.memory_space<semaphore_mem>>)
      %dma_wait3A = arith.constant 0 : i32
      %dma_wait3A_28 = tpu.memref_slice %arg5[%arg0, %mul3A_22, %dma_wait3A] : memref<2x10112x128xf32, #tpu.memory_space<hbm>> -> memref<1x632x128xf32, #tpu.memory_space<hbm>>
      %dma_wait3A_29 = tpu.memref_squeeze %dma_wait3A_28 : memref<1x632x128xf32, #tpu.memory_space<hbm>> -> memref<632x128xf32, #tpu.memory_space<hbm>>
      %dma_wait3A_30 = arith.constant 0 : i32
      %dma_wait3A_31 = tpu.memref_slice %arg7[%mul3A_20, %dma_wait3A_30] : memref<10112x128xf32, #tpu.memory_space<vmem_shared>> -> memref<632x128xf32, #tpu.memory_space<vmem_shared>>
      tpu.wait_dma2 semaphore(%run_scoped3A : memref<!tpu.dma_semaphore, #tpu.memory_space<semaphore_mem>>) src(%dma_wait3A_31 : memref<632x128xf32, #tpu.memory_space<vmem_shared>>) dst(%dma_wait3A_29 : memref<632x128xf32, #tpu.memory_space<hbm>>)
      tpu.yield
    }) : () -> ()
    return
  }
}

module attributes {stable_mosaic.version = 14 : i64} {
  func.func @body(%arg0: i32, %arg1: memref<2000x128xf32, #tpu.memory_space<vmem>>, %arg2: memref<128x128xf32, #tpu.memory_space<vmem>>, %arg3: memref<1x128xf32, #tpu.memory_space<vmem>>, %arg4: memref<128x128xf32, #tpu.memory_space<vmem>>, %arg5: memref<128x128xf32, #tpu.memory_space<vmem>>, %arg6: memref<2000x128xf32, #tpu.memory_space<vmem>>, %arg7: memref<2000x128xf32, #tpu.memory_space<vmem>>, %arg8: memref<2000x128xf32, #tpu.memory_space<vmem>>) attributes {dimension_semantics = [#tpu.dimension_semantics<arbitrary>], iteration_bounds = array<i64: 5>, scalar_prefetch = 0 : i64, scratch_operands = 0 : i64, tpu.core_type = #tpu.core_type<tc>, window_params = [{transform_indices = @transform_0, window_bounds = array<i64: 2000, 128>}, {pipeline_mode = #tpu.pipeline_mode<synchronous>, transform_indices = @transform_1, window_bounds = array<i64: 128, 128>}, {pipeline_mode = #tpu.pipeline_mode<synchronous>, transform_indices = @transform_2, window_bounds = array<i64: 1, 128>}, {pipeline_mode = #tpu.pipeline_mode<synchronous>, transform_indices = @transform_3, window_bounds = array<i64: 128, 128>}, {pipeline_mode = #tpu.pipeline_mode<synchronous>, transform_indices = @transform_4, window_bounds = array<i64: 128, 128>}, {transform_indices = @transform_5, window_bounds = array<i64: 2000, 128>}, {transform_indices = @transform_6, window_bounds = array<i64: 2000, 128>}, {transform_indices = @transform_7, window_bounds = array<i64: 2000, 128>}]} {
    %get3A = arith.constant 0 : index
    %get3A_0 = arith.constant 0 : index
    %get3A_1 = vector.load %arg1[%get3A, %get3A_0] : memref<2000x128xf32, #tpu.memory_space<vmem>>, vector<2000x128xf32>
    %get3A_2 = arith.constant 0 : index
    %get3A_3 = arith.constant 0 : index
    %get3A_4 = vector.load %arg2[%get3A_2, %get3A_3] : memref<128x128xf32, #tpu.memory_space<vmem>>, vector<128x128xf32>
    %dot_general3A = arith.constant dense<0.000000e+00> : vector<2000x128xf32>
    %dot_general3A_5 = tpu.matmul %get3A_1, %get3A_4, %dot_general3A {dimension_numbers = #tpu.dot_dimension_numbers<[1], [0], [0], [1], [0, 0, 1, 1], [], []>, transpose_lhs_hint = false} : vector<2000x128xf32>, vector<128x128xf32>, vector<2000x128xf32> -> vector<2000x128xf32>
    %get3A_6 = arith.constant 0 : index
    %get3A_7 = arith.constant 0 : index
    %get3A_8 = vector.load %arg3[%get3A_6, %get3A_7] : memref<1x128xf32, #tpu.memory_space<vmem>>, vector<1x128xf32>
    %add3A = vector.broadcast %get3A_8 : vector<1x128xf32> to vector<2000x128xf32>
    %add3A_9 = arith.addf %dot_general3A_5, %add3A : vector<2000x128xf32>
    %swap3A = arith.constant 0 : index
    %swap3A_10 = arith.constant 0 : index
    %swap3A_11 = vector.load %arg6[%swap3A, %swap3A_10] : memref<2000x128xf32, #tpu.memory_space<vmem>>, vector<2000x128xf32>
    tpu.vector_store %arg6[%swap3A, %swap3A_10], %add3A_9 {strides = array<i32>} : memref<2000x128xf32, #tpu.memory_space<vmem>>, vector<2000x128xf32>,
    %get3A_12 = arith.constant 0 : index
    %get3A_13 = arith.constant 0 : index
    %get3A_14 = vector.load %arg4[%get3A_12, %get3A_13] : memref<128x128xf32, #tpu.memory_space<vmem>>, vector<128x128xf32>
    %dot_general3A_15 = arith.constant dense<0.000000e+00> : vector<2000x128xf32>
    %dot_general3A_16 = tpu.matmul %add3A_9, %get3A_14, %dot_general3A_15 {dimension_numbers = #tpu.dot_dimension_numbers<[1], [0], [0], [1], [0, 0, 1, 1], [], []>, transpose_lhs_hint = false} : vector<2000x128xf32>, vector<128x128xf32>, vector<2000x128xf32> -> vector<2000x128xf32>
    %swap3A_17 = arith.constant 0 : index
    %swap3A_18 = arith.constant 0 : index
    %swap3A_19 = vector.load %arg7[%swap3A_17, %swap3A_18] : memref<2000x128xf32, #tpu.memory_space<vmem>>, vector<2000x128xf32>
    tpu.vector_store %arg7[%swap3A_17, %swap3A_18], %dot_general3A_16 {strides = array<i32>} : memref<2000x128xf32, #tpu.memory_space<vmem>>, vector<2000x128xf32>,
    %get3A_20 = arith.constant 0 : index
    %get3A_21 = arith.constant 0 : index
    %get3A_22 = vector.load %arg5[%get3A_20, %get3A_21] : memref<128x128xf32, #tpu.memory_space<vmem>>, vector<128x128xf32>
    %dot_general3A_23 = arith.constant dense<0.000000e+00> : vector<2000x128xf32>
    %dot_general3A_24 = tpu.matmul %add3A_9, %get3A_22, %dot_general3A_23 {dimension_numbers = #tpu.dot_dimension_numbers<[1], [0], [0], [1], [0, 0, 1, 1], [], []>, transpose_lhs_hint = false} : vector<2000x128xf32>, vector<128x128xf32>, vector<2000x128xf32> -> vector<2000x128xf32>
    %swap3A_25 = arith.constant 0 : index
    %swap3A_26 = arith.constant 0 : index
    %swap3A_27 = vector.load %arg8[%swap3A_25, %swap3A_26] : memref<2000x128xf32, #tpu.memory_space<vmem>>, vector<2000x128xf32>
    tpu.vector_store %arg8[%swap3A_25, %swap3A_26], %dot_general3A_24 {strides = array<i32>} : memref<2000x128xf32, #tpu.memory_space<vmem>>, vector<2000x128xf32>,
    return
  }
  func.func @transform_0(%arg0: i32) -> (i32, i32) {
    %c0_i32 = arith.constant 0 : i32
    %c0_i32_0 = arith.constant 0 : i32
    return %arg0, %c0_i32 : i32, i32
  }
  func.func @transform_1(%arg0: i32) -> (i32, i32) {
    %c0_i32 = arith.constant 0 : i32
    %c0_i32_0 = arith.constant 0 : i32
    %c0_i32_1 = arith.constant 0 : i32
    return %c0_i32, %c0_i32_0 : i32, i32
  }
  func.func @transform_2(%arg0: i32) -> (i32, i32) {
    %c0_i32 = arith.constant 0 : i32
    %c0_i32_0 = arith.constant 0 : i32
    %c0_i32_1 = arith.constant 0 : i32
    return %c0_i32, %c0_i32_0 : i32, i32
  }
  func.func @transform_3(%arg0: i32) -> (i32, i32) {
    %c0_i32 = arith.constant 0 : i32
    %c0_i32_0 = arith.constant 0 : i32
    %c0_i32_1 = arith.constant 0 : i32
    return %c0_i32, %c0_i32_0 : i32, i32
  }
  func.func @transform_4(%arg0: i32) -> (i32, i32) {
    %c0_i32 = arith.constant 0 : i32
    %c0_i32_0 = arith.constant 0 : i32
    %c0_i32_1 = arith.constant 0 : i32
    return %c0_i32, %c0_i32_0 : i32, i32
  }
  func.func @transform_5(%arg0: i32) -> (i32, i32) {
    %c0_i32 = arith.constant 0 : i32
    %c0_i32_0 = arith.constant 0 : i32
    return %arg0, %c0_i32 : i32, i32
  }
  func.func @transform_6(%arg0: i32) -> (i32, i32) {
    %c0_i32 = arith.constant 0 : i32
    %c0_i32_0 = arith.constant 0 : i32
    return %arg0, %c0_i32 : i32, i32
  }
  func.func @transform_7(%arg0: i32) -> (i32, i32) {
    %c0_i32 = arith.constant 0 : i32
    %c0_i32_0 = arith.constant 0 : i32
    return %arg0, %c0_i32 : i32, i32
  }
}

module attributes {stable_mosaic.version = 14 : i64} {
  func.func @body(%arg0: i32, %arg1: memref<2048x128xf32, #tpu.memory_space<vmem>>, %arg2: memref<2048x128xf32, #tpu.memory_space<vmem>>, %arg3: memref<16x128xf32, #tpu.memory_space<vmem>>, %arg4: memref<1x128xf32, #tpu.memory_space<vmem>>, %arg5: memref<1x128xf32, #tpu.memory_space<vmem>>, %arg6: memref<128x128xf32, #tpu.memory_space<vmem>>, %arg7: memref<1x128xf32, #tpu.memory_space<vmem>>, %arg8: memref<2048x128xf32, #tpu.memory_space<vmem>>) attributes {dimension_semantics = [#tpu.dimension_semantics<arbitrary>], iteration_bounds = array<i64: 160>, scalar_prefetch = 0 : i64, scratch_operands = 0 : i64, tpu.core_type = #tpu.core_type<tc>, window_params = [{transform_indices = @transform_0, window_bounds = array<i64: 2048, 128>}, {transform_indices = @transform_1, window_bounds = array<i64: 2048, 128>}, {transform_indices = @transform_2, window_bounds = array<i64: 16, 128>}, {pipeline_mode = #tpu.pipeline_mode<synchronous>, transform_indices = @transform_3, window_bounds = array<i64: 1, 128>}, {pipeline_mode = #tpu.pipeline_mode<synchronous>, transform_indices = @transform_4, window_bounds = array<i64: 1, 128>}, {pipeline_mode = #tpu.pipeline_mode<synchronous>, transform_indices = @transform_5, window_bounds = array<i64: 128, 128>}, {pipeline_mode = #tpu.pipeline_mode<synchronous>, transform_indices = @transform_6, window_bounds = array<i64: 1, 128>}, {transform_indices = @transform_7, window_bounds = array<i64: 2048, 128>}]} {
    %get3A = arith.constant 0 : index
    %get3A_0 = arith.constant 0 : index
    %get3A_1 = vector.load %arg3[%get3A, %get3A_0] : memref<16x128xf32, #tpu.memory_space<vmem>>, vector<16x128xf32>
    %add3A = arith.constant 9.99999996E-13 : f32
    %add3A_2 = vector.broadcast %add3A : f32 to vector<16x128xf32>
    %add3A_3 = arith.addf %get3A_1, %add3A_2 : vector<16x128xf32>
    %sqrt3A = math.sqrt %add3A_3 : vector<16x128xf32>
    %iota3A = tpu.iota {dimensions = array<i32: 0>} : vector<2048x16xi32>
    %jit3A = arith.constant 128 : i32
    %div3A = vector.broadcast %jit3A : i32 to vector<2048x16xi32>
    %div3A_4 = arith.divsi %iota3A, %div3A : vector<2048x16xi32>
    %sign3A = arith.constant 0 : i32
    %sign3A_5 = vector.broadcast %sign3A : i32 to vector<2048x16xi32>
    %sign3A_6 = arith.cmpi sgt, %iota3A, %sign3A_5 : vector<2048x16xi32>
    %sign3A_7 = arith.extui %sign3A_6 : vector<2048x16xi1> to vector<2048x16xi32>
    %sign3A_8 = arith.constant 0 : i32
    %sign3A_9 = vector.broadcast %sign3A_8 : i32 to vector<2048x16xi32>
    %sign3A_10 = arith.cmpi slt, %iota3A, %sign3A_9 : vector<2048x16xi32>
    %sign3A_11 = arith.extui %sign3A_10 : vector<2048x16xi1> to vector<2048x16xi32>
    %sign3A_12 = arith.subi %sign3A_7, %sign3A_11 : vector<2048x16xi32>
    %sign3A_13 = arith.constant 0 : i32
    %sign3A_14 = arith.cmpi sgt, %jit3A, %sign3A_13 : i32
    %sign3A_15 = arith.extui %sign3A_14 : i1 to i32
    %sign3A_16 = arith.constant 0 : i32
    %sign3A_17 = arith.cmpi slt, %jit3A, %sign3A_16 : i32
    %sign3A_18 = arith.extui %sign3A_17 : i1 to i32
    %sign3A_19 = arith.subi %sign3A_15, %sign3A_18 : i32
    %ne3A = vector.broadcast %sign3A_19 : i32 to vector<2048x16xi32>
    %ne3A_20 = arith.cmpi ne, %sign3A_12, %ne3A : vector<2048x16xi32>
    %rem3A = vector.broadcast %jit3A : i32 to vector<2048x16xi32>
    %rem3A_21 = arith.remsi %iota3A, %rem3A : vector<2048x16xi32>
    %ne3A_22 = arith.constant 0 : i32
    %ne3A_23 = vector.broadcast %ne3A_22 : i32 to vector<2048x16xi32>
    %ne3A_24 = arith.cmpi ne, %rem3A_21, %ne3A_23 : vector<2048x16xi32>
    %and3A = arith.andi %ne3A_20, %ne3A_24 : vector<2048x16xi1>
    %sub3A = arith.constant 1 : i32
    %sub3A_25 = vector.broadcast %sub3A : i32 to vector<2048x16xi32>
    %sub3A_26 = arith.subi %div3A_4, %sub3A_25 : vector<2048x16xi32>
    %select_n3A = arith.select %and3A, %sub3A_26, %div3A_4 : vector<2048x16xi1>, vector<2048x16xi32>
    %iota3A_27 = tpu.iota {dimensions = array<i32: 1>} : vector<2048x16xi32>
    %eq3A = arith.cmpi eq, %select_n3A, %iota3A_27 : vector<2048x16xi32>
    %convert_element_type3A = arith.extui %eq3A : vector<2048x16xi1> to vector<2048x16xi32>
    %convert_element_type3A_28 = arith.sitofp %convert_element_type3A : vector<2048x16xi32> to vector<2048x16xf32>
    %dot_general3A = arith.constant dense<0.000000e+00> : vector<2048x128xf32>
    %dot_general3A_29 = tpu.matmul %convert_element_type3A_28, %sqrt3A, %dot_general3A {dimension_numbers = #tpu.dot_dimension_numbers<[1], [0], [0], [1], [0, 0, 1, 1], [], []>, transpose_lhs_hint = false} : vector<2048x16xf32>, vector<16x128xf32>, vector<2048x128xf32> -> vector<2048x128xf32>
    %iota3A_30 = tpu.iota {dimensions = array<i32: 1>} : vector<2048x128xi32>
    %iota3A_31 = tpu.iota {dimensions = array<i32: 0>} : vector<2048x128xi32>
    %jit3A_32 = arith.constant 128 : i32
    %eq3A_33 = arith.constant 0 : i32
    %eq3A_34 = arith.cmpi eq, %jit3A_32, %eq3A_33 : i32
    %jit3A_35 = arith.constant 1 : i32
    %select_n3A_36 = arith.select %eq3A_34, %jit3A_35, %jit3A_32 : i32
    %rem3A_37 = vector.broadcast %select_n3A_36 : i32 to vector<2048x128xi32>
    %rem3A_38 = arith.remsi %iota3A_31, %rem3A_37 : vector<2048x128xi32>
    %ne3A_39 = arith.constant 0 : i32
    %ne3A_40 = vector.broadcast %ne3A_39 : i32 to vector<2048x128xi32>
    %ne3A_41 = arith.cmpi ne, %rem3A_38, %ne3A_40 : vector<2048x128xi32>
    %lt3A = arith.constant 0 : i32
    %lt3A_42 = vector.broadcast %lt3A : i32 to vector<2048x128xi32>
    %lt3A_43 = arith.cmpi slt, %rem3A_38, %lt3A_42 : vector<2048x128xi32>
    %lt3A_44 = arith.constant 0 : i32
    %lt3A_45 = arith.cmpi slt, %select_n3A_36, %lt3A_44 : i32
    %ne3A_46 = vector.broadcast %lt3A_45 : i1 to vector<2048x128xi1>
    %ne3A_47 = vector.broadcast %ne3A_46 : vector<2048x128xi1> to vector<2048x128xi1>
    %ne3A_48 = arith.xori %lt3A_43, %ne3A_47 : vector<2048x128xi1>
    %and3A_49 = arith.andi %ne3A_48, %ne3A_41 : vector<2048x128xi1>
    %add3A_50 = vector.broadcast %select_n3A_36 : i32 to vector<2048x128xi32>
    %add3A_51 = arith.addi %rem3A_38, %add3A_50 : vector<2048x128xi32>
    %select_n3A_52 = arith.select %and3A_49, %add3A_51, %rem3A_38 : vector<2048x128xi1>, vector<2048x128xi32>
    %eq3A_53 = arith.cmpi eq, %iota3A_30, %select_n3A_52 : vector<2048x128xi32>
    %jit3A_54 = arith.constant 0.000000e+00 : f32
    %broadcast_in_dim3A = vector.broadcast %jit3A_54 : f32 to vector<2048x128xf32>
    %select_n3A_55 = arith.select %eq3A_53, %dot_general3A_29, %broadcast_in_dim3A : vector<2048x128xi1>, vector<2048x128xf32>
    %reduce_sum3A = arith.constant dense<0.000000e+00> : vector<2048xf32>
    %reduce_sum3A_56 = vector.multi_reduction <add>, %select_n3A_55, %reduce_sum3A [1] : vector<2048x128xf32> to vector<2048xf32>
    %broadcast_in_dim3A_57 = vector.shape_cast %reduce_sum3A_56 : vector<2048xf32> to vector<2048x1xf32>
    %get3A_58 = arith.constant 0 : index
    %get3A_59 = arith.constant 0 : index
    %get3A_60 = vector.load %arg1[%get3A_58, %get3A_59] : memref<2048x128xf32, #tpu.memory_space<vmem>>, vector<2048x128xf32>
    %get3A_61 = arith.constant 0 : index
    %get3A_62 = arith.constant 0 : index
    %get3A_63 = vector.load %arg2[%get3A_61, %get3A_62] : memref<2048x128xf32, #tpu.memory_space<vmem>>, vector<2048x128xf32>
    %add3A_64 = arith.addf %get3A_60, %get3A_63 : vector<2048x128xf32>
    %get3A_65 = arith.constant 0 : index
    %get3A_66 = arith.constant 0 : index
    %get3A_67 = vector.load %arg4[%get3A_65, %get3A_66] : memref<1x128xf32, #tpu.memory_space<vmem>>, vector<1x128xf32>
    %mul3A = vector.broadcast %broadcast_in_dim3A_57 : vector<2048x1xf32> to vector<2048x128xf32>
    %mul3A_68 = vector.broadcast %get3A_67 : vector<1x128xf32> to vector<2048x128xf32>
    %mul3A_69 = arith.mulf %mul3A, %mul3A_68 : vector<2048x128xf32>
    %add3A_70 = arith.addf %add3A_64, %mul3A_69 : vector<2048x128xf32>
    %get3A_71 = arith.constant 0 : index
    %get3A_72 = arith.constant 0 : index
    %get3A_73 = vector.load %arg5[%get3A_71, %get3A_72] : memref<1x128xf32, #tpu.memory_space<vmem>>, vector<1x128xf32>
    %add3A_74 = vector.broadcast %get3A_73 : vector<1x128xf32> to vector<2048x128xf32>
    %add3A_75 = arith.addf %add3A_70, %add3A_74 : vector<2048x128xf32>
    %logistic3A = arith.negf %add3A_75 : vector<2048x128xf32>
    %logistic3A_76 = math.exp %logistic3A : vector<2048x128xf32>
    %logistic3A_77 = arith.constant 1.000000e+00 : f32
    %logistic3A_78 = vector.broadcast %logistic3A_77 : f32 to vector<2048x128xf32>
    %logistic3A_79 = arith.addf %logistic3A_78, %logistic3A_76 : vector<2048x128xf32>
    %logistic3A_80 = arith.divf %logistic3A_78, %logistic3A_79 : vector<2048x128xf32>
    %mul3A_81 = arith.mulf %add3A_75, %logistic3A_80 : vector<2048x128xf32>
    %get3A_82 = arith.constant 0 : index
    %get3A_83 = arith.constant 0 : index
    %get3A_84 = vector.load %arg6[%get3A_82, %get3A_83] : memref<128x128xf32, #tpu.memory_space<vmem>>, vector<128x128xf32>
    %dot_general3A_85 = arith.constant dense<0.000000e+00> : vector<2048x128xf32>
    %dot_general3A_86 = tpu.matmul %mul3A_81, %get3A_84, %dot_general3A_85 {dimension_numbers = #tpu.dot_dimension_numbers<[1], [0], [0], [1], [0, 0, 1, 1], [], []>, transpose_lhs_hint = false} : vector<2048x128xf32>, vector<128x128xf32>, vector<2048x128xf32> -> vector<2048x128xf32>
    %get3A_87 = arith.constant 0 : index
    %get3A_88 = arith.constant 0 : index
    %get3A_89 = vector.load %arg7[%get3A_87, %get3A_88] : memref<1x128xf32, #tpu.memory_space<vmem>>, vector<1x128xf32>
    %add3A_90 = vector.broadcast %get3A_89 : vector<1x128xf32> to vector<2048x128xf32>
    %add3A_91 = arith.addf %dot_general3A_86, %add3A_90 : vector<2048x128xf32>
    %logistic3A_92 = arith.negf %add3A_91 : vector<2048x128xf32>
    %logistic3A_93 = math.exp %logistic3A_92 : vector<2048x128xf32>
    %logistic3A_94 = arith.constant 1.000000e+00 : f32
    %logistic3A_95 = vector.broadcast %logistic3A_94 : f32 to vector<2048x128xf32>
    %logistic3A_96 = arith.addf %logistic3A_95, %logistic3A_93 : vector<2048x128xf32>
    %logistic3A_97 = arith.divf %logistic3A_95, %logistic3A_96 : vector<2048x128xf32>
    %mul3A_98 = arith.mulf %add3A_91, %logistic3A_97 : vector<2048x128xf32>
    %swap3A = arith.constant 0 : index
    %swap3A_99 = arith.constant 0 : index
    %swap3A_100 = vector.load %arg8[%swap3A, %swap3A_99] : memref<2048x128xf32, #tpu.memory_space<vmem>>, vector<2048x128xf32>
    tpu.vector_store %arg8[%swap3A, %swap3A_99], %mul3A_98 {strides = array<i32>} : memref<2048x128xf32, #tpu.memory_space<vmem>>, vector<2048x128xf32>,
    return
  }
  func.func @transform_0(%arg0: i32) -> (i32, i32) {
    %c0_i32 = arith.constant 0 : i32
    %c0_i32_0 = arith.constant 0 : i32
    return %arg0, %c0_i32 : i32, i32
  }
  func.func @transform_1(%arg0: i32) -> (i32, i32) {
    %c0_i32 = arith.constant 0 : i32
    %c0_i32_0 = arith.constant 0 : i32
    return %arg0, %c0_i32 : i32, i32
  }
  func.func @transform_2(%arg0: i32) -> (i32, i32) {
    %c0_i32 = arith.constant 0 : i32
    %c0_i32_0 = arith.constant 0 : i32
    return %arg0, %c0_i32 : i32, i32
  }
  func.func @transform_3(%arg0: i32) -> (i32, i32) {
    %c0_i32 = arith.constant 0 : i32
    %c0_i32_0 = arith.constant 0 : i32
    %c0_i32_1 = arith.constant 0 : i32
    return %c0_i32, %c0_i32_0 : i32, i32
  }
  func.func @transform_4(%arg0: i32) -> (i32, i32) {
    %c0_i32 = arith.constant 0 : i32
    %c0_i32_0 = arith.constant 0 : i32
    %c0_i32_1 = arith.constant 0 : i32
    return %c0_i32, %c0_i32_0 : i32, i32
  }
  func.func @transform_5(%arg0: i32) -> (i32, i32) {
    %c0_i32 = arith.constant 0 : i32
    %c0_i32_0 = arith.constant 0 : i32
    %c0_i32_1 = arith.constant 0 : i32
    return %c0_i32, %c0_i32_0 : i32, i32
  }
  func.func @transform_6(%arg0: i32) -> (i32, i32) {
    %c0_i32 = arith.constant 0 : i32
    %c0_i32_0 = arith.constant 0 : i32
    %c0_i32_1 = arith.constant 0 : i32
    return %c0_i32, %c0_i32_0 : i32, i32
  }
  func.func @transform_7(%arg0: i32) -> (i32, i32) {
    %c0_i32 = arith.constant 0 : i32
    %c0_i32_0 = arith.constant 0 : i32
    return %arg0, %c0_i32 : i32, i32
  }
}

module attributes {stable_mosaic.version = 14 : i64} {
  func.func @body(%arg0: i32, %arg1: memref<2000x128xf32, #tpu.memory_space<vmem>>, %arg2: memref<2000x128xf32, #tpu.memory_space<vmem>>, %arg3: memref<2000x128xf32, #tpu.memory_space<vmem>>, %arg4: memref<128x128xf32, #tpu.memory_space<vmem>>, %arg5: memref<128x128xf32, #tpu.memory_space<vmem>>, %arg6: memref<1x128xf32, #tpu.memory_space<vmem>>, %arg7: memref<128x128xf32, #tpu.memory_space<vmem>>, %arg8: memref<1x128xf32, #tpu.memory_space<vmem>>, %arg9: memref<128x128xf32, #tpu.memory_space<vmem>>, %arg10: memref<128x128xf32, #tpu.memory_space<vmem>>, %arg11: memref<2000x128xf32, #tpu.memory_space<vmem>>, %arg12: memref<2000x128xf32, #tpu.memory_space<vmem>>, %arg13: memref<2000x128xf32, #tpu.memory_space<vmem>>) attributes {dimension_semantics = [#tpu.dimension_semantics<arbitrary>], iteration_bounds = array<i64: 5>, scalar_prefetch = 0 : i64, scratch_operands = 0 : i64, tpu.core_type = #tpu.core_type<tc>, window_params = [{transform_indices = @transform_0, window_bounds = array<i64: 2000, 128>}, {transform_indices = @transform_1, window_bounds = array<i64: 2000, 128>}, {transform_indices = @transform_2, window_bounds = array<i64: 2000, 128>}, {pipeline_mode = #tpu.pipeline_mode<synchronous>, transform_indices = @transform_3, window_bounds = array<i64: 128, 128>}, {pipeline_mode = #tpu.pipeline_mode<synchronous>, transform_indices = @transform_4, window_bounds = array<i64: 128, 128>}, {pipeline_mode = #tpu.pipeline_mode<synchronous>, transform_indices = @transform_5, window_bounds = array<i64: 1, 128>}, {pipeline_mode = #tpu.pipeline_mode<synchronous>, transform_indices = @transform_6, window_bounds = array<i64: 128, 128>}, {pipeline_mode = #tpu.pipeline_mode<synchronous>, transform_indices = @transform_7, window_bounds = array<i64: 1, 128>}, {pipeline_mode = #tpu.pipeline_mode<synchronous>, transform_indices = @transform_8, window_bounds = array<i64: 128, 128>}, {pipeline_mode = #tpu.pipeline_mode<synchronous>, transform_indices = @transform_9, window_bounds = array<i64: 128, 128>}, {transform_indices = @transform_10, window_bounds = array<i64: 2000, 128>}, {transform_indices = @transform_11, window_bounds = array<i64: 2000, 128>}, {transform_indices = @transform_12, window_bounds = array<i64: 2000, 128>}]} {
    %get3A = arith.constant 0 : index
    %get3A_0 = arith.constant 0 : index
    %get3A_1 = vector.load %arg1[%get3A, %get3A_0] : memref<2000x128xf32, #tpu.memory_space<vmem>>, vector<2000x128xf32>
    %get3A_2 = arith.constant 0 : index
    %get3A_3 = arith.constant 0 : index
    %get3A_4 = vector.load %arg2[%get3A_2, %get3A_3] : memref<2000x128xf32, #tpu.memory_space<vmem>>, vector<2000x128xf32>
    %get3A_5 = arith.constant 0 : index
    %get3A_6 = arith.constant 0 : index
    %get3A_7 = vector.load %arg3[%get3A_5, %get3A_6] : memref<2000x128xf32, #tpu.memory_space<vmem>>, vector<2000x128xf32>
    %add3A = arith.addf %get3A_4, %get3A_7 : vector<2000x128xf32>
    %get3A_8 = arith.constant 0 : index
    %get3A_9 = arith.constant 0 : index
    %get3A_10 = vector.load %arg4[%get3A_8, %get3A_9] : memref<128x128xf32, #tpu.memory_space<vmem>>, vector<128x128xf32>
    %dot_general3A = arith.constant dense<0.000000e+00> : vector<2000x128xf32>
    %dot_general3A_11 = tpu.matmul %get3A_1, %get3A_10, %dot_general3A {dimension_numbers = #tpu.dot_dimension_numbers<[1], [0], [0], [1], [0, 0, 1, 1], [], []>, transpose_lhs_hint = false} : vector<2000x128xf32>, vector<128x128xf32>, vector<2000x128xf32> -> vector<2000x128xf32>
    %get3A_12 = arith.constant 0 : index
    %get3A_13 = arith.constant 0 : index
    %get3A_14 = vector.load %arg5[%get3A_12, %get3A_13] : memref<128x128xf32, #tpu.memory_space<vmem>>, vector<128x128xf32>
    %dot_general3A_15 = arith.constant dense<0.000000e+00> : vector<2000x128xf32>
    %dot_general3A_16 = tpu.matmul %add3A, %get3A_14, %dot_general3A_15 {dimension_numbers = #tpu.dot_dimension_numbers<[1], [0], [0], [1], [0, 0, 1, 1], [], []>, transpose_lhs_hint = false} : vector<2000x128xf32>, vector<128x128xf32>, vector<2000x128xf32> -> vector<2000x128xf32>
    %add3A_17 = arith.addf %dot_general3A_11, %dot_general3A_16 : vector<2000x128xf32>
    %get3A_18 = arith.constant 0 : index
    %get3A_19 = arith.constant 0 : index
    %get3A_20 = vector.load %arg6[%get3A_18, %get3A_19] : memref<1x128xf32, #tpu.memory_space<vmem>>, vector<1x128xf32>
    %add3A_21 = vector.broadcast %get3A_20 : vector<1x128xf32> to vector<2000x128xf32>
    %add3A_22 = arith.addf %add3A_17, %add3A_21 : vector<2000x128xf32>
    %logistic3A = arith.negf %add3A_22 : vector<2000x128xf32>
    %logistic3A_23 = math.exp %logistic3A : vector<2000x128xf32>
    %logistic3A_24 = arith.constant 1.000000e+00 : f32
    %logistic3A_25 = vector.broadcast %logistic3A_24 : f32 to vector<2000x128xf32>
    %logistic3A_26 = arith.addf %logistic3A_25, %logistic3A_23 : vector<2000x128xf32>
    %logistic3A_27 = arith.divf %logistic3A_25, %logistic3A_26 : vector<2000x128xf32>
    %mul3A = arith.mulf %add3A_22, %logistic3A_27 : vector<2000x128xf32>
    %get3A_28 = arith.constant 0 : index
    %get3A_29 = arith.constant 0 : index
    %get3A_30 = vector.load %arg7[%get3A_28, %get3A_29] : memref<128x128xf32, #tpu.memory_space<vmem>>, vector<128x128xf32>
    %dot_general3A_31 = arith.constant dense<0.000000e+00> : vector<2000x128xf32>
    %dot_general3A_32 = tpu.matmul %mul3A, %get3A_30, %dot_general3A_31 {dimension_numbers = #tpu.dot_dimension_numbers<[1], [0], [0], [1], [0, 0, 1, 1], [], []>, transpose_lhs_hint = false} : vector<2000x128xf32>, vector<128x128xf32>, vector<2000x128xf32> -> vector<2000x128xf32>
    %get3A_33 = arith.constant 0 : index
    %get3A_34 = arith.constant 0 : index
    %get3A_35 = vector.load %arg8[%get3A_33, %get3A_34] : memref<1x128xf32, #tpu.memory_space<vmem>>, vector<1x128xf32>
    %add3A_36 = vector.broadcast %get3A_35 : vector<1x128xf32> to vector<2000x128xf32>
    %add3A_37 = arith.addf %dot_general3A_32, %add3A_36 : vector<2000x128xf32>
    %add3A_38 = arith.addf %get3A_1, %add3A_37 : vector<2000x128xf32>
    %swap3A = arith.constant 0 : index
    %swap3A_39 = arith.constant 0 : index
    %swap3A_40 = vector.load %arg11[%swap3A, %swap3A_39] : memref<2000x128xf32, #tpu.memory_space<vmem>>, vector<2000x128xf32>
    tpu.vector_store %arg11[%swap3A, %swap3A_39], %add3A_38 {strides = array<i32>} : memref<2000x128xf32, #tpu.memory_space<vmem>>, vector<2000x128xf32>,
    %get3A_41 = arith.constant 0 : index
    %get3A_42 = arith.constant 0 : index
    %get3A_43 = vector.load %arg9[%get3A_41, %get3A_42] : memref<128x128xf32, #tpu.memory_space<vmem>>, vector<128x128xf32>
    %dot_general3A_44 = arith.constant dense<0.000000e+00> : vector<2000x128xf32>
    %dot_general3A_45 = tpu.matmul %add3A_38, %get3A_43, %dot_general3A_44 {dimension_numbers = #tpu.dot_dimension_numbers<[1], [0], [0], [1], [0, 0, 1, 1], [], []>, transpose_lhs_hint = false} : vector<2000x128xf32>, vector<128x128xf32>, vector<2000x128xf32> -> vector<2000x128xf32>
    %swap3A_46 = arith.constant 0 : index
    %swap3A_47 = arith.constant 0 : index
    %swap3A_48 = vector.load %arg12[%swap3A_46, %swap3A_47] : memref<2000x128xf32, #tpu.memory_space<vmem>>, vector<2000x128xf32>
    tpu.vector_store %arg12[%swap3A_46, %swap3A_47], %dot_general3A_45 {strides = array<i32>} : memref<2000x128xf32, #tpu.memory_space<vmem>>, vector<2000x128xf32>,
    %get3A_49 = arith.constant 0 : index
    %get3A_50 = arith.constant 0 : index
    %get3A_51 = vector.load %arg10[%get3A_49, %get3A_50] : memref<128x128xf32, #tpu.memory_space<vmem>>, vector<128x128xf32>
    %dot_general3A_52 = arith.constant dense<0.000000e+00> : vector<2000x128xf32>
    %dot_general3A_53 = tpu.matmul %add3A_38, %get3A_51, %dot_general3A_52 {dimension_numbers = #tpu.dot_dimension_numbers<[1], [0], [0], [1], [0, 0, 1, 1], [], []>, transpose_lhs_hint = false} : vector<2000x128xf32>, vector<128x128xf32>, vector<2000x128xf32> -> vector<2000x128xf32>
    %swap3A_54 = arith.constant 0 : index
    %swap3A_55 = arith.constant 0 : index
    %swap3A_56 = vector.load %arg13[%swap3A_54, %swap3A_55] : memref<2000x128xf32, #tpu.memory_space<vmem>>, vector<2000x128xf32>
    tpu.vector_store %arg13[%swap3A_54, %swap3A_55], %dot_general3A_53 {strides = array<i32>} : memref<2000x128xf32, #tpu.memory_space<vmem>>, vector<2000x128xf32>,
    return
  }
  func.func @transform_0(%arg0: i32) -> (i32, i32) {
    %c0_i32 = arith.constant 0 : i32
    %c0_i32_0 = arith.constant 0 : i32
    return %arg0, %c0_i32 : i32, i32
  }
  func.func @transform_1(%arg0: i32) -> (i32, i32) {
    %c0_i32 = arith.constant 0 : i32
    %c0_i32_0 = arith.constant 0 : i32
    return %arg0, %c0_i32 : i32, i32
  }
  func.func @transform_2(%arg0: i32) -> (i32, i32) {
    %c0_i32 = arith.constant 0 : i32
    %c0_i32_0 = arith.constant 0 : i32
    return %arg0, %c0_i32 : i32, i32
  }
  func.func @transform_3(%arg0: i32) -> (i32, i32) {
    %c0_i32 = arith.constant 0 : i32
    %c0_i32_0 = arith.constant 0 : i32
    %c0_i32_1 = arith.constant 0 : i32
    return %c0_i32, %c0_i32_0 : i32, i32
  }
  func.func @transform_4(%arg0: i32) -> (i32, i32) {
    %c0_i32 = arith.constant 0 : i32
    %c0_i32_0 = arith.constant 0 : i32
    %c0_i32_1 = arith.constant 0 : i32
    return %c0_i32, %c0_i32_0 : i32, i32
  }
  func.func @transform_5(%arg0: i32) -> (i32, i32) {
    %c0_i32 = arith.constant 0 : i32
    %c0_i32_0 = arith.constant 0 : i32
    %c0_i32_1 = arith.constant 0 : i32
    return %c0_i32, %c0_i32_0 : i32, i32
  }
  func.func @transform_6(%arg0: i32) -> (i32, i32) {
    %c0_i32 = arith.constant 0 : i32
    %c0_i32_0 = arith.constant 0 : i32
    %c0_i32_1 = arith.constant 0 : i32
    return %c0_i32, %c0_i32_0 : i32, i32
  }
  func.func @transform_7(%arg0: i32) -> (i32, i32) {
    %c0_i32 = arith.constant 0 : i32
    %c0_i32_0 = arith.constant 0 : i32
    %c0_i32_1 = arith.constant 0 : i32
    return %c0_i32, %c0_i32_0 : i32, i32
  }
  func.func @transform_8(%arg0: i32) -> (i32, i32) {
    %c0_i32 = arith.constant 0 : i32
    %c0_i32_0 = arith.constant 0 : i32
    %c0_i32_1 = arith.constant 0 : i32
    return %c0_i32, %c0_i32_0 : i32, i32
  }
  func.func @transform_9(%arg0: i32) -> (i32, i32) {
    %c0_i32 = arith.constant 0 : i32
    %c0_i32_0 = arith.constant 0 : i32
    %c0_i32_1 = arith.constant 0 : i32
    return %c0_i32, %c0_i32_0 : i32, i32
  }
  func.func @transform_10(%arg0: i32) -> (i32, i32) {
    %c0_i32 = arith.constant 0 : i32
    %c0_i32_0 = arith.constant 0 : i32
    return %arg0, %c0_i32 : i32, i32
  }
  func.func @transform_11(%arg0: i32) -> (i32, i32) {
    %c0_i32 = arith.constant 0 : i32
    %c0_i32_0 = arith.constant 0 : i32
    return %arg0, %c0_i32 : i32, i32
  }
  func.func @transform_12(%arg0: i32) -> (i32, i32) {
    %c0_i32 = arith.constant 0 : i32
    %c0_i32_0 = arith.constant 0 : i32
    return %arg0, %c0_i32 : i32, i32
  }
}

module attributes {stable_mosaic.version = 14 : i64} {
  func.func @body(%arg0: i32, %arg1: memref<2000x128xf32, #tpu.memory_space<vmem>>, %arg2: memref<2000x128xf32, #tpu.memory_space<vmem>>, %arg3: memref<2000x128xf32, #tpu.memory_space<vmem>>, %arg4: memref<128x128xf32, #tpu.memory_space<vmem>>, %arg5: memref<128x128xf32, #tpu.memory_space<vmem>>, %arg6: memref<1x128xf32, #tpu.memory_space<vmem>>, %arg7: memref<128x128xf32, #tpu.memory_space<vmem>>, %arg8: memref<1x128xf32, #tpu.memory_space<vmem>>, %arg9: memref<2000x128xf32, #tpu.memory_space<vmem>>) attributes {dimension_semantics = [#tpu.dimension_semantics<arbitrary>], iteration_bounds = array<i64: 5>, scalar_prefetch = 0 : i64, scratch_operands = 0 : i64, tpu.core_type = #tpu.core_type<tc>, window_params = [{transform_indices = @transform_0, window_bounds = array<i64: 2000, 128>}, {transform_indices = @transform_1, window_bounds = array<i64: 2000, 128>}, {transform_indices = @transform_2, window_bounds = array<i64: 2000, 128>}, {pipeline_mode = #tpu.pipeline_mode<synchronous>, transform_indices = @transform_3, window_bounds = array<i64: 128, 128>}, {pipeline_mode = #tpu.pipeline_mode<synchronous>, transform_indices = @transform_4, window_bounds = array<i64: 128, 128>}, {pipeline_mode = #tpu.pipeline_mode<synchronous>, transform_indices = @transform_5, window_bounds = array<i64: 1, 128>}, {pipeline_mode = #tpu.pipeline_mode<synchronous>, transform_indices = @transform_6, window_bounds = array<i64: 128, 128>}, {pipeline_mode = #tpu.pipeline_mode<synchronous>, transform_indices = @transform_7, window_bounds = array<i64: 1, 128>}, {transform_indices = @transform_8, window_bounds = array<i64: 2000, 128>}]} {
    %get3A = arith.constant 0 : index
    %get3A_0 = arith.constant 0 : index
    %get3A_1 = vector.load %arg1[%get3A, %get3A_0] : memref<2000x128xf32, #tpu.memory_space<vmem>>, vector<2000x128xf32>
    %get3A_2 = arith.constant 0 : index
    %get3A_3 = arith.constant 0 : index
    %get3A_4 = vector.load %arg2[%get3A_2, %get3A_3] : memref<2000x128xf32, #tpu.memory_space<vmem>>, vector<2000x128xf32>
    %get3A_5 = arith.constant 0 : index
    %get3A_6 = arith.constant 0 : index
    %get3A_7 = vector.load %arg3[%get3A_5, %get3A_6] : memref<2000x128xf32, #tpu.memory_space<vmem>>, vector<2000x128xf32>
    %add3A = arith.addf %get3A_4, %get3A_7 : vector<2000x128xf32>
    %get3A_8 = arith.constant 0 : index
    %get3A_9 = arith.constant 0 : index
    %get3A_10 = vector.load %arg4[%get3A_8, %get3A_9] : memref<128x128xf32, #tpu.memory_space<vmem>>, vector<128x128xf32>
    %dot_general3A = arith.constant dense<0.000000e+00> : vector<2000x128xf32>
    %dot_general3A_11 = tpu.matmul %get3A_1, %get3A_10, %dot_general3A {dimension_numbers = #tpu.dot_dimension_numbers<[1], [0], [0], [1], [0, 0, 1, 1], [], []>, transpose_lhs_hint = false} : vector<2000x128xf32>, vector<128x128xf32>, vector<2000x128xf32> -> vector<2000x128xf32>
    %get3A_12 = arith.constant 0 : index
    %get3A_13 = arith.constant 0 : index
    %get3A_14 = vector.load %arg5[%get3A_12, %get3A_13] : memref<128x128xf32, #tpu.memory_space<vmem>>, vector<128x128xf32>
    %dot_general3A_15 = arith.constant dense<0.000000e+00> : vector<2000x128xf32>
    %dot_general3A_16 = tpu.matmul %add3A, %get3A_14, %dot_general3A_15 {dimension_numbers = #tpu.dot_dimension_numbers<[1], [0], [0], [1], [0, 0, 1, 1], [], []>, transpose_lhs_hint = false} : vector<2000x128xf32>, vector<128x128xf32>, vector<2000x128xf32> -> vector<2000x128xf32>
    %add3A_17 = arith.addf %dot_general3A_11, %dot_general3A_16 : vector<2000x128xf32>
    %get3A_18 = arith.constant 0 : index
    %get3A_19 = arith.constant 0 : index
    %get3A_20 = vector.load %arg6[%get3A_18, %get3A_19] : memref<1x128xf32, #tpu.memory_space<vmem>>, vector<1x128xf32>
    %add3A_21 = vector.broadcast %get3A_20 : vector<1x128xf32> to vector<2000x128xf32>
    %add3A_22 = arith.addf %add3A_17, %add3A_21 : vector<2000x128xf32>
    %logistic3A = arith.negf %add3A_22 : vector<2000x128xf32>
    %logistic3A_23 = math.exp %logistic3A : vector<2000x128xf32>
    %logistic3A_24 = arith.constant 1.000000e+00 : f32
    %logistic3A_25 = vector.broadcast %logistic3A_24 : f32 to vector<2000x128xf32>
    %logistic3A_26 = arith.addf %logistic3A_25, %logistic3A_23 : vector<2000x128xf32>
    %logistic3A_27 = arith.divf %logistic3A_25, %logistic3A_26 : vector<2000x128xf32>
    %mul3A = arith.mulf %add3A_22, %logistic3A_27 : vector<2000x128xf32>
    %get3A_28 = arith.constant 0 : index
    %get3A_29 = arith.constant 0 : index
    %get3A_30 = vector.load %arg7[%get3A_28, %get3A_29] : memref<128x128xf32, #tpu.memory_space<vmem>>, vector<128x128xf32>
    %dot_general3A_31 = arith.constant dense<0.000000e+00> : vector<2000x128xf32>
    %dot_general3A_32 = tpu.matmul %mul3A, %get3A_30, %dot_general3A_31 {dimension_numbers = #tpu.dot_dimension_numbers<[1], [0], [0], [1], [0, 0, 1, 1], [], []>, transpose_lhs_hint = false} : vector<2000x128xf32>, vector<128x128xf32>, vector<2000x128xf32> -> vector<2000x128xf32>
    %get3A_33 = arith.constant 0 : index
    %get3A_34 = arith.constant 0 : index
    %get3A_35 = vector.load %arg8[%get3A_33, %get3A_34] : memref<1x128xf32, #tpu.memory_space<vmem>>, vector<1x128xf32>
    %add3A_36 = vector.broadcast %get3A_35 : vector<1x128xf32> to vector<2000x128xf32>
    %add3A_37 = arith.addf %dot_general3A_32, %add3A_36 : vector<2000x128xf32>
    %add3A_38 = arith.addf %get3A_1, %add3A_37 : vector<2000x128xf32>
    %swap3A = arith.constant 0 : index
    %swap3A_39 = arith.constant 0 : index
    %swap3A_40 = vector.load %arg9[%swap3A, %swap3A_39] : memref<2000x128xf32, #tpu.memory_space<vmem>>, vector<2000x128xf32>
    tpu.vector_store %arg9[%swap3A, %swap3A_39], %add3A_38 {strides = array<i32>} : memref<2000x128xf32, #tpu.memory_space<vmem>>, vector<2000x128xf32>,
    return
  }
  func.func @transform_0(%arg0: i32) -> (i32, i32) {
    %c0_i32 = arith.constant 0 : i32
    %c0_i32_0 = arith.constant 0 : i32
    return %arg0, %c0_i32 : i32, i32
  }
  func.func @transform_1(%arg0: i32) -> (i32, i32) {
    %c0_i32 = arith.constant 0 : i32
    %c0_i32_0 = arith.constant 0 : i32
    return %arg0, %c0_i32 : i32, i32
  }
  func.func @transform_2(%arg0: i32) -> (i32, i32) {
    %c0_i32 = arith.constant 0 : i32
    %c0_i32_0 = arith.constant 0 : i32
    return %arg0, %c0_i32 : i32, i32
  }
  func.func @transform_3(%arg0: i32) -> (i32, i32) {
    %c0_i32 = arith.constant 0 : i32
    %c0_i32_0 = arith.constant 0 : i32
    %c0_i32_1 = arith.constant 0 : i32
    return %c0_i32, %c0_i32_0 : i32, i32
  }
  func.func @transform_4(%arg0: i32) -> (i32, i32) {
    %c0_i32 = arith.constant 0 : i32
    %c0_i32_0 = arith.constant 0 : i32
    %c0_i32_1 = arith.constant 0 : i32
    return %c0_i32, %c0_i32_0 : i32, i32
  }
  func.func @transform_5(%arg0: i32) -> (i32, i32) {
    %c0_i32 = arith.constant 0 : i32
    %c0_i32_0 = arith.constant 0 : i32
    %c0_i32_1 = arith.constant 0 : i32
    return %c0_i32, %c0_i32_0 : i32, i32
  }
  func.func @transform_6(%arg0: i32) -> (i32, i32) {
    %c0_i32 = arith.constant 0 : i32
    %c0_i32_0 = arith.constant 0 : i32
    %c0_i32_1 = arith.constant 0 : i32
    return %c0_i32, %c0_i32_0 : i32, i32
  }
  func.func @transform_7(%arg0: i32) -> (i32, i32) {
    %c0_i32 = arith.constant 0 : i32
    %c0_i32_0 = arith.constant 0 : i32
    %c0_i32_1 = arith.constant 0 : i32
    return %c0_i32, %c0_i32_0 : i32, i32
  }
  func.func @transform_8(%arg0: i32) -> (i32, i32) {
    %c0_i32 = arith.constant 0 : i32
    %c0_i32_0 = arith.constant 0 : i32
    return %arg0, %c0_i32 : i32, i32
  }
}

module attributes {stable_mosaic.version = 14 : i64} {
  func.func @body(%arg0: i32, %arg1: memref<2000x128xf32, #tpu.memory_space<vmem>>, %arg2: memref<1x1x2000xi32, #tpu.memory_space<vmem>>, %arg3: memref<128x128xf32, #tpu.memory_space<vmem>>, %arg4: memref<1x128xf32, #tpu.memory_space<vmem>>, %arg5: memref<128x128xf32, #tpu.memory_space<vmem>>, %arg6: memref<1x128xf32, #tpu.memory_space<vmem>>, %arg7: memref<128x128xf32, #tpu.memory_space<vmem>>, %arg8: memref<1x128xf32, #tpu.memory_space<vmem>>, %arg9: memref<128x1xf32, #tpu.memory_space<vmem>>, %arg10: memref<1x1xf32, #tpu.memory_space<vmem>>, %arg11: memref<64x1xf32, #tpu.memory_space<vmem>>, %arg12: memref<64x128xf32, #tpu.memory_space<vmem>>) attributes {dimension_semantics = [#tpu.dimension_semantics<arbitrary>], iteration_bounds = array<i64: 5>, scalar_prefetch = 0 : i64, scratch_operands = 1 : i64, tpu.core_type = #tpu.core_type<tc>, window_params = [{transform_indices = @transform_0, window_bounds = array<i64: 2000, 128>}, {transform_indices = @transform_1, window_bounds = array<i64: 1, 1, 2000>}, {pipeline_mode = #tpu.pipeline_mode<synchronous>, transform_indices = @transform_2, window_bounds = array<i64: 128, 128>}, {pipeline_mode = #tpu.pipeline_mode<synchronous>, transform_indices = @transform_3, window_bounds = array<i64: 1, 128>}, {pipeline_mode = #tpu.pipeline_mode<synchronous>, transform_indices = @transform_4, window_bounds = array<i64: 128, 128>}, {pipeline_mode = #tpu.pipeline_mode<synchronous>, transform_indices = @transform_5, window_bounds = array<i64: 1, 128>}, {pipeline_mode = #tpu.pipeline_mode<synchronous>, transform_indices = @transform_6, window_bounds = array<i64: 128, 128>}, {pipeline_mode = #tpu.pipeline_mode<synchronous>, transform_indices = @transform_7, window_bounds = array<i64: 1, 128>}, {pipeline_mode = #tpu.pipeline_mode<synchronous>, transform_indices = @transform_8, window_bounds = array<i64: 128, 1>}, {pipeline_mode = #tpu.pipeline_mode<synchronous>, transform_indices = @transform_9, window_bounds = array<i64: 1, 1>}, {pipeline_mode = #tpu.pipeline_mode<synchronous>, transform_indices = @transform_10, window_bounds = array<i64: 64, 1>}]} {
    %eq3A = arith.constant 0 : i32
    %eq3A_0 = arith.cmpi eq, %arg0, %eq3A : i32
    %convert_element_type3A = arith.extui %eq3A_0 : i1 to i32
    %cond3A = arith.constant 0 : i32
    %cond3A_1 = arith.cmpi ne, %convert_element_type3A, %cond3A : i32
    scf.if %cond3A_1 {
      %broadcast_in_dim3A = arith.constant 0.000000e+00 : f32
      %broadcast_in_dim3A_49 = vector.broadcast %broadcast_in_dim3A : f32 to vector<64x128xf32>
      %swap3A_50 = arith.constant 0 : index
      %swap3A_51 = arith.constant 0 : index
      %swap3A_52 = vector.load %arg12[%swap3A_50, %swap3A_51] : memref<64x128xf32, #tpu.memory_space<vmem>>, vector<64x128xf32>
      tpu.vector_store %arg12[%swap3A_50, %swap3A_51], %broadcast_in_dim3A_49 {strides = array<i32>} : memref<64x128xf32, #tpu.memory_space<vmem>>, vector<64x128xf32>,
    } else {
    }
    %get3A = arith.constant 0 : index
    %get3A_2 = arith.constant 0 : index
    %get3A_3 = vector.load %arg1[%get3A, %get3A_2] : memref<2000x128xf32, #tpu.memory_space<vmem>>, vector<2000x128xf32>
    %get3A_4 = arith.constant 0 : index
    %get3A_5 = arith.constant 0 : index
    %get3A_6 = vector.load %arg3[%get3A_4, %get3A_5] : memref<128x128xf32, #tpu.memory_space<vmem>>, vector<128x128xf32>
    %dot_general3A = arith.constant dense<0.000000e+00> : vector<2000x128xf32>
    %dot_general3A_7 = tpu.matmul %get3A_3, %get3A_6, %dot_general3A {dimension_numbers = #tpu.dot_dimension_numbers<[1], [0], [0], [1], [0, 0, 1, 1], [], []>, transpose_lhs_hint = false} : vector<2000x128xf32>, vector<128x128xf32>, vector<2000x128xf32> -> vector<2000x128xf32>
    %get3A_8 = arith.constant 0 : index
    %get3A_9 = arith.constant 0 : index
    %get3A_10 = vector.load %arg4[%get3A_8, %get3A_9] : memref<1x128xf32, #tpu.memory_space<vmem>>, vector<1x128xf32>
    %add3A = vector.broadcast %get3A_10 : vector<1x128xf32> to vector<2000x128xf32>
    %add3A_11 = arith.addf %dot_general3A_7, %add3A : vector<2000x128xf32>
    %logistic3A = arith.negf %add3A_11 : vector<2000x128xf32>
    %logistic3A_12 = math.exp %logistic3A : vector<2000x128xf32>
    %logistic3A_13 = arith.constant 1.000000e+00 : f32
    %logistic3A_14 = vector.broadcast %logistic3A_13 : f32 to vector<2000x128xf32>
    %logistic3A_15 = arith.addf %logistic3A_14, %logistic3A_12 : vector<2000x128xf32>
    %logistic3A_16 = arith.divf %logistic3A_14, %logistic3A_15 : vector<2000x128xf32>
    %mul3A = arith.mulf %add3A_11, %logistic3A_16 : vector<2000x128xf32>
    %get3A_17 = arith.constant 0 : index
    %get3A_18 = arith.constant 0 : index
    %get3A_19 = vector.load %arg5[%get3A_17, %get3A_18] : memref<128x128xf32, #tpu.memory_space<vmem>>, vector<128x128xf32>
    %dot_general3A_20 = arith.constant dense<0.000000e+00> : vector<2000x128xf32>
    %dot_general3A_21 = tpu.matmul %mul3A, %get3A_19, %dot_general3A_20 {dimension_numbers = #tpu.dot_dimension_numbers<[1], [0], [0], [1], [0, 0, 1, 1], [], []>, transpose_lhs_hint = false} : vector<2000x128xf32>, vector<128x128xf32>, vector<2000x128xf32> -> vector<2000x128xf32>
    %get3A_22 = arith.constant 0 : index
    %get3A_23 = arith.constant 0 : index
    %get3A_24 = vector.load %arg6[%get3A_22, %get3A_23] : memref<1x128xf32, #tpu.memory_space<vmem>>, vector<1x128xf32>
    %add3A_25 = vector.broadcast %get3A_24 : vector<1x128xf32> to vector<2000x128xf32>
    %add3A_26 = arith.addf %dot_general3A_21, %add3A_25 : vector<2000x128xf32>
    %iota3A = tpu.iota {dimensions = array<i32: 0>} : vector<64x2000xi32>
    %get3A_27 = arith.constant 0 : index
    %get3A_28 = arith.constant 0 : index
    %get3A_29 = arith.constant 0 : index
    %get3A_30 = vector.load %arg2[%get3A_27, %get3A_28, %get3A_29] : memref<1x1x2000xi32, #tpu.memory_space<vmem>>, vector<1x1x2000xi32>
    %get3A_31 = vector.shape_cast %get3A_30 : vector<1x1x2000xi32> to vector<1x2000xi32>
    %eq3A_32 = vector.broadcast %get3A_31 : vector<1x2000xi32> to vector<64x2000xi32>
    %eq3A_33 = arith.cmpi eq, %iota3A, %eq3A_32 : vector<64x2000xi32>
    %convert_element_type3A_34 = arith.extui %eq3A_33 : vector<64x2000xi1> to vector<64x2000xi32>
    %convert_element_type3A_35 = arith.sitofp %convert_element_type3A_34 : vector<64x2000xi32> to vector<64x2000xf32>
    %get3A_36 = arith.constant 0 : index
    %get3A_37 = arith.constant 0 : index
    %get3A_38 = vector.load %arg12[%get3A_36, %get3A_37] : memref<64x128xf32, #tpu.memory_space<vmem>>, vector<64x128xf32>
    %dot_general3A_39 = arith.constant dense<0.000000e+00> : vector<64x128xf32>
    %dot_general3A_40 = tpu.matmul %convert_element_type3A_35, %add3A_26, %dot_general3A_39 {dimension_numbers = #tpu.dot_dimension_numbers<[1], [0], [0], [1], [0, 0, 1, 1], [], []>, transpose_lhs_hint = false} : vector<64x2000xf32>, vector<2000x128xf32>, vector<64x128xf32> -> vector<64x128xf32>
    %add3A_41 = arith.addf %get3A_38, %dot_general3A_40 : vector<64x128xf32>
    %swap3A = arith.constant 0 : index
    %swap3A_42 = arith.constant 0 : index
    %swap3A_43 = vector.load %arg12[%swap3A, %swap3A_42] : memref<64x128xf32, #tpu.memory_space<vmem>>, vector<64x128xf32>
    tpu.vector_store %arg12[%swap3A, %swap3A_42], %add3A_41 {strides = array<i32>} : memref<64x128xf32, #tpu.memory_space<vmem>>, vector<64x128xf32>,
    %eq3A_44 = arith.constant 4 : i32
    %eq3A_45 = arith.cmpi eq, %arg0, %eq3A_44 : i32
    %convert_element_type3A_46 = arith.extui %eq3A_45 : i1 to i32
    %cond3A_47 = arith.constant 0 : i32
    %cond3A_48 = arith.cmpi ne, %convert_element_type3A_46, %cond3A_47 : i32
    scf.if %cond3A_48 {
      %get3A_49 = arith.constant 0 : index
      %get3A_50 = arith.constant 0 : index
      %get3A_51 = vector.load %arg12[%get3A_49, %get3A_50] : memref<64x128xf32, #tpu.memory_space<vmem>>, vector<64x128xf32>
      %get3A_52 = arith.constant 0 : index
      %get3A_53 = arith.constant 0 : index
      %get3A_54 = vector.load %arg7[%get3A_52, %get3A_53] : memref<128x128xf32, #tpu.memory_space<vmem>>, vector<128x128xf32>
      %dot_general3A_55 = arith.constant dense<0.000000e+00> : vector<64x128xf32>
      %dot_general3A_56 = tpu.matmul %get3A_51, %get3A_54, %dot_general3A_55 {dimension_numbers = #tpu.dot_dimension_numbers<[1], [0], [0], [1], [0, 0, 1, 1], [], []>, transpose_lhs_hint = false} : vector<64x128xf32>, vector<128x128xf32>, vector<64x128xf32> -> vector<64x128xf32>
      %get3A_57 = arith.constant 0 : index
      %get3A_58 = arith.constant 0 : index
      %get3A_59 = vector.load %arg8[%get3A_57, %get3A_58] : memref<1x128xf32, #tpu.memory_space<vmem>>, vector<1x128xf32>
      %add3A_60 = vector.broadcast %get3A_59 : vector<1x128xf32> to vector<64x128xf32>
      %add3A_61 = arith.addf %dot_general3A_56, %add3A_60 : vector<64x128xf32>
      %logistic3A_62 = arith.negf %add3A_61 : vector<64x128xf32>
      %logistic3A_63 = math.exp %logistic3A_62 : vector<64x128xf32>
      %logistic3A_64 = arith.constant 1.000000e+00 : f32
      %logistic3A_65 = vector.broadcast %logistic3A_64 : f32 to vector<64x128xf32>
      %logistic3A_66 = arith.addf %logistic3A_65, %logistic3A_63 : vector<64x128xf32>
      %logistic3A_67 = arith.divf %logistic3A_65, %logistic3A_66 : vector<64x128xf32>
      %mul3A_68 = arith.mulf %add3A_61, %logistic3A_67 : vector<64x128xf32>
      %get3A_69 = arith.constant 0 : index
      %get3A_70 = arith.constant 0 : index
      %get3A_71 = vector.load %arg9[%get3A_69, %get3A_70] : memref<128x1xf32, #tpu.memory_space<vmem>>, vector<128x1xf32>
      %dot_general3A_72 = arith.constant dense<0.000000e+00> : vector<64x1xf32>
      %dot_general3A_73 = tpu.matmul %mul3A_68, %get3A_71, %dot_general3A_72 {dimension_numbers = #tpu.dot_dimension_numbers<[1], [0], [0], [1], [0, 0, 1, 1], [], []>, transpose_lhs_hint = false} : vector<64x128xf32>, vector<128x1xf32>, vector<64x1xf32> -> vector<64x1xf32>
      %get3A_74 = arith.constant 0 : index
      %get3A_75 = arith.constant 0 : index
      %get3A_76 = vector.load %arg10[%get3A_74, %get3A_75] : memref<1x1xf32, #tpu.memory_space<vmem>>, vector<1x1xf32>
      %add3A_77 = vector.broadcast %get3A_76 : vector<1x1xf32> to vector<64x1xf32>
      %add3A_78 = arith.addf %dot_general3A_73, %add3A_77 : vector<64x1xf32>
      %swap3A_79 = arith.constant 0 : index
      %swap3A_80 = arith.constant 0 : index
      %swap3A_81 = vector.load %arg11[%swap3A_79, %swap3A_80] : memref<64x1xf32, #tpu.memory_space<vmem>>, vector<64x1xf32>
      tpu.vector_store %arg11[%swap3A_79, %swap3A_80], %add3A_78 {strides = array<i32>} : memref<64x1xf32, #tpu.memory_space<vmem>>, vector<64x1xf32>,
    } else {
    }
    return
  }
  func.func @transform_0(%arg0: i32) -> (i32, i32) {
    %c0_i32 = arith.constant 0 : i32
    %c0_i32_0 = arith.constant 0 : i32
    return %arg0, %c0_i32 : i32, i32
  }
  func.func @transform_1(%arg0: i32) -> (i32, i32, i32) {
    %c0_i32 = arith.constant 0 : i32
    %c0_i32_0 = arith.constant 0 : i32
    %c0_i32_1 = arith.constant 0 : i32
    return %arg0, %c0_i32, %c0_i32_0 : i32, i32, i32
  }
  func.func @transform_2(%arg0: i32) -> (i32, i32) {
    %c0_i32 = arith.constant 0 : i32
    %c0_i32_0 = arith.constant 0 : i32
    %c0_i32_1 = arith.constant 0 : i32
    return %c0_i32, %c0_i32_0 : i32, i32
  }
  func.func @transform_3(%arg0: i32) -> (i32, i32) {
    %c0_i32 = arith.constant 0 : i32
    %c0_i32_0 = arith.constant 0 : i32
    %c0_i32_1 = arith.constant 0 : i32
    return %c0_i32, %c0_i32_0 : i32, i32
  }
  func.func @transform_4(%arg0: i32) -> (i32, i32) {
    %c0_i32 = arith.constant 0 : i32
    %c0_i32_0 = arith.constant 0 : i32
    %c0_i32_1 = arith.constant 0 : i32
    return %c0_i32, %c0_i32_0 : i32, i32
  }
  func.func @transform_5(%arg0: i32) -> (i32, i32) {
    %c0_i32 = arith.constant 0 : i32
    %c0_i32_0 = arith.constant 0 : i32
    %c0_i32_1 = arith.constant 0 : i32
    return %c0_i32, %c0_i32_0 : i32, i32
  }
  func.func @transform_6(%arg0: i32) -> (i32, i32) {
    %c0_i32 = arith.constant 0 : i32
    %c0_i32_0 = arith.constant 0 : i32
    %c0_i32_1 = arith.constant 0 : i32
    return %c0_i32, %c0_i32_0 : i32, i32
  }
  func.func @transform_7(%arg0: i32) -> (i32, i32) {
    %c0_i32 = arith.constant 0 : i32
    %c0_i32_0 = arith.constant 0 : i32
    %c0_i32_1 = arith.constant 0 : i32
    return %c0_i32, %c0_i32_0 : i32, i32
  }
  func.func @transform_8(%arg0: i32) -> (i32, i32) {
    %c0_i32 = arith.constant 0 : i32
    %c0_i32_0 = arith.constant 0 : i32
    %c0_i32_1 = arith.constant 0 : i32
    return %c0_i32, %c0_i32_0 : i32, i32
  }
  func.func @transform_9(%arg0: i32) -> (i32, i32) {
    %c0_i32 = arith.constant 0 : i32
    %c0_i32_0 = arith.constant 0 : i32
    %c0_i32_1 = arith.constant 0 : i32
    return %c0_i32, %c0_i32_0 : i32, i32
  }
  func.func @transform_10(%arg0: i32) -> (i32, i32) {
    %c0_i32 = arith.constant 0 : i32
    %c0_i32_0 = arith.constant 0 : i32
    %c0_i32_1 = arith.constant 0 : i32
    return %c0_i32, %c0_i32_0 : i32, i32
  }
}

</mosaic_0001>

<sc_bundles>
// kernel: gather_offload_async_start
scs
__scs_entry_jumppad:
0x0: {  	(pc) =	sbr.rel $0x88, $3  }
0x1: {  	(tag) =	ssettag $0x0;
	lr =	simm.s32 $0x1  }
0x2: {  	[smem:$0x3F89] =	sst lr;
	_ =	strace $0xD0000000  }
0x3: {  	_ = 	snop  }
0x4: {  	_ = 	snop  }
0x5: {  	_ = 	snop  }
0x6: {  	_ = 	snop  }
0x7: {  	_ = 	snop  }
__scs_overlays_trampoline_lowered:
0x8: {  	[smem:$0x3F98] =	sst s0  }
0x9: {  	[smem:$0x3F99] =	sst s1  }
0xa: {  	[smem:$0x3F9A] =	sst s2  }
0xb: {  	[smem:$0x3F9B] =	sst s3  }
0xc: {  	[smem:$0x3F9C] =	sst s4  }
0xd: {  	[smem:$0x3F9D] =	sst s5  }
0xe: {  	[smem:$0x3F9E] =	sst s6  }
0xf: {  	[smem:$0x3F9F] =	sst s7  }
0x10: {  	[smem:$0x3FA0] =	sst s8  }
0x11: {  	[smem:$0x3FA1] =	sst s9;
	s0 =	simm.s32 @!p0 $0x0  }
0x12: {  	s1 =	sld [smem:$0x3F87];
	s0 =	simm.s32 @p0 $0x1  }
0x13: {  	[smem:$0x3FA2] =	sst s0;
	s0 =	simm.s32 @!p1 $0x0  }
0x14: {  	s2 =	sld [smem:$0x3F86];
	s0 =	simm.s32 @p1 $0x1  }
0x15: {  	[smem:$0x3FA3] =	sst s0;
	s0 =	simm.s32 @!p2 $0x0  }
0x16: {  	s3 =	sld [smem:$0x3FDB];
	s0 =	simm.s32 @p2 $0x1  }
0x17: {  	s4 =	simm.s32 $0x1BF5;
	[smem:$0x3FA5] =	sst s0  }
0x18: {  	s0 =	sld [smem:$0x3F88];
	_ =	swait.ge [sflag:s4], $0x0  }
0x19: {  	s7 =	sld [smem:$0x3F89]  }
0x1a: {  	s8 =	sadd.s32 $0xFFFFE003, lr  }
0x1b: {  	s9 =	sadd.s32 $0xFFFFFEF7, lr;
	s5 =	simm.s32 $0xFFFFFFFF;
	p2 =	slt.u32 s8, $0xFFFFF086  }
0x1c: {  	p1 =	slt.u32 s9, $0xF7A;
	s5 =	simm.s32 @!p2 $0x0  }
0x1d: {  	s5 =	simm.s32 @p1 $0x1;
	p0 =	seq.s32 s7, s2  }
0x1e: {  	s7 =	smul.u32 @!p0 $0xF7A, s2;
	p2 =	seq.s32 @!p0 s5, $0x0  }
0x1f: {  	s9 =	smul.u32 $0xF7A, s1;
	s8 =	simm.s32 @!p0 $0x1BF5;
	p2 =	por !p2, p0  }
0x20: {  	[sflag:s8] =	ssyncset.s32 @!p0 $0xFFFFF086;
	s6 =	sadd.s32 @!p0 s3, s7;
	s7 =	simm.s32 @!p0 $0x108  }
0x21: {  	s3 =	sadd.s32 s3, s9;
	s6 =	sadd.s32 @!p0 $0x88, s6;
	s7 =	simm.s32 @p2 $0x1082  }
0x22: {  	[simem:s7], [sflag:s8] =	dma.local @!p0 [hbm:s6], $0xF7A  }
0x23: {  	s9 =	sor.u32 $0xD0000000, s2;
	s6 =	simm.s32 $0x108;
	_ =	swait.ge @!p0 [sflag:s8], $0x0  }
0x24: {  	s3 =	sadd.s32 $0x88, s3;
	s6 =	simm.s32 @!p1 $0x1082;
	[sflag:s4] =	ssyncset.s32 $0xFFFFF086  }
0x25: {  	[simem:s6], [sflag:s4] =	dma.local [hbm:s3], $0xF7A  }
0x26: {  	[smem:$0x3F89] =	sst s1;
	(tag) =	ssettag s2;
	_ =	strace s9  }
0x27: {  	s1 =	sld [smem:$0x3F99]  }
0x28: {  	s2 =	sld [smem:$0x3F9A]  }
0x29: {  	s4 =	sld [smem:$0x3F9C]  }
0x2a: {  	p0 =	seq.s32 s5, $0x0;
	s5 =	sld [smem:$0x3F9D]  }
0x2b: {  	s6 =	sld [smem:$0x3F9E]  }
0x2c: {  	s7 =	sld [smem:$0x3F9F]  }
0x2d: {  	s3 =	simm.s32 $0x108;
	s8 =	sld [smem:$0x3FA0]  }
0x2e: {  	s3 =	simm.s32 @!p0 $0x1082;
	s9 =	sld [smem:$0x3FA1]  }
0x2f: {  	lr =	sadd.s32 s0, s3;
	s0 =	sld [smem:$0x3F98]  }
0x30: {  	s3 =	sld [smem:$0x3F9B]  }
0x31: {  	[smem:$0x3FA4] =	sst s10  }
0x32: {  	s10 =	sld [smem:$0x3FA2];
	_ =	sdelay $0x3  }
0x33: {  	p0 =	seq.s32 s10, $0x1;
	s10 =	sld [smem:$0x3FA4];
	_ =	sdelay $0x3  }
0x34: {  	[smem:$0x3FA4] =	sst s10  }
0x35: {  	s10 =	sld [smem:$0x3FA3];
	_ =	sdelay $0x3  }
0x36: {  	p1 =	seq.s32 s10, $0x1;
	s10 =	sld [smem:$0x3FA4];
	_ =	sdelay $0x3  }
0x37: {  	[smem:$0x3FA4] =	sst s10  }
0x38: {  	s10 =	sld [smem:$0x3FA5]  }
0x39: {  	_ = 	snop;
	(pc) =	sbr.ind lr, $3  }
0x3a: {  	_ = 	snop  }
0x3b: {  	_ = 	snop  }
0x3c: {  	p2 =	seq.s32 s10, $0x1;
	s10 =	sld [smem:$0x3FA4]  }
0x3d: {  	_ =	shalt  }
0x3e: {  	_ =	shalt  }
0x3f: {  	_ =	shalt  }
0x40: {  	_ =	shalt  }
0x41: {  	_ =	shalt  }
0x42: {  	_ =	shalt  }
0x43: {  	_ =	shalt  }
0x44: {  	_ =	shalt  }
0x45: {  	_ =	shalt  }
0x46: {  	_ =	shalt  }
0x47: {  	_ =	shalt  }
0x48: {  	_ =	shalt  }
0x49: {  	_ =	shalt  }
0x4a: {  	_ =	shalt  }
0x4b: {  	_ =	shalt  }
0x4c: {  	_ =	shalt  }
0x4d: {  	_ =	shalt  }
0x4e: {  	_ =	shalt  }
0x4f: {  	_ =	shalt  }
0x50: {  	_ =	shalt  }
0x51: {  	_ =	shalt  }
0x52: {  	_ =	shalt  }
0x53: {  	_ =	shalt  }
0x54: {  	_ =	shalt  }
0x55: {  	_ =	shalt  }
0x56: {  	_ =	shalt  }
0x57: {  	_ =	shalt  }
0x58: {  	_ =	shalt  }
0x59: {  	_ =	shalt  }
0x5a: {  	_ =	shalt  }
0x5b: {  	_ =	shalt  }
0x5c: {  	_ =	shalt  }
0x5d: {  	_ =	shalt  }
0x5e: {  	_ =	shalt  }
0x5f: {  	_ =	shalt  }
0x60: {  	_ =	shalt  }
0x61: {  	_ =	shalt  }
0x62: {  	_ =	shalt  }
0x63: {  	_ =	shalt  }
0x64: {  	_ =	shalt  }
0x65: {  	_ =	shalt  }
0x66: {  	_ =	shalt  }
0x67: {  	_ =	shalt  }
0x68: {  	_ =	shalt  }
0x69: {  	_ =	shalt  }
0x6a: {  	_ =	shalt  }
0x6b: {  	_ =	shalt  }
0x6c: {  	_ =	shalt  }
0x6d: {  	_ =	shalt  }
0x6e: {  	_ =	shalt  }
0x6f: {  	_ =	shalt  }
0x70: {  	_ =	shalt  }
0x71: {  	_ =	shalt  }
0x72: {  	_ =	shalt  }
0x73: {  	_ =	shalt  }
0x74: {  	_ =	shalt  }
0x75: {  	_ =	shalt  }
0x76: {  	_ =	shalt  }
0x77: {  	_ =	shalt  }
0x78: {  	_ =	shalt  }
0x79: {  	_ =	shalt  }
0x7a: {  	_ =	shalt  }
0x7b: {  	_ =	shalt  }
0x7c: {  	_ =	shalt  }
0x7d: {  	_ =	shalt  }
0x7e: {  	_ =	shalt  }
0x7f: {  	_ =	shalt  }
0x80: {  	_ =	shalt  }
0x81: {  	_ =	shalt  }
0x82: {  	_ =	shalt  }
0x83: {  	_ =	shalt  }
0x84: {  	_ =	shalt  }
0x85: {  	_ =	shalt  }
0x86: {  	_ =	shalt  }
0x87: {  	_ =	shalt  }
.Lfunc_end0:
.L_simem_size_0:
called_computation_lowered:
.L_overlay_start_0:
0x88: {  	s0 =	sld [smem:$0x3FD9]  }
0x89: {  	s1 =	sld [smem:$0x3FFE];
	_ =	sdelay $0x3  }
0x8a: {  	s0 =	sadd.s32 s1, s0  }
0x8b: {  	[smem:$0x3FB0] =	sst s0  }
0x8c: {  	_ = 	snop  }
0x8d: {  	s0 =	sld [smem:$0x3FC9];
	(tm) =	ssettm $0x1  }
0x8e: {  	s16 =	sld [smem:$0x3FFB];
	_ =	sdelay $0x3  }
0x8f: {  	_ =	strace s16  }
0x90: {  	s1 =	sld [smem:$0x3FFC];
	_ =	sdelay $0x3  }
0x91: {  	_ =	strace s1  }
0x92: {  	s1 =	sld [smem:$0x3FFD];
	_ =	sdelay $0x3  }
0x93: {  	_ =	strace s1  }
0x94: {  	_ =	strace $0x8FFFFFFF  }
0x95: {  	s17 =	sld [smem:$0x3FDB];
	_ =	sdelay $0x1  }
0x96: {  	s2 =	simm.s32 $_scs_section_size  }
0x97: {  	s3 =	simm.s32 $_size__tile_overlayer_lowered;
	s4 =	simm.s32 $_tile_overlayer_lowered  }
0x98: {  	s20 =	simm.s32 $0x1BFF;
	s19 =	sshll.u32 s4, $0x1;
	s1 =	sadd.s32 s2, s17  }
0x99: {  	s5 =	simm.s32 $0x0;
	s18 =	sshll.u32 s3, $0x1;
	s3 =	sadd.s32 s19, s1  }
0x9a: {  	[timem:s5], [sflag:s20] =	dma.local [hbm:s3], s18  }
0x9b: {  	_ =	swait.ge [sflag:s20], s18  }
0x9c: {  	s2 =	ssub.s32 $0x0, s18;
	[sflag:s20] =	ssyncset.done $0x0  }
0x9d: {  	[sflag:s20] =	ssyncadd.s32 s2;
	_ =	sdelay $0x1  }
0x9e: {  	s21 =	simm.s32 $0x1B8B  }
0x9f: {  	_ =	swait.ge [sflag:s21], $0x1  }
0xa0: {  	[sflag:s21] =	ssyncset.done $0x0  }
0xa1: {  	s23 =	simm.s32 $0x1B8E;
	s22 =	sld [smem:$0x3FFE];
	[sflag:s21] =	ssyncadd.s32 $0xFFFFFFFF  }
0xa2: {  	s24 =	simm.s32 $execute0_lowered;
	[smem:$0x3FD2] =	sst s23  }
0xa3: {  	s3 =	sshll.u32 s24, $0x1;
	_ =	strace $0x80000046;
	[dreg:$0x1] =	wrdreg $0xFFFFFFFF  }
0xa4: {  	s25 =	simm.s32 $_size_execute0_lowered;
	s1 =	sadd.s32 s1, s3;
	[dreg:$0x0] =	wrdreg $0x0  }
0xa5: {  	s3 =	sshll.u32 s25, $0x1;
	[dreg:$0x2] =	wrdreg s1  }
0xa6: {  	[dreg:$0x3] =	wrdreg s3  }
0xa7: {  	[dreg:$0x4] =	wrdreg $0xC0  }
0xa8: {  	_ =	task [dreg:s5], $0x5FFFF  }
0xa9: {  	[dreg:$0x1] =	wrdreg $0xFFFFFFFF  }
0xaa: {  	[dreg:$0x0] =	wrdreg $0x60  }
0xab: {  	[dreg:$0x2] =	wrdreg s0  }
0xac: {  	[dreg:$0x3] =	wrdreg s22  }
0xad: {  	[dreg:$0x4] =	wrdreg $0xA  }
0xae: {  	_ =	task.clear_ibuf [dreg:s5], $0x5FFFF;
	_ =	strace $0x90000046  }
0xaf: {  	s26 =	simm.s32 $0xA;
	_ =	strace $0x80000048  }
0xb0: {  	_ =	swait.ge [sflag:s26], $0x1  }
0xb1: {  	[sflag:s26] =	ssyncadd.s32 $0xFFFFFFFF  }
0xb2: {  	_ =	strace $0x90000048  }
0xb3: {  	_ =	sfence  }
0xb4: {  	s28 =	sld [smem:$0x0];
	_ =	sdelay $0x1  }
0xb5: {  	s29 =	srdreg.scid  }
0xb6: {  	s30 =	sshll.u32 s29, $0xD;
	s31 =	sshrl.u32 s29, $0x2  }
0xb7: {  	s2 =	sand.u32 $0x4000, s30;
	s1 =	sand.u32 $0x1, s29;
	s0 =	sadd.s32 s31, s28  }
0xb8: {  	s1 =	sor.u32 s2, s1;
	s0 =	sshll.u32 s0, $0x11  }
0xb9: {  	s0 =	sor.u32 s0, s1  }
0xba: {  	s0 =	sadd.s32 $0x8F2B, s0  }
0xbb: {  	[sflag:s0] =	ssyncadd.remote.s32 $0x1  }
0xbc: {  	_ =	sfence.sel $0xFFFF  }
0xbd: {  	[dreg:$0x0] =	wrdreg $0xFFFFFFFF;
	(pc) =	sbr.abs _section_cstart, $3  }
0xbe: {  	[dreg:$0x1] =	wrdreg $0xFFFFFFFF  }
0xbf: {  	_ =	task.clear_ibuf [dreg:s5], $0x2FFFF;
	_ =	strace $0x9FFFFFFF  }
0xc0: {  	(tm) =	ssettm $0x7FFFFFFF  }
0xc1: {  	_ =	shalt  }
tec
execute0_lowered:
.L_overlay_start_1:
0x0: {  	(tag) =	ssettag $0x1  }
0x1: {  	s0 =	stileid.u32  }
0x2: {  	s1 =	smin.u32 s0, $0x9  }
0x3: {  	s1 =	sadd.s32 s0, s1  }
0x4: {  	s2 =	simm.s32 $0x320;
	p0 =	slt.u32 s0, $0x9;
	s1 =	smul.u32 $0x190, s1  }
0x5: {  	s2 =	simm.s32 @!p0 $0x190  }
0x6: {  	s2 =	sadd.s32 s2, s1  }
0x7: {  	s3 =	smin.u32 s2, $0x2710  }
0x8: {  	s7 =	ssub.s32 s3, s1  }
0x9: {  	p0 =	sgt.s32 s7, $0x0  }
0xa: {  	s7 =	simm.s32 @!p0 $0x0  }
0xb: {  	s31 =	sand.u32 $0xFFF0, s7  }
0xc: {  	s2 =	sshrl.u32 s31, $0x4  }
0xd: {  	s4 =	rddreg [dreg:$0x0];
	s2 =	smul.u32 $0xA3E, s2  }
0xe: {  	s9 =	rddreg [dreg:$0x1];
	s6 =	simm.s32 $0x1  }
0xf: {  	s11 =	simm.s32 $0x3;
	s13 =	simm.s32 $0x0;
	s8 =	sshrl.u32 s2, $0x10  }
0x10: {  	s12 =	simm.s32 $0x0;
	s5 =	sadd.s32 $0xEA00, s9;
	s10 =	smul.u32 $0x190, s8  }
.Ltmp0:
0x11: {  	s9 =	sadd.s32 $0xF000, s9;
	s2 =	rddreg [dreg:$0x2];
	(pc) =	sbr.rel .LBB2_1-.Ltmp0, $4  }
0x12: {  	_ =	strace $0x80000047;
	p0 =	sne.s32 s7, s10;
	s10 =	simm.s32 $0x1  }
0x13: {  	[sflag:s6] =	ssyncpa.u1 $0x0;
	s7 =	simm.s32 $0x2;
	s10 =	simm.s32 @!p0 $0x0  }
0x14: {  	[sflag:s7] =	ssyncpa.u1 $0x0;
	p0 =	por $0x0, $0x0;
	s8 =	sadd.s32 s8, s10  }
0x15: {  	vm0 =	vmmov $0xff;
	vm1 =	vcmask $0x3F20;
	[sflag:s11] =	ssyncpa.u1 $0x0;
	s11 =	smov.u32 s1;
	s10 =	sadd.s32 $0x1, s8  }
.LBB2_6:
0x16: {  	[hbm:s17] =	stream.linear.scatter [tilespmem:s14], [sflag:$0x3], $0x400, $0x38;
	[tilespmem:$0x19320] =	vst v63  }
.LBB2_7:
0x17: {  	s13 =	sadd.s32 $0x190, s11  }
0x18: {  	s15 =	smov.u32 s1;
	p2 =	slt.s32 s13, s3  }
0x19: {  	s15 =	smov.u32 @p2 s13;
	p2 =	sne.s32 s12, s10  }
.Ltmp1:
0x1a: {  	p1 =	slt.u32 s12, $0x2;
	(pc) =	sbr.rel @!p2 .LBB2_8-.Ltmp1, $4  }
0x1b: {  	s14 =	simm.s32 @!p1 $0x3  }
0x1c: {  	s16 =	sadd.s32 $0x1, s12;
	_ =	swait.ge @!p1 [sflag:s14], $0xC800  }
0x1d: {  	p0 =	por !p0, !p0;
	s13 =	smov.u32 s11;
	[sflag:s14] =	ssyncset.done @!p1 $0x0  }
0x1e: {  	s12 =	smov.u32 s16;
	s11 =	smov.u32 s15;
	[sflag:s14] =	ssyncadd.s32 @!p1 $0xFFFF3800  }
.LBB2_1:
0x1f: {  	p1 =	sge.u32 s12, s8  }
0x20: {  	s14 =	sxor.u32 @!p1 $0xFFFFFFFF, s12  }
0x21: {  	s14 =	sand.u32 @!p1 $0x1, s14  }
0x22: {  	s14 =	smul.u32 @!p1 $0x640, s14  }
0x23: {  	s31 =	sadd.s32 $0xFFFFFFFF, s12;
	s15 =	sshrl.u32 @!p1 s11, $0x3  }
0x24: {  	s16 =	sand.u32 @!p1 $0x7, s11;
	s15 =	sadd.s32 @!p1 s5, s15;
	s14 =	sshrl.u32 @!p1 s14, $0x2  }
0x25: {  	[tilespmem:s14], [sflag:$0x2] =	stream.linear.gather @!p1 [hbm4b:s15+s16], $0x190, $0x38;
	[tilespmem:$0x19320] =	vst v63  }
0x26: {  	p1 =	sge.u32 s31, s8  }
.Ltmp2:
0x27: {  	_ = 	snop;
	(pc) =	sbr.rel @p1 .LBB2_7-.Ltmp2, $1  }
0x28: {  	_ =	sdelay $0x3  }
0x29: {  	s14 =	simm.s32 $0x1  }
0x2a: {  	s14 =	simm.s32 @!p0 $0x0  }
0x2b: {  	s15 =	smul.u32 $0x640, s14  }
0x2c: {  	_ =	swait.ge [sflag:s7], $0x190  }
0x2d: {  	[sflag:s7] =	ssyncset.done $0x0;
	s16 =	sshrl.u32 s15, $0x2  }
0x2e: {  	[sflag:s7] =	ssyncadd.s32 $0xFFFFFE70;
	s15 =	sadd.s32 $0x0, s16  }
0x2f: {  	v0 =	vld.msk [tilespmem:s15+$0x0 ss:$0x1], $0xffff;
	_ =	sdelay $0x4  }
0x30: {  	vm2 =	vgt.s32 v0, $0x0  }
0x31: {  	v0 =	vnsel vm2, $0x0, v0  }
0x32: {  	v0 =	vmin.u32 v0, $0x270F  }
0x33: {  	v0 =	vshll.u32 v0, $0x4  }
0x34: {  	s14 =	smul.u32 $0x32000, s14;
	_ =	sdelay $0x1  }
0x35: {  	s14 =	sshrl.u32 s14, $0x2  }
0x36: {  	s14 =	sor.u32 $0x320, s14  }
0x37: {  	[tilespmem:s14], [sflag:$0x1] =	stream.indirect_vreg.gather [hbm:s4], $0x80, v0, vm0, $0x38;
	[tilespmem:$0x19320] =	vst v63  }
0x38: {  	s17 =	sadd.s32 $0x10, s16;
	s15 =	sadd.s32 $0x400, s14  }
0x39: {  	[tilespmem:s15], [sflag:$0x1] =	stream.indirect_vreg.gather [hbm:s4], $0x80, v0, vm1, $0x38;
	[tilespmem:$0x19320] =	vst v63  }
0x3a: {  	s18 =	simm.s32 $0x80;
	v0 =	vld.msk [tilespmem:s17+$0x0 ss:$0x1], $0xffff;
	s17 =	smov.u32 s14  }
.LBB2_3:
0x3b: {  	p1 =	sne.s32 s18, $0x600;
	_ =	sdelay $0x4  }
0x3c: {  	vm2 =	vgt.s32 v0, $0x0  }
0x3d: {  	v0 =	vnsel vm2, $0x0, v0  }
0x3e: {  	v0 =	vmin.u32 v0, $0x270F  }
0x3f: {  	v0 =	vshll.u32 v0, $0x4;
	_ =	sdelay $0x3  }
.Ltmp3:
0x40: {  	s19 =	sshra.s32 s18, $0x2;
	s17 =	sadd.s32 $0x800, s17;
	(pc) =	sbr.rel @p1 .LBB2_3-.Ltmp3, $4  }
0x41: {  	[tilespmem:s17], [sflag:$0x1] =	stream.indirect_vreg.gather [hbm:s4], $0x80, v0, vm0, $0x38;
	[tilespmem:$0x19320] =	vst v63  }
0x42: {  	s19 =	sadd.s32 s19, s16;
	s20 =	sadd.s32 $0x400, s17  }
0x43: {  	[tilespmem:s20], [sflag:$0x1] =	stream.indirect_vreg.gather [hbm:s4], $0x80, v0, vm1, $0x38;
	[tilespmem:$0x19320] =	vst v63  }
0x44: {  	s18 =	sadd.s32 $0x40, s18;
	v0 =	vld.msk [tilespmem:s19+$0x0 ss:$0x1], $0xffff  }
0x45: {  	_ =	sdelay $0x3  }
0x46: {  	vm2 =	vgt.s32 v0, $0x0  }
0x47: {  	v0 =	vnsel vm2, $0x0, v0  }
0x48: {  	v0 =	vmin.u32 v0, $0x270F  }
0x49: {  	v0 =	vshll.u32 v0, $0x4;
	_ =	sdelay $0x3  }
0x4a: {  	s16 =	sadd.s32 $0x800, s17  }
0x4b: {  	[tilespmem:s16], [sflag:$0x1] =	stream.indirect_vreg.gather [hbm:s4], $0x80, v0, vm0, $0x38;
	[tilespmem:$0x19320] =	vst v63  }
0x4c: {  	s16 =	sadd.s32 $0x400, s16  }
0x4d: {  	[tilespmem:s16], [sflag:$0x1] =	stream.indirect_vreg.gather [hbm:s4], $0x80, v0, vm1, $0x38;
	[tilespmem:$0x19320] =	vst v63  }
0x4e: {  	s13 =	sshll.u32 s13, $0x4;
	_ =	swait.ge [sflag:s6], $0xC800  }
0x4f: {  	s13 =	sadd.s32 s13, s9;
	[sflag:s6] =	ssyncset.done $0x0  }
0x50: {  	s17 =	sadd.s32 $0x0, s13;
	s16 =	simm.s32 $0x80;
	[sflag:s6] =	ssyncadd.s32 $0xFFFF3800  }
.LBB2_5:
0x51: {  	[hbm:s17] =	stream.linear.scatter [tilespmem:s14], [sflag:$0x3], $0x400, $0x38;
	[tilespmem:$0x19320] =	vst v63  }
0x52: {  	s17 =	smov.u32 s16;
	s14 =	smov.u32 s15;
	p1 =	sne.s32 s16, $0x1880  }
.Ltmp4:
0x53: {  	s16 =	sadd.s32 $0x80, s16;
	(pc) =	sbr.rel @p1 .LBB2_5-.Ltmp4, $2  }
0x54: {  	_ =	sdelay $0x2  }
0x55: {  	s15 =	sadd.s32 $0x400, s15;
	s17 =	sadd.s32 s17, s13  }
.Ltmp5:
0x56: {  	_ = 	snop;
	(pc) =	sbr.rel .LBB2_6-.Ltmp5, $1  }
0x57: {  	_ =	sdelay $0x3  }
.LBB2_8:
0x58: {  	_ =	sfence.sel $0x180000  }
0x59: {  	s1 =	simm.s32 $0x2;
	[bflag:$0x0] =	sbarrier.arrive $0xFFFF  }
0x5a: {  	s30 =	simm.s32 $0x3;
	[sflag:s1] =	ssyncpa.u1 $0x1  }
0x5b: {  	s31 =	simm.s32 $0x1;
	[sflag:s30] =	ssyncpa.u1 $0x1  }
0x5c: {  	[sflag:s31] =	ssyncpa.u1 $0x1  }
0x5d: {  	p0 =	sne.s32 s0, $0x0;
	_ =	strace $0x90000047  }
0x5e: {  	s0 =	sadd.s32 @!p0 $0x100000, s2;
	[bflag:$0x2] =	sbarrier.arrive $0xFFFF  }
0x5f: {  	[sflag:s0] =	ssyncadd.tile.s32 @!p0 $0x1;
	_ =	shalt  }
.Lfunc_end2:
_tile_overlayer_lowered:
.L_overlay_start_2:
0x60: {  	(tag) =	ssettag $0x2  }
0x61: {  	s0 =	rddreg [dreg:$0x0];
	s2 =	stileid.u32  }
0x62: {  	s1 =	rddreg [dreg:$0x1];
	p0 =	sne.s32 s2, $0x0  }
0x63: {  	s3 =	rddreg [dreg:$0x2];
	[bflag:$0x3] =	sbarrier.arrive $0xFFFF;
	s2 =	simm.s32 @!p0 $0x1C01  }
0x64: {  	[timem:s3], [sflag:s2] =	dma.local @!p0 [hbm:s0], s1  }
0x65: {  	s0 =	simm.s32 @!p0 $0x1  }
0x66: {  	_ =	swait.ge @!p0 [sflag:s0], s1  }
0x67: {  	s1 =	ssub.s32 @!p0 $0x0, s1;
	[sflag:s0] =	ssyncset.done @!p0 $0x0  }
0x68: {  	[sflag:s0] =	ssyncadd.s32 @!p0 s1  }
0x69: {  	[bflag:$0x3] =	sbarrier.arrive $0xFFFF  }
0x6a: {  	_ =	shalt  }

// kernel: kernel.21.cloned.1.call-start
scs
__scs_entry_jumppad:
0x0: {  	(pc) =	sbr.rel $0x88, $3  }
0x1: {  	(tag) =	ssettag $0x0;
	lr =	simm.s32 $0x1  }
0x2: {  	[smem:$0x3F89] =	sst lr;
	_ =	strace $0xD0000000  }
0x3: {  	_ = 	snop  }
0x4: {  	_ = 	snop  }
0x5: {  	_ = 	snop  }
0x6: {  	_ = 	snop  }
0x7: {  	_ = 	snop  }
__scs_overlays_trampoline_lowered:
0x8: {  	[smem:$0x3F98] =	sst s0  }
0x9: {  	[smem:$0x3F99] =	sst s1  }
0xa: {  	[smem:$0x3F9A] =	sst s2  }
0xb: {  	[smem:$0x3F9B] =	sst s3  }
0xc: {  	[smem:$0x3F9C] =	sst s4  }
0xd: {  	[smem:$0x3F9D] =	sst s5  }
0xe: {  	[smem:$0x3F9E] =	sst s6  }
0xf: {  	[smem:$0x3F9F] =	sst s7  }
0x10: {  	[smem:$0x3FA0] =	sst s8  }
0x11: {  	[smem:$0x3FA1] =	sst s9;
	s0 =	simm.s32 @!p0 $0x0  }
0x12: {  	s1 =	sld [smem:$0x3F87];
	s0 =	simm.s32 @p0 $0x1  }
0x13: {  	[smem:$0x3FA2] =	sst s0;
	s0 =	simm.s32 @!p1 $0x0  }
0x14: {  	s2 =	sld [smem:$0x3F86];
	s0 =	simm.s32 @p1 $0x1  }
0x15: {  	[smem:$0x3FA3] =	sst s0;
	s0 =	simm.s32 @!p2 $0x0  }
0x16: {  	s3 =	sld [smem:$0x3FDB];
	s0 =	simm.s32 @p2 $0x1  }
0x17: {  	s4 =	simm.s32 $0x1BF5;
	[smem:$0x3FA5] =	sst s0  }
0x18: {  	s0 =	sld [smem:$0x3F88];
	_ =	swait.ge [sflag:s4], $0x0  }
0x19: {  	s7 =	sld [smem:$0x3F89]  }
0x1a: {  	s8 =	sadd.s32 $0xFFFFE003, lr  }
0x1b: {  	s9 =	sadd.s32 $0xFFFFFEF7, lr;
	s5 =	simm.s32 $0xFFFFFFFF;
	p2 =	slt.u32 s8, $0xFFFFF086  }
0x1c: {  	p1 =	slt.u32 s9, $0xF7A;
	s5 =	simm.s32 @!p2 $0x0  }
0x1d: {  	s5 =	simm.s32 @p1 $0x1;
	p0 =	seq.s32 s7, s2  }
0x1e: {  	s7 =	smul.u32 @!p0 $0xF7A, s2;
	p2 =	seq.s32 @!p0 s5, $0x0  }
0x1f: {  	s9 =	smul.u32 $0xF7A, s1;
	s8 =	simm.s32 @!p0 $0x1BF5;
	p2 =	por !p2, p0  }
0x20: {  	[sflag:s8] =	ssyncset.s32 @!p0 $0xFFFFF086;
	s6 =	sadd.s32 @!p0 s3, s7;
	s7 =	simm.s32 @!p0 $0x108  }
0x21: {  	s3 =	sadd.s32 s3, s9;
	s6 =	sadd.s32 @!p0 $0x88, s6;
	s7 =	simm.s32 @p2 $0x1082  }
0x22: {  	[simem:s7], [sflag:s8] =	dma.local @!p0 [hbm:s6], $0xF7A  }
0x23: {  	s9 =	sor.u32 $0xD0000000, s2;
	s6 =	simm.s32 $0x108;
	_ =	swait.ge @!p0 [sflag:s8], $0x0  }
0x24: {  	s3 =	sadd.s32 $0x88, s3;
	s6 =	simm.s32 @!p1 $0x1082;
	[sflag:s4] =	ssyncset.s32 $0xFFFFF086  }
0x25: {  	[simem:s6], [sflag:s4] =	dma.local [hbm:s3], $0xF7A  }
0x26: {  	[smem:$0x3F89] =	sst s1;
	(tag) =	ssettag s2;
	_ =	strace s9  }
0x27: {  	s1 =	sld [smem:$0x3F99]  }
0x28: {  	s2 =	sld [smem:$0x3F9A]  }
0x29: {  	s4 =	sld [smem:$0x3F9C]  }
0x2a: {  	p0 =	seq.s32 s5, $0x0;
	s5 =	sld [smem:$0x3F9D]  }
0x2b: {  	s6 =	sld [smem:$0x3F9E]  }
0x2c: {  	s7 =	sld [smem:$0x3F9F]  }
0x2d: {  	s3 =	simm.s32 $0x108;
	s8 =	sld [smem:$0x3FA0]  }
0x2e: {  	s3 =	simm.s32 @!p0 $0x1082;
	s9 =	sld [smem:$0x3FA1]  }
0x2f: {  	lr =	sadd.s32 s0, s3;
	s0 =	sld [smem:$0x3F98]  }
0x30: {  	s3 =	sld [smem:$0x3F9B]  }
0x31: {  	[smem:$0x3FA4] =	sst s10  }
0x32: {  	s10 =	sld [smem:$0x3FA2];
	_ =	sdelay $0x3  }
0x33: {  	p0 =	seq.s32 s10, $0x1;
	s10 =	sld [smem:$0x3FA4];
	_ =	sdelay $0x3  }
0x34: {  	[smem:$0x3FA4] =	sst s10  }
0x35: {  	s10 =	sld [smem:$0x3FA3];
	_ =	sdelay $0x3  }
0x36: {  	p1 =	seq.s32 s10, $0x1;
	s10 =	sld [smem:$0x3FA4];
	_ =	sdelay $0x3  }
0x37: {  	[smem:$0x3FA4] =	sst s10  }
0x38: {  	s10 =	sld [smem:$0x3FA5]  }
0x39: {  	_ = 	snop;
	(pc) =	sbr.ind lr, $3  }
0x3a: {  	_ = 	snop  }
0x3b: {  	_ = 	snop  }
0x3c: {  	p2 =	seq.s32 s10, $0x1;
	s10 =	sld [smem:$0x3FA4]  }
0x3d: {  	_ =	shalt  }
0x3e: {  	_ =	shalt  }
0x3f: {  	_ =	shalt  }
0x40: {  	_ =	shalt  }
0x41: {  	_ =	shalt  }
0x42: {  	_ =	shalt  }
0x43: {  	_ =	shalt  }
0x44: {  	_ =	shalt  }
0x45: {  	_ =	shalt  }
0x46: {  	_ =	shalt  }
0x47: {  	_ =	shalt  }
0x48: {  	_ =	shalt  }
0x49: {  	_ =	shalt  }
0x4a: {  	_ =	shalt  }
0x4b: {  	_ =	shalt  }
0x4c: {  	_ =	shalt  }
0x4d: {  	_ =	shalt  }
0x4e: {  	_ =	shalt  }
0x4f: {  	_ =	shalt  }
0x50: {  	_ =	shalt  }
0x51: {  	_ =	shalt  }
0x52: {  	_ =	shalt  }
0x53: {  	_ =	shalt  }
0x54: {  	_ =	shalt  }
0x55: {  	_ =	shalt  }
0x56: {  	_ =	shalt  }
0x57: {  	_ =	shalt  }
0x58: {  	_ =	shalt  }
0x59: {  	_ =	shalt  }
0x5a: {  	_ =	shalt  }
0x5b: {  	_ =	shalt  }
0x5c: {  	_ =	shalt  }
0x5d: {  	_ =	shalt  }
0x5e: {  	_ =	shalt  }
0x5f: {  	_ =	shalt  }
0x60: {  	_ =	shalt  }
0x61: {  	_ =	shalt  }
0x62: {  	_ =	shalt  }
0x63: {  	_ =	shalt  }
0x64: {  	_ =	shalt  }
0x65: {  	_ =	shalt  }
0x66: {  	_ =	shalt  }
0x67: {  	_ =	shalt  }
0x68: {  	_ =	shalt  }
0x69: {  	_ =	shalt  }
0x6a: {  	_ =	shalt  }
0x6b: {  	_ =	shalt  }
0x6c: {  	_ =	shalt  }
0x6d: {  	_ =	shalt  }
0x6e: {  	_ =	shalt  }
0x6f: {  	_ =	shalt  }
0x70: {  	_ =	shalt  }
0x71: {  	_ =	shalt  }
0x72: {  	_ =	shalt  }
0x73: {  	_ =	shalt  }
0x74: {  	_ =	shalt  }
0x75: {  	_ =	shalt  }
0x76: {  	_ =	shalt  }
0x77: {  	_ =	shalt  }
0x78: {  	_ =	shalt  }
0x79: {  	_ =	shalt  }
0x7a: {  	_ =	shalt  }
0x7b: {  	_ =	shalt  }
0x7c: {  	_ =	shalt  }
0x7d: {  	_ =	shalt  }
0x7e: {  	_ =	shalt  }
0x7f: {  	_ =	shalt  }
0x80: {  	_ =	shalt  }
0x81: {  	_ =	shalt  }
0x82: {  	_ =	shalt  }
0x83: {  	_ =	shalt  }
0x84: {  	_ =	shalt  }
0x85: {  	_ =	shalt  }
0x86: {  	_ =	shalt  }
0x87: {  	_ =	shalt  }
.Lfunc_end0:
.L_simem_size_0:
called_computation.1_lowered:
.L_overlay_start_0:
0x88: {  	s2 =	sld [smem:$0x3FD9]  }
0x89: {  	s3 =	sld [smem:$0x3FFE];
	_ =	sdelay $0x1  }
0x8a: {  	s1 =	srdreg.scid  }
0x8b: {  	s0 =	sand.u32 $0x1, s1  }
0x8c: {  	s17 =	sshll.u32 s0, $0xA;
	s2 =	sadd.s32 s3, s2  }
0x8d: {  	s2 =	sadd.s32 s2, s17  }
0x8e: {  	[smem:$0x3FB0] =	sst s2  }
0x8f: {  	_ = 	snop  }
0x90: {  	(tm) =	ssettm $0x1  }
0x91: {  	s18 =	sld [smem:$0x3FFB];
	_ =	sdelay $0x3  }
0x92: {  	_ =	strace s18  }
0x93: {  	s2 =	sld [smem:$0x3FFC];
	_ =	sdelay $0x3  }
0x94: {  	_ =	strace s2  }
0x95: {  	s2 =	sld [smem:$0x3FFD];
	_ =	sdelay $0x3  }
0x96: {  	_ =	strace s2  }
0x97: {  	_ =	strace $0x8FFFFFFF  }
0x98: {  	s19 =	sld [smem:$0x3FDB];
	_ =	sdelay $0x1  }
0x99: {  	s20 =	simm.s32 $_scs_section_size  }
0x9a: {  	s4 =	simm.s32 $_size__tile_overlayer_lowered;
	s5 =	simm.s32 $_tile_overlayer_lowered  }
0x9b: {  	s6 =	simm.s32 $0x1BFF;
	s21 =	sshll.u32 s5, $0x1;
	s3 =	sadd.s32 s20, s19  }
0x9c: {  	s22 =	simm.s32 $0x0;
	s4 =	sshll.u32 s4, $0x1;
	s5 =	sadd.s32 s21, s3  }
0x9d: {  	[timem:s22], [sflag:s6] =	dma.local [hbm:s5], s4  }
0x9e: {  	_ =	swait.ge [sflag:s6], s4  }
0x9f: {  	s4 =	ssub.s32 $0x0, s4;
	[sflag:s6] =	ssyncset.done $0x0  }
0xa0: {  	[sflag:s6] =	ssyncadd.s32 s4;
	_ =	sdelay $0x1  }
0xa1: {  	s23 =	simm.s32 $0x1B8B  }
0xa2: {  	_ =	swait.ge [sflag:s23], $0x1  }
0xa3: {  	[sflag:s23] =	ssyncset.done $0x0  }
0xa4: {  	[sflag:s23] =	ssyncadd.s32 $0xFFFFFFFF  }
0xa5: {  	s4 =	sld [smem:$0x0]  }
0xa6: {  	s5 =	sand.u32 $0xFFFFFFFE, s1  }
0xa7: {  	p0 =	sne.s32 s1, s5  }
0xa8: {  	s5 =	sshll.u32 @p0 s5, $0xE  }
0xa9: {  	s5 =	sadd.s32 @p0 $0x11B8D, s5;
	s6 =	sshll.u32 @p0 s4, $0x11  }
0xaa: {  	s5 =	sor.u32 @p0 s6, s5  }
0xab: {  	[sflag:s5] =	ssyncadd.remote.s32 @p0 $0x1;
	_ =	sdelay $0x1  }
0xac: {  	s5 =	simm.s32 @p0 $0x1B8D  }
0xad: {  	_ =	swait.eq @p0 [sflag:s5], $0x1  }
0xae: {  	[sflag:s5] =	ssyncadd.s32 @p0 $0xFFFFFFFF  }
0xaf: {  	s6 =	sshll.u32 @!p0 s1, $0xE  }
0xb0: {  	s6 =	sor.u32 @!p0 $0x4000, s6;
	s5 =	simm.s32 @!p0 $0x1B8D  }
0xb1: {  	s4 =	sshll.u32 @!p0 s4, $0x11;
	s6 =	sadd.s32 @!p0 $0x11B8D, s6;
	_ =	swait.eq @!p0 [sflag:s5], $0x1  }
0xb2: {  	s4 =	sor.u32 @!p0 s4, s6;
	[sflag:s5] =	ssyncadd.s32 @!p0 $0xFFFFFFFF  }
0xb3: {  	s25 =	simm.s32 $0x1B8E;
	s24 =	sld [smem:$0x3FFE];
	[sflag:s4] =	ssyncadd.remote.s32 @!p0 $0x1  }
0xb4: {  	s26 =	simm.s32 $execute0_lowered;
	[smem:$0x3FD2] =	sst s25  }
0xb5: {  	s5 =	sshll.u32 s26, $0x1;
	_ =	strace $0x80000049;
	[dreg:$0x1] =	wrdreg $0xFFFFFFFF  }
0xb6: {  	s28 =	simm.s32 $_size_execute0_lowered;
	s3 =	sadd.s32 s3, s5;
	[dreg:$0x0] =	wrdreg $0x0  }
0xb7: {  	s5 =	sshll.u32 s28, $0x1;
	[dreg:$0x2] =	wrdreg s3  }
0xb8: {  	[dreg:$0x3] =	wrdreg s5  }
0xb9: {  	[dreg:$0x4] =	wrdreg $0xC0  }
0xba: {  	_ =	task [dreg:s22], $0x5FFFF  }
0xbb: {  	[dreg:$0x1] =	wrdreg $0xFFFFFFFF  }
0xbc: {  	[dreg:$0x0] =	wrdreg $0x60  }
0xbd: {  	[dreg:$0x2] =	wrdreg s24  }
0xbe: {  	[dreg:$0x3] =	wrdreg $0x9  }
0xbf: {  	_ =	task.clear_ibuf [dreg:s22], $0x4FFFF;
	_ =	strace $0x90000049  }
0xc0: {  	s29 =	simm.s32 $0x9;
	_ =	strace $0x8000004B  }
0xc1: {  	_ =	swait.ge [sflag:s29], $0x1  }
0xc2: {  	[sflag:s29] =	ssyncadd.s32 $0xFFFFFFFF  }
0xc3: {  	_ =	strace $0x9000004B  }
0xc4: {  	_ =	sfence  }
0xc5: {  	s30 =	sld [smem:$0x0];
	_ =	sdelay $0x2  }
0xc6: {  	s31 =	sshll.u32 s1, $0xD;
	s1 =	sshrl.u32 s1, $0x2  }
0xc7: {  	s4 =	sand.u32 $0x4000, s31;
	s1 =	sadd.s32 s1, s30  }
0xc8: {  	s0 =	sor.u32 s4, s0;
	s1 =	sshll.u32 s1, $0x11  }
0xc9: {  	s0 =	sor.u32 s1, s0  }
0xca: {  	s0 =	sadd.s32 $0x8F2B, s0  }
0xcb: {  	[sflag:s0] =	ssyncadd.remote.s32 $0x1  }
0xcc: {  	_ =	sfence.sel $0xFFFF  }
0xcd: {  	[dreg:$0x0] =	wrdreg $0xFFFFFFFF;
	(pc) =	sbr.abs _section_cstart, $3  }
0xce: {  	[dreg:$0x1] =	wrdreg $0xFFFFFFFF  }
0xcf: {  	_ =	task.clear_ibuf [dreg:s22], $0x2FFFF;
	_ =	strace $0x9FFFFFFF  }
0xd0: {  	(tm) =	ssettm $0x7FFFFFFF  }
0xd1: {  	_ =	shalt  }
tec
execute0_lowered:
.L_overlay_start_1:
0x0: {  	(tag) =	ssettag $0x1  }
0x1: {  	s4 =	rddreg [dreg:$0x0]  }
0x2: {  	s0 =	rddreg [dreg:$0x1];
	s3 =	srdreg.scid  }
0x3: {  	s1 =	stileid.u32;
	s2 =	simm.s32 $0x0;
	s9 =	simm.s32 $0x9C80  }
0x4: {  	s10 =	simm.s32 $0xDC80;
	s11 =	simm.s32 $0x11C80;
	s12 =	simm.s32 $0x0  }
0x5: {  	s3 =	sand.u32 $0x1, s3;
	s5 =	sshll.u32 s1, $0x1;
	[smem:$0x7FF] =	sst s2  }
0x6: {  	s5 =	sor.u32 s3, s5;
	_ =	strace $0x8000004A;
	s7 =	ssub.s32 $0x2, s3  }
0x7: {  	s6 =	smul.u32 $0x500, s5;
	s5 =	sshll.u32 s5, $0xB;
	s8 =	sshrl.u32 s7, $0x1  }
0x8: {  	s3 =	sadd.s32 $0x36200, s4;
	s5 =	sadd.s32 s5, s4;
	s7 =	ssub.s32 s7, s8  }
0x9: {  	s8 =	simm.s32 $0x1;
	s6 =	sadd.s32 s6, s4;
	s4 =	sadd.s32 $0x37600, s5  }
0xa: {  	s5 =	sadd.s32 $0x47600, s5;
	s7 =	smax.u32 s7, $0x1;
	s6 =	sadd.s32 $0x57600, s6  }
.LBB2_1:
0xb: {  	[tilespmem:s2], [sflag:$0x1] =	stream.linear.gather [hbm4b:s3+s2], $0x9C80, $0x38;
	[tilespmem:$0x14480] =	vst v63  }
0xc: {  	_ =	swait.ge [sflag:s8], $0x9C80  }
0xd: {  	[sflag:s8] =	ssyncset.done $0x0  }
0xe: {  	[sflag:s8] =	ssyncadd.s32 $0xFFFF6380  }
0xf: {  	[tilespmem:s9], [sflag:$0x1] =	stream.linear.gather [hbm4b:s4+s2], $0x4000, $0x38;
	[tilespmem:$0x14480] =	vst v63  }
0x10: {  	_ =	swait.ge [sflag:s8], $0x4000  }
0x11: {  	[sflag:s8] =	ssyncset.done $0x0  }
0x12: {  	[sflag:s8] =	ssyncadd.s32 $0xFFFFC000  }
0x13: {  	[tilespmem:s10], [sflag:$0x1] =	stream.linear.gather [hbm4b:s5+s2], $0x4000, $0x38;
	[tilespmem:$0x14480] =	vst v63  }
0x14: {  	_ =	swait.ge [sflag:s8], $0x4000  }
0x15: {  	[sflag:s8] =	ssyncset.done $0x0  }
0x16: {  	s13 =	simm.s32 $0x11CA0;
	s14 =	simm.s32 $0x0;
	[sflag:s8] =	ssyncadd.s32 $0xFFFFC000  }
.LBB2_2:
0x17: {  	s15 =	sshra.s32 s14, $0x2  }
0x18: {  	v0 =	vld [tilespmem:s15+$0x9C80]  }
0x19: {  	v1 =	vld [tilespmem:s15+$0xDC80];
	_ =	sdelay $0x3  }
0x1a: {  	v0 =	vshll.u32 v0, $0x2  }
0x1b: {  	v1 =	vshll.u32 v1, $0x2  }
0x1c: {  	v2 =	vor.u32 $0x1, v0  }
0x1d: {  	v3 =	vor.u32 $0x1, v1  }
0x1e: {  	v4 =	vor.u32 $0x2, v0  }
0x1f: {  	v5 =	vor.u32 $0x2, v1;
	v0 =	vld.idx.msk [tilespmem:v0+s2+$0x0], $0xffff  }
0x20: {  	v1 =	vld.idx.msk [tilespmem:v1+s2+$0x0], $0xffff  }
0x21: {  	v2 =	vld.idx.msk [tilespmem:v2+s2+$0x0], $0xffff  }
0x22: {  	v3 =	vld.idx.msk [tilespmem:v3+s2+$0x0], $0xffff  }
0x23: {  	v4 =	vld.idx.msk [tilespmem:v4+s2+$0x0], $0xffff  }
0x24: {  	v5 =	vld.idx.msk [tilespmem:v5+s2+$0x0], $0xffff;
	_ =	sdelay $0x2  }
0x25: {  	v0 =	vsub.f32 v0, v1;
	v29 =	vsub.f32 v2, v3;
	_ =	sdelay $0x1  }
0x26: {  	v30 =	vsub.f32 v4, v5;
	v0 =	vmul.f32 v0, v0;
	v1 =	vmul.f32 v29, v29;
	_ =	sdelay $0x1  }
0x27: {  	v31 =	vmul.f32 v30, v30;
	v0 =	vadd.f32 v1, v0;
	_ =	sdelay $0x1  }
0x28: {  	v0 =	vadd.f32 v31, v0;
	_ =	sdelay $0x1  }
0x29: {  	[tilespmem:s13+$0xFFFFFFE0] =	vst v0  }
0x2a: {  	v0 =	vld [tilespmem:s15+$0x9C90]  }
0x2b: {  	v32 =	vld [tilespmem:s15+$0xDC90];
	_ =	sdelay $0x3  }
0x2c: {  	v0 =	vshll.u32 v0, $0x2  }
0x2d: {  	v1 =	vshll.u32 v32, $0x2  }
0x2e: {  	v33 =	vor.u32 $0x1, v0  }
0x2f: {  	v34 =	vor.u32 $0x1, v1  }
0x30: {  	v35 =	vor.u32 $0x2, v0  }
0x31: {  	v36 =	vor.u32 $0x2, v1;
	v0 =	vld.idx.msk [tilespmem:v0+s2+$0x0], $0xffff  }
0x32: {  	v1 =	vld.idx.msk [tilespmem:v1+s2+$0x0], $0xffff  }
0x33: {  	v2 =	vld.idx.msk [tilespmem:v33+s2+$0x0], $0xffff  }
0x34: {  	v3 =	vld.idx.msk [tilespmem:v34+s2+$0x0], $0xffff  }
0x35: {  	v4 =	vld.idx.msk [tilespmem:v35+s2+$0x0], $0xffff  }
0x36: {  	v5 =	vld.idx.msk [tilespmem:v36+s2+$0x0], $0xffff;
	_ =	sdelay $0x2  }
0x37: {  	v0 =	vsub.f32 v0, v1;
	v37 =	vsub.f32 v2, v3;
	_ =	sdelay $0x1  }
0x38: {  	v38 =	vsub.f32 v4, v5;
	v0 =	vmul.f32 v0, v0;
	v1 =	vmul.f32 v37, v37;
	_ =	sdelay $0x1  }
0x39: {  	v39 =	vmul.f32 v38, v38;
	v0 =	vadd.f32 v1, v0;
	_ =	sdelay $0x1  }
0x3a: {  	v0 =	vadd.f32 v39, v0;
	_ =	sdelay $0x1  }
0x3b: {  	[tilespmem:s13+$0xFFFFFFF0] =	vst v0  }
0x3c: {  	v0 =	vld [tilespmem:s15+$0x9CA0]  }
0x3d: {  	v40 =	vld [tilespmem:s15+$0xDCA0];
	_ =	sdelay $0x3  }
0x3e: {  	v0 =	vshll.u32 v0, $0x2  }
0x3f: {  	v1 =	vshll.u32 v40, $0x2  }
0x40: {  	v41 =	vor.u32 $0x1, v0  }
0x41: {  	v42 =	vor.u32 $0x1, v1  }
0x42: {  	v43 =	vor.u32 $0x2, v0  }
0x43: {  	v44 =	vor.u32 $0x2, v1;
	v0 =	vld.idx.msk [tilespmem:v0+s2+$0x0], $0xffff  }
0x44: {  	v1 =	vld.idx.msk [tilespmem:v1+s2+$0x0], $0xffff  }
0x45: {  	v2 =	vld.idx.msk [tilespmem:v41+s2+$0x0], $0xffff  }
0x46: {  	v3 =	vld.idx.msk [tilespmem:v42+s2+$0x0], $0xffff  }
0x47: {  	v4 =	vld.idx.msk [tilespmem:v43+s2+$0x0], $0xffff  }
0x48: {  	v5 =	vld.idx.msk [tilespmem:v44+s2+$0x0], $0xffff;
	_ =	sdelay $0x2  }
0x49: {  	v0 =	vsub.f32 v0, v1;
	v45 =	vsub.f32 v2, v3;
	_ =	sdelay $0x1  }
0x4a: {  	v46 =	vsub.f32 v4, v5;
	v0 =	vmul.f32 v0, v0;
	v1 =	vmul.f32 v45, v45;
	_ =	sdelay $0x1  }
0x4b: {  	v47 =	vmul.f32 v46, v46;
	v0 =	vadd.f32 v1, v0;
	_ =	sdelay $0x1  }
0x4c: {  	v0 =	vadd.f32 v47, v0;
	_ =	sdelay $0x1  }
0x4d: {  	[tilespmem:s13+$0x0] =	vst v0  }
0x4e: {  	v0 =	vld [tilespmem:s15+$0x9CB0]  }
0x4f: {  	v48 =	vld [tilespmem:s15+$0xDCB0];
	_ =	sdelay $0x3  }
0x50: {  	v0 =	vshll.u32 v0, $0x2  }
0x51: {  	v1 =	vshll.u32 v48, $0x2  }
0x52: {  	v49 =	vor.u32 $0x1, v0  }
0x53: {  	v50 =	vor.u32 $0x1, v1  }
0x54: {  	v51 =	vor.u32 $0x2, v0  }
0x55: {  	v52 =	vor.u32 $0x2, v1;
	v0 =	vld.idx.msk [tilespmem:v0+s2+$0x0], $0xffff  }
0x56: {  	v1 =	vld.idx.msk [tilespmem:v1+s2+$0x0], $0xffff  }
0x57: {  	v2 =	vld.idx.msk [tilespmem:v49+s2+$0x0], $0xffff  }
0x58: {  	v3 =	vld.idx.msk [tilespmem:v50+s2+$0x0], $0xffff  }
0x59: {  	v4 =	vld.idx.msk [tilespmem:v51+s2+$0x0], $0xffff  }
0x5a: {  	v5 =	vld.idx.msk [tilespmem:v52+s2+$0x0], $0xffff;
	_ =	sdelay $0x2  }
0x5b: {  	v0 =	vsub.f32 v0, v1;
	v53 =	vsub.f32 v2, v3;
	_ =	sdelay $0x1  }
0x5c: {  	v54 =	vsub.f32 v4, v5;
	v0 =	vmul.f32 v0, v0;
	v1 =	vmul.f32 v53, v53;
	_ =	sdelay $0x1  }
0x5d: {  	v55 =	vmul.f32 v54, v54;
	v0 =	vadd.f32 v1, v0;
	_ =	sdelay $0x1  }
0x5e: {  	v0 =	vadd.f32 v55, v0;
	_ =	sdelay $0x1  }
0x5f: {  	[tilespmem:s13+$0x10] =	vst v0  }
0x60: {  	v0 =	vld [tilespmem:s15+$0x9CC0]  }
0x61: {  	v56 =	vld [tilespmem:s15+$0xDCC0];
	_ =	sdelay $0x3  }
0x62: {  	v0 =	vshll.u32 v0, $0x2  }
0x63: {  	v1 =	vshll.u32 v56, $0x2  }
0x64: {  	v57 =	vor.u32 $0x1, v0  }
0x65: {  	v58 =	vor.u32 $0x1, v1  }
0x66: {  	v59 =	vor.u32 $0x2, v0  }
0x67: {  	v60 =	vor.u32 $0x2, v1;
	v0 =	vld.idx.msk [tilespmem:v0+s2+$0x0], $0xffff  }
0x68: {  	v1 =	vld.idx.msk [tilespmem:v1+s2+$0x0], $0xffff  }
0x69: {  	v2 =	vld.idx.msk [tilespmem:v57+s2+$0x0], $0xffff  }
0x6a: {  	v3 =	vld.idx.msk [tilespmem:v58+s2+$0x0], $0xffff  }
0x6b: {  	v4 =	vld.idx.msk [tilespmem:v59+s2+$0x0], $0xffff  }
0x6c: {  	v5 =	vld.idx.msk [tilespmem:v60+s2+$0x0], $0xffff;
	_ =	sdelay $0x2  }
0x6d: {  	v0 =	vsub.f32 v0, v1;
	v61 =	vsub.f32 v2, v3;
	_ =	sdelay $0x1  }
0x6e: {  	v62 =	vsub.f32 v4, v5;
	v0 =	vmul.f32 v0, v0;
	v1 =	vmul.f32 v61, v61  }
0x6f: {  	p0 =	sne.s32 s14, $0xFE00  }
.Ltmp0:
0x70: {  	v63 =	vmul.f32 v62, v62;
	v0 =	vadd.f32 v1, v0;
	(pc) =	sbr.rel @p0 .LBB2_2-.Ltmp0, $3  }
0x71: {  	_ = 	snop  }
0x72: {  	v0 =	vadd.f32 v63, v0;
	_ =	sdelay $0x1  }
0x73: {  	s14 =	sadd.s32 $0x200, s14;
	[tilespmem:s13+$0x20] =	vst v0;
	s13 =	sadd.s32 $0x50, s13  }
0x74: {  	s12 =	sadd.s32 $0x1, s12  }
0x75: {  	p0 =	sne.s32 s12, s7  }
.Ltmp1:
0x76: {  	_ = 	snop;
	(pc) =	sbr.rel @p0 .LBB2_1-.Ltmp1, $4  }
0x77: {  	[hbm4b:s6+s2] =	stream.linear.scatter [tilespmem:s11], [sflag:$0x1], $0x2800, $0x38;
	[tilespmem:$0x14480] =	vst v63  }
0x78: {  	_ =	swait.ge [sflag:s8], $0x2800  }
0x79: {  	[sflag:s8] =	ssyncset.done $0x0  }
0x7a: {  	[sflag:s8] =	ssyncadd.s32 $0xFFFFD800  }
0x7b: {  	_ =	sfence.sel $0x180000  }
0x7c: {  	[bflag:$0x0] =	sbarrier.arrive $0xFFFF  }
0x7d: {  	p0 =	sne.s32 s1, $0x0;
	_ =	strace $0x9000004A  }
0x7e: {  	s0 =	sadd.s32 @!p0 $0x100000, s0;
	[bflag:$0x2] =	sbarrier.arrive $0xFFFF  }
0x7f: {  	[sflag:s0] =	ssyncadd.tile.s32 @!p0 $0x1;
	_ =	shalt  }
.Lfunc_end2:
_tile_overlayer_lowered:
.L_overlay_start_2:
0x80: {  	(tag) =	ssettag $0x2  }
0x81: {  	s0 =	rddreg [dreg:$0x0];
	s2 =	stileid.u32  }
0x82: {  	s1 =	rddreg [dreg:$0x1];
	p0 =	sne.s32 s2, $0x0  }
0x83: {  	s3 =	rddreg [dreg:$0x2];
	[bflag:$0x3] =	sbarrier.arrive $0xFFFF;
	s2 =	simm.s32 @!p0 $0x1C01  }
0x84: {  	[timem:s3], [sflag:s2] =	dma.local @!p0 [hbm:s0], s1  }
0x85: {  	s0 =	simm.s32 @!p0 $0x1  }
0x86: {  	_ =	swait.ge @!p0 [sflag:s0], s1  }
0x87: {  	s1 =	ssub.s32 @!p0 $0x0, s1;
	[sflag:s0] =	ssyncset.done @!p0 $0x0  }
0x88: {  	[sflag:s0] =	ssyncadd.s32 @!p0 s1  }
0x89: {  	[bflag:$0x3] =	sbarrier.arrive $0xFFFF  }
0x8a: {  	_ =	shalt  }

// kernel: kernel.24.cloned.1.call-start
scs
__scs_entry_jumppad:
0x0: {  	(pc) =	sbr.rel $0x88, $3  }
0x1: {  	(tag) =	ssettag $0x0;
	lr =	simm.s32 $0x1  }
0x2: {  	[smem:$0x3F89] =	sst lr;
	_ =	strace $0xD0000000  }
0x3: {  	_ = 	snop  }
0x4: {  	_ = 	snop  }
0x5: {  	_ = 	snop  }
0x6: {  	_ = 	snop  }
0x7: {  	_ = 	snop  }
__scs_overlays_trampoline_lowered:
0x8: {  	[smem:$0x3F98] =	sst s0  }
0x9: {  	[smem:$0x3F99] =	sst s1  }
0xa: {  	[smem:$0x3F9A] =	sst s2  }
0xb: {  	[smem:$0x3F9B] =	sst s3  }
0xc: {  	[smem:$0x3F9C] =	sst s4  }
0xd: {  	[smem:$0x3F9D] =	sst s5  }
0xe: {  	[smem:$0x3F9E] =	sst s6  }
0xf: {  	[smem:$0x3F9F] =	sst s7  }
0x10: {  	[smem:$0x3FA0] =	sst s8  }
0x11: {  	[smem:$0x3FA1] =	sst s9;
	s0 =	simm.s32 @!p0 $0x0  }
0x12: {  	s1 =	sld [smem:$0x3F87];
	s0 =	simm.s32 @p0 $0x1  }
0x13: {  	[smem:$0x3FA2] =	sst s0;
	s0 =	simm.s32 @!p1 $0x0  }
0x14: {  	s2 =	sld [smem:$0x3F86];
	s0 =	simm.s32 @p1 $0x1  }
0x15: {  	[smem:$0x3FA3] =	sst s0;
	s0 =	simm.s32 @!p2 $0x0  }
0x16: {  	s3 =	sld [smem:$0x3FDB];
	s0 =	simm.s32 @p2 $0x1  }
0x17: {  	s4 =	simm.s32 $0x1BF5;
	[smem:$0x3FA5] =	sst s0  }
0x18: {  	s0 =	sld [smem:$0x3F88];
	_ =	swait.ge [sflag:s4], $0x0  }
0x19: {  	s7 =	sld [smem:$0x3F89]  }
0x1a: {  	s8 =	sadd.s32 $0xFFFFE003, lr  }
0x1b: {  	s9 =	sadd.s32 $0xFFFFFEF7, lr;
	s5 =	simm.s32 $0xFFFFFFFF;
	p2 =	slt.u32 s8, $0xFFFFF086  }
0x1c: {  	p1 =	slt.u32 s9, $0xF7A;
	s5 =	simm.s32 @!p2 $0x0  }
0x1d: {  	s5 =	simm.s32 @p1 $0x1;
	p0 =	seq.s32 s7, s2  }
0x1e: {  	s7 =	smul.u32 @!p0 $0xF7A, s2;
	p2 =	seq.s32 @!p0 s5, $0x0  }
0x1f: {  	s9 =	smul.u32 $0xF7A, s1;
	s8 =	simm.s32 @!p0 $0x1BF5;
	p2 =	por !p2, p0  }
0x20: {  	[sflag:s8] =	ssyncset.s32 @!p0 $0xFFFFF086;
	s6 =	sadd.s32 @!p0 s3, s7;
	s7 =	simm.s32 @!p0 $0x108  }
0x21: {  	s3 =	sadd.s32 s3, s9;
	s6 =	sadd.s32 @!p0 $0x88, s6;
	s7 =	simm.s32 @p2 $0x1082  }
0x22: {  	[simem:s7], [sflag:s8] =	dma.local @!p0 [hbm:s6], $0xF7A  }
0x23: {  	s9 =	sor.u32 $0xD0000000, s2;
	s6 =	simm.s32 $0x108;
	_ =	swait.ge @!p0 [sflag:s8], $0x0  }
0x24: {  	s3 =	sadd.s32 $0x88, s3;
	s6 =	simm.s32 @!p1 $0x1082;
	[sflag:s4] =	ssyncset.s32 $0xFFFFF086  }
0x25: {  	[simem:s6], [sflag:s4] =	dma.local [hbm:s3], $0xF7A  }
0x26: {  	[smem:$0x3F89] =	sst s1;
	(tag) =	ssettag s2;
	_ =	strace s9  }
0x27: {  	s1 =	sld [smem:$0x3F99]  }
0x28: {  	s2 =	sld [smem:$0x3F9A]  }
0x29: {  	s4 =	sld [smem:$0x3F9C]  }
0x2a: {  	p0 =	seq.s32 s5, $0x0;
	s5 =	sld [smem:$0x3F9D]  }
0x2b: {  	s6 =	sld [smem:$0x3F9E]  }
0x2c: {  	s7 =	sld [smem:$0x3F9F]  }
0x2d: {  	s3 =	simm.s32 $0x108;
	s8 =	sld [smem:$0x3FA0]  }
0x2e: {  	s3 =	simm.s32 @!p0 $0x1082;
	s9 =	sld [smem:$0x3FA1]  }
0x2f: {  	lr =	sadd.s32 s0, s3;
	s0 =	sld [smem:$0x3F98]  }
0x30: {  	s3 =	sld [smem:$0x3F9B]  }
0x31: {  	[smem:$0x3FA4] =	sst s10  }
0x32: {  	s10 =	sld [smem:$0x3FA2];
	_ =	sdelay $0x3  }
0x33: {  	p0 =	seq.s32 s10, $0x1;
	s10 =	sld [smem:$0x3FA4];
	_ =	sdelay $0x3  }
0x34: {  	[smem:$0x3FA4] =	sst s10  }
0x35: {  	s10 =	sld [smem:$0x3FA3];
	_ =	sdelay $0x3  }
0x36: {  	p1 =	seq.s32 s10, $0x1;
	s10 =	sld [smem:$0x3FA4];
	_ =	sdelay $0x3  }
0x37: {  	[smem:$0x3FA4] =	sst s10  }
0x38: {  	s10 =	sld [smem:$0x3FA5]  }
0x39: {  	_ = 	snop;
	(pc) =	sbr.ind lr, $3  }
0x3a: {  	_ = 	snop  }
0x3b: {  	_ = 	snop  }
0x3c: {  	p2 =	seq.s32 s10, $0x1;
	s10 =	sld [smem:$0x3FA4]  }
0x3d: {  	_ =	shalt  }
0x3e: {  	_ =	shalt  }
0x3f: {  	_ =	shalt  }
0x40: {  	_ =	shalt  }
0x41: {  	_ =	shalt  }
0x42: {  	_ =	shalt  }
0x43: {  	_ =	shalt  }
0x44: {  	_ =	shalt  }
0x45: {  	_ =	shalt  }
0x46: {  	_ =	shalt  }
0x47: {  	_ =	shalt  }
0x48: {  	_ =	shalt  }
0x49: {  	_ =	shalt  }
0x4a: {  	_ =	shalt  }
0x4b: {  	_ =	shalt  }
0x4c: {  	_ =	shalt  }
0x4d: {  	_ =	shalt  }
0x4e: {  	_ =	shalt  }
0x4f: {  	_ =	shalt  }
0x50: {  	_ =	shalt  }
0x51: {  	_ =	shalt  }
0x52: {  	_ =	shalt  }
0x53: {  	_ =	shalt  }
0x54: {  	_ =	shalt  }
0x55: {  	_ =	shalt  }
0x56: {  	_ =	shalt  }
0x57: {  	_ =	shalt  }
0x58: {  	_ =	shalt  }
0x59: {  	_ =	shalt  }
0x5a: {  	_ =	shalt  }
0x5b: {  	_ =	shalt  }
0x5c: {  	_ =	shalt  }
0x5d: {  	_ =	shalt  }
0x5e: {  	_ =	shalt  }
0x5f: {  	_ =	shalt  }
0x60: {  	_ =	shalt  }
0x61: {  	_ =	shalt  }
0x62: {  	_ =	shalt  }
0x63: {  	_ =	shalt  }
0x64: {  	_ =	shalt  }
0x65: {  	_ =	shalt  }
0x66: {  	_ =	shalt  }
0x67: {  	_ =	shalt  }
0x68: {  	_ =	shalt  }
0x69: {  	_ =	shalt  }
0x6a: {  	_ =	shalt  }
0x6b: {  	_ =	shalt  }
0x6c: {  	_ =	shalt  }
0x6d: {  	_ =	shalt  }
0x6e: {  	_ =	shalt  }
0x6f: {  	_ =	shalt  }
0x70: {  	_ =	shalt  }
0x71: {  	_ =	shalt  }
0x72: {  	_ =	shalt  }
0x73: {  	_ =	shalt  }
0x74: {  	_ =	shalt  }
0x75: {  	_ =	shalt  }
0x76: {  	_ =	shalt  }
0x77: {  	_ =	shalt  }
0x78: {  	_ =	shalt  }
0x79: {  	_ =	shalt  }
0x7a: {  	_ =	shalt  }
0x7b: {  	_ =	shalt  }
0x7c: {  	_ =	shalt  }
0x7d: {  	_ =	shalt  }
0x7e: {  	_ =	shalt  }
0x7f: {  	_ =	shalt  }
0x80: {  	_ =	shalt  }
0x81: {  	_ =	shalt  }
0x82: {  	_ =	shalt  }
0x83: {  	_ =	shalt  }
0x84: {  	_ =	shalt  }
0x85: {  	_ =	shalt  }
0x86: {  	_ =	shalt  }
0x87: {  	_ =	shalt  }
.Lfunc_end0:
.L_simem_size_0:
called_computation.2_lowered:
.L_overlay_start_0:
0x88: {  	s2 =	sld [smem:$0x3FD9]  }
0x89: {  	s3 =	sld [smem:$0x3FFE];
	_ =	sdelay $0x1  }
0x8a: {  	s1 =	srdreg.scid  }
0x8b: {  	s0 =	sand.u32 $0x1, s1  }
0x8c: {  	s17 =	sshll.u32 s0, $0xA;
	s2 =	sadd.s32 s3, s2  }
0x8d: {  	s2 =	sadd.s32 s2, s17  }
0x8e: {  	[smem:$0x3FB0] =	sst s2  }
0x8f: {  	_ = 	snop  }
0x90: {  	(tm) =	ssettm $0x1  }
0x91: {  	s18 =	sld [smem:$0x3FFB];
	_ =	sdelay $0x3  }
0x92: {  	_ =	strace s18  }
0x93: {  	s2 =	sld [smem:$0x3FFC];
	_ =	sdelay $0x3  }
0x94: {  	_ =	strace s2  }
0x95: {  	s2 =	sld [smem:$0x3FFD];
	_ =	sdelay $0x3  }
0x96: {  	_ =	strace s2  }
0x97: {  	_ =	strace $0x8FFFFFFF  }
0x98: {  	s19 =	sld [smem:$0x3FDB];
	_ =	sdelay $0x1  }
0x99: {  	s20 =	simm.s32 $_scs_section_size  }
0x9a: {  	s4 =	simm.s32 $_size__tile_overlayer_lowered;
	s5 =	simm.s32 $_tile_overlayer_lowered  }
0x9b: {  	s6 =	simm.s32 $0x1BFF;
	s21 =	sshll.u32 s5, $0x1;
	s3 =	sadd.s32 s20, s19  }
0x9c: {  	s22 =	simm.s32 $0x0;
	s4 =	sshll.u32 s4, $0x1;
	s5 =	sadd.s32 s21, s3  }
0x9d: {  	[timem:s22], [sflag:s6] =	dma.local [hbm:s5], s4  }
0x9e: {  	_ =	swait.ge [sflag:s6], s4  }
0x9f: {  	s4 =	ssub.s32 $0x0, s4;
	[sflag:s6] =	ssyncset.done $0x0  }
0xa0: {  	[sflag:s6] =	ssyncadd.s32 s4;
	_ =	sdelay $0x1  }
0xa1: {  	s23 =	simm.s32 $0x1B8B  }
0xa2: {  	_ =	swait.ge [sflag:s23], $0x1  }
0xa3: {  	[sflag:s23] =	ssyncset.done $0x0  }
0xa4: {  	[sflag:s23] =	ssyncadd.s32 $0xFFFFFFFF  }
0xa5: {  	s4 =	sld [smem:$0x0]  }
0xa6: {  	s5 =	sand.u32 $0xFFFFFFFE, s1  }
0xa7: {  	p0 =	sne.s32 s1, s5  }
0xa8: {  	s5 =	sshll.u32 @p0 s5, $0xE  }
0xa9: {  	s5 =	sadd.s32 @p0 $0x11B8D, s5;
	s6 =	sshll.u32 @p0 s4, $0x11  }
0xaa: {  	s5 =	sor.u32 @p0 s6, s5  }
0xab: {  	[sflag:s5] =	ssyncadd.remote.s32 @p0 $0x1;
	_ =	sdelay $0x1  }
0xac: {  	s5 =	simm.s32 @p0 $0x1B8D  }
0xad: {  	_ =	swait.eq @p0 [sflag:s5], $0x1  }
0xae: {  	[sflag:s5] =	ssyncadd.s32 @p0 $0xFFFFFFFF  }
0xaf: {  	s6 =	sshll.u32 @!p0 s1, $0xE  }
0xb0: {  	s6 =	sor.u32 @!p0 $0x4000, s6;
	s5 =	simm.s32 @!p0 $0x1B8D  }
0xb1: {  	s4 =	sshll.u32 @!p0 s4, $0x11;
	s6 =	sadd.s32 @!p0 $0x11B8D, s6;
	_ =	swait.eq @!p0 [sflag:s5], $0x1  }
0xb2: {  	s4 =	sor.u32 @!p0 s4, s6;
	[sflag:s5] =	ssyncadd.s32 @!p0 $0xFFFFFFFF  }
0xb3: {  	s25 =	simm.s32 $0x1B8E;
	s24 =	sld [smem:$0x3FFE];
	[sflag:s4] =	ssyncadd.remote.s32 @!p0 $0x1  }
0xb4: {  	s26 =	simm.s32 $execute0_lowered;
	[smem:$0x3FD2] =	sst s25  }
0xb5: {  	s5 =	sshll.u32 s26, $0x1;
	_ =	strace $0x8000004C;
	[dreg:$0x1] =	wrdreg $0xFFFFFFFF  }
0xb6: {  	s28 =	simm.s32 $_size_execute0_lowered;
	s3 =	sadd.s32 s3, s5;
	[dreg:$0x0] =	wrdreg $0x0  }
0xb7: {  	s5 =	sshll.u32 s28, $0x1;
	[dreg:$0x2] =	wrdreg s3  }
0xb8: {  	[dreg:$0x3] =	wrdreg s5  }
0xb9: {  	[dreg:$0x4] =	wrdreg $0xC0  }
0xba: {  	_ =	task [dreg:s22], $0x5FFFF  }
0xbb: {  	[dreg:$0x1] =	wrdreg $0xFFFFFFFF  }
0xbc: {  	[dreg:$0x0] =	wrdreg $0x60  }
0xbd: {  	[dreg:$0x2] =	wrdreg s24  }
0xbe: {  	[dreg:$0x3] =	wrdreg $0xA  }
0xbf: {  	_ =	task.clear_ibuf [dreg:s22], $0x4FFFF;
	_ =	strace $0x9000004C  }
0xc0: {  	s29 =	simm.s32 $0xA;
	_ =	strace $0x8000004E  }
0xc1: {  	_ =	swait.ge [sflag:s29], $0x1  }
0xc2: {  	[sflag:s29] =	ssyncadd.s32 $0xFFFFFFFF  }
0xc3: {  	_ =	strace $0x9000004E  }
0xc4: {  	_ =	sfence  }
0xc5: {  	s30 =	sld [smem:$0x0];
	_ =	sdelay $0x2  }
0xc6: {  	s31 =	sshll.u32 s1, $0xD;
	s1 =	sshrl.u32 s1, $0x2  }
0xc7: {  	s4 =	sand.u32 $0x4000, s31;
	s1 =	sadd.s32 s1, s30  }
0xc8: {  	s0 =	sor.u32 s4, s0;
	s1 =	sshll.u32 s1, $0x11  }
0xc9: {  	s0 =	sor.u32 s1, s0  }
0xca: {  	s0 =	sadd.s32 $0x8F2B, s0  }
0xcb: {  	[sflag:s0] =	ssyncadd.remote.s32 $0x1  }
0xcc: {  	_ =	sfence.sel $0xFFFF  }
0xcd: {  	[dreg:$0x0] =	wrdreg $0xFFFFFFFF;
	(pc) =	sbr.abs _section_cstart, $3  }
0xce: {  	[dreg:$0x1] =	wrdreg $0xFFFFFFFF  }
0xcf: {  	_ =	task.clear_ibuf [dreg:s22], $0x2FFFF;
	_ =	strace $0x9FFFFFFF  }
0xd0: {  	(tm) =	ssettm $0x7FFFFFFF  }
0xd1: {  	_ =	shalt  }
tec
execute0_lowered:
.L_overlay_start_1:
0x0: {  	(tag) =	ssettag $0x1  }
0x1: {  	s5 =	rddreg [dreg:$0x0];
	s2 =	simm.s32 $0x0  }
0x2: {  	s3 =	srdreg.scid;
	s0 =	stileid.u32;
	s17 =	simm.s32 $0x8000  }
0x3: {  	s18 =	simm.s32 $0xD000;
	s19 =	simm.s32 $0xA800;
	s20 =	simm.s32 $0xF800  }
0x4: {  	s21 =	simm.s32 $0x1;
	s22 =	simm.s32 $0x3;
	s23 =	simm.s32 $0x2  }
0x5: {  	s24 =	simm.s32 $0x4;
	s26 =	simm.s32 $0x7F80;
	s28 =	simm.s32 $0x0  }
0x6: {  	[smem:$0x7FF] =	sst s2;
	s9 =	sand.u32 $0x1, s3;
	s29 =	sshll.u32 s0, $0x1  }
0x7: {  	s3 =	sadd.s32 $0xEA00, s5;
	s4 =	sadd.s32 $0x84600, s5;
	s13 =	sadd.s32 $0x5D2A00, s5  }
0x8: {  	s11 =	sadd.s32 $0xD2A00, s5;
	s14 =	smul.u32 $0x50000, s0;
	_ =	strace $0x8000004D  }
0x9: {  	s6 =	sor.u32 s9, s29;
	s8 =	ssub.s32 $0x2, s9;
	s16 =	smul.u32 $0x28000, s9  }
0xa: {  	s7 =	sshll.u32 s6, $0xB;
	s30 =	sshrl.u32 s8, $0x1;
	s10 =	smul.u32 $0x28000, s6  }
0xb: {  	s31 =	sadd.s32 s14, s11;
	s7 =	sadd.s32 s7, s5;
	s8 =	ssub.s32 s8, s30  }
0xc: {  	s5 =	sadd.s32 $0x61600, s7;
	s6 =	sadd.s32 $0x71600, s7;
	s12 =	sadd.s32 $0x27600, s10  }
0xd: {  	s7 =	smax.u32 s8, $0x1;
	s15 =	sadd.s32 $0x27B00, s10;
	s8 =	sadd.s32 s11, s12  }
0xe: {  	s9 =	sadd.s32 s13, s12;
	s10 =	sadd.s32 s11, s15;
	s11 =	sadd.s32 s13, s15  }
0xf: {  	s12 =	sadd.s32 s16, s31;
	s13 =	sadd.s32 s14, s13;
	s14 =	simm.s32 $0x5  }
0x10: {  	s15 =	simm.s32 $0x4000;
	s13 =	sadd.s32 s16, s13;
	s16 =	simm.s32 $0x50  }
.LBB2_1:
0x11: {  	[tilespmem:s2], [sflag:$0x5] =	stream.linear.gather [hbm4b:s5+s2], $0x4000, $0x38;
	[tilespmem:$0x12000] =	vst v63  }
0x12: {  	_ =	swait.ge [sflag:s14], $0x4000  }
0x13: {  	[sflag:s14] =	ssyncset.done $0x0  }
0x14: {  	[sflag:s14] =	ssyncadd.s32 $0xFFFFC000  }
0x15: {  	[tilespmem:s15], [sflag:$0x5] =	stream.linear.gather [hbm4b:s6+s2], $0x4000, $0x38;
	[tilespmem:$0x12000] =	vst v63  }
0x16: {  	_ =	swait.ge [sflag:s14], $0x4000  }
0x17: {  	[sflag:s14] =	ssyncset.done $0x0  }
0x18: {  	[sflag:s14] =	ssyncadd.s32 $0xFFFFC000  }
0x19: {  	[tilespmem:s17], [sflag:$0x1] =	stream.indirect.gather [hbm4b:s3+s16], $0x80, s2, s16, $0xb8;
	[tilespmem:$0x12000] =	vst v63  }
0x1a: {  	_ = 	snop  }
0x1b: {  	[tilespmem:s18], [sflag:$0x3] =	stream.indirect.gather [hbm4b:s4+s16], $0x80, s15, s16, $0xb8;
	[tilespmem:$0x12000] =	vst v63  }
0x1c: {  	s29 =	simm.s32 $0x80  }
0x1d: {  	[tilespmem:s19], [sflag:$0x2] =	stream.indirect.gather [hbm4b:s3+s16], $0x80, s29, s16, $0xb8;
	[tilespmem:$0x12000] =	vst v63  }
0x1e: {  	s30 =	simm.s32 $0x4080  }
0x1f: {  	[tilespmem:s20], [sflag:$0x4] =	stream.indirect.gather [hbm4b:s4+s16], $0x80, s30, s16, $0xb8;
	[tilespmem:$0x12000] =	vst v63  }
0x20: {  	_ =	swait.ge [sflag:s21], $0x2800  }
0x21: {  	[sflag:s21] =	ssyncset.done $0x0  }
0x22: {  	s31 =	sadd.s32 $0x0, s12;
	[sflag:s21] =	ssyncadd.s32 $0xFFFFD800  }
0x23: {  	[hbm4b:s31+s2] =	stream.linear.scatter [tilespmem:s17], [sflag:$0x5], $0x2800, $0x38;
	[tilespmem:$0x12000] =	vst v63  }
0x24: {  	_ =	swait.ge [sflag:s14], $0x2800  }
0x25: {  	[sflag:s14] =	ssyncset.done $0x0  }
0x26: {  	[sflag:s14] =	ssyncadd.s32 $0xFFFFD800  }
0x27: {  	_ =	swait.ge [sflag:s22], $0x2800  }
0x28: {  	[sflag:s22] =	ssyncset.done $0x0  }
0x29: {  	s0 =	sadd.s32 $0x0, s13;
	[sflag:s22] =	ssyncadd.s32 $0xFFFFD800  }
0x2a: {  	[hbm4b:s0+s2] =	stream.linear.scatter [tilespmem:s18], [sflag:$0x5], $0x2800, $0x38;
	[tilespmem:$0x12000] =	vst v63  }
0x2b: {  	_ =	swait.ge [sflag:s14], $0x2800  }
0x2c: {  	[sflag:s14] =	ssyncset.done $0x0  }
0x2d: {  	s1 =	simm.s32 $0x100;
	[sflag:s14] =	ssyncadd.s32 $0xFFFFD800  }
0x2e: {  	[tilespmem:s17], [sflag:$0x1] =	stream.indirect.gather [hbm4b:s3+s16], $0x80, s1, s16, $0xb8;
	[tilespmem:$0x12000] =	vst v63  }
0x2f: {  	s25 =	simm.s32 $0x4100  }
0x30: {  	[tilespmem:s18], [sflag:$0x3] =	stream.indirect.gather [hbm4b:s4+s16], $0x80, s25, s16, $0xb8;
	[tilespmem:$0x12000] =	vst v63  }
0x31: {  	_ =	swait.ge [sflag:s23], $0x2800  }
0x32: {  	[sflag:s23] =	ssyncset.done $0x0  }
0x33: {  	s25 =	sadd.s32 $0x500, s31;
	[sflag:s23] =	ssyncadd.s32 $0xFFFFD800  }
0x34: {  	[hbm4b:s25+s2] =	stream.linear.scatter [tilespmem:s19], [sflag:$0x5], $0x2800, $0x38;
	[tilespmem:$0x12000] =	vst v63  }
0x35: {  	_ =	swait.ge [sflag:s14], $0x2800  }
0x36: {  	[sflag:s14] =	ssyncset.done $0x0  }
0x37: {  	[sflag:s14] =	ssyncadd.s32 $0xFFFFD800  }
0x38: {  	_ =	swait.ge [sflag:s24], $0x2800  }
0x39: {  	[sflag:s24] =	ssyncset.done $0x0  }
0x3a: {  	s0 =	sadd.s32 $0x500, s0;
	[sflag:s24] =	ssyncadd.s32 $0xFFFFD800  }
0x3b: {  	[hbm4b:s0+s2] =	stream.linear.scatter [tilespmem:s20], [sflag:$0x5], $0x2800, $0x38;
	[tilespmem:$0x12000] =	vst v63  }
0x3c: {  	_ =	swait.ge [sflag:s14], $0x2800  }
0x3d: {  	s31 =	simm.s32 $0xA00;
	[sflag:s14] =	ssyncset.done $0x0  }
.LBB2_2:
0x3e: {  	[sflag:s14] =	ssyncadd.s32 $0xFFFFD800;
	s29 =	sadd.s32 $0x100, s29;
	s30 =	sadd.s32 $0x100, s30  }
0x3f: {  	[tilespmem:s19], [sflag:$0x2] =	stream.indirect.gather [hbm4b:s3+s16], $0x80, s29, s16, $0xb8;
	[tilespmem:$0x12000] =	vst v63  }
0x40: {  	p0 =	sne.s32 s31, $0x26C00;
	s0 =	smov.u32 s31;
	s31 =	sadd.s32 $0xA00, s31  }
0x41: {  	[tilespmem:s20], [sflag:$0x4] =	stream.indirect.gather [hbm4b:s4+s16], $0x80, s30, s16, $0xb8;
	[tilespmem:$0x12000] =	vst v63  }
0x42: {  	_ =	swait.ge [sflag:s21], $0x2800  }
0x43: {  	[sflag:s21] =	ssyncset.done $0x0  }
0x44: {  	s1 =	sadd.s32 s0, s12;
	[sflag:s21] =	ssyncadd.s32 $0xFFFFD800  }
0x45: {  	[hbm4b:s1+s2] =	stream.linear.scatter [tilespmem:s17], [sflag:$0x5], $0x2800, $0x38;
	[tilespmem:$0x12000] =	vst v63  }
0x46: {  	_ =	swait.ge [sflag:s14], $0x2800  }
0x47: {  	[sflag:s14] =	ssyncset.done $0x0  }
0x48: {  	[sflag:s14] =	ssyncadd.s32 $0xFFFFD800  }
0x49: {  	_ =	swait.ge [sflag:s22], $0x2800  }
0x4a: {  	[sflag:s22] =	ssyncset.done $0x0  }
0x4b: {  	s0 =	sadd.s32 s0, s13;
	[sflag:s22] =	ssyncadd.s32 $0xFFFFD800  }
0x4c: {  	[hbm4b:s0+s2] =	stream.linear.scatter [tilespmem:s18], [sflag:$0x5], $0x2800, $0x38;
	[tilespmem:$0x12000] =	vst v63  }
0x4d: {  	_ =	swait.ge [sflag:s14], $0x2800  }
0x4e: {  	[sflag:s14] =	ssyncset.done $0x0  }
0x4f: {  	s25 =	sadd.s32 $0x80, s29;
	[sflag:s14] =	ssyncadd.s32 $0xFFFFD800  }
0x50: {  	[tilespmem:s17], [sflag:$0x1] =	stream.indirect.gather [hbm4b:s3+s16], $0x80, s25, s16, $0xb8;
	[tilespmem:$0x12000] =	vst v63  }
0x51: {  	s25 =	sadd.s32 $0x80, s30  }
0x52: {  	[tilespmem:s18], [sflag:$0x3] =	stream.indirect.gather [hbm4b:s4+s16], $0x80, s25, s16, $0xb8;
	[tilespmem:$0x12000] =	vst v63  }
0x53: {  	_ =	swait.ge [sflag:s23], $0x2800  }
0x54: {  	[sflag:s23] =	ssyncset.done $0x0  }
0x55: {  	s1 =	sadd.s32 $0x500, s1;
	[sflag:s23] =	ssyncadd.s32 $0xFFFFD800  }
0x56: {  	[hbm4b:s1+s2] =	stream.linear.scatter [tilespmem:s19], [sflag:$0x5], $0x2800, $0x38;
	[tilespmem:$0x12000] =	vst v63  }
0x57: {  	_ =	swait.ge [sflag:s14], $0x2800  }
0x58: {  	[sflag:s14] =	ssyncset.done $0x0  }
0x59: {  	[sflag:s14] =	ssyncadd.s32 $0xFFFFD800  }
0x5a: {  	_ =	swait.ge [sflag:s24], $0x2800  }
.Ltmp0:
0x5b: {  	[sflag:s24] =	ssyncset.done $0x0;
	(pc) =	sbr.rel @p0 .LBB2_2-.Ltmp0, $4  }
0x5c: {  	s0 =	sadd.s32 $0x500, s0;
	[sflag:s24] =	ssyncadd.s32 $0xFFFFD800  }
0x5d: {  	[hbm4b:s0+s2] =	stream.linear.scatter [tilespmem:s20], [sflag:$0x5], $0x2800, $0x38;
	[tilespmem:$0x12000] =	vst v63  }
0x5e: {  	_ =	swait.ge [sflag:s14], $0x2800  }
0x5f: {  	[sflag:s14] =	ssyncset.done $0x0  }
0x60: {  	[sflag:s14] =	ssyncadd.s32 $0xFFFFD800;
	s0 =	simm.s32 $0x3F80  }
0x61: {  	[tilespmem:s19], [sflag:$0x2] =	stream.indirect.gather [hbm4b:s3+s16], $0x80, s0, s16, $0xb8;
	[tilespmem:$0x12000] =	vst v63  }
0x62: {  	_ = 	snop  }
0x63: {  	[tilespmem:s20], [sflag:$0x4] =	stream.indirect.gather [hbm4b:s4+s16], $0x80, s26, s16, $0xb8;
	[tilespmem:$0x12000] =	vst v63  }
0x64: {  	_ =	swait.ge [sflag:s21], $0x2800  }
0x65: {  	[sflag:s21] =	ssyncset.done $0x0  }
0x66: {  	[sflag:s21] =	ssyncadd.s32 $0xFFFFD800  }
0x67: {  	[hbm4b:s8+s2] =	stream.linear.scatter [tilespmem:s17], [sflag:$0x5], $0x2800, $0x38;
	[tilespmem:$0x12000] =	vst v63  }
0x68: {  	_ =	swait.ge [sflag:s14], $0x2800  }
0x69: {  	[sflag:s14] =	ssyncset.done $0x0  }
0x6a: {  	[sflag:s14] =	ssyncadd.s32 $0xFFFFD800  }
0x6b: {  	_ =	swait.ge [sflag:s22], $0x2800  }
0x6c: {  	[sflag:s22] =	ssyncset.done $0x0  }
0x6d: {  	[sflag:s22] =	ssyncadd.s32 $0xFFFFD800  }
0x6e: {  	[hbm4b:s9+s2] =	stream.linear.scatter [tilespmem:s18], [sflag:$0x5], $0x2800, $0x38;
	[tilespmem:$0x12000] =	vst v63  }
0x6f: {  	_ =	swait.ge [sflag:s14], $0x2800  }
0x70: {  	[sflag:s14] =	ssyncset.done $0x0  }
0x71: {  	[sflag:s14] =	ssyncadd.s32 $0xFFFFD800  }
0x72: {  	_ =	swait.ge [sflag:s23], $0x2800  }
0x73: {  	[sflag:s23] =	ssyncset.done $0x0  }
0x74: {  	[sflag:s23] =	ssyncadd.s32 $0xFFFFD800  }
0x75: {  	[hbm4b:s10+s2] =	stream.linear.scatter [tilespmem:s19], [sflag:$0x5], $0x2800, $0x38;
	[tilespmem:$0x12000] =	vst v63  }
0x76: {  	_ =	swait.ge [sflag:s14], $0x2800  }
0x77: {  	[sflag:s14] =	ssyncset.done $0x0  }
0x78: {  	[sflag:s14] =	ssyncadd.s32 $0xFFFFD800  }
0x79: {  	s28 =	sadd.s32 $0x1, s28;
	_ =	swait.ge [sflag:s24], $0x2800  }
0x7a: {  	p0 =	sne.s32 s28, s7;
	[sflag:s24] =	ssyncset.done $0x0  }
.Ltmp1:
0x7b: {  	[sflag:s24] =	ssyncadd.s32 $0xFFFFD800;
	(pc) =	sbr.rel @p0 .LBB2_1-.Ltmp1, $4  }
0x7c: {  	[hbm4b:s11+s2] =	stream.linear.scatter [tilespmem:s20], [sflag:$0x5], $0x2800, $0x38;
	[tilespmem:$0x12000] =	vst v63  }
0x7d: {  	_ =	swait.ge [sflag:s14], $0x2800  }
0x7e: {  	[sflag:s14] =	ssyncset.done $0x0  }
0x7f: {  	[sflag:s14] =	ssyncadd.s32 $0xFFFFD800  }
0x80: {  	_ =	sfence.sel $0x180000  }
0x81: {  	[bflag:$0x0] =	sbarrier.arrive $0xFFFF  }
0x82: {  	_ =	strace $0x9000004D  }
0x83: {  	s0 =	stileid.u32;
	[bflag:$0x2] =	sbarrier.arrive $0xFFFF  }
0x84: {  	p0 =	sne.s32 s0, $0x0;
	s0 =	rddreg [dreg:$0x1]  }
0x85: {  	s0 =	sadd.s32 @!p0 $0x100000, s0  }
0x86: {  	[sflag:s0] =	ssyncadd.tile.s32 @!p0 $0x1;
	_ =	shalt  }
.Lfunc_end2:
_tile_overlayer_lowered:
.L_overlay_start_2:
0x87: {  	(tag) =	ssettag $0x2  }
0x88: {  	s0 =	rddreg [dreg:$0x0];
	s2 =	stileid.u32  }
0x89: {  	s1 =	rddreg [dreg:$0x1];
	p0 =	sne.s32 s2, $0x0  }
0x8a: {  	s3 =	rddreg [dreg:$0x2];
	[bflag:$0x3] =	sbarrier.arrive $0xFFFF;
	s2 =	simm.s32 @!p0 $0x1C05  }
0x8b: {  	[timem:s3], [sflag:s2] =	dma.local @!p0 [hbm:s0], s1  }
0x8c: {  	s0 =	simm.s32 @!p0 $0x5  }
0x8d: {  	_ =	swait.ge @!p0 [sflag:s0], s1  }
0x8e: {  	s1 =	ssub.s32 @!p0 $0x0, s1;
	[sflag:s0] =	ssyncset.done @!p0 $0x0  }
0x8f: {  	[sflag:s0] =	ssyncadd.s32 @!p0 s1  }
0x90: {  	[bflag:$0x3] =	sbarrier.arrive $0xFFFF  }
0x91: {  	_ =	shalt  }

// kernel: kernel.27.cloned.1.call-start
scs
__scs_entry_jumppad:
0x0: {  	(pc) =	sbr.rel $0x88, $3  }
0x1: {  	(tag) =	ssettag $0x0;
	lr =	simm.s32 $0x1  }
0x2: {  	[smem:$0x3F89] =	sst lr;
	_ =	strace $0xD0000000  }
0x3: {  	_ = 	snop  }
0x4: {  	_ = 	snop  }
0x5: {  	_ = 	snop  }
0x6: {  	_ = 	snop  }
0x7: {  	_ = 	snop  }
__scs_overlays_trampoline_lowered:
0x8: {  	[smem:$0x3F98] =	sst s0  }
0x9: {  	[smem:$0x3F99] =	sst s1  }
0xa: {  	[smem:$0x3F9A] =	sst s2  }
0xb: {  	[smem:$0x3F9B] =	sst s3  }
0xc: {  	[smem:$0x3F9C] =	sst s4  }
0xd: {  	[smem:$0x3F9D] =	sst s5  }
0xe: {  	[smem:$0x3F9E] =	sst s6  }
0xf: {  	[smem:$0x3F9F] =	sst s7  }
0x10: {  	[smem:$0x3FA0] =	sst s8  }
0x11: {  	[smem:$0x3FA1] =	sst s9;
	s0 =	simm.s32 @!p0 $0x0  }
0x12: {  	s1 =	sld [smem:$0x3F87];
	s0 =	simm.s32 @p0 $0x1  }
0x13: {  	[smem:$0x3FA2] =	sst s0;
	s0 =	simm.s32 @!p1 $0x0  }
0x14: {  	s2 =	sld [smem:$0x3F86];
	s0 =	simm.s32 @p1 $0x1  }
0x15: {  	[smem:$0x3FA3] =	sst s0;
	s0 =	simm.s32 @!p2 $0x0  }
0x16: {  	s3 =	sld [smem:$0x3FDB];
	s0 =	simm.s32 @p2 $0x1  }
0x17: {  	s4 =	simm.s32 $0x1BF5;
	[smem:$0x3FA5] =	sst s0  }
0x18: {  	s0 =	sld [smem:$0x3F88];
	_ =	swait.ge [sflag:s4], $0x0  }
0x19: {  	s7 =	sld [smem:$0x3F89]  }
0x1a: {  	s8 =	sadd.s32 $0xFFFFE003, lr  }
0x1b: {  	s9 =	sadd.s32 $0xFFFFFEF7, lr;
	s5 =	simm.s32 $0xFFFFFFFF;
	p2 =	slt.u32 s8, $0xFFFFF086  }
0x1c: {  	p1 =	slt.u32 s9, $0xF7A;
	s5 =	simm.s32 @!p2 $0x0  }
0x1d: {  	s5 =	simm.s32 @p1 $0x1;
	p0 =	seq.s32 s7, s2  }
0x1e: {  	s7 =	smul.u32 @!p0 $0xF7A, s2;
	p2 =	seq.s32 @!p0 s5, $0x0  }
0x1f: {  	s9 =	smul.u32 $0xF7A, s1;
	s8 =	simm.s32 @!p0 $0x1BF5;
	p2 =	por !p2, p0  }
0x20: {  	[sflag:s8] =	ssyncset.s32 @!p0 $0xFFFFF086;
	s6 =	sadd.s32 @!p0 s3, s7;
	s7 =	simm.s32 @!p0 $0x108  }
0x21: {  	s3 =	sadd.s32 s3, s9;
	s6 =	sadd.s32 @!p0 $0x88, s6;
	s7 =	simm.s32 @p2 $0x1082  }
0x22: {  	[simem:s7], [sflag:s8] =	dma.local @!p0 [hbm:s6], $0xF7A  }
0x23: {  	s9 =	sor.u32 $0xD0000000, s2;
	s6 =	simm.s32 $0x108;
	_ =	swait.ge @!p0 [sflag:s8], $0x0  }
0x24: {  	s3 =	sadd.s32 $0x88, s3;
	s6 =	simm.s32 @!p1 $0x1082;
	[sflag:s4] =	ssyncset.s32 $0xFFFFF086  }
0x25: {  	[simem:s6], [sflag:s4] =	dma.local [hbm:s3], $0xF7A  }
0x26: {  	[smem:$0x3F89] =	sst s1;
	(tag) =	ssettag s2;
	_ =	strace s9  }
0x27: {  	s1 =	sld [smem:$0x3F99]  }
0x28: {  	s2 =	sld [smem:$0x3F9A]  }
0x29: {  	s4 =	sld [smem:$0x3F9C]  }
0x2a: {  	p0 =	seq.s32 s5, $0x0;
	s5 =	sld [smem:$0x3F9D]  }
0x2b: {  	s6 =	sld [smem:$0x3F9E]  }
0x2c: {  	s7 =	sld [smem:$0x3F9F]  }
0x2d: {  	s3 =	simm.s32 $0x108;
	s8 =	sld [smem:$0x3FA0]  }
0x2e: {  	s3 =	simm.s32 @!p0 $0x1082;
	s9 =	sld [smem:$0x3FA1]  }
0x2f: {  	lr =	sadd.s32 s0, s3;
	s0 =	sld [smem:$0x3F98]  }
0x30: {  	s3 =	sld [smem:$0x3F9B]  }
0x31: {  	[smem:$0x3FA4] =	sst s10  }
0x32: {  	s10 =	sld [smem:$0x3FA2];
	_ =	sdelay $0x3  }
0x33: {  	p0 =	seq.s32 s10, $0x1;
	s10 =	sld [smem:$0x3FA4];
	_ =	sdelay $0x3  }
0x34: {  	[smem:$0x3FA4] =	sst s10  }
0x35: {  	s10 =	sld [smem:$0x3FA3];
	_ =	sdelay $0x3  }
0x36: {  	p1 =	seq.s32 s10, $0x1;
	s10 =	sld [smem:$0x3FA4];
	_ =	sdelay $0x3  }
0x37: {  	[smem:$0x3FA4] =	sst s10  }
0x38: {  	s10 =	sld [smem:$0x3FA5]  }
0x39: {  	_ = 	snop;
	(pc) =	sbr.ind lr, $3  }
0x3a: {  	_ = 	snop  }
0x3b: {  	_ = 	snop  }
0x3c: {  	p2 =	seq.s32 s10, $0x1;
	s10 =	sld [smem:$0x3FA4]  }
0x3d: {  	_ =	shalt  }
0x3e: {  	_ =	shalt  }
0x3f: {  	_ =	shalt  }
0x40: {  	_ =	shalt  }
0x41: {  	_ =	shalt  }
0x42: {  	_ =	shalt  }
0x43: {  	_ =	shalt  }
0x44: {  	_ =	shalt  }
0x45: {  	_ =	shalt  }
0x46: {  	_ =	shalt  }
0x47: {  	_ =	shalt  }
0x48: {  	_ =	shalt  }
0x49: {  	_ =	shalt  }
0x4a: {  	_ =	shalt  }
0x4b: {  	_ =	shalt  }
0x4c: {  	_ =	shalt  }
0x4d: {  	_ =	shalt  }
0x4e: {  	_ =	shalt  }
0x4f: {  	_ =	shalt  }
0x50: {  	_ =	shalt  }
0x51: {  	_ =	shalt  }
0x52: {  	_ =	shalt  }
0x53: {  	_ =	shalt  }
0x54: {  	_ =	shalt  }
0x55: {  	_ =	shalt  }
0x56: {  	_ =	shalt  }
0x57: {  	_ =	shalt  }
0x58: {  	_ =	shalt  }
0x59: {  	_ =	shalt  }
0x5a: {  	_ =	shalt  }
0x5b: {  	_ =	shalt  }
0x5c: {  	_ =	shalt  }
0x5d: {  	_ =	shalt  }
0x5e: {  	_ =	shalt  }
0x5f: {  	_ =	shalt  }
0x60: {  	_ =	shalt  }
0x61: {  	_ =	shalt  }
0x62: {  	_ =	shalt  }
0x63: {  	_ =	shalt  }
0x64: {  	_ =	shalt  }
0x65: {  	_ =	shalt  }
0x66: {  	_ =	shalt  }
0x67: {  	_ =	shalt  }
0x68: {  	_ =	shalt  }
0x69: {  	_ =	shalt  }
0x6a: {  	_ =	shalt  }
0x6b: {  	_ =	shalt  }
0x6c: {  	_ =	shalt  }
0x6d: {  	_ =	shalt  }
0x6e: {  	_ =	shalt  }
0x6f: {  	_ =	shalt  }
0x70: {  	_ =	shalt  }
0x71: {  	_ =	shalt  }
0x72: {  	_ =	shalt  }
0x73: {  	_ =	shalt  }
0x74: {  	_ =	shalt  }
0x75: {  	_ =	shalt  }
0x76: {  	_ =	shalt  }
0x77: {  	_ =	shalt  }
0x78: {  	_ =	shalt  }
0x79: {  	_ =	shalt  }
0x7a: {  	_ =	shalt  }
0x7b: {  	_ =	shalt  }
0x7c: {  	_ =	shalt  }
0x7d: {  	_ =	shalt  }
0x7e: {  	_ =	shalt  }
0x7f: {  	_ =	shalt  }
0x80: {  	_ =	shalt  }
0x81: {  	_ =	shalt  }
0x82: {  	_ =	shalt  }
0x83: {  	_ =	shalt  }
0x84: {  	_ =	shalt  }
0x85: {  	_ =	shalt  }
0x86: {  	_ =	shalt  }
0x87: {  	_ =	shalt  }
.Lfunc_end0:
.L_simem_size_0:
called_computation.3_lowered:
.L_overlay_start_0:
0x88: {  	s2 =	sld [smem:$0x3FD9]  }
0x89: {  	s3 =	sld [smem:$0x3FFE];
	_ =	sdelay $0x1  }
0x8a: {  	s1 =	srdreg.scid  }
0x8b: {  	s0 =	sand.u32 $0x1, s1  }
0x8c: {  	s16 =	sshll.u32 s0, $0xA;
	s2 =	sadd.s32 s3, s2  }
0x8d: {  	s2 =	sadd.s32 s2, s16  }
0x8e: {  	[smem:$0x3FB0] =	sst s2  }
0x8f: {  	_ = 	snop  }
0x90: {  	(tm) =	ssettm $0x1  }
0x91: {  	s17 =	sld [smem:$0x3FFB];
	_ =	sdelay $0x3  }
0x92: {  	_ =	strace s17  }
0x93: {  	s2 =	sld [smem:$0x3FFC];
	_ =	sdelay $0x3  }
0x94: {  	_ =	strace s2  }
0x95: {  	s2 =	sld [smem:$0x3FFD];
	_ =	sdelay $0x3  }
0x96: {  	_ =	strace s2  }
0x97: {  	_ =	strace $0x8FFFFFFF  }
0x98: {  	s18 =	sld [smem:$0x3FDB];
	_ =	sdelay $0x1  }
0x99: {  	s19 =	simm.s32 $_scs_section_size  }
0x9a: {  	s4 =	simm.s32 $_size__tile_overlayer_lowered;
	s5 =	simm.s32 $_tile_overlayer_lowered  }
0x9b: {  	s22 =	simm.s32 $0x1BFF;
	s21 =	sshll.u32 s5, $0x1;
	s2 =	sadd.s32 s19, s18  }
0x9c: {  	s6 =	simm.s32 $0x0;
	s20 =	sshll.u32 s4, $0x1;
	s4 =	sadd.s32 s21, s2  }
0x9d: {  	[timem:s6], [sflag:s22] =	dma.local [hbm:s4], s20  }
0x9e: {  	_ =	swait.ge [sflag:s22], s20  }
0x9f: {  	s3 =	ssub.s32 $0x0, s20;
	[sflag:s22] =	ssyncset.done $0x0  }
0xa0: {  	[sflag:s22] =	ssyncadd.s32 s3;
	_ =	sdelay $0x1  }
0xa1: {  	s23 =	simm.s32 $0x1B8B  }
0xa2: {  	_ =	swait.ge [sflag:s23], $0x1  }
0xa3: {  	[sflag:s23] =	ssyncset.done $0x0  }
0xa4: {  	s25 =	simm.s32 $0x1B8E;
	s24 =	sld [smem:$0x3FFE];
	[sflag:s23] =	ssyncadd.s32 $0xFFFFFFFF  }
0xa5: {  	s26 =	simm.s32 $execute0_lowered;
	[smem:$0x3FD2] =	sst s25  }
0xa6: {  	s4 =	sshll.u32 s26, $0x1;
	_ =	strace $0x8000004F;
	[dreg:$0x1] =	wrdreg $0xFFFFFFFF  }
0xa7: {  	s28 =	simm.s32 $_size_execute0_lowered;
	s2 =	sadd.s32 s2, s4;
	[dreg:$0x0] =	wrdreg $0x0  }
0xa8: {  	s4 =	sshll.u32 s28, $0x1;
	[dreg:$0x2] =	wrdreg s2  }
0xa9: {  	[dreg:$0x3] =	wrdreg s4  }
0xaa: {  	[dreg:$0x4] =	wrdreg $0xC0  }
0xab: {  	_ =	task [dreg:s6], $0x5FFFF  }
0xac: {  	[dreg:$0x1] =	wrdreg $0xFFFFFFFF  }
0xad: {  	[dreg:$0x0] =	wrdreg $0x60  }
0xae: {  	[dreg:$0x2] =	wrdreg s24  }
0xaf: {  	[dreg:$0x3] =	wrdreg $0x40000  }
0xb0: {  	[dreg:$0x4] =	wrdreg $0x9  }
0xb1: {  	_ =	task.clear_ibuf [dreg:s6], $0x5FFFF;
	_ =	strace $0x9000004F  }
0xb2: {  	s29 =	simm.s32 $0x9;
	_ =	strace $0x80000051  }
0xb3: {  	_ =	swait.ge [sflag:s29], $0x1  }
0xb4: {  	[sflag:s29] =	ssyncadd.s32 $0xFFFFFFFF  }
0xb5: {  	_ =	strace $0x90000051  }
0xb6: {  	_ =	sfence  }
0xb7: {  	s30 =	sld [smem:$0x0];
	_ =	sdelay $0x2  }
0xb8: {  	s31 =	sshll.u32 s1, $0xD;
	s1 =	sshrl.u32 s1, $0x2  }
0xb9: {  	s3 =	sand.u32 $0x4000, s31;
	s1 =	sadd.s32 s1, s30  }
0xba: {  	s0 =	sor.u32 s3, s0;
	s1 =	sshll.u32 s1, $0x11  }
0xbb: {  	s0 =	sor.u32 s1, s0  }
0xbc: {  	s0 =	sadd.s32 $0x8F2B, s0  }
0xbd: {  	[sflag:s0] =	ssyncadd.remote.s32 $0x1  }
0xbe: {  	_ =	sfence.sel $0xFFFF  }
0xbf: {  	[dreg:$0x0] =	wrdreg $0xFFFFFFFF;
	(pc) =	sbr.abs _section_cstart, $3  }
0xc0: {  	[dreg:$0x1] =	wrdreg $0xFFFFFFFF  }
0xc1: {  	_ =	task.clear_ibuf [dreg:s6], $0x2FFFF;
	_ =	strace $0x9FFFFFFF  }
0xc2: {  	(tm) =	ssettm $0x7FFFFFFF  }
0xc3: {  	_ =	shalt  }
tec
execute0_lowered:
.L_overlay_start_1:
0x0: {  	(tag) =	ssettag $0x1  }
0x1: {  	s5 =	rddreg [dreg:$0x0]  }
0x2: {  	s2 =	rddreg [dreg:$0x1]  }
0x3: {  	s3 =	srdreg.scid;
	s1 =	stileid.u32  }
0x4: {  	s0 =	rddreg [dreg:$0x2];
	s15 =	simm.s32 $0x1A400;
	s16 =	simm.s32 $0x1  }
0x5: {  	s17 =	simm.s32 $0x50;
	s18 =	simm.s32 $0x2;
	s19 =	simm.s32 $0x3F00  }
0x6: {  	s20 =	simm.s32 $0x3F80;
	s21 =	simm.s32 $0x0;
	s9 =	smul.u32 $0x13C00, s1  }
0x7: {  	s6 =	sand.u32 $0x1, s3;
	s4 =	sshll.u32 s1, $0x1;
	s13 =	smul.u32 $0x4F000, s1  }
0x8: {  	s3 =	simm.s32 $0x0;
	s10 =	sadd.s32 $0xAD4C00, s5;
	s29 =	smul.u32 $0x50000, s1  }
0x9: {  	s28 =	sshll.u32 s1, $0x6;
	s7 =	sor.u32 s6, s4;
	s8 =	smul.u32 $0x13C000, s6  }
0xa: {  	[smem:$0x7FF] =	sst s3;
	s25 =	ssub.s32 $0x2, s6;
	s30 =	smul.u32 $0x28000, s6  }
0xb: {  	s4 =	sshll.u32 s7, $0xB;
	_ =	strace $0x80000050;
	s12 =	sshrl.u32 s25, $0x1  }
0xc: {  	s7 =	smul.u32 $0x28000, s7;
	s26 =	sshrl.u32 s13, $0x2;
	s13 =	simm.s32 $0x3  }
0xd: {  	s11 =	sadd.s32 s4, s5;
	s4 =	sadd.s32 $0x36200, s5;
	s8 =	sadd.s32 s9, s8  }
0xe: {  	s9 =	ssub.s32 s25, s12;
	s14 =	sadd.s32 s26, s2;
	s8 =	sshrl.u32 s8, $0x3  }
0xf: {  	s6 =	sadd.s32 $0x71600, s11;
	s7 =	sadd.s32 s10, s7;
	s10 =	sadd.s32 s29, s10  }
0x10: {  	s9 =	smax.u32 s9, $0x1;
	s12 =	sshrl.u32 s14, $0x3;
	s14 =	simm.s32 $0x17C00  }
0x11: {  	s8 =	sadd.s32 s8, s5;
	s5 =	sor.u32 $0x1C03, s28;
	s31 =	sadd.s32 s30, s10  }
0x12: {  	s10 =	sadd.s32 $0x27B00, s7;
	s8 =	sadd.s32 $0xD2A00, s8;
	s11 =	sadd.s32 $0xA00, s31  }
.LBB2_1:
0x13: {  	[spmem:s12], [sflag:s5] =	dma.local [hbm:s4], $0x2780  }
0x14: {  	_ =	swait.ge [sflag:s13], $0x2780  }
0x15: {  	[sflag:s13] =	ssyncset.done $0x0  }
0x16: {  	[sflag:s13] =	ssyncadd.s32 $0xFFFFD880  }
0x17: {  	[tilespmem:s3], [sflag:$0x3] =	stream.linear.gather [hbm4b:s6+s3], $0x4000, $0x38;
	[tilespmem:$0x1CC00] =	vst v63  }
0x18: {  	_ =	swait.ge [sflag:s13], $0x4000  }
0x19: {  	[sflag:s13] =	ssyncset.done $0x0  }
0x1a: {  	[sflag:s13] =	ssyncadd.s32 $0xFFFFC000  }
0x1b: {  	[bflag:$0x0] =	sbarrier.arrive $0xFFFF  }
0x1c: {  	[tilespmem:s14], [sflag:$0x1] =	stream.linear.gather [hbm4b:s7+s3], $0x2800, $0x38;
	[tilespmem:$0x1CC00] =	vst v63  }
0x1d: {  	s22 =	sadd.s32 $0xFFFFFB00, s11  }
0x1e: {  	[tilespmem:s15], [sflag:$0x2] =	stream.linear.gather [hbm4b:s22+s3], $0x2800, $0x38;
	[tilespmem:$0x1CC00] =	vst v63  }
0x1f: {  	_ =	swait.ge [sflag:s16], $0x2800  }
0x20: {  	[sflag:s16] =	ssyncset.done $0x0  }
0x21: {  	s30 =	simm.s32 $0x0;
	[sflag:s16] =	ssyncadd.s32 $0xFFFFD800  }
0x22: {  	[spmem:s2] =	stream.indirect.scatter.add.f32 [tilespmem:s14], [sflag:$0x3], $0x80, s30, s17, $0xb8;
	[tilespmem:$0x1CC00] =	vst v63  }
0x23: {  	_ =	swait.ge [sflag:s13], $0x2800  }
0x24: {  	[sflag:s13] =	ssyncset.done $0x0  }
0x25: {  	[sflag:s13] =	ssyncadd.s32 $0xFFFFD800  }
0x26: {  	[tilespmem:s14], [sflag:$0x1] =	stream.linear.gather [hbm4b:s11+s3], $0x2800, $0x38;
	[tilespmem:$0x1CC00] =	vst v63  }
0x27: {  	_ =	swait.ge [sflag:s18], $0x2800  }
0x28: {  	[sflag:s18] =	ssyncset.done $0x0  }
0x29: {  	s31 =	simm.s32 $0x80;
	[sflag:s18] =	ssyncadd.s32 $0xFFFFD800  }
0x2a: {  	[spmem:s2] =	stream.indirect.scatter.add.f32 [tilespmem:s15], [sflag:$0x3], $0x80, s31, s17, $0xb8;
	[tilespmem:$0x1CC00] =	vst v63  }
0x2b: {  	s23 =	simm.s32 $0x400;
	_ =	swait.ge [sflag:s13], $0x2800  }
0x2c: {  	s24 =	simm.s32 $0x800;
	s22 =	sadd.s32 $0xA00, s11;
	[sflag:s13] =	ssyncset.done $0x0  }
.LBB2_2:
0x2d: {  	p0 =	sne.s32 s24, $0xF800;
	s25 =	sadd.s32 $0xFFFFFB00, s22;
	[sflag:s13] =	ssyncadd.s32 $0xFFFFD800  }
0x2e: {  	[tilespmem:s15], [sflag:$0x2] =	stream.linear.gather [hbm4b:s25+s3], $0x2800, $0x38;
	[tilespmem:$0x1CC00] =	vst v63  }
0x2f: {  	s25 =	smov.u32 s24;
	s24 =	sadd.s32 $0x400, s24;
	_ =	swait.ge [sflag:s16], $0x2800  }
0x30: {  	[sflag:s16] =	ssyncset.done $0x0  }
0x31: {  	s26 =	sshra.s32 s23, $0x2;
	s23 =	smov.u32 s25;
	[sflag:s16] =	ssyncadd.s32 $0xFFFFD800  }
0x32: {  	[spmem:s2] =	stream.indirect.scatter.add.f32 [tilespmem:s14], [sflag:$0x3], $0x80, s26, s17, $0xb8;
	[tilespmem:$0x1CC00] =	vst v63  }
0x33: {  	_ =	swait.ge [sflag:s13], $0x2800  }
0x34: {  	[sflag:s13] =	ssyncset.done $0x0  }
0x35: {  	[sflag:s13] =	ssyncadd.s32 $0xFFFFD800  }
0x36: {  	[tilespmem:s14], [sflag:$0x1] =	stream.linear.gather [hbm4b:s22+s3], $0x2800, $0x38;
	[tilespmem:$0x1CC00] =	vst v63  }
0x37: {  	_ =	swait.ge [sflag:s18], $0x2800  }
.Ltmp0:
0x38: {  	[sflag:s18] =	ssyncset.done $0x0;
	(pc) =	sbr.rel @p0 .LBB2_2-.Ltmp0, $4  }
0x39: {  	s25 =	sadd.s32 $0x80, s26;
	[sflag:s18] =	ssyncadd.s32 $0xFFFFD800  }
0x3a: {  	[spmem:s2] =	stream.indirect.scatter.add.f32 [tilespmem:s15], [sflag:$0x3], $0x80, s25, s17, $0xb8;
	[tilespmem:$0x1CC00] =	vst v63  }
0x3b: {  	_ =	swait.ge [sflag:s13], $0x2800  }
0x3c: {  	s22 =	sadd.s32 $0xA00, s22;
	[sflag:s13] =	ssyncset.done $0x0  }
0x3d: {  	s24 =	sadd.s32 $0xFFFFFB00, s22;
	[sflag:s13] =	ssyncadd.s32 $0xFFFFD800  }
0x3e: {  	[tilespmem:s15], [sflag:$0x2] =	stream.linear.gather [hbm4b:s24+s3], $0x2800, $0x38;
	[tilespmem:$0x1CC00] =	vst v63  }
0x3f: {  	_ =	swait.ge [sflag:s16], $0x2800  }
0x40: {  	[sflag:s16] =	ssyncset.done $0x0  }
0x41: {  	s23 =	sshra.s32 s23, $0x2;
	[sflag:s16] =	ssyncadd.s32 $0xFFFFD800  }
0x42: {  	[spmem:s2] =	stream.indirect.scatter.add.f32 [tilespmem:s14], [sflag:$0x3], $0x80, s23, s17, $0xb8;
	[tilespmem:$0x1CC00] =	vst v63  }
0x43: {  	_ =	swait.ge [sflag:s13], $0x2800  }
0x44: {  	[sflag:s13] =	ssyncset.done $0x0  }
0x45: {  	[sflag:s13] =	ssyncadd.s32 $0xFFFFD800  }
0x46: {  	[tilespmem:s14], [sflag:$0x1] =	stream.linear.gather [hbm4b:s22+s3], $0x2800, $0x38;
	[tilespmem:$0x1CC00] =	vst v63  }
0x47: {  	_ =	swait.ge [sflag:s18], $0x2800  }
0x48: {  	[sflag:s18] =	ssyncset.done $0x0  }
0x49: {  	s31 =	sadd.s32 $0x80, s23;
	[sflag:s18] =	ssyncadd.s32 $0xFFFFD800  }
0x4a: {  	[spmem:s2] =	stream.indirect.scatter.add.f32 [tilespmem:s15], [sflag:$0x3], $0x80, s31, s17, $0xb8;
	[tilespmem:$0x1CC00] =	vst v63  }
0x4b: {  	_ =	swait.ge [sflag:s13], $0x2800  }
0x4c: {  	[sflag:s13] =	ssyncset.done $0x0  }
0x4d: {  	[sflag:s13] =	ssyncadd.s32 $0xFFFFD800  }
0x4e: {  	[tilespmem:s15], [sflag:$0x2] =	stream.linear.gather [hbm4b:s10+s3], $0x2800, $0x38;
	[tilespmem:$0x1CC00] =	vst v63  }
0x4f: {  	_ =	swait.ge [sflag:s16], $0x2800  }
0x50: {  	[sflag:s16] =	ssyncset.done $0x0  }
0x51: {  	[sflag:s16] =	ssyncadd.s32 $0xFFFFD800  }
0x52: {  	[spmem:s2] =	stream.indirect.scatter.add.f32 [tilespmem:s14], [sflag:$0x3], $0x80, s19, s17, $0xb8;
	[tilespmem:$0x1CC00] =	vst v63  }
0x53: {  	_ =	swait.ge [sflag:s13], $0x2800  }
0x54: {  	[sflag:s13] =	ssyncset.done $0x0  }
0x55: {  	[sflag:s13] =	ssyncadd.s32 $0xFFFFD800  }
0x56: {  	_ =	swait.ge [sflag:s18], $0x2800  }
0x57: {  	[sflag:s18] =	ssyncset.done $0x0  }
0x58: {  	[sflag:s18] =	ssyncadd.s32 $0xFFFFD800  }
0x59: {  	[spmem:s2] =	stream.indirect.scatter.add.f32 [tilespmem:s15], [sflag:$0x3], $0x80, s20, s17, $0xb8;
	[tilespmem:$0x1CC00] =	vst v63  }
0x5a: {  	_ =	swait.ge [sflag:s13], $0x2800  }
0x5b: {  	s21 =	sadd.s32 $0x1, s21;
	[sflag:s13] =	ssyncset.done $0x0  }
0x5c: {  	p0 =	sne.s32 s21, s9;
	[sflag:s13] =	ssyncadd.s32 $0xFFFFD800  }
.Ltmp1:
0x5d: {  	[bflag:$0x0] =	sbarrier.arrive $0xFFFF;
	(pc) =	sbr.rel @p0 .LBB2_1-.Ltmp1, $4  }
0x5e: {  	[hbm:s8], [sflag:s5] =	dma.local [spmem:s12], $0x2780  }
0x5f: {  	_ =	swait.ge [sflag:s13], $0x2780  }
0x60: {  	[sflag:s13] =	ssyncset.done $0x0  }
0x61: {  	[sflag:s13] =	ssyncadd.s32 $0xFFFFD880  }
0x62: {  	_ =	sfence.sel $0x180000  }
0x63: {  	[bflag:$0x0] =	sbarrier.arrive $0xFFFF  }
0x64: {  	p0 =	sne.s32 s1, $0x0;
	_ =	strace $0x90000050  }
0x65: {  	s0 =	sadd.s32 @!p0 $0x100000, s0;
	[bflag:$0x2] =	sbarrier.arrive $0xFFFF  }
0x66: {  	[sflag:s0] =	ssyncadd.tile.s32 @!p0 $0x1;
	_ =	shalt  }
.Lfunc_end2:
_tile_overlayer_lowered:
.L_overlay_start_2:
0x67: {  	(tag) =	ssettag $0x2  }
0x68: {  	s0 =	rddreg [dreg:$0x0];
	s2 =	stileid.u32  }
0x69: {  	s1 =	rddreg [dreg:$0x1];
	p0 =	sne.s32 s2, $0x0  }
0x6a: {  	s3 =	rddreg [dreg:$0x2];
	[bflag:$0x3] =	sbarrier.arrive $0xFFFF;
	s2 =	simm.s32 @!p0 $0x1C03  }
0x6b: {  	[timem:s3], [sflag:s2] =	dma.local @!p0 [hbm:s0], s1  }
0x6c: {  	s0 =	simm.s32 @!p0 $0x3  }
0x6d: {  	_ =	swait.ge @!p0 [sflag:s0], s1  }
0x6e: {  	s1 =	ssub.s32 @!p0 $0x0, s1;
	[sflag:s0] =	ssyncset.done @!p0 $0x0  }
0x6f: {  	[sflag:s0] =	ssyncadd.s32 @!p0 s1  }
0x70: {  	[bflag:$0x3] =	sbarrier.arrive $0xFFFF  }
0x71: {  	_ =	shalt  }

// kernel: kernel.30.cloned.1.call-start
scs
__scs_entry_jumppad:
0x0: {  	(pc) =	sbr.rel $0x88, $3  }
0x1: {  	(tag) =	ssettag $0x0;
	lr =	simm.s32 $0x1  }
0x2: {  	[smem:$0x3F89] =	sst lr;
	_ =	strace $0xD0000000  }
0x3: {  	_ = 	snop  }
0x4: {  	_ = 	snop  }
0x5: {  	_ = 	snop  }
0x6: {  	_ = 	snop  }
0x7: {  	_ = 	snop  }
__scs_overlays_trampoline_lowered:
0x8: {  	[smem:$0x3F98] =	sst s0  }
0x9: {  	[smem:$0x3F99] =	sst s1  }
0xa: {  	[smem:$0x3F9A] =	sst s2  }
0xb: {  	[smem:$0x3F9B] =	sst s3  }
0xc: {  	[smem:$0x3F9C] =	sst s4  }
0xd: {  	[smem:$0x3F9D] =	sst s5  }
0xe: {  	[smem:$0x3F9E] =	sst s6  }
0xf: {  	[smem:$0x3F9F] =	sst s7  }
0x10: {  	[smem:$0x3FA0] =	sst s8  }
0x11: {  	[smem:$0x3FA1] =	sst s9;
	s0 =	simm.s32 @!p0 $0x0  }
0x12: {  	s1 =	sld [smem:$0x3F87];
	s0 =	simm.s32 @p0 $0x1  }
0x13: {  	[smem:$0x3FA2] =	sst s0;
	s0 =	simm.s32 @!p1 $0x0  }
0x14: {  	s2 =	sld [smem:$0x3F86];
	s0 =	simm.s32 @p1 $0x1  }
0x15: {  	[smem:$0x3FA3] =	sst s0;
	s0 =	simm.s32 @!p2 $0x0  }
0x16: {  	s3 =	sld [smem:$0x3FDB];
	s0 =	simm.s32 @p2 $0x1  }
0x17: {  	s4 =	simm.s32 $0x1BF5;
	[smem:$0x3FA5] =	sst s0  }
0x18: {  	s0 =	sld [smem:$0x3F88];
	_ =	swait.ge [sflag:s4], $0x0  }
0x19: {  	s7 =	sld [smem:$0x3F89]  }
0x1a: {  	s8 =	sadd.s32 $0xFFFFE003, lr  }
0x1b: {  	s9 =	sadd.s32 $0xFFFFFEF7, lr;
	s5 =	simm.s32 $0xFFFFFFFF;
	p2 =	slt.u32 s8, $0xFFFFF086  }
0x1c: {  	p1 =	slt.u32 s9, $0xF7A;
	s5 =	simm.s32 @!p2 $0x0  }
0x1d: {  	s5 =	simm.s32 @p1 $0x1;
	p0 =	seq.s32 s7, s2  }
0x1e: {  	s7 =	smul.u32 @!p0 $0xF7A, s2;
	p2 =	seq.s32 @!p0 s5, $0x0  }
0x1f: {  	s9 =	smul.u32 $0xF7A, s1;
	s8 =	simm.s32 @!p0 $0x1BF5;
	p2 =	por !p2, p0  }
0x20: {  	[sflag:s8] =	ssyncset.s32 @!p0 $0xFFFFF086;
	s6 =	sadd.s32 @!p0 s3, s7;
	s7 =	simm.s32 @!p0 $0x108  }
0x21: {  	s3 =	sadd.s32 s3, s9;
	s6 =	sadd.s32 @!p0 $0x88, s6;
	s7 =	simm.s32 @p2 $0x1082  }
0x22: {  	[simem:s7], [sflag:s8] =	dma.local @!p0 [hbm:s6], $0xF7A  }
0x23: {  	s9 =	sor.u32 $0xD0000000, s2;
	s6 =	simm.s32 $0x108;
	_ =	swait.ge @!p0 [sflag:s8], $0x0  }
0x24: {  	s3 =	sadd.s32 $0x88, s3;
	s6 =	simm.s32 @!p1 $0x1082;
	[sflag:s4] =	ssyncset.s32 $0xFFFFF086  }
0x25: {  	[simem:s6], [sflag:s4] =	dma.local [hbm:s3], $0xF7A  }
0x26: {  	[smem:$0x3F89] =	sst s1;
	(tag) =	ssettag s2;
	_ =	strace s9  }
0x27: {  	s1 =	sld [smem:$0x3F99]  }
0x28: {  	s2 =	sld [smem:$0x3F9A]  }
0x29: {  	s4 =	sld [smem:$0x3F9C]  }
0x2a: {  	p0 =	seq.s32 s5, $0x0;
	s5 =	sld [smem:$0x3F9D]  }
0x2b: {  	s6 =	sld [smem:$0x3F9E]  }
0x2c: {  	s7 =	sld [smem:$0x3F9F]  }
0x2d: {  	s3 =	simm.s32 $0x108;
	s8 =	sld [smem:$0x3FA0]  }
0x2e: {  	s3 =	simm.s32 @!p0 $0x1082;
	s9 =	sld [smem:$0x3FA1]  }
0x2f: {  	lr =	sadd.s32 s0, s3;
	s0 =	sld [smem:$0x3F98]  }
0x30: {  	s3 =	sld [smem:$0x3F9B]  }
0x31: {  	[smem:$0x3FA4] =	sst s10  }
0x32: {  	s10 =	sld [smem:$0x3FA2];
	_ =	sdelay $0x3  }
0x33: {  	p0 =	seq.s32 s10, $0x1;
	s10 =	sld [smem:$0x3FA4];
	_ =	sdelay $0x3  }
0x34: {  	[smem:$0x3FA4] =	sst s10  }
0x35: {  	s10 =	sld [smem:$0x3FA3];
	_ =	sdelay $0x3  }
0x36: {  	p1 =	seq.s32 s10, $0x1;
	s10 =	sld [smem:$0x3FA4];
	_ =	sdelay $0x3  }
0x37: {  	[smem:$0x3FA4] =	sst s10  }
0x38: {  	s10 =	sld [smem:$0x3FA5]  }
0x39: {  	_ = 	snop;
	(pc) =	sbr.ind lr, $3  }
0x3a: {  	_ = 	snop  }
0x3b: {  	_ = 	snop  }
0x3c: {  	p2 =	seq.s32 s10, $0x1;
	s10 =	sld [smem:$0x3FA4]  }
0x3d: {  	_ =	shalt  }
0x3e: {  	_ =	shalt  }
0x3f: {  	_ =	shalt  }
0x40: {  	_ =	shalt  }
0x41: {  	_ =	shalt  }
0x42: {  	_ =	shalt  }
0x43: {  	_ =	shalt  }
0x44: {  	_ =	shalt  }
0x45: {  	_ =	shalt  }
0x46: {  	_ =	shalt  }
0x47: {  	_ =	shalt  }
0x48: {  	_ =	shalt  }
0x49: {  	_ =	shalt  }
0x4a: {  	_ =	shalt  }
0x4b: {  	_ =	shalt  }
0x4c: {  	_ =	shalt  }
0x4d: {  	_ =	shalt  }
0x4e: {  	_ =	shalt  }
0x4f: {  	_ =	shalt  }
0x50: {  	_ =	shalt  }
0x51: {  	_ =	shalt  }
0x52: {  	_ =	shalt  }
0x53: {  	_ =	shalt  }
0x54: {  	_ =	shalt  }
0x55: {  	_ =	shalt  }
0x56: {  	_ =	shalt  }
0x57: {  	_ =	shalt  }
0x58: {  	_ =	shalt  }
0x59: {  	_ =	shalt  }
0x5a: {  	_ =	shalt  }
0x5b: {  	_ =	shalt  }
0x5c: {  	_ =	shalt  }
0x5d: {  	_ =	shalt  }
0x5e: {  	_ =	shalt  }
0x5f: {  	_ =	shalt  }
0x60: {  	_ =	shalt  }
0x61: {  	_ =	shalt  }
0x62: {  	_ =	shalt  }
0x63: {  	_ =	shalt  }
0x64: {  	_ =	shalt  }
0x65: {  	_ =	shalt  }
0x66: {  	_ =	shalt  }
0x67: {  	_ =	shalt  }
0x68: {  	_ =	shalt  }
0x69: {  	_ =	shalt  }
0x6a: {  	_ =	shalt  }
0x6b: {  	_ =	shalt  }
0x6c: {  	_ =	shalt  }
0x6d: {  	_ =	shalt  }
0x6e: {  	_ =	shalt  }
0x6f: {  	_ =	shalt  }
0x70: {  	_ =	shalt  }
0x71: {  	_ =	shalt  }
0x72: {  	_ =	shalt  }
0x73: {  	_ =	shalt  }
0x74: {  	_ =	shalt  }
0x75: {  	_ =	shalt  }
0x76: {  	_ =	shalt  }
0x77: {  	_ =	shalt  }
0x78: {  	_ =	shalt  }
0x79: {  	_ =	shalt  }
0x7a: {  	_ =	shalt  }
0x7b: {  	_ =	shalt  }
0x7c: {  	_ =	shalt  }
0x7d: {  	_ =	shalt  }
0x7e: {  	_ =	shalt  }
0x7f: {  	_ =	shalt  }
0x80: {  	_ =	shalt  }
0x81: {  	_ =	shalt  }
0x82: {  	_ =	shalt  }
0x83: {  	_ =	shalt  }
0x84: {  	_ =	shalt  }
0x85: {  	_ =	shalt  }
0x86: {  	_ =	shalt  }
0x87: {  	_ =	shalt  }
.Lfunc_end0:
.L_simem_size_0:
called_computation.4_lowered:
.L_overlay_start_0:
0x88: {  	s2 =	sld [smem:$0x3FD9]  }
0x89: {  	s3 =	sld [smem:$0x3FFE];
	_ =	sdelay $0x1  }
0x8a: {  	s1 =	srdreg.scid  }
0x8b: {  	s0 =	sand.u32 $0x1, s1  }
0x8c: {  	s16 =	sshll.u32 s0, $0xA;
	s2 =	sadd.s32 s3, s2  }
0x8d: {  	s2 =	sadd.s32 s2, s16  }
0x8e: {  	[smem:$0x3FB0] =	sst s2  }
0x8f: {  	_ = 	snop  }
0x90: {  	(tm) =	ssettm $0x1  }
0x91: {  	s17 =	sld [smem:$0x3FFB];
	_ =	sdelay $0x3  }
0x92: {  	_ =	strace s17  }
0x93: {  	s2 =	sld [smem:$0x3FFC];
	_ =	sdelay $0x3  }
0x94: {  	_ =	strace s2  }
0x95: {  	s2 =	sld [smem:$0x3FFD];
	_ =	sdelay $0x3  }
0x96: {  	_ =	strace s2  }
0x97: {  	_ =	strace $0x8FFFFFFF  }
0x98: {  	s18 =	sld [smem:$0x3FDB];
	_ =	sdelay $0x1  }
0x99: {  	s19 =	simm.s32 $_scs_section_size  }
0x9a: {  	s4 =	simm.s32 $_size__tile_overlayer_lowered;
	s5 =	simm.s32 $_tile_overlayer_lowered  }
0x9b: {  	s22 =	simm.s32 $0x1BFF;
	s21 =	sshll.u32 s5, $0x1;
	s2 =	sadd.s32 s19, s18  }
0x9c: {  	s6 =	simm.s32 $0x0;
	s20 =	sshll.u32 s4, $0x1;
	s4 =	sadd.s32 s21, s2  }
0x9d: {  	[timem:s6], [sflag:s22] =	dma.local [hbm:s4], s20  }
0x9e: {  	_ =	swait.ge [sflag:s22], s20  }
0x9f: {  	s3 =	ssub.s32 $0x0, s20;
	[sflag:s22] =	ssyncset.done $0x0  }
0xa0: {  	[sflag:s22] =	ssyncadd.s32 s3;
	_ =	sdelay $0x1  }
0xa1: {  	s23 =	simm.s32 $0x1B8B  }
0xa2: {  	_ =	swait.ge [sflag:s23], $0x1  }
0xa3: {  	[sflag:s23] =	ssyncset.done $0x0  }
0xa4: {  	s25 =	simm.s32 $0x1B8E;
	s24 =	sld [smem:$0x3FFE];
	[sflag:s23] =	ssyncadd.s32 $0xFFFFFFFF  }
0xa5: {  	s26 =	simm.s32 $execute0_lowered;
	[smem:$0x3FD2] =	sst s25  }
0xa6: {  	s4 =	sshll.u32 s26, $0x1;
	_ =	strace $0x80000052;
	[dreg:$0x1] =	wrdreg $0xFFFFFFFF  }
0xa7: {  	s28 =	simm.s32 $_size_execute0_lowered;
	s2 =	sadd.s32 s2, s4;
	[dreg:$0x0] =	wrdreg $0x0  }
0xa8: {  	s4 =	sshll.u32 s28, $0x1;
	[dreg:$0x2] =	wrdreg s2  }
0xa9: {  	[dreg:$0x3] =	wrdreg s4  }
0xaa: {  	[dreg:$0x4] =	wrdreg $0xC0  }
0xab: {  	_ =	task [dreg:s6], $0x5FFFF  }
0xac: {  	[dreg:$0x1] =	wrdreg $0xFFFFFFFF  }
0xad: {  	[dreg:$0x0] =	wrdreg $0x60  }
0xae: {  	[dreg:$0x2] =	wrdreg s24  }
0xaf: {  	[dreg:$0x3] =	wrdreg $0x9  }
0xb0: {  	_ =	task.clear_ibuf [dreg:s6], $0x4FFFF;
	_ =	strace $0x90000052  }
0xb1: {  	s29 =	simm.s32 $0x9;
	_ =	strace $0x80000054  }
0xb2: {  	_ =	swait.ge [sflag:s29], $0x1  }
0xb3: {  	[sflag:s29] =	ssyncadd.s32 $0xFFFFFFFF  }
0xb4: {  	_ =	strace $0x90000054  }
0xb5: {  	_ =	sfence  }
0xb6: {  	s30 =	sld [smem:$0x0];
	_ =	sdelay $0x2  }
0xb7: {  	s31 =	sshll.u32 s1, $0xD;
	s1 =	sshrl.u32 s1, $0x2  }
0xb8: {  	s3 =	sand.u32 $0x4000, s31;
	s1 =	sadd.s32 s1, s30  }
0xb9: {  	s0 =	sor.u32 s3, s0;
	s1 =	sshll.u32 s1, $0x11  }
0xba: {  	s0 =	sor.u32 s1, s0  }
0xbb: {  	s0 =	sadd.s32 $0x8F2B, s0  }
0xbc: {  	[sflag:s0] =	ssyncadd.remote.s32 $0x1  }
0xbd: {  	_ =	sfence.sel $0xFFFF  }
0xbe: {  	[dreg:$0x0] =	wrdreg $0xFFFFFFFF;
	(pc) =	sbr.abs _section_cstart, $3  }
0xbf: {  	[dreg:$0x1] =	wrdreg $0xFFFFFFFF  }
0xc0: {  	_ =	task.clear_ibuf [dreg:s6], $0x2FFFF;
	_ =	strace $0x9FFFFFFF  }
0xc1: {  	(tm) =	ssettm $0x7FFFFFFF  }
tec
execute0_lowered:
.L_overlay_start_1:
0x0: {  	(tag) =	ssettag $0x1  }
0x1: {  	s5 =	rddreg [dreg:$0x0];
	s2 =	simm.s32 $0x0  }
0x2: {  	s3 =	srdreg.scid;
	s0 =	stileid.u32;
	s17 =	simm.s32 $0x8000  }
0x3: {  	s18 =	simm.s32 $0xD000;
	s19 =	simm.s32 $0xA800;
	s20 =	simm.s32 $0xF800  }
0x4: {  	s21 =	simm.s32 $0x1;
	s22 =	simm.s32 $0x3;
	s23 =	simm.s32 $0x2  }
0x5: {  	s24 =	simm.s32 $0x4;
	s26 =	simm.s32 $0x7F80;
	s28 =	simm.s32 $0x0  }
0x6: {  	[smem:$0x7FF] =	sst s2;
	s9 =	sand.u32 $0x1, s3;
	s29 =	sshll.u32 s0, $0x1  }
0x7: {  	s3 =	sadd.s32 $0xEA00, s5;
	s4 =	sadd.s32 $0x84600, s5;
	s13 =	sadd.s32 $0x5D2A00, s5  }
0x8: {  	s11 =	sadd.s32 $0xD2A00, s5;
	s14 =	smul.u32 $0x50000, s0;
	_ =	strace $0x80000053  }
0x9: {  	s6 =	sor.u32 s9, s29;
	s8 =	ssub.s32 $0x2, s9;
	s16 =	smul.u32 $0x28000, s9  }
0xa: {  	s7 =	sshll.u32 s6, $0xB;
	s30 =	sshrl.u32 s8, $0x1;
	s10 =	smul.u32 $0x28000, s6  }
0xb: {  	s31 =	sadd.s32 s14, s11;
	s7 =	sadd.s32 s7, s5;
	s8 =	ssub.s32 s8, s30  }
0xc: {  	s5 =	sadd.s32 $0x61600, s7;
	s6 =	sadd.s32 $0x71600, s7;
	s12 =	sadd.s32 $0x27600, s10  }
0xd: {  	s7 =	smax.u32 s8, $0x1;
	s15 =	sadd.s32 $0x27B00, s10;
	s8 =	sadd.s32 s11, s12  }
0xe: {  	s9 =	sadd.s32 s13, s12;
	s10 =	sadd.s32 s11, s15;
	s11 =	sadd.s32 s13, s15  }
0xf: {  	s12 =	sadd.s32 s16, s31;
	s13 =	sadd.s32 s14, s13;
	s14 =	simm.s32 $0x5  }
0x10: {  	s15 =	simm.s32 $0x4000;
	s13 =	sadd.s32 s16, s13;
	s16 =	simm.s32 $0x50  }
.LBB2_1:
0x11: {  	[tilespmem:s2], [sflag:$0x5] =	stream.linear.gather [hbm4b:s5+s2], $0x4000, $0x38;
	[tilespmem:$0x12000] =	vst v63  }
0x12: {  	_ =	swait.ge [sflag:s14], $0x4000  }
0x13: {  	[sflag:s14] =	ssyncset.done $0x0  }
0x14: {  	[sflag:s14] =	ssyncadd.s32 $0xFFFFC000  }
0x15: {  	[tilespmem:s15], [sflag:$0x5] =	stream.linear.gather [hbm4b:s6+s2], $0x4000, $0x38;
	[tilespmem:$0x12000] =	vst v63  }
0x16: {  	_ =	swait.ge [sflag:s14], $0x4000  }
0x17: {  	[sflag:s14] =	ssyncset.done $0x0  }
0x18: {  	[sflag:s14] =	ssyncadd.s32 $0xFFFFC000  }
0x19: {  	[tilespmem:s17], [sflag:$0x1] =	stream.indirect.gather [hbm4b:s3+s16], $0x80, s2, s16, $0xb8;
	[tilespmem:$0x12000] =	vst v63  }
0x1a: {  	_ = 	snop  }
0x1b: {  	[tilespmem:s18], [sflag:$0x3] =	stream.indirect.gather [hbm4b:s4+s16], $0x80, s15, s16, $0xb8;
	[tilespmem:$0x12000] =	vst v63  }
0x1c: {  	s29 =	simm.s32 $0x80  }
0x1d: {  	[tilespmem:s19], [sflag:$0x2] =	stream.indirect.gather [hbm4b:s3+s16], $0x80, s29, s16, $0xb8;
	[tilespmem:$0x12000] =	vst v63  }
0x1e: {  	s30 =	simm.s32 $0x4080  }
0x1f: {  	[tilespmem:s20], [sflag:$0x4] =	stream.indirect.gather [hbm4b:s4+s16], $0x80, s30, s16, $0xb8;
	[tilespmem:$0x12000] =	vst v63  }
0x20: {  	_ =	swait.ge [sflag:s21], $0x2800  }
0x21: {  	[sflag:s21] =	ssyncset.done $0x0  }
0x22: {  	s31 =	sadd.s32 $0x0, s12;
	[sflag:s21] =	ssyncadd.s32 $0xFFFFD800  }
0x23: {  	[hbm4b:s31+s2] =	stream.linear.scatter [tilespmem:s17], [sflag:$0x5], $0x2800, $0x38;
	[tilespmem:$0x12000] =	vst v63  }
0x24: {  	_ =	swait.ge [sflag:s14], $0x2800  }
0x25: {  	[sflag:s14] =	ssyncset.done $0x0  }
0x26: {  	[sflag:s14] =	ssyncadd.s32 $0xFFFFD800  }
0x27: {  	_ =	swait.ge [sflag:s22], $0x2800  }
0x28: {  	[sflag:s22] =	ssyncset.done $0x0  }
0x29: {  	s0 =	sadd.s32 $0x0, s13;
	[sflag:s22] =	ssyncadd.s32 $0xFFFFD800  }
0x2a: {  	[hbm4b:s0+s2] =	stream.linear.scatter [tilespmem:s18], [sflag:$0x5], $0x2800, $0x38;
	[tilespmem:$0x12000] =	vst v63  }
0x2b: {  	_ =	swait.ge [sflag:s14], $0x2800  }
0x2c: {  	[sflag:s14] =	ssyncset.done $0x0  }
0x2d: {  	s1 =	simm.s32 $0x100;
	[sflag:s14] =	ssyncadd.s32 $0xFFFFD800  }
0x2e: {  	[tilespmem:s17], [sflag:$0x1] =	stream.indirect.gather [hbm4b:s3+s16], $0x80, s1, s16, $0xb8;
	[tilespmem:$0x12000] =	vst v63  }
0x2f: {  	s25 =	simm.s32 $0x4100  }
0x30: {  	[tilespmem:s18], [sflag:$0x3] =	stream.indirect.gather [hbm4b:s4+s16], $0x80, s25, s16, $0xb8;
	[tilespmem:$0x12000] =	vst v63  }
0x31: {  	_ =	swait.ge [sflag:s23], $0x2800  }
0x32: {  	[sflag:s23] =	ssyncset.done $0x0  }
0x33: {  	s25 =	sadd.s32 $0x500, s31;
	[sflag:s23] =	ssyncadd.s32 $0xFFFFD800  }
0x34: {  	[hbm4b:s25+s2] =	stream.linear.scatter [tilespmem:s19], [sflag:$0x5], $0x2800, $0x38;
	[tilespmem:$0x12000] =	vst v63  }
0x35: {  	_ =	swait.ge [sflag:s14], $0x2800  }
0x36: {  	[sflag:s14] =	ssyncset.done $0x0  }
0x37: {  	[sflag:s14] =	ssyncadd.s32 $0xFFFFD800  }
0x38: {  	_ =	swait.ge [sflag:s24], $0x2800  }
0x39: {  	[sflag:s24] =	ssyncset.done $0x0  }
0x3a: {  	s0 =	sadd.s32 $0x500, s0;
	[sflag:s24] =	ssyncadd.s32 $0xFFFFD800  }
0x3b: {  	[hbm4b:s0+s2] =	stream.linear.scatter [tilespmem:s20], [sflag:$0x5], $0x2800, $0x38;
	[tilespmem:$0x12000] =	vst v63  }
0x3c: {  	_ =	swait.ge [sflag:s14], $0x2800  }
0x3d: {  	s31 =	simm.s32 $0xA00;
	[sflag:s14] =	ssyncset.done $0x0  }
.LBB2_2:
0x3e: {  	[sflag:s14] =	ssyncadd.s32 $0xFFFFD800;
	s29 =	sadd.s32 $0x100, s29;
	s30 =	sadd.s32 $0x100, s30  }
0x3f: {  	[tilespmem:s19], [sflag:$0x2] =	stream.indirect.gather [hbm4b:s3+s16], $0x80, s29, s16, $0xb8;
	[tilespmem:$0x12000] =	vst v63  }
0x40: {  	p0 =	sne.s32 s31, $0x26C00;
	s0 =	smov.u32 s31;
	s31 =	sadd.s32 $0xA00, s31  }
0x41: {  	[tilespmem:s20], [sflag:$0x4] =	stream.indirect.gather [hbm4b:s4+s16], $0x80, s30, s16, $0xb8;
	[tilespmem:$0x12000] =	vst v63  }
0x42: {  	_ =	swait.ge [sflag:s21], $0x2800  }
0x43: {  	[sflag:s21] =	ssyncset.done $0x0  }
0x44: {  	s1 =	sadd.s32 s0, s12;
	[sflag:s21] =	ssyncadd.s32 $0xFFFFD800  }
0x45: {  	[hbm4b:s1+s2] =	stream.linear.scatter [tilespmem:s17], [sflag:$0x5], $0x2800, $0x38;
	[tilespmem:$0x12000] =	vst v63  }
0x46: {  	_ =	swait.ge [sflag:s14], $0x2800  }
0x47: {  	[sflag:s14] =	ssyncset.done $0x0  }
0x48: {  	[sflag:s14] =	ssyncadd.s32 $0xFFFFD800  }
0x49: {  	_ =	swait.ge [sflag:s22], $0x2800  }
0x4a: {  	[sflag:s22] =	ssyncset.done $0x0  }
0x4b: {  	s0 =	sadd.s32 s0, s13;
	[sflag:s22] =	ssyncadd.s32 $0xFFFFD800  }
0x4c: {  	[hbm4b:s0+s2] =	stream.linear.scatter [tilespmem:s18], [sflag:$0x5], $0x2800, $0x38;
	[tilespmem:$0x12000] =	vst v63  }
0x4d: {  	_ =	swait.ge [sflag:s14], $0x2800  }
0x4e: {  	[sflag:s14] =	ssyncset.done $0x0  }
0x4f: {  	s25 =	sadd.s32 $0x80, s29;
	[sflag:s14] =	ssyncadd.s32 $0xFFFFD800  }
0x50: {  	[tilespmem:s17], [sflag:$0x1] =	stream.indirect.gather [hbm4b:s3+s16], $0x80, s25, s16, $0xb8;
	[tilespmem:$0x12000] =	vst v63  }
0x51: {  	s25 =	sadd.s32 $0x80, s30  }
0x52: {  	[tilespmem:s18], [sflag:$0x3] =	stream.indirect.gather [hbm4b:s4+s16], $0x80, s25, s16, $0xb8;
	[tilespmem:$0x12000] =	vst v63  }
0x53: {  	_ =	swait.ge [sflag:s23], $0x2800  }
0x54: {  	[sflag:s23] =	ssyncset.done $0x0  }
0x55: {  	s1 =	sadd.s32 $0x500, s1;
	[sflag:s23] =	ssyncadd.s32 $0xFFFFD800  }
0x56: {  	[hbm4b:s1+s2] =	stream.linear.scatter [tilespmem:s19], [sflag:$0x5], $0x2800, $0x38;
	[tilespmem:$0x12000] =	vst v63  }
0x57: {  	_ =	swait.ge [sflag:s14], $0x2800  }
0x58: {  	[sflag:s14] =	ssyncset.done $0x0  }
0x59: {  	[sflag:s14] =	ssyncadd.s32 $0xFFFFD800  }
0x5a: {  	_ =	swait.ge [sflag:s24], $0x2800  }
.Ltmp0:
0x5b: {  	[sflag:s24] =	ssyncset.done $0x0;
	(pc) =	sbr.rel @p0 .LBB2_2-.Ltmp0, $4  }
0x5c: {  	s0 =	sadd.s32 $0x500, s0;
	[sflag:s24] =	ssyncadd.s32 $0xFFFFD800  }
0x5d: {  	[hbm4b:s0+s2] =	stream.linear.scatter [tilespmem:s20], [sflag:$0x5], $0x2800, $0x38;
	[tilespmem:$0x12000] =	vst v63  }
0x5e: {  	_ =	swait.ge [sflag:s14], $0x2800  }
0x5f: {  	[sflag:s14] =	ssyncset.done $0x0  }
0x60: {  	[sflag:s14] =	ssyncadd.s32 $0xFFFFD800;
	s0 =	simm.s32 $0x3F80  }
0x61: {  	[tilespmem:s19], [sflag:$0x2] =	stream.indirect.gather [hbm4b:s3+s16], $0x80, s0, s16, $0xb8;
	[tilespmem:$0x12000] =	vst v63  }
0x62: {  	_ = 	snop  }
0x63: {  	[tilespmem:s20], [sflag:$0x4] =	stream.indirect.gather [hbm4b:s4+s16], $0x80, s26, s16, $0xb8;
	[tilespmem:$0x12000] =	vst v63  }
0x64: {  	_ =	swait.ge [sflag:s21], $0x2800  }
0x65: {  	[sflag:s21] =	ssyncset.done $0x0  }
0x66: {  	[sflag:s21] =	ssyncadd.s32 $0xFFFFD800  }
0x67: {  	[hbm4b:s8+s2] =	stream.linear.scatter [tilespmem:s17], [sflag:$0x5], $0x2800, $0x38;
	[tilespmem:$0x12000] =	vst v63  }
0x68: {  	_ =	swait.ge [sflag:s14], $0x2800  }
0x69: {  	[sflag:s14] =	ssyncset.done $0x0  }
0x6a: {  	[sflag:s14] =	ssyncadd.s32 $0xFFFFD800  }
0x6b: {  	_ =	swait.ge [sflag:s22], $0x2800  }
0x6c: {  	[sflag:s22] =	ssyncset.done $0x0  }
0x6d: {  	[sflag:s22] =	ssyncadd.s32 $0xFFFFD800  }
0x6e: {  	[hbm4b:s9+s2] =	stream.linear.scatter [tilespmem:s18], [sflag:$0x5], $0x2800, $0x38;
	[tilespmem:$0x12000] =	vst v63  }
0x6f: {  	_ =	swait.ge [sflag:s14], $0x2800  }
0x70: {  	[sflag:s14] =	ssyncset.done $0x0  }
0x71: {  	[sflag:s14] =	ssyncadd.s32 $0xFFFFD800  }
0x72: {  	_ =	swait.ge [sflag:s23], $0x2800  }
0x73: {  	[sflag:s23] =	ssyncset.done $0x0  }
0x74: {  	[sflag:s23] =	ssyncadd.s32 $0xFFFFD800  }
0x75: {  	[hbm4b:s10+s2] =	stream.linear.scatter [tilespmem:s19], [sflag:$0x5], $0x2800, $0x38;
	[tilespmem:$0x12000] =	vst v63  }
0x76: {  	_ =	swait.ge [sflag:s14], $0x2800  }
0x77: {  	[sflag:s14] =	ssyncset.done $0x0  }
0x78: {  	[sflag:s14] =	ssyncadd.s32 $0xFFFFD800  }
0x79: {  	s28 =	sadd.s32 $0x1, s28;
	_ =	swait.ge [sflag:s24], $0x2800  }
0x7a: {  	p0 =	sne.s32 s28, s7;
	[sflag:s24] =	ssyncset.done $0x0  }
.Ltmp1:
0x7b: {  	[sflag:s24] =	ssyncadd.s32 $0xFFFFD800;
	(pc) =	sbr.rel @p0 .LBB2_1-.Ltmp1, $4  }
0x7c: {  	[hbm4b:s11+s2] =	stream.linear.scatter [tilespmem:s20], [sflag:$0x5], $0x2800, $0x38;
	[tilespmem:$0x12000] =	vst v63  }
0x7d: {  	_ =	swait.ge [sflag:s14], $0x2800  }
0x7e: {  	[sflag:s14] =	ssyncset.done $0x0  }
0x7f: {  	[sflag:s14] =	ssyncadd.s32 $0xFFFFD800  }
0x80: {  	_ =	sfence.sel $0x180000  }
0x81: {  	[bflag:$0x0] =	sbarrier.arrive $0xFFFF  }
0x82: {  	_ =	strace $0x90000053  }
0x83: {  	s0 =	stileid.u32;
	[bflag:$0x2] =	sbarrier.arrive $0xFFFF  }
0x84: {  	p0 =	sne.s32 s0, $0x0;
	s0 =	rddreg [dreg:$0x1]  }
0x85: {  	s0 =	sadd.s32 @!p0 $0x100000, s0  }
0x86: {  	[sflag:s0] =	ssyncadd.tile.s32 @!p0 $0x1;
	_ =	shalt  }
.Lfunc_end2:
_tile_overlayer_lowered:
.L_overlay_start_2:
0x87: {  	(tag) =	ssettag $0x2  }
0x88: {  	s0 =	rddreg [dreg:$0x0];
	s2 =	stileid.u32  }
0x89: {  	s1 =	rddreg [dreg:$0x1];
	p0 =	sne.s32 s2, $0x0  }
0x8a: {  	s3 =	rddreg [dreg:$0x2];
	[bflag:$0x3] =	sbarrier.arrive $0xFFFF;
	s2 =	simm.s32 @!p0 $0x1C05  }
0x8b: {  	[timem:s3], [sflag:s2] =	dma.local @!p0 [hbm:s0], s1  }
0x8c: {  	s0 =	simm.s32 @!p0 $0x5  }
0x8d: {  	_ =	swait.ge @!p0 [sflag:s0], s1  }
0x8e: {  	s1 =	ssub.s32 @!p0 $0x0, s1;
	[sflag:s0] =	ssyncset.done @!p0 $0x0  }
0x8f: {  	[sflag:s0] =	ssyncadd.s32 @!p0 s1  }
0x90: {  	[bflag:$0x3] =	sbarrier.arrive $0xFFFF  }
0x91: {  	_ =	shalt  }

// kernel: kernel.33.cloned.1.call-start
scs
__scs_entry_jumppad:
0x0: {  	(pc) =	sbr.rel $0x88, $3  }
0x1: {  	(tag) =	ssettag $0x0;
	lr =	simm.s32 $0x1  }
0x2: {  	[smem:$0x3F89] =	sst lr;
	_ =	strace $0xD0000000  }
0x3: {  	_ = 	snop  }
0x4: {  	_ = 	snop  }
0x5: {  	_ = 	snop  }
0x6: {  	_ = 	snop  }
0x7: {  	_ = 	snop  }
__scs_overlays_trampoline_lowered:
0x8: {  	[smem:$0x3F98] =	sst s0  }
0x9: {  	[smem:$0x3F99] =	sst s1  }
0xa: {  	[smem:$0x3F9A] =	sst s2  }
0xb: {  	[smem:$0x3F9B] =	sst s3  }
0xc: {  	[smem:$0x3F9C] =	sst s4  }
0xd: {  	[smem:$0x3F9D] =	sst s5  }
0xe: {  	[smem:$0x3F9E] =	sst s6  }
0xf: {  	[smem:$0x3F9F] =	sst s7  }
0x10: {  	[smem:$0x3FA0] =	sst s8  }
0x11: {  	[smem:$0x3FA1] =	sst s9;
	s0 =	simm.s32 @!p0 $0x0  }
0x12: {  	s1 =	sld [smem:$0x3F87];
	s0 =	simm.s32 @p0 $0x1  }
0x13: {  	[smem:$0x3FA2] =	sst s0;
	s0 =	simm.s32 @!p1 $0x0  }
0x14: {  	s2 =	sld [smem:$0x3F86];
	s0 =	simm.s32 @p1 $0x1  }
0x15: {  	[smem:$0x3FA3] =	sst s0;
	s0 =	simm.s32 @!p2 $0x0  }
0x16: {  	s3 =	sld [smem:$0x3FDB];
	s0 =	simm.s32 @p2 $0x1  }
0x17: {  	s4 =	simm.s32 $0x1BF5;
	[smem:$0x3FA5] =	sst s0  }
0x18: {  	s0 =	sld [smem:$0x3F88];
	_ =	swait.ge [sflag:s4], $0x0  }
0x19: {  	s7 =	sld [smem:$0x3F89]  }
0x1a: {  	s8 =	sadd.s32 $0xFFFFE003, lr  }
0x1b: {  	s9 =	sadd.s32 $0xFFFFFEF7, lr;
	s5 =	simm.s32 $0xFFFFFFFF;
	p2 =	slt.u32 s8, $0xFFFFF086  }
0x1c: {  	p1 =	slt.u32 s9, $0xF7A;
	s5 =	simm.s32 @!p2 $0x0  }
0x1d: {  	s5 =	simm.s32 @p1 $0x1;
	p0 =	seq.s32 s7, s2  }
0x1e: {  	s7 =	smul.u32 @!p0 $0xF7A, s2;
	p2 =	seq.s32 @!p0 s5, $0x0  }
0x1f: {  	s9 =	smul.u32 $0xF7A, s1;
	s8 =	simm.s32 @!p0 $0x1BF5;
	p2 =	por !p2, p0  }
0x20: {  	[sflag:s8] =	ssyncset.s32 @!p0 $0xFFFFF086;
	s6 =	sadd.s32 @!p0 s3, s7;
	s7 =	simm.s32 @!p0 $0x108  }
0x21: {  	s3 =	sadd.s32 s3, s9;
	s6 =	sadd.s32 @!p0 $0x88, s6;
	s7 =	simm.s32 @p2 $0x1082  }
0x22: {  	[simem:s7], [sflag:s8] =	dma.local @!p0 [hbm:s6], $0xF7A  }
0x23: {  	s9 =	sor.u32 $0xD0000000, s2;
	s6 =	simm.s32 $0x108;
	_ =	swait.ge @!p0 [sflag:s8], $0x0  }
0x24: {  	s3 =	sadd.s32 $0x88, s3;
	s6 =	simm.s32 @!p1 $0x1082;
	[sflag:s4] =	ssyncset.s32 $0xFFFFF086  }
0x25: {  	[simem:s6], [sflag:s4] =	dma.local [hbm:s3], $0xF7A  }
0x26: {  	[smem:$0x3F89] =	sst s1;
	(tag) =	ssettag s2;
	_ =	strace s9  }
0x27: {  	s1 =	sld [smem:$0x3F99]  }
0x28: {  	s2 =	sld [smem:$0x3F9A]  }
0x29: {  	s4 =	sld [smem:$0x3F9C]  }
0x2a: {  	p0 =	seq.s32 s5, $0x0;
	s5 =	sld [smem:$0x3F9D]  }
0x2b: {  	s6 =	sld [smem:$0x3F9E]  }
0x2c: {  	s7 =	sld [smem:$0x3F9F]  }
0x2d: {  	s3 =	simm.s32 $0x108;
	s8 =	sld [smem:$0x3FA0]  }
0x2e: {  	s3 =	simm.s32 @!p0 $0x1082;
	s9 =	sld [smem:$0x3FA1]  }
0x2f: {  	lr =	sadd.s32 s0, s3;
	s0 =	sld [smem:$0x3F98]  }
0x30: {  	s3 =	sld [smem:$0x3F9B]  }
0x31: {  	[smem:$0x3FA4] =	sst s10  }
0x32: {  	s10 =	sld [smem:$0x3FA2];
	_ =	sdelay $0x3  }
0x33: {  	p0 =	seq.s32 s10, $0x1;
	s10 =	sld [smem:$0x3FA4];
	_ =	sdelay $0x3  }
0x34: {  	[smem:$0x3FA4] =	sst s10  }
0x35: {  	s10 =	sld [smem:$0x3FA3];
	_ =	sdelay $0x3  }
0x36: {  	p1 =	seq.s32 s10, $0x1;
	s10 =	sld [smem:$0x3FA4];
	_ =	sdelay $0x3  }
0x37: {  	[smem:$0x3FA4] =	sst s10  }
0x38: {  	s10 =	sld [smem:$0x3FA5]  }
0x39: {  	_ = 	snop;
	(pc) =	sbr.ind lr, $3  }
0x3a: {  	_ = 	snop  }
0x3b: {  	_ = 	snop  }
0x3c: {  	p2 =	seq.s32 s10, $0x1;
	s10 =	sld [smem:$0x3FA4]  }
0x3d: {  	_ =	shalt  }
0x3e: {  	_ =	shalt  }
0x3f: {  	_ =	shalt  }
0x40: {  	_ =	shalt  }
0x41: {  	_ =	shalt  }
0x42: {  	_ =	shalt  }
0x43: {  	_ =	shalt  }
0x44: {  	_ =	shalt  }
0x45: {  	_ =	shalt  }
0x46: {  	_ =	shalt  }
0x47: {  	_ =	shalt  }
0x48: {  	_ =	shalt  }
0x49: {  	_ =	shalt  }
0x4a: {  	_ =	shalt  }
0x4b: {  	_ =	shalt  }
0x4c: {  	_ =	shalt  }
0x4d: {  	_ =	shalt  }
0x4e: {  	_ =	shalt  }
0x4f: {  	_ =	shalt  }
0x50: {  	_ =	shalt  }
0x51: {  	_ =	shalt  }
0x52: {  	_ =	shalt  }
0x53: {  	_ =	shalt  }
0x54: {  	_ =	shalt  }
0x55: {  	_ =	shalt  }
0x56: {  	_ =	shalt  }
0x57: {  	_ =	shalt  }
0x58: {  	_ =	shalt  }
0x59: {  	_ =	shalt  }
0x5a: {  	_ =	shalt  }
0x5b: {  	_ =	shalt  }
0x5c: {  	_ =	shalt  }
0x5d: {  	_ =	shalt  }
0x5e: {  	_ =	shalt  }
0x5f: {  	_ =	shalt  }
0x60: {  	_ =	shalt  }
0x61: {  	_ =	shalt  }
0x62: {  	_ =	shalt  }
0x63: {  	_ =	shalt  }
0x64: {  	_ =	shalt  }
0x65: {  	_ =	shalt  }
0x66: {  	_ =	shalt  }
0x67: {  	_ =	shalt  }
0x68: {  	_ =	shalt  }
0x69: {  	_ =	shalt  }
0x6a: {  	_ =	shalt  }
0x6b: {  	_ =	shalt  }
0x6c: {  	_ =	shalt  }
0x6d: {  	_ =	shalt  }
0x6e: {  	_ =	shalt  }
0x6f: {  	_ =	shalt  }
0x70: {  	_ =	shalt  }
0x71: {  	_ =	shalt  }
0x72: {  	_ =	shalt  }
0x73: {  	_ =	shalt  }
0x74: {  	_ =	shalt  }
0x75: {  	_ =	shalt  }
0x76: {  	_ =	shalt  }
0x77: {  	_ =	shalt  }
0x78: {  	_ =	shalt  }
0x79: {  	_ =	shalt  }
0x7a: {  	_ =	shalt  }
0x7b: {  	_ =	shalt  }
0x7c: {  	_ =	shalt  }
0x7d: {  	_ =	shalt  }
0x7e: {  	_ =	shalt  }
0x7f: {  	_ =	shalt  }
0x80: {  	_ =	shalt  }
0x81: {  	_ =	shalt  }
0x82: {  	_ =	shalt  }
0x83: {  	_ =	shalt  }
0x84: {  	_ =	shalt  }
0x85: {  	_ =	shalt  }
0x86: {  	_ =	shalt  }
0x87: {  	_ =	shalt  }
.Lfunc_end0:
.L_simem_size_0:
called_computation.5_lowered:
.L_overlay_start_0:
0x88: {  	s2 =	sld [smem:$0x3FD9]  }
0x89: {  	s3 =	sld [smem:$0x3FFE];
	_ =	sdelay $0x1  }
0x8a: {  	s1 =	srdreg.scid  }
0x8b: {  	s0 =	sand.u32 $0x1, s1  }
0x8c: {  	s16 =	sshll.u32 s0, $0xA;
	s2 =	sadd.s32 s3, s2  }
0x8d: {  	s2 =	sadd.s32 s2, s16  }
0x8e: {  	[smem:$0x3FB0] =	sst s2  }
0x8f: {  	_ = 	snop  }
0x90: {  	(tm) =	ssettm $0x1  }
0x91: {  	s17 =	sld [smem:$0x3FFB];
	_ =	sdelay $0x3  }
0x92: {  	_ =	strace s17  }
0x93: {  	s2 =	sld [smem:$0x3FFC];
	_ =	sdelay $0x3  }
0x94: {  	_ =	strace s2  }
0x95: {  	s2 =	sld [smem:$0x3FFD];
	_ =	sdelay $0x3  }
0x96: {  	_ =	strace s2  }
0x97: {  	_ =	strace $0x8FFFFFFF  }
0x98: {  	s18 =	sld [smem:$0x3FDB];
	_ =	sdelay $0x1  }
0x99: {  	s19 =	simm.s32 $_scs_section_size  }
0x9a: {  	s4 =	simm.s32 $_size__tile_overlayer_lowered;
	s5 =	simm.s32 $_tile_overlayer_lowered  }
0x9b: {  	s22 =	simm.s32 $0x1BFF;
	s21 =	sshll.u32 s5, $0x1;
	s2 =	sadd.s32 s19, s18  }
0x9c: {  	s6 =	simm.s32 $0x0;
	s20 =	sshll.u32 s4, $0x1;
	s4 =	sadd.s32 s21, s2  }
0x9d: {  	[timem:s6], [sflag:s22] =	dma.local [hbm:s4], s20  }
0x9e: {  	_ =	swait.ge [sflag:s22], s20  }
0x9f: {  	s3 =	ssub.s32 $0x0, s20;
	[sflag:s22] =	ssyncset.done $0x0  }
0xa0: {  	[sflag:s22] =	ssyncadd.s32 s3;
	_ =	sdelay $0x1  }
0xa1: {  	s23 =	simm.s32 $0x1B8B  }
0xa2: {  	_ =	swait.ge [sflag:s23], $0x1  }
0xa3: {  	[sflag:s23] =	ssyncset.done $0x0  }
0xa4: {  	s25 =	simm.s32 $0x1B8E;
	s24 =	sld [smem:$0x3FFE];
	[sflag:s23] =	ssyncadd.s32 $0xFFFFFFFF  }
0xa5: {  	s26 =	simm.s32 $execute0_lowered;
	[smem:$0x3FD2] =	sst s25  }
0xa6: {  	s4 =	sshll.u32 s26, $0x1;
	_ =	strace $0x80000055;
	[dreg:$0x1] =	wrdreg $0xFFFFFFFF  }
0xa7: {  	s28 =	simm.s32 $_size_execute0_lowered;
	s2 =	sadd.s32 s2, s4;
	[dreg:$0x0] =	wrdreg $0x0  }
0xa8: {  	s4 =	sshll.u32 s28, $0x1;
	[dreg:$0x2] =	wrdreg s2  }
0xa9: {  	[dreg:$0x3] =	wrdreg s4  }
0xaa: {  	[dreg:$0x4] =	wrdreg $0xC0  }
0xab: {  	_ =	task [dreg:s6], $0x5FFFF  }
0xac: {  	[dreg:$0x1] =	wrdreg $0xFFFFFFFF  }
0xad: {  	[dreg:$0x0] =	wrdreg $0x60  }
0xae: {  	[dreg:$0x2] =	wrdreg s24  }
0xaf: {  	[dreg:$0x3] =	wrdreg $0x40000  }
0xb0: {  	[dreg:$0x4] =	wrdreg $0x9  }
0xb1: {  	_ =	task.clear_ibuf [dreg:s6], $0x5FFFF;
	_ =	strace $0x90000055  }
0xb2: {  	s29 =	simm.s32 $0x9;
	_ =	strace $0x80000057  }
0xb3: {  	_ =	swait.ge [sflag:s29], $0x1  }
0xb4: {  	[sflag:s29] =	ssyncadd.s32 $0xFFFFFFFF  }
0xb5: {  	_ =	strace $0x90000057  }
0xb6: {  	_ =	sfence  }
0xb7: {  	s30 =	sld [smem:$0x0];
	_ =	sdelay $0x2  }
0xb8: {  	s31 =	sshll.u32 s1, $0xD;
	s1 =	sshrl.u32 s1, $0x2  }
0xb9: {  	s3 =	sand.u32 $0x4000, s31;
	s1 =	sadd.s32 s1, s30  }
0xba: {  	s0 =	sor.u32 s3, s0;
	s1 =	sshll.u32 s1, $0x11  }
0xbb: {  	s0 =	sor.u32 s1, s0  }
0xbc: {  	s0 =	sadd.s32 $0x8F2B, s0  }
0xbd: {  	[sflag:s0] =	ssyncadd.remote.s32 $0x1  }
0xbe: {  	_ =	sfence.sel $0xFFFF  }
0xbf: {  	[dreg:$0x0] =	wrdreg $0xFFFFFFFF;
	(pc) =	sbr.abs _section_cstart, $3  }
0xc0: {  	[dreg:$0x1] =	wrdreg $0xFFFFFFFF  }
0xc1: {  	_ =	task.clear_ibuf [dreg:s6], $0x2FFFF;
	_ =	strace $0x9FFFFFFF  }
0xc2: {  	(tm) =	ssettm $0x7FFFFFFF  }
0xc3: {  	_ =	shalt  }
tec
execute0_lowered:
.L_overlay_start_1:
0x0: {  	(tag) =	ssettag $0x1  }
0x1: {  	s5 =	rddreg [dreg:$0x0]  }
0x2: {  	s2 =	rddreg [dreg:$0x1]  }
0x3: {  	s3 =	srdreg.scid;
	s1 =	stileid.u32  }
0x4: {  	s0 =	rddreg [dreg:$0x2];
	s15 =	simm.s32 $0x1A400;
	s16 =	simm.s32 $0x1  }
0x5: {  	s17 =	simm.s32 $0x50;
	s18 =	simm.s32 $0x2;
	s19 =	simm.s32 $0x3F00  }
0x6: {  	s20 =	simm.s32 $0x3F80;
	s21 =	simm.s32 $0x0;
	s9 =	smul.u32 $0x13C00, s1  }
0x7: {  	s6 =	sand.u32 $0x1, s3;
	s4 =	sshll.u32 s1, $0x1;
	s13 =	smul.u32 $0x4F000, s1  }
0x8: {  	s3 =	simm.s32 $0x0;
	s10 =	sadd.s32 $0xAD4C00, s5;
	s29 =	smul.u32 $0x50000, s1  }
0x9: {  	s28 =	sshll.u32 s1, $0x6;
	s7 =	sor.u32 s6, s4;
	s8 =	smul.u32 $0x13C000, s6  }
0xa: {  	[smem:$0x7FF] =	sst s3;
	s25 =	ssub.s32 $0x2, s6;
	s30 =	smul.u32 $0x28000, s6  }
0xb: {  	s4 =	sshll.u32 s7, $0xB;
	_ =	strace $0x80000056;
	s12 =	sshrl.u32 s25, $0x1  }
0xc: {  	s7 =	smul.u32 $0x28000, s7;
	s26 =	sshrl.u32 s13, $0x2;
	s13 =	simm.s32 $0x3  }
0xd: {  	s11 =	sadd.s32 s4, s5;
	s4 =	sadd.s32 $0x36200, s5;
	s8 =	sadd.s32 s9, s8  }
0xe: {  	s9 =	ssub.s32 s25, s12;
	s14 =	sadd.s32 s26, s2;
	s8 =	sshrl.u32 s8, $0x3  }
0xf: {  	s6 =	sadd.s32 $0x71600, s11;
	s7 =	sadd.s32 s10, s7;
	s10 =	sadd.s32 s29, s10  }
0x10: {  	s9 =	smax.u32 s9, $0x1;
	s12 =	sshrl.u32 s14, $0x3;
	s14 =	simm.s32 $0x17C00  }
0x11: {  	s8 =	sadd.s32 s8, s5;
	s5 =	sor.u32 $0x1C03, s28;
	s31 =	sadd.s32 s30, s10  }
0x12: {  	s10 =	sadd.s32 $0x27B00, s7;
	s8 =	sadd.s32 $0xD2A00, s8;
	s11 =	sadd.s32 $0xA00, s31  }
.LBB2_1:
0x13: {  	[spmem:s12], [sflag:s5] =	dma.local [hbm:s4], $0x2780  }
0x14: {  	_ =	swait.ge [sflag:s13], $0x2780  }
0x15: {  	[sflag:s13] =	ssyncset.done $0x0  }
0x16: {  	[sflag:s13] =	ssyncadd.s32 $0xFFFFD880  }
0x17: {  	[tilespmem:s3], [sflag:$0x3] =	stream.linear.gather [hbm4b:s6+s3], $0x4000, $0x38;
	[tilespmem:$0x1CC00] =	vst v63  }
0x18: {  	_ =	swait.ge [sflag:s13], $0x4000  }
0x19: {  	[sflag:s13] =	ssyncset.done $0x0  }
0x1a: {  	[sflag:s13] =	ssyncadd.s32 $0xFFFFC000  }
0x1b: {  	[bflag:$0x0] =	sbarrier.arrive $0xFFFF  }
0x1c: {  	[tilespmem:s14], [sflag:$0x1] =	stream.linear.gather [hbm4b:s7+s3], $0x2800, $0x38;
	[tilespmem:$0x1CC00] =	vst v63  }
0x1d: {  	s22 =	sadd.s32 $0xFFFFFB00, s11  }
0x1e: {  	[tilespmem:s15], [sflag:$0x2] =	stream.linear.gather [hbm4b:s22+s3], $0x2800, $0x38;
	[tilespmem:$0x1CC00] =	vst v63  }
0x1f: {  	_ =	swait.ge [sflag:s16], $0x2800  }
0x20: {  	[sflag:s16] =	ssyncset.done $0x0  }
0x21: {  	s30 =	simm.s32 $0x0;
	[sflag:s16] =	ssyncadd.s32 $0xFFFFD800  }
0x22: {  	[spmem:s2] =	stream.indirect.scatter.add.f32 [tilespmem:s14], [sflag:$0x3], $0x80, s30, s17, $0xb8;
	[tilespmem:$0x1CC00] =	vst v63  }
0x23: {  	_ =	swait.ge [sflag:s13], $0x2800  }
0x24: {  	[sflag:s13] =	ssyncset.done $0x0  }
0x25: {  	[sflag:s13] =	ssyncadd.s32 $0xFFFFD800  }
0x26: {  	[tilespmem:s14], [sflag:$0x1] =	stream.linear.gather [hbm4b:s11+s3], $0x2800, $0x38;
	[tilespmem:$0x1CC00] =	vst v63  }
0x27: {  	_ =	swait.ge [sflag:s18], $0x2800  }
0x28: {  	[sflag:s18] =	ssyncset.done $0x0  }
0x29: {  	s31 =	simm.s32 $0x80;
	[sflag:s18] =	ssyncadd.s32 $0xFFFFD800  }
0x2a: {  	[spmem:s2] =	stream.indirect.scatter.add.f32 [tilespmem:s15], [sflag:$0x3], $0x80, s31, s17, $0xb8;
	[tilespmem:$0x1CC00] =	vst v63  }
0x2b: {  	s23 =	simm.s32 $0x400;
	_ =	swait.ge [sflag:s13], $0x2800  }
0x2c: {  	s24 =	simm.s32 $0x800;
	s22 =	sadd.s32 $0xA00, s11;
	[sflag:s13] =	ssyncset.done $0x0  }
.LBB2_2:
0x2d: {  	p0 =	sne.s32 s24, $0xF800;
	s25 =	sadd.s32 $0xFFFFFB00, s22;
	[sflag:s13] =	ssyncadd.s32 $0xFFFFD800  }
0x2e: {  	[tilespmem:s15], [sflag:$0x2] =	stream.linear.gather [hbm4b:s25+s3], $0x2800, $0x38;
	[tilespmem:$0x1CC00] =	vst v63  }
0x2f: {  	s25 =	smov.u32 s24;
	s24 =	sadd.s32 $0x400, s24;
	_ =	swait.ge [sflag:s16], $0x2800  }
0x30: {  	[sflag:s16] =	ssyncset.done $0x0  }
0x31: {  	s26 =	sshra.s32 s23, $0x2;
	s23 =	smov.u32 s25;
	[sflag:s16] =	ssyncadd.s32 $0xFFFFD800  }
0x32: {  	[spmem:s2] =	stream.indirect.scatter.add.f32 [tilespmem:s14], [sflag:$0x3], $0x80, s26, s17, $0xb8;
	[tilespmem:$0x1CC00] =	vst v63  }
0x33: {  	_ =	swait.ge [sflag:s13], $0x2800  }
0x34: {  	[sflag:s13] =	ssyncset.done $0x0  }
0x35: {  	[sflag:s13] =	ssyncadd.s32 $0xFFFFD800  }
0x36: {  	[tilespmem:s14], [sflag:$0x1] =	stream.linear.gather [hbm4b:s22+s3], $0x2800, $0x38;
	[tilespmem:$0x1CC00] =	vst v63  }
0x37: {  	_ =	swait.ge [sflag:s18], $0x2800  }
.Ltmp0:
0x38: {  	[sflag:s18] =	ssyncset.done $0x0;
	(pc) =	sbr.rel @p0 .LBB2_2-.Ltmp0, $4  }
0x39: {  	s25 =	sadd.s32 $0x80, s26;
	[sflag:s18] =	ssyncadd.s32 $0xFFFFD800  }
0x3a: {  	[spmem:s2] =	stream.indirect.scatter.add.f32 [tilespmem:s15], [sflag:$0x3], $0x80, s25, s17, $0xb8;
	[tilespmem:$0x1CC00] =	vst v63  }
0x3b: {  	_ =	swait.ge [sflag:s13], $0x2800  }
0x3c: {  	s22 =	sadd.s32 $0xA00, s22;
	[sflag:s13] =	ssyncset.done $0x0  }
0x3d: {  	s24 =	sadd.s32 $0xFFFFFB00, s22;
	[sflag:s13] =	ssyncadd.s32 $0xFFFFD800  }
0x3e: {  	[tilespmem:s15], [sflag:$0x2] =	stream.linear.gather [hbm4b:s24+s3], $0x2800, $0x38;
	[tilespmem:$0x1CC00] =	vst v63  }
0x3f: {  	_ =	swait.ge [sflag:s16], $0x2800  }
0x40: {  	[sflag:s16] =	ssyncset.done $0x0  }
0x41: {  	s23 =	sshra.s32 s23, $0x2;
	[sflag:s16] =	ssyncadd.s32 $0xFFFFD800  }
0x42: {  	[spmem:s2] =	stream.indirect.scatter.add.f32 [tilespmem:s14], [sflag:$0x3], $0x80, s23, s17, $0xb8;
	[tilespmem:$0x1CC00] =	vst v63  }
0x43: {  	_ =	swait.ge [sflag:s13], $0x2800  }
0x44: {  	[sflag:s13] =	ssyncset.done $0x0  }
0x45: {  	[sflag:s13] =	ssyncadd.s32 $0xFFFFD800  }
0x46: {  	[tilespmem:s14], [sflag:$0x1] =	stream.linear.gather [hbm4b:s22+s3], $0x2800, $0x38;
	[tilespmem:$0x1CC00] =	vst v63  }
0x47: {  	_ =	swait.ge [sflag:s18], $0x2800  }
0x48: {  	[sflag:s18] =	ssyncset.done $0x0  }
0x49: {  	s31 =	sadd.s32 $0x80, s23;
	[sflag:s18] =	ssyncadd.s32 $0xFFFFD800  }
0x4a: {  	[spmem:s2] =	stream.indirect.scatter.add.f32 [tilespmem:s15], [sflag:$0x3], $0x80, s31, s17, $0xb8;
	[tilespmem:$0x1CC00] =	vst v63  }
0x4b: {  	_ =	swait.ge [sflag:s13], $0x2800  }
0x4c: {  	[sflag:s13] =	ssyncset.done $0x0  }
0x4d: {  	[sflag:s13] =	ssyncadd.s32 $0xFFFFD800  }
0x4e: {  	[tilespmem:s15], [sflag:$0x2] =	stream.linear.gather [hbm4b:s10+s3], $0x2800, $0x38;
	[tilespmem:$0x1CC00] =	vst v63  }
0x4f: {  	_ =	swait.ge [sflag:s16], $0x2800  }
0x50: {  	[sflag:s16] =	ssyncset.done $0x0  }
0x51: {  	[sflag:s16] =	ssyncadd.s32 $0xFFFFD800  }
0x52: {  	[spmem:s2] =	stream.indirect.scatter.add.f32 [tilespmem:s14], [sflag:$0x3], $0x80, s19, s17, $0xb8;
	[tilespmem:$0x1CC00] =	vst v63  }
0x53: {  	_ =	swait.ge [sflag:s13], $0x2800  }
0x54: {  	[sflag:s13] =	ssyncset.done $0x0  }
0x55: {  	[sflag:s13] =	ssyncadd.s32 $0xFFFFD800  }
0x56: {  	_ =	swait.ge [sflag:s18], $0x2800  }
0x57: {  	[sflag:s18] =	ssyncset.done $0x0  }
0x58: {  	[sflag:s18] =	ssyncadd.s32 $0xFFFFD800  }
0x59: {  	[spmem:s2] =	stream.indirect.scatter.add.f32 [tilespmem:s15], [sflag:$0x3], $0x80, s20, s17, $0xb8;
	[tilespmem:$0x1CC00] =	vst v63  }
0x5a: {  	_ =	swait.ge [sflag:s13], $0x2800  }
0x5b: {  	s21 =	sadd.s32 $0x1, s21;
	[sflag:s13] =	ssyncset.done $0x0  }
0x5c: {  	p0 =	sne.s32 s21, s9;
	[sflag:s13] =	ssyncadd.s32 $0xFFFFD800  }
.Ltmp1:
0x5d: {  	[bflag:$0x0] =	sbarrier.arrive $0xFFFF;
	(pc) =	sbr.rel @p0 .LBB2_1-.Ltmp1, $4  }
0x5e: {  	[hbm:s8], [sflag:s5] =	dma.local [spmem:s12], $0x2780  }
0x5f: {  	_ =	swait.ge [sflag:s13], $0x2780  }
0x60: {  	[sflag:s13] =	ssyncset.done $0x0  }
0x61: {  	[sflag:s13] =	ssyncadd.s32 $0xFFFFD880  }
0x62: {  	_ =	sfence.sel $0x180000  }
0x63: {  	[bflag:$0x0] =	sbarrier.arrive $0xFFFF  }
0x64: {  	p0 =	sne.s32 s1, $0x0;
	_ =	strace $0x90000056  }
0x65: {  	s0 =	sadd.s32 @!p0 $0x100000, s0;
	[bflag:$0x2] =	sbarrier.arrive $0xFFFF  }
0x66: {  	[sflag:s0] =	ssyncadd.tile.s32 @!p0 $0x1;
	_ =	shalt  }
.Lfunc_end2:
_tile_overlayer_lowered:
.L_overlay_start_2:
0x67: {  	(tag) =	ssettag $0x2  }
0x68: {  	s0 =	rddreg [dreg:$0x0];
	s2 =	stileid.u32  }
0x69: {  	s1 =	rddreg [dreg:$0x1];
	p0 =	sne.s32 s2, $0x0  }
0x6a: {  	s3 =	rddreg [dreg:$0x2];
	[bflag:$0x3] =	sbarrier.arrive $0xFFFF;
	s2 =	simm.s32 @!p0 $0x1C03  }
0x6b: {  	[timem:s3], [sflag:s2] =	dma.local @!p0 [hbm:s0], s1  }
0x6c: {  	s0 =	simm.s32 @!p0 $0x3  }
0x6d: {  	_ =	swait.ge @!p0 [sflag:s0], s1  }
0x6e: {  	s1 =	ssub.s32 @!p0 $0x0, s1;
	[sflag:s0] =	ssyncset.done @!p0 $0x0  }
0x6f: {  	[sflag:s0] =	ssyncadd.s32 @!p0 s1  }
0x70: {  	[bflag:$0x3] =	sbarrier.arrive $0xFFFF  }
0x71: {  	_ =	shalt  }

// kernel: kernel.36.cloned.1.call-start
scs
__scs_entry_jumppad:
0x0: {  	(pc) =	sbr.rel $0x88, $3  }
0x1: {  	(tag) =	ssettag $0x0;
	lr =	simm.s32 $0x1  }
0x2: {  	[smem:$0x3F89] =	sst lr;
	_ =	strace $0xD0000000  }
0x3: {  	_ = 	snop  }
0x4: {  	_ = 	snop  }
0x5: {  	_ = 	snop  }
0x6: {  	_ = 	snop  }
0x7: {  	_ = 	snop  }
__scs_overlays_trampoline_lowered:
0x8: {  	[smem:$0x3F98] =	sst s0  }
0x9: {  	[smem:$0x3F99] =	sst s1  }
0xa: {  	[smem:$0x3F9A] =	sst s2  }
0xb: {  	[smem:$0x3F9B] =	sst s3  }
0xc: {  	[smem:$0x3F9C] =	sst s4  }
0xd: {  	[smem:$0x3F9D] =	sst s5  }
0xe: {  	[smem:$0x3F9E] =	sst s6  }
0xf: {  	[smem:$0x3F9F] =	sst s7  }
0x10: {  	[smem:$0x3FA0] =	sst s8  }
0x11: {  	[smem:$0x3FA1] =	sst s9;
	s0 =	simm.s32 @!p0 $0x0  }
0x12: {  	s1 =	sld [smem:$0x3F87];
	s0 =	simm.s32 @p0 $0x1  }
0x13: {  	[smem:$0x3FA2] =	sst s0;
	s0 =	simm.s32 @!p1 $0x0  }
0x14: {  	s2 =	sld [smem:$0x3F86];
	s0 =	simm.s32 @p1 $0x1  }
0x15: {  	[smem:$0x3FA3] =	sst s0;
	s0 =	simm.s32 @!p2 $0x0  }
0x16: {  	s3 =	sld [smem:$0x3FDB];
	s0 =	simm.s32 @p2 $0x1  }
0x17: {  	s4 =	simm.s32 $0x1BF5;
	[smem:$0x3FA5] =	sst s0  }
0x18: {  	s0 =	sld [smem:$0x3F88];
	_ =	swait.ge [sflag:s4], $0x0  }
0x19: {  	s7 =	sld [smem:$0x3F89]  }
0x1a: {  	s8 =	sadd.s32 $0xFFFFE003, lr  }
0x1b: {  	s9 =	sadd.s32 $0xFFFFFEF7, lr;
	s5 =	simm.s32 $0xFFFFFFFF;
	p2 =	slt.u32 s8, $0xFFFFF086  }
0x1c: {  	p1 =	slt.u32 s9, $0xF7A;
	s5 =	simm.s32 @!p2 $0x0  }
0x1d: {  	s5 =	simm.s32 @p1 $0x1;
	p0 =	seq.s32 s7, s2  }
0x1e: {  	s7 =	smul.u32 @!p0 $0xF7A, s2;
	p2 =	seq.s32 @!p0 s5, $0x0  }
0x1f: {  	s9 =	smul.u32 $0xF7A, s1;
	s8 =	simm.s32 @!p0 $0x1BF5;
	p2 =	por !p2, p0  }
0x20: {  	[sflag:s8] =	ssyncset.s32 @!p0 $0xFFFFF086;
	s6 =	sadd.s32 @!p0 s3, s7;
	s7 =	simm.s32 @!p0 $0x108  }
0x21: {  	s3 =	sadd.s32 s3, s9;
	s6 =	sadd.s32 @!p0 $0x88, s6;
	s7 =	simm.s32 @p2 $0x1082  }
0x22: {  	[simem:s7], [sflag:s8] =	dma.local @!p0 [hbm:s6], $0xF7A  }
0x23: {  	s9 =	sor.u32 $0xD0000000, s2;
	s6 =	simm.s32 $0x108;
	_ =	swait.ge @!p0 [sflag:s8], $0x0  }
0x24: {  	s3 =	sadd.s32 $0x88, s3;
	s6 =	simm.s32 @!p1 $0x1082;
	[sflag:s4] =	ssyncset.s32 $0xFFFFF086  }
0x25: {  	[simem:s6], [sflag:s4] =	dma.local [hbm:s3], $0xF7A  }
0x26: {  	[smem:$0x3F89] =	sst s1;
	(tag) =	ssettag s2;
	_ =	strace s9  }
0x27: {  	s1 =	sld [smem:$0x3F99]  }
0x28: {  	s2 =	sld [smem:$0x3F9A]  }
0x29: {  	s4 =	sld [smem:$0x3F9C]  }
0x2a: {  	p0 =	seq.s32 s5, $0x0;
	s5 =	sld [smem:$0x3F9D]  }
0x2b: {  	s6 =	sld [smem:$0x3F9E]  }
0x2c: {  	s7 =	sld [smem:$0x3F9F]  }
0x2d: {  	s3 =	simm.s32 $0x108;
	s8 =	sld [smem:$0x3FA0]  }
0x2e: {  	s3 =	simm.s32 @!p0 $0x1082;
	s9 =	sld [smem:$0x3FA1]  }
0x2f: {  	lr =	sadd.s32 s0, s3;
	s0 =	sld [smem:$0x3F98]  }
0x30: {  	s3 =	sld [smem:$0x3F9B]  }
0x31: {  	[smem:$0x3FA4] =	sst s10  }
0x32: {  	s10 =	sld [smem:$0x3FA2];
	_ =	sdelay $0x3  }
0x33: {  	p0 =	seq.s32 s10, $0x1;
	s10 =	sld [smem:$0x3FA4];
	_ =	sdelay $0x3  }
0x34: {  	[smem:$0x3FA4] =	sst s10  }
0x35: {  	s10 =	sld [smem:$0x3FA3];
	_ =	sdelay $0x3  }
0x36: {  	p1 =	seq.s32 s10, $0x1;
	s10 =	sld [smem:$0x3FA4];
	_ =	sdelay $0x3  }
0x37: {  	[smem:$0x3FA4] =	sst s10  }
0x38: {  	s10 =	sld [smem:$0x3FA5]  }
0x39: {  	_ = 	snop;
	(pc) =	sbr.ind lr, $3  }
0x3a: {  	_ = 	snop  }
0x3b: {  	_ = 	snop  }
0x3c: {  	p2 =	seq.s32 s10, $0x1;
	s10 =	sld [smem:$0x3FA4]  }
0x3d: {  	_ =	shalt  }
0x3e: {  	_ =	shalt  }
0x3f: {  	_ =	shalt  }
0x40: {  	_ =	shalt  }
0x41: {  	_ =	shalt  }
0x42: {  	_ =	shalt  }
0x43: {  	_ =	shalt  }
0x44: {  	_ =	shalt  }
0x45: {  	_ =	shalt  }
0x46: {  	_ =	shalt  }
0x47: {  	_ =	shalt  }
0x48: {  	_ =	shalt  }
0x49: {  	_ =	shalt  }
0x4a: {  	_ =	shalt  }
0x4b: {  	_ =	shalt  }
0x4c: {  	_ =	shalt  }
0x4d: {  	_ =	shalt  }
0x4e: {  	_ =	shalt  }
0x4f: {  	_ =	shalt  }
0x50: {  	_ =	shalt  }
0x51: {  	_ =	shalt  }
0x52: {  	_ =	shalt  }
0x53: {  	_ =	shalt  }
0x54: {  	_ =	shalt  }
0x55: {  	_ =	shalt  }
0x56: {  	_ =	shalt  }
0x57: {  	_ =	shalt  }
0x58: {  	_ =	shalt  }
0x59: {  	_ =	shalt  }
0x5a: {  	_ =	shalt  }
0x5b: {  	_ =	shalt  }
0x5c: {  	_ =	shalt  }
0x5d: {  	_ =	shalt  }
0x5e: {  	_ =	shalt  }
0x5f: {  	_ =	shalt  }
0x60: {  	_ =	shalt  }
0x61: {  	_ =	shalt  }
0x62: {  	_ =	shalt  }
0x63: {  	_ =	shalt  }
0x64: {  	_ =	shalt  }
0x65: {  	_ =	shalt  }
0x66: {  	_ =	shalt  }
0x67: {  	_ =	shalt  }
0x68: {  	_ =	shalt  }
0x69: {  	_ =	shalt  }
0x6a: {  	_ =	shalt  }
0x6b: {  	_ =	shalt  }
0x6c: {  	_ =	shalt  }
0x6d: {  	_ =	shalt  }
0x6e: {  	_ =	shalt  }
0x6f: {  	_ =	shalt  }
0x70: {  	_ =	shalt  }
0x71: {  	_ =	shalt  }
0x72: {  	_ =	shalt  }
0x73: {  	_ =	shalt  }
0x74: {  	_ =	shalt  }
0x75: {  	_ =	shalt  }
0x76: {  	_ =	shalt  }
0x77: {  	_ =	shalt  }
0x78: {  	_ =	shalt  }
0x79: {  	_ =	shalt  }
0x7a: {  	_ =	shalt  }
0x7b: {  	_ =	shalt  }
0x7c: {  	_ =	shalt  }
0x7d: {  	_ =	shalt  }
0x7e: {  	_ =	shalt  }
0x7f: {  	_ =	shalt  }
0x80: {  	_ =	shalt  }
0x81: {  	_ =	shalt  }
0x82: {  	_ =	shalt  }
0x83: {  	_ =	shalt  }
0x84: {  	_ =	shalt  }
0x85: {  	_ =	shalt  }
0x86: {  	_ =	shalt  }
0x87: {  	_ =	shalt  }
.Lfunc_end0:
.L_simem_size_0:
called_computation.6_lowered:
.L_overlay_start_0:
0x88: {  	s2 =	sld [smem:$0x3FD9]  }
0x89: {  	s3 =	sld [smem:$0x3FFE];
	_ =	sdelay $0x1  }
0x8a: {  	s1 =	srdreg.scid  }
0x8b: {  	s0 =	sand.u32 $0x1, s1  }
0x8c: {  	s16 =	sshll.u32 s0, $0xA;
	s2 =	sadd.s32 s3, s2  }
0x8d: {  	s2 =	sadd.s32 s2, s16  }
0x8e: {  	[smem:$0x3FB0] =	sst s2  }
0x8f: {  	_ = 	snop  }
0x90: {  	(tm) =	ssettm $0x1  }
0x91: {  	s17 =	sld [smem:$0x3FFB];
	_ =	sdelay $0x3  }
0x92: {  	_ =	strace s17  }
0x93: {  	s2 =	sld [smem:$0x3FFC];
	_ =	sdelay $0x3  }
0x94: {  	_ =	strace s2  }
0x95: {  	s2 =	sld [smem:$0x3FFD];
	_ =	sdelay $0x3  }
0x96: {  	_ =	strace s2  }
0x97: {  	_ =	strace $0x8FFFFFFF  }
0x98: {  	s18 =	sld [smem:$0x3FDB];
	_ =	sdelay $0x1  }
0x99: {  	s19 =	simm.s32 $_scs_section_size  }
0x9a: {  	s4 =	simm.s32 $_size__tile_overlayer_lowered;
	s5 =	simm.s32 $_tile_overlayer_lowered  }
0x9b: {  	s22 =	simm.s32 $0x1BFF;
	s21 =	sshll.u32 s5, $0x1;
	s2 =	sadd.s32 s19, s18  }
0x9c: {  	s6 =	simm.s32 $0x0;
	s20 =	sshll.u32 s4, $0x1;
	s4 =	sadd.s32 s21, s2  }
0x9d: {  	[timem:s6], [sflag:s22] =	dma.local [hbm:s4], s20  }
0x9e: {  	_ =	swait.ge [sflag:s22], s20  }
0x9f: {  	s3 =	ssub.s32 $0x0, s20;
	[sflag:s22] =	ssyncset.done $0x0  }
0xa0: {  	[sflag:s22] =	ssyncadd.s32 s3;
	_ =	sdelay $0x1  }
0xa1: {  	s23 =	simm.s32 $0x1B8B  }
0xa2: {  	_ =	swait.ge [sflag:s23], $0x1  }
0xa3: {  	[sflag:s23] =	ssyncset.done $0x0  }
0xa4: {  	s25 =	simm.s32 $0x1B8E;
	s24 =	sld [smem:$0x3FFE];
	[sflag:s23] =	ssyncadd.s32 $0xFFFFFFFF  }
0xa5: {  	s26 =	simm.s32 $execute0_lowered;
	[smem:$0x3FD2] =	sst s25  }
0xa6: {  	s4 =	sshll.u32 s26, $0x1;
	_ =	strace $0x80000058;
	[dreg:$0x1] =	wrdreg $0xFFFFFFFF  }
0xa7: {  	s28 =	simm.s32 $_size_execute0_lowered;
	s2 =	sadd.s32 s2, s4;
	[dreg:$0x0] =	wrdreg $0x0  }
0xa8: {  	s4 =	sshll.u32 s28, $0x1;
	[dreg:$0x2] =	wrdreg s2  }
0xa9: {  	[dreg:$0x3] =	wrdreg s4  }
0xaa: {  	[dreg:$0x4] =	wrdreg $0xC0  }
0xab: {  	_ =	task [dreg:s6], $0x5FFFF  }
0xac: {  	[dreg:$0x1] =	wrdreg $0xFFFFFFFF  }
0xad: {  	[dreg:$0x0] =	wrdreg $0x60  }
0xae: {  	[dreg:$0x2] =	wrdreg s24  }
0xaf: {  	[dreg:$0x3] =	wrdreg $0x9  }
0xb0: {  	_ =	task.clear_ibuf [dreg:s6], $0x4FFFF;
	_ =	strace $0x90000058  }
0xb1: {  	s29 =	simm.s32 $0x9;
	_ =	strace $0x8000005A  }
0xb2: {  	_ =	swait.ge [sflag:s29], $0x1  }
0xb3: {  	[sflag:s29] =	ssyncadd.s32 $0xFFFFFFFF  }
0xb4: {  	_ =	strace $0x9000005A  }
0xb5: {  	_ =	sfence  }
0xb6: {  	s30 =	sld [smem:$0x0];
	_ =	sdelay $0x2  }
0xb7: {  	s31 =	sshll.u32 s1, $0xD;
	s1 =	sshrl.u32 s1, $0x2  }
0xb8: {  	s3 =	sand.u32 $0x4000, s31;
	s1 =	sadd.s32 s1, s30  }
0xb9: {  	s0 =	sor.u32 s3, s0;
	s1 =	sshll.u32 s1, $0x11  }
0xba: {  	s0 =	sor.u32 s1, s0  }
0xbb: {  	s0 =	sadd.s32 $0x8F2B, s0  }
0xbc: {  	[sflag:s0] =	ssyncadd.remote.s32 $0x1  }
0xbd: {  	_ =	sfence.sel $0xFFFF  }
0xbe: {  	[dreg:$0x0] =	wrdreg $0xFFFFFFFF;
	(pc) =	sbr.abs _section_cstart, $3  }
0xbf: {  	[dreg:$0x1] =	wrdreg $0xFFFFFFFF  }
0xc0: {  	_ =	task.clear_ibuf [dreg:s6], $0x2FFFF;
	_ =	strace $0x9FFFFFFF  }
0xc1: {  	(tm) =	ssettm $0x7FFFFFFF  }
tec
execute0_lowered:
.L_overlay_start_1:
0x0: {  	(tag) =	ssettag $0x1  }
0x1: {  	s5 =	rddreg [dreg:$0x0];
	s2 =	simm.s32 $0x0  }
0x2: {  	s3 =	srdreg.scid;
	s0 =	stileid.u32;
	s17 =	simm.s32 $0x8000  }
0x3: {  	s18 =	simm.s32 $0xD000;
	s19 =	simm.s32 $0xA800;
	s20 =	simm.s32 $0xF800  }
0x4: {  	s21 =	simm.s32 $0x1;
	s22 =	simm.s32 $0x3;
	s23 =	simm.s32 $0x2  }
0x5: {  	s24 =	simm.s32 $0x4;
	s26 =	simm.s32 $0x7F80;
	s28 =	simm.s32 $0x0  }
0x6: {  	[smem:$0x7FF] =	sst s2;
	s9 =	sand.u32 $0x1, s3;
	s29 =	sshll.u32 s0, $0x1  }
0x7: {  	s3 =	sadd.s32 $0xEA00, s5;
	s4 =	sadd.s32 $0x84600, s5;
	s13 =	sadd.s32 $0x5D2A00, s5  }
0x8: {  	s11 =	sadd.s32 $0xD2A00, s5;
	s14 =	smul.u32 $0x50000, s0;
	_ =	strace $0x80000059  }
0x9: {  	s6 =	sor.u32 s9, s29;
	s8 =	ssub.s32 $0x2, s9;
	s16 =	smul.u32 $0x28000, s9  }
0xa: {  	s7 =	sshll.u32 s6, $0xB;
	s30 =	sshrl.u32 s8, $0x1;
	s10 =	smul.u32 $0x28000, s6  }
0xb: {  	s31 =	sadd.s32 s14, s11;
	s7 =	sadd.s32 s7, s5;
	s8 =	ssub.s32 s8, s30  }
0xc: {  	s5 =	sadd.s32 $0x61600, s7;
	s6 =	sadd.s32 $0x71600, s7;
	s12 =	sadd.s32 $0x27600, s10  }
0xd: {  	s7 =	smax.u32 s8, $0x1;
	s15 =	sadd.s32 $0x27B00, s10;
	s8 =	sadd.s32 s11, s12  }
0xe: {  	s9 =	sadd.s32 s13, s12;
	s10 =	sadd.s32 s11, s15;
	s11 =	sadd.s32 s13, s15  }
0xf: {  	s12 =	sadd.s32 s16, s31;
	s13 =	sadd.s32 s14, s13;
	s14 =	simm.s32 $0x5  }
0x10: {  	s15 =	simm.s32 $0x4000;
	s13 =	sadd.s32 s16, s13;
	s16 =	simm.s32 $0x50  }
.LBB2_1:
0x11: {  	[tilespmem:s2], [sflag:$0x5] =	stream.linear.gather [hbm4b:s5+s2], $0x4000, $0x38;
	[tilespmem:$0x12000] =	vst v63  }
0x12: {  	_ =	swait.ge [sflag:s14], $0x4000  }
0x13: {  	[sflag:s14] =	ssyncset.done $0x0  }
0x14: {  	[sflag:s14] =	ssyncadd.s32 $0xFFFFC000  }
0x15: {  	[tilespmem:s15], [sflag:$0x5] =	stream.linear.gather [hbm4b:s6+s2], $0x4000, $0x38;
	[tilespmem:$0x12000] =	vst v63  }
0x16: {  	_ =	swait.ge [sflag:s14], $0x4000  }
0x17: {  	[sflag:s14] =	ssyncset.done $0x0  }
0x18: {  	[sflag:s14] =	ssyncadd.s32 $0xFFFFC000  }
0x19: {  	[tilespmem:s17], [sflag:$0x1] =	stream.indirect.gather [hbm4b:s3+s16], $0x80, s2, s16, $0xb8;
	[tilespmem:$0x12000] =	vst v63  }
0x1a: {  	_ = 	snop  }
0x1b: {  	[tilespmem:s18], [sflag:$0x3] =	stream.indirect.gather [hbm4b:s4+s16], $0x80, s15, s16, $0xb8;
	[tilespmem:$0x12000] =	vst v63  }
0x1c: {  	s29 =	simm.s32 $0x80  }
0x1d: {  	[tilespmem:s19], [sflag:$0x2] =	stream.indirect.gather [hbm4b:s3+s16], $0x80, s29, s16, $0xb8;
	[tilespmem:$0x12000] =	vst v63  }
0x1e: {  	s30 =	simm.s32 $0x4080  }
0x1f: {  	[tilespmem:s20], [sflag:$0x4] =	stream.indirect.gather [hbm4b:s4+s16], $0x80, s30, s16, $0xb8;
	[tilespmem:$0x12000] =	vst v63  }
0x20: {  	_ =	swait.ge [sflag:s21], $0x2800  }
0x21: {  	[sflag:s21] =	ssyncset.done $0x0  }
0x22: {  	s31 =	sadd.s32 $0x0, s12;
	[sflag:s21] =	ssyncadd.s32 $0xFFFFD800  }
0x23: {  	[hbm4b:s31+s2] =	stream.linear.scatter [tilespmem:s17], [sflag:$0x5], $0x2800, $0x38;
	[tilespmem:$0x12000] =	vst v63  }
0x24: {  	_ =	swait.ge [sflag:s14], $0x2800  }
0x25: {  	[sflag:s14] =	ssyncset.done $0x0  }
0x26: {  	[sflag:s14] =	ssyncadd.s32 $0xFFFFD800  }
0x27: {  	_ =	swait.ge [sflag:s22], $0x2800  }
0x28: {  	[sflag:s22] =	ssyncset.done $0x0  }
0x29: {  	s0 =	sadd.s32 $0x0, s13;
	[sflag:s22] =	ssyncadd.s32 $0xFFFFD800  }
0x2a: {  	[hbm4b:s0+s2] =	stream.linear.scatter [tilespmem:s18], [sflag:$0x5], $0x2800, $0x38;
	[tilespmem:$0x12000] =	vst v63  }
0x2b: {  	_ =	swait.ge [sflag:s14], $0x2800  }
0x2c: {  	[sflag:s14] =	ssyncset.done $0x0  }
0x2d: {  	s1 =	simm.s32 $0x100;
	[sflag:s14] =	ssyncadd.s32 $0xFFFFD800  }
0x2e: {  	[tilespmem:s17], [sflag:$0x1] =	stream.indirect.gather [hbm4b:s3+s16], $0x80, s1, s16, $0xb8;
	[tilespmem:$0x12000] =	vst v63  }
0x2f: {  	s25 =	simm.s32 $0x4100  }
0x30: {  	[tilespmem:s18], [sflag:$0x3] =	stream.indirect.gather [hbm4b:s4+s16], $0x80, s25, s16, $0xb8;
	[tilespmem:$0x12000] =	vst v63  }
0x31: {  	_ =	swait.ge [sflag:s23], $0x2800  }
0x32: {  	[sflag:s23] =	ssyncset.done $0x0  }
0x33: {  	s25 =	sadd.s32 $0x500, s31;
	[sflag:s23] =	ssyncadd.s32 $0xFFFFD800  }
0x34: {  	[hbm4b:s25+s2] =	stream.linear.scatter [tilespmem:s19], [sflag:$0x5], $0x2800, $0x38;
	[tilespmem:$0x12000] =	vst v63  }
0x35: {  	_ =	swait.ge [sflag:s14], $0x2800  }
0x36: {  	[sflag:s14] =	ssyncset.done $0x0  }
0x37: {  	[sflag:s14] =	ssyncadd.s32 $0xFFFFD800  }
0x38: {  	_ =	swait.ge [sflag:s24], $0x2800  }
0x39: {  	[sflag:s24] =	ssyncset.done $0x0  }
0x3a: {  	s0 =	sadd.s32 $0x500, s0;
	[sflag:s24] =	ssyncadd.s32 $0xFFFFD800  }
0x3b: {  	[hbm4b:s0+s2] =	stream.linear.scatter [tilespmem:s20], [sflag:$0x5], $0x2800, $0x38;
	[tilespmem:$0x12000] =	vst v63  }
0x3c: {  	_ =	swait.ge [sflag:s14], $0x2800  }
0x3d: {  	s31 =	simm.s32 $0xA00;
	[sflag:s14] =	ssyncset.done $0x0  }
.LBB2_2:
0x3e: {  	[sflag:s14] =	ssyncadd.s32 $0xFFFFD800;
	s29 =	sadd.s32 $0x100, s29;
	s30 =	sadd.s32 $0x100, s30  }
0x3f: {  	[tilespmem:s19], [sflag:$0x2] =	stream.indirect.gather [hbm4b:s3+s16], $0x80, s29, s16, $0xb8;
	[tilespmem:$0x12000] =	vst v63  }
0x40: {  	p0 =	sne.s32 s31, $0x26C00;
	s0 =	smov.u32 s31;
	s31 =	sadd.s32 $0xA00, s31  }
0x41: {  	[tilespmem:s20], [sflag:$0x4] =	stream.indirect.gather [hbm4b:s4+s16], $0x80, s30, s16, $0xb8;
	[tilespmem:$0x12000] =	vst v63  }
0x42: {  	_ =	swait.ge [sflag:s21], $0x2800  }
0x43: {  	[sflag:s21] =	ssyncset.done $0x0  }
0x44: {  	s1 =	sadd.s32 s0, s12;
	[sflag:s21] =	ssyncadd.s32 $0xFFFFD800  }
0x45: {  	[hbm4b:s1+s2] =	stream.linear.scatter [tilespmem:s17], [sflag:$0x5], $0x2800, $0x38;
	[tilespmem:$0x12000] =	vst v63  }
0x46: {  	_ =	swait.ge [sflag:s14], $0x2800  }
0x47: {  	[sflag:s14] =	ssyncset.done $0x0  }
0x48: {  	[sflag:s14] =	ssyncadd.s32 $0xFFFFD800  }
0x49: {  	_ =	swait.ge [sflag:s22], $0x2800  }
0x4a: {  	[sflag:s22] =	ssyncset.done $0x0  }
0x4b: {  	s0 =	sadd.s32 s0, s13;
	[sflag:s22] =	ssyncadd.s32 $0xFFFFD800  }
0x4c: {  	[hbm4b:s0+s2] =	stream.linear.scatter [tilespmem:s18], [sflag:$0x5], $0x2800, $0x38;
	[tilespmem:$0x12000] =	vst v63  }
0x4d: {  	_ =	swait.ge [sflag:s14], $0x2800  }
0x4e: {  	[sflag:s14] =	ssyncset.done $0x0  }
0x4f: {  	s25 =	sadd.s32 $0x80, s29;
	[sflag:s14] =	ssyncadd.s32 $0xFFFFD800  }
0x50: {  	[tilespmem:s17], [sflag:$0x1] =	stream.indirect.gather [hbm4b:s3+s16], $0x80, s25, s16, $0xb8;
	[tilespmem:$0x12000] =	vst v63  }
0x51: {  	s25 =	sadd.s32 $0x80, s30  }
0x52: {  	[tilespmem:s18], [sflag:$0x3] =	stream.indirect.gather [hbm4b:s4+s16], $0x80, s25, s16, $0xb8;
	[tilespmem:$0x12000] =	vst v63  }
0x53: {  	_ =	swait.ge [sflag:s23], $0x2800  }
0x54: {  	[sflag:s23] =	ssyncset.done $0x0  }
0x55: {  	s1 =	sadd.s32 $0x500, s1;
	[sflag:s23] =	ssyncadd.s32 $0xFFFFD800  }
0x56: {  	[hbm4b:s1+s2] =	stream.linear.scatter [tilespmem:s19], [sflag:$0x5], $0x2800, $0x38;
	[tilespmem:$0x12000] =	vst v63  }
0x57: {  	_ =	swait.ge [sflag:s14], $0x2800  }
0x58: {  	[sflag:s14] =	ssyncset.done $0x0  }
0x59: {  	[sflag:s14] =	ssyncadd.s32 $0xFFFFD800  }
0x5a: {  	_ =	swait.ge [sflag:s24], $0x2800  }
.Ltmp0:
0x5b: {  	[sflag:s24] =	ssyncset.done $0x0;
	(pc) =	sbr.rel @p0 .LBB2_2-.Ltmp0, $4  }
0x5c: {  	s0 =	sadd.s32 $0x500, s0;
	[sflag:s24] =	ssyncadd.s32 $0xFFFFD800  }
0x5d: {  	[hbm4b:s0+s2] =	stream.linear.scatter [tilespmem:s20], [sflag:$0x5], $0x2800, $0x38;
	[tilespmem:$0x12000] =	vst v63  }
0x5e: {  	_ =	swait.ge [sflag:s14], $0x2800  }
0x5f: {  	[sflag:s14] =	ssyncset.done $0x0  }
0x60: {  	[sflag:s14] =	ssyncadd.s32 $0xFFFFD800;
	s0 =	simm.s32 $0x3F80  }
0x61: {  	[tilespmem:s19], [sflag:$0x2] =	stream.indirect.gather [hbm4b:s3+s16], $0x80, s0, s16, $0xb8;
	[tilespmem:$0x12000] =	vst v63  }
0x62: {  	_ = 	snop  }
0x63: {  	[tilespmem:s20], [sflag:$0x4] =	stream.indirect.gather [hbm4b:s4+s16], $0x80, s26, s16, $0xb8;
	[tilespmem:$0x12000] =	vst v63  }
0x64: {  	_ =	swait.ge [sflag:s21], $0x2800  }
0x65: {  	[sflag:s21] =	ssyncset.done $0x0  }
0x66: {  	[sflag:s21] =	ssyncadd.s32 $0xFFFFD800  }
0x67: {  	[hbm4b:s8+s2] =	stream.linear.scatter [tilespmem:s17], [sflag:$0x5], $0x2800, $0x38;
	[tilespmem:$0x12000] =	vst v63  }
0x68: {  	_ =	swait.ge [sflag:s14], $0x2800  }
0x69: {  	[sflag:s14] =	ssyncset.done $0x0  }
0x6a: {  	[sflag:s14] =	ssyncadd.s32 $0xFFFFD800  }
0x6b: {  	_ =	swait.ge [sflag:s22], $0x2800  }
0x6c: {  	[sflag:s22] =	ssyncset.done $0x0  }
0x6d: {  	[sflag:s22] =	ssyncadd.s32 $0xFFFFD800  }
0x6e: {  	[hbm4b:s9+s2] =	stream.linear.scatter [tilespmem:s18], [sflag:$0x5], $0x2800, $0x38;
	[tilespmem:$0x12000] =	vst v63  }
0x6f: {  	_ =	swait.ge [sflag:s14], $0x2800  }
0x70: {  	[sflag:s14] =	ssyncset.done $0x0  }
0x71: {  	[sflag:s14] =	ssyncadd.s32 $0xFFFFD800  }
0x72: {  	_ =	swait.ge [sflag:s23], $0x2800  }
0x73: {  	[sflag:s23] =	ssyncset.done $0x0  }
0x74: {  	[sflag:s23] =	ssyncadd.s32 $0xFFFFD800  }
0x75: {  	[hbm4b:s10+s2] =	stream.linear.scatter [tilespmem:s19], [sflag:$0x5], $0x2800, $0x38;
	[tilespmem:$0x12000] =	vst v63  }
0x76: {  	_ =	swait.ge [sflag:s14], $0x2800  }
0x77: {  	[sflag:s14] =	ssyncset.done $0x0  }
0x78: {  	[sflag:s14] =	ssyncadd.s32 $0xFFFFD800  }
0x79: {  	s28 =	sadd.s32 $0x1, s28;
	_ =	swait.ge [sflag:s24], $0x2800  }
0x7a: {  	p0 =	sne.s32 s28, s7;
	[sflag:s24] =	ssyncset.done $0x0  }
.Ltmp1:
0x7b: {  	[sflag:s24] =	ssyncadd.s32 $0xFFFFD800;
	(pc) =	sbr.rel @p0 .LBB2_1-.Ltmp1, $4  }
0x7c: {  	[hbm4b:s11+s2] =	stream.linear.scatter [tilespmem:s20], [sflag:$0x5], $0x2800, $0x38;
	[tilespmem:$0x12000] =	vst v63  }
0x7d: {  	_ =	swait.ge [sflag:s14], $0x2800  }
0x7e: {  	[sflag:s14] =	ssyncset.done $0x0  }
0x7f: {  	[sflag:s14] =	ssyncadd.s32 $0xFFFFD800  }
0x80: {  	_ =	sfence.sel $0x180000  }
0x81: {  	[bflag:$0x0] =	sbarrier.arrive $0xFFFF  }
0x82: {  	_ =	strace $0x90000059  }
0x83: {  	s0 =	stileid.u32;
	[bflag:$0x2] =	sbarrier.arrive $0xFFFF  }
0x84: {  	p0 =	sne.s32 s0, $0x0;
	s0 =	rddreg [dreg:$0x1]  }
0x85: {  	s0 =	sadd.s32 @!p0 $0x100000, s0  }
0x86: {  	[sflag:s0] =	ssyncadd.tile.s32 @!p0 $0x1;
	_ =	shalt  }
.Lfunc_end2:
_tile_overlayer_lowered:
.L_overlay_start_2:
0x87: {  	(tag) =	ssettag $0x2  }
0x88: {  	s0 =	rddreg [dreg:$0x0];
	s2 =	stileid.u32  }
0x89: {  	s1 =	rddreg [dreg:$0x1];
	p0 =	sne.s32 s2, $0x0  }
0x8a: {  	s3 =	rddreg [dreg:$0x2];
	[bflag:$0x3] =	sbarrier.arrive $0xFFFF;
	s2 =	simm.s32 @!p0 $0x1C05  }
0x8b: {  	[timem:s3], [sflag:s2] =	dma.local @!p0 [hbm:s0], s1  }
0x8c: {  	s0 =	simm.s32 @!p0 $0x5  }
0x8d: {  	_ =	swait.ge @!p0 [sflag:s0], s1  }
0x8e: {  	s1 =	ssub.s32 @!p0 $0x0, s1;
	[sflag:s0] =	ssyncset.done @!p0 $0x0  }
0x8f: {  	[sflag:s0] =	ssyncadd.s32 @!p0 s1  }
0x90: {  	[bflag:$0x3] =	sbarrier.arrive $0xFFFF  }
0x91: {  	_ =	shalt  }

// kernel: kernel.39.cloned.1.call-start
scs
__scs_entry_jumppad:
0x0: {  	(pc) =	sbr.rel $0x88, $3  }
0x1: {  	(tag) =	ssettag $0x0;
	lr =	simm.s32 $0x1  }
0x2: {  	[smem:$0x3F89] =	sst lr;
	_ =	strace $0xD0000000  }
0x3: {  	_ = 	snop  }
0x4: {  	_ = 	snop  }
0x5: {  	_ = 	snop  }
0x6: {  	_ = 	snop  }
0x7: {  	_ = 	snop  }
__scs_overlays_trampoline_lowered:
0x8: {  	[smem:$0x3F98] =	sst s0  }
0x9: {  	[smem:$0x3F99] =	sst s1  }
0xa: {  	[smem:$0x3F9A] =	sst s2  }
0xb: {  	[smem:$0x3F9B] =	sst s3  }
0xc: {  	[smem:$0x3F9C] =	sst s4  }
0xd: {  	[smem:$0x3F9D] =	sst s5  }
0xe: {  	[smem:$0x3F9E] =	sst s6  }
0xf: {  	[smem:$0x3F9F] =	sst s7  }
0x10: {  	[smem:$0x3FA0] =	sst s8  }
0x11: {  	[smem:$0x3FA1] =	sst s9;
	s0 =	simm.s32 @!p0 $0x0  }
0x12: {  	s1 =	sld [smem:$0x3F87];
	s0 =	simm.s32 @p0 $0x1  }
0x13: {  	[smem:$0x3FA2] =	sst s0;
	s0 =	simm.s32 @!p1 $0x0  }
0x14: {  	s2 =	sld [smem:$0x3F86];
	s0 =	simm.s32 @p1 $0x1  }
0x15: {  	[smem:$0x3FA3] =	sst s0;
	s0 =	simm.s32 @!p2 $0x0  }
0x16: {  	s3 =	sld [smem:$0x3FDB];
	s0 =	simm.s32 @p2 $0x1  }
0x17: {  	s4 =	simm.s32 $0x1BF5;
	[smem:$0x3FA5] =	sst s0  }
0x18: {  	s0 =	sld [smem:$0x3F88];
	_ =	swait.ge [sflag:s4], $0x0  }
0x19: {  	s7 =	sld [smem:$0x3F89]  }
0x1a: {  	s8 =	sadd.s32 $0xFFFFE003, lr  }
0x1b: {  	s9 =	sadd.s32 $0xFFFFFEF7, lr;
	s5 =	simm.s32 $0xFFFFFFFF;
	p2 =	slt.u32 s8, $0xFFFFF086  }
0x1c: {  	p1 =	slt.u32 s9, $0xF7A;
	s5 =	simm.s32 @!p2 $0x0  }
0x1d: {  	s5 =	simm.s32 @p1 $0x1;
	p0 =	seq.s32 s7, s2  }
0x1e: {  	s7 =	smul.u32 @!p0 $0xF7A, s2;
	p2 =	seq.s32 @!p0 s5, $0x0  }
0x1f: {  	s9 =	smul.u32 $0xF7A, s1;
	s8 =	simm.s32 @!p0 $0x1BF5;
	p2 =	por !p2, p0  }
0x20: {  	[sflag:s8] =	ssyncset.s32 @!p0 $0xFFFFF086;
	s6 =	sadd.s32 @!p0 s3, s7;
	s7 =	simm.s32 @!p0 $0x108  }
0x21: {  	s3 =	sadd.s32 s3, s9;
	s6 =	sadd.s32 @!p0 $0x88, s6;
	s7 =	simm.s32 @p2 $0x1082  }
0x22: {  	[simem:s7], [sflag:s8] =	dma.local @!p0 [hbm:s6], $0xF7A  }
0x23: {  	s9 =	sor.u32 $0xD0000000, s2;
	s6 =	simm.s32 $0x108;
	_ =	swait.ge @!p0 [sflag:s8], $0x0  }
0x24: {  	s3 =	sadd.s32 $0x88, s3;
	s6 =	simm.s32 @!p1 $0x1082;
	[sflag:s4] =	ssyncset.s32 $0xFFFFF086  }
0x25: {  	[simem:s6], [sflag:s4] =	dma.local [hbm:s3], $0xF7A  }
0x26: {  	[smem:$0x3F89] =	sst s1;
	(tag) =	ssettag s2;
	_ =	strace s9  }
0x27: {  	s1 =	sld [smem:$0x3F99]  }
0x28: {  	s2 =	sld [smem:$0x3F9A]  }
0x29: {  	s4 =	sld [smem:$0x3F9C]  }
0x2a: {  	p0 =	seq.s32 s5, $0x0;
	s5 =	sld [smem:$0x3F9D]  }
0x2b: {  	s6 =	sld [smem:$0x3F9E]  }
0x2c: {  	s7 =	sld [smem:$0x3F9F]  }
0x2d: {  	s3 =	simm.s32 $0x108;
	s8 =	sld [smem:$0x3FA0]  }
0x2e: {  	s3 =	simm.s32 @!p0 $0x1082;
	s9 =	sld [smem:$0x3FA1]  }
0x2f: {  	lr =	sadd.s32 s0, s3;
	s0 =	sld [smem:$0x3F98]  }
0x30: {  	s3 =	sld [smem:$0x3F9B]  }
0x31: {  	[smem:$0x3FA4] =	sst s10  }
0x32: {  	s10 =	sld [smem:$0x3FA2];
	_ =	sdelay $0x3  }
0x33: {  	p0 =	seq.s32 s10, $0x1;
	s10 =	sld [smem:$0x3FA4];
	_ =	sdelay $0x3  }
0x34: {  	[smem:$0x3FA4] =	sst s10  }
0x35: {  	s10 =	sld [smem:$0x3FA3];
	_ =	sdelay $0x3  }
0x36: {  	p1 =	seq.s32 s10, $0x1;
	s10 =	sld [smem:$0x3FA4];
	_ =	sdelay $0x3  }
0x37: {  	[smem:$0x3FA4] =	sst s10  }
0x38: {  	s10 =	sld [smem:$0x3FA5]  }
0x39: {  	_ = 	snop;
	(pc) =	sbr.ind lr, $3  }
0x3a: {  	_ = 	snop  }
0x3b: {  	_ = 	snop  }
0x3c: {  	p2 =	seq.s32 s10, $0x1;
	s10 =	sld [smem:$0x3FA4]  }
0x3d: {  	_ =	shalt  }
0x3e: {  	_ =	shalt  }
0x3f: {  	_ =	shalt  }
0x40: {  	_ =	shalt  }
0x41: {  	_ =	shalt  }
0x42: {  	_ =	shalt  }
0x43: {  	_ =	shalt  }
0x44: {  	_ =	shalt  }
0x45: {  	_ =	shalt  }
0x46: {  	_ =	shalt  }
0x47: {  	_ =	shalt  }
0x48: {  	_ =	shalt  }
0x49: {  	_ =	shalt  }
0x4a: {  	_ =	shalt  }
0x4b: {  	_ =	shalt  }
0x4c: {  	_ =	shalt  }
0x4d: {  	_ =	shalt  }
0x4e: {  	_ =	shalt  }
0x4f: {  	_ =	shalt  }
0x50: {  	_ =	shalt  }
0x51: {  	_ =	shalt  }
0x52: {  	_ =	shalt  }
0x53: {  	_ =	shalt  }
0x54: {  	_ =	shalt  }
0x55: {  	_ =	shalt  }
0x56: {  	_ =	shalt  }
0x57: {  	_ =	shalt  }
0x58: {  	_ =	shalt  }
0x59: {  	_ =	shalt  }
0x5a: {  	_ =	shalt  }
0x5b: {  	_ =	shalt  }
0x5c: {  	_ =	shalt  }
0x5d: {  	_ =	shalt  }
0x5e: {  	_ =	shalt  }
0x5f: {  	_ =	shalt  }
0x60: {  	_ =	shalt  }
0x61: {  	_ =	shalt  }
0x62: {  	_ =	shalt  }
0x63: {  	_ =	shalt  }
0x64: {  	_ =	shalt  }
0x65: {  	_ =	shalt  }
0x66: {  	_ =	shalt  }
0x67: {  	_ =	shalt  }
0x68: {  	_ =	shalt  }
0x69: {  	_ =	shalt  }
0x6a: {  	_ =	shalt  }
0x6b: {  	_ =	shalt  }
0x6c: {  	_ =	shalt  }
0x6d: {  	_ =	shalt  }
0x6e: {  	_ =	shalt  }
0x6f: {  	_ =	shalt  }
0x70: {  	_ =	shalt  }
0x71: {  	_ =	shalt  }
0x72: {  	_ =	shalt  }
0x73: {  	_ =	shalt  }
0x74: {  	_ =	shalt  }
0x75: {  	_ =	shalt  }
0x76: {  	_ =	shalt  }
0x77: {  	_ =	shalt  }
0x78: {  	_ =	shalt  }
0x79: {  	_ =	shalt  }
0x7a: {  	_ =	shalt  }
0x7b: {  	_ =	shalt  }
0x7c: {  	_ =	shalt  }
0x7d: {  	_ =	shalt  }
0x7e: {  	_ =	shalt  }
0x7f: {  	_ =	shalt  }
0x80: {  	_ =	shalt  }
0x81: {  	_ =	shalt  }
0x82: {  	_ =	shalt  }
0x83: {  	_ =	shalt  }
0x84: {  	_ =	shalt  }
0x85: {  	_ =	shalt  }
0x86: {  	_ =	shalt  }
0x87: {  	_ =	shalt  }
.Lfunc_end0:
.L_simem_size_0:
called_computation.7_lowered:
.L_overlay_start_0:
0x88: {  	s2 =	sld [smem:$0x3FD9]  }
0x89: {  	s3 =	sld [smem:$0x3FFE];
	_ =	sdelay $0x1  }
0x8a: {  	s1 =	srdreg.scid  }
0x8b: {  	s0 =	sand.u32 $0x1, s1  }
0x8c: {  	s16 =	sshll.u32 s0, $0xA;
	s2 =	sadd.s32 s3, s2  }
0x8d: {  	s2 =	sadd.s32 s2, s16  }
0x8e: {  	[smem:$0x3FB0] =	sst s2  }
0x8f: {  	_ = 	snop  }
0x90: {  	(tm) =	ssettm $0x1  }
0x91: {  	s17 =	sld [smem:$0x3FFB];
	_ =	sdelay $0x3  }
0x92: {  	_ =	strace s17  }
0x93: {  	s2 =	sld [smem:$0x3FFC];
	_ =	sdelay $0x3  }
0x94: {  	_ =	strace s2  }
0x95: {  	s2 =	sld [smem:$0x3FFD];
	_ =	sdelay $0x3  }
0x96: {  	_ =	strace s2  }
0x97: {  	_ =	strace $0x8FFFFFFF  }
0x98: {  	s18 =	sld [smem:$0x3FDB];
	_ =	sdelay $0x1  }
0x99: {  	s19 =	simm.s32 $_scs_section_size  }
0x9a: {  	s4 =	simm.s32 $_size__tile_overlayer_lowered;
	s5 =	simm.s32 $_tile_overlayer_lowered  }
0x9b: {  	s22 =	simm.s32 $0x1BFF;
	s21 =	sshll.u32 s5, $0x1;
	s2 =	sadd.s32 s19, s18  }
0x9c: {  	s6 =	simm.s32 $0x0;
	s20 =	sshll.u32 s4, $0x1;
	s4 =	sadd.s32 s21, s2  }
0x9d: {  	[timem:s6], [sflag:s22] =	dma.local [hbm:s4], s20  }
0x9e: {  	_ =	swait.ge [sflag:s22], s20  }
0x9f: {  	s3 =	ssub.s32 $0x0, s20;
	[sflag:s22] =	ssyncset.done $0x0  }
0xa0: {  	[sflag:s22] =	ssyncadd.s32 s3;
	_ =	sdelay $0x1  }
0xa1: {  	s23 =	simm.s32 $0x1B8B  }
0xa2: {  	_ =	swait.ge [sflag:s23], $0x1  }
0xa3: {  	[sflag:s23] =	ssyncset.done $0x0  }
0xa4: {  	s25 =	simm.s32 $0x1B8E;
	s24 =	sld [smem:$0x3FFE];
	[sflag:s23] =	ssyncadd.s32 $0xFFFFFFFF  }
0xa5: {  	s26 =	simm.s32 $execute0_lowered;
	[smem:$0x3FD2] =	sst s25  }
0xa6: {  	s4 =	sshll.u32 s26, $0x1;
	_ =	strace $0x8000005B;
	[dreg:$0x1] =	wrdreg $0xFFFFFFFF  }
0xa7: {  	s28 =	simm.s32 $_size_execute0_lowered;
	s2 =	sadd.s32 s2, s4;
	[dreg:$0x0] =	wrdreg $0x0  }
0xa8: {  	s4 =	sshll.u32 s28, $0x1;
	[dreg:$0x2] =	wrdreg s2  }
0xa9: {  	[dreg:$0x3] =	wrdreg s4  }
0xaa: {  	[dreg:$0x4] =	wrdreg $0xC0  }
0xab: {  	_ =	task [dreg:s6], $0x5FFFF  }
0xac: {  	[dreg:$0x1] =	wrdreg $0xFFFFFFFF  }
0xad: {  	[dreg:$0x0] =	wrdreg $0x60  }
0xae: {  	[dreg:$0x2] =	wrdreg s24  }
0xaf: {  	[dreg:$0x3] =	wrdreg $0x40000  }
0xb0: {  	[dreg:$0x4] =	wrdreg $0x9  }
0xb1: {  	_ =	task.clear_ibuf [dreg:s6], $0x5FFFF;
	_ =	strace $0x9000005B  }
0xb2: {  	s29 =	simm.s32 $0x9;
	_ =	strace $0x8000005D  }
0xb3: {  	_ =	swait.ge [sflag:s29], $0x1  }
0xb4: {  	[sflag:s29] =	ssyncadd.s32 $0xFFFFFFFF  }
0xb5: {  	_ =	strace $0x9000005D  }
0xb6: {  	_ =	sfence  }
0xb7: {  	s30 =	sld [smem:$0x0];
	_ =	sdelay $0x2  }
0xb8: {  	s31 =	sshll.u32 s1, $0xD;
	s1 =	sshrl.u32 s1, $0x2  }
0xb9: {  	s3 =	sand.u32 $0x4000, s31;
	s1 =	sadd.s32 s1, s30  }
0xba: {  	s0 =	sor.u32 s3, s0;
	s1 =	sshll.u32 s1, $0x11  }
0xbb: {  	s0 =	sor.u32 s1, s0  }
0xbc: {  	s0 =	sadd.s32 $0x8F2B, s0  }
0xbd: {  	[sflag:s0] =	ssyncadd.remote.s32 $0x1  }
0xbe: {  	_ =	sfence.sel $0xFFFF  }
0xbf: {  	[dreg:$0x0] =	wrdreg $0xFFFFFFFF;
	(pc) =	sbr.abs _section_cstart, $3  }
0xc0: {  	[dreg:$0x1] =	wrdreg $0xFFFFFFFF  }
0xc1: {  	_ =	task.clear_ibuf [dreg:s6], $0x2FFFF;
	_ =	strace $0x9FFFFFFF  }
0xc2: {  	(tm) =	ssettm $0x7FFFFFFF  }
0xc3: {  	_ =	shalt  }
tec
execute0_lowered:
.L_overlay_start_1:
0x0: {  	(tag) =	ssettag $0x1  }
0x1: {  	s5 =	rddreg [dreg:$0x0]  }
0x2: {  	s2 =	rddreg [dreg:$0x1]  }
0x3: {  	s3 =	srdreg.scid;
	s1 =	stileid.u32  }
0x4: {  	s0 =	rddreg [dreg:$0x2];
	s15 =	simm.s32 $0x1A400;
	s16 =	simm.s32 $0x1  }
0x5: {  	s17 =	simm.s32 $0x50;
	s18 =	simm.s32 $0x2;
	s19 =	simm.s32 $0x3F00  }
0x6: {  	s20 =	simm.s32 $0x3F80;
	s21 =	simm.s32 $0x0;
	s9 =	smul.u32 $0x13C00, s1  }
0x7: {  	s6 =	sand.u32 $0x1, s3;
	s4 =	sshll.u32 s1, $0x1;
	s13 =	smul.u32 $0x4F000, s1  }
0x8: {  	s3 =	simm.s32 $0x0;
	s10 =	sadd.s32 $0xAD4C00, s5;
	s29 =	smul.u32 $0x50000, s1  }
0x9: {  	s28 =	sshll.u32 s1, $0x6;
	s7 =	sor.u32 s6, s4;
	s8 =	smul.u32 $0x13C000, s6  }
0xa: {  	[smem:$0x7FF] =	sst s3;
	s25 =	ssub.s32 $0x2, s6;
	s30 =	smul.u32 $0x28000, s6  }
0xb: {  	s4 =	sshll.u32 s7, $0xB;
	_ =	strace $0x8000005C;
	s12 =	sshrl.u32 s25, $0x1  }
0xc: {  	s7 =	smul.u32 $0x28000, s7;
	s26 =	sshrl.u32 s13, $0x2;
	s13 =	simm.s32 $0x3  }
0xd: {  	s11 =	sadd.s32 s4, s5;
	s4 =	sadd.s32 $0x36200, s5;
	s8 =	sadd.s32 s9, s8  }
0xe: {  	s9 =	ssub.s32 s25, s12;
	s14 =	sadd.s32 s26, s2;
	s8 =	sshrl.u32 s8, $0x3  }
0xf: {  	s6 =	sadd.s32 $0x71600, s11;
	s7 =	sadd.s32 s10, s7;
	s10 =	sadd.s32 s29, s10  }
0x10: {  	s9 =	smax.u32 s9, $0x1;
	s12 =	sshrl.u32 s14, $0x3;
	s14 =	simm.s32 $0x17C00  }
0x11: {  	s8 =	sadd.s32 s8, s5;
	s5 =	sor.u32 $0x1C03, s28;
	s31 =	sadd.s32 s30, s10  }
0x12: {  	s10 =	sadd.s32 $0x27B00, s7;
	s8 =	sadd.s32 $0xD2A00, s8;
	s11 =	sadd.s32 $0xA00, s31  }
.LBB2_1:
0x13: {  	[spmem:s12], [sflag:s5] =	dma.local [hbm:s4], $0x2780  }
0x14: {  	_ =	swait.ge [sflag:s13], $0x2780  }
0x15: {  	[sflag:s13] =	ssyncset.done $0x0  }
0x16: {  	[sflag:s13] =	ssyncadd.s32 $0xFFFFD880  }
0x17: {  	[tilespmem:s3], [sflag:$0x3] =	stream.linear.gather [hbm4b:s6+s3], $0x4000, $0x38;
	[tilespmem:$0x1CC00] =	vst v63  }
0x18: {  	_ =	swait.ge [sflag:s13], $0x4000  }
0x19: {  	[sflag:s13] =	ssyncset.done $0x0  }
0x1a: {  	[sflag:s13] =	ssyncadd.s32 $0xFFFFC000  }
0x1b: {  	[bflag:$0x0] =	sbarrier.arrive $0xFFFF  }
0x1c: {  	[tilespmem:s14], [sflag:$0x1] =	stream.linear.gather [hbm4b:s7+s3], $0x2800, $0x38;
	[tilespmem:$0x1CC00] =	vst v63  }
0x1d: {  	s22 =	sadd.s32 $0xFFFFFB00, s11  }
0x1e: {  	[tilespmem:s15], [sflag:$0x2] =	stream.linear.gather [hbm4b:s22+s3], $0x2800, $0x38;
	[tilespmem:$0x1CC00] =	vst v63  }
0x1f: {  	_ =	swait.ge [sflag:s16], $0x2800  }
0x20: {  	[sflag:s16] =	ssyncset.done $0x0  }
0x21: {  	s30 =	simm.s32 $0x0;
	[sflag:s16] =	ssyncadd.s32 $0xFFFFD800  }
0x22: {  	[spmem:s2] =	stream.indirect.scatter.add.f32 [tilespmem:s14], [sflag:$0x3], $0x80, s30, s17, $0xb8;
	[tilespmem:$0x1CC00] =	vst v63  }
0x23: {  	_ =	swait.ge [sflag:s13], $0x2800  }
0x24: {  	[sflag:s13] =	ssyncset.done $0x0  }
0x25: {  	[sflag:s13] =	ssyncadd.s32 $0xFFFFD800  }
0x26: {  	[tilespmem:s14], [sflag:$0x1] =	stream.linear.gather [hbm4b:s11+s3], $0x2800, $0x38;
	[tilespmem:$0x1CC00] =	vst v63  }
0x27: {  	_ =	swait.ge [sflag:s18], $0x2800  }
0x28: {  	[sflag:s18] =	ssyncset.done $0x0  }
0x29: {  	s31 =	simm.s32 $0x80;
	[sflag:s18] =	ssyncadd.s32 $0xFFFFD800  }
0x2a: {  	[spmem:s2] =	stream.indirect.scatter.add.f32 [tilespmem:s15], [sflag:$0x3], $0x80, s31, s17, $0xb8;
	[tilespmem:$0x1CC00] =	vst v63  }
0x2b: {  	s23 =	simm.s32 $0x400;
	_ =	swait.ge [sflag:s13], $0x2800  }
0x2c: {  	s24 =	simm.s32 $0x800;
	s22 =	sadd.s32 $0xA00, s11;
	[sflag:s13] =	ssyncset.done $0x0  }
.LBB2_2:
0x2d: {  	p0 =	sne.s32 s24, $0xF800;
	s25 =	sadd.s32 $0xFFFFFB00, s22;
	[sflag:s13] =	ssyncadd.s32 $0xFFFFD800  }
0x2e: {  	[tilespmem:s15], [sflag:$0x2] =	stream.linear.gather [hbm4b:s25+s3], $0x2800, $0x38;
	[tilespmem:$0x1CC00] =	vst v63  }
0x2f: {  	s25 =	smov.u32 s24;
	s24 =	sadd.s32 $0x400, s24;
	_ =	swait.ge [sflag:s16], $0x2800  }
0x30: {  	[sflag:s16] =	ssyncset.done $0x0  }
0x31: {  	s26 =	sshra.s32 s23, $0x2;
	s23 =	smov.u32 s25;
	[sflag:s16] =	ssyncadd.s32 $0xFFFFD800  }
0x32: {  	[spmem:s2] =	stream.indirect.scatter.add.f32 [tilespmem:s14], [sflag:$0x3], $0x80, s26, s17, $0xb8;
	[tilespmem:$0x1CC00] =	vst v63  }
0x33: {  	_ =	swait.ge [sflag:s13], $0x2800  }
0x34: {  	[sflag:s13] =	ssyncset.done $0x0  }
0x35: {  	[sflag:s13] =	ssyncadd.s32 $0xFFFFD800  }
0x36: {  	[tilespmem:s14], [sflag:$0x1] =	stream.linear.gather [hbm4b:s22+s3], $0x2800, $0x38;
	[tilespmem:$0x1CC00] =	vst v63  }
0x37: {  	_ =	swait.ge [sflag:s18], $0x2800  }
.Ltmp0:
0x38: {  	[sflag:s18] =	ssyncset.done $0x0;
	(pc) =	sbr.rel @p0 .LBB2_2-.Ltmp0, $4  }
0x39: {  	s25 =	sadd.s32 $0x80, s26;
	[sflag:s18] =	ssyncadd.s32 $0xFFFFD800  }
0x3a: {  	[spmem:s2] =	stream.indirect.scatter.add.f32 [tilespmem:s15], [sflag:$0x3], $0x80, s25, s17, $0xb8;
	[tilespmem:$0x1CC00] =	vst v63  }
0x3b: {  	_ =	swait.ge [sflag:s13], $0x2800  }
0x3c: {  	s22 =	sadd.s32 $0xA00, s22;
	[sflag:s13] =	ssyncset.done $0x0  }
0x3d: {  	s24 =	sadd.s32 $0xFFFFFB00, s22;
	[sflag:s13] =	ssyncadd.s32 $0xFFFFD800  }
0x3e: {  	[tilespmem:s15], [sflag:$0x2] =	stream.linear.gather [hbm4b:s24+s3], $0x2800, $0x38;
	[tilespmem:$0x1CC00] =	vst v63  }
0x3f: {  	_ =	swait.ge [sflag:s16], $0x2800  }
0x40: {  	[sflag:s16] =	ssyncset.done $0x0  }
0x41: {  	s23 =	sshra.s32 s23, $0x2;
	[sflag:s16] =	ssyncadd.s32 $0xFFFFD800  }
0x42: {  	[spmem:s2] =	stream.indirect.scatter.add.f32 [tilespmem:s14], [sflag:$0x3], $0x80, s23, s17, $0xb8;
	[tilespmem:$0x1CC00] =	vst v63  }
0x43: {  	_ =	swait.ge [sflag:s13], $0x2800  }
0x44: {  	[sflag:s13] =	ssyncset.done $0x0  }
0x45: {  	[sflag:s13] =	ssyncadd.s32 $0xFFFFD800  }
0x46: {  	[tilespmem:s14], [sflag:$0x1] =	stream.linear.gather [hbm4b:s22+s3], $0x2800, $0x38;
	[tilespmem:$0x1CC00] =	vst v63  }
0x47: {  	_ =	swait.ge [sflag:s18], $0x2800  }
0x48: {  	[sflag:s18] =	ssyncset.done $0x0  }
0x49: {  	s31 =	sadd.s32 $0x80, s23;
	[sflag:s18] =	ssyncadd.s32 $0xFFFFD800  }
0x4a: {  	[spmem:s2] =	stream.indirect.scatter.add.f32 [tilespmem:s15], [sflag:$0x3], $0x80, s31, s17, $0xb8;
	[tilespmem:$0x1CC00] =	vst v63  }
0x4b: {  	_ =	swait.ge [sflag:s13], $0x2800  }
0x4c: {  	[sflag:s13] =	ssyncset.done $0x0  }
0x4d: {  	[sflag:s13] =	ssyncadd.s32 $0xFFFFD800  }
0x4e: {  	[tilespmem:s15], [sflag:$0x2] =	stream.linear.gather [hbm4b:s10+s3], $0x2800, $0x38;
	[tilespmem:$0x1CC00] =	vst v63  }
0x4f: {  	_ =	swait.ge [sflag:s16], $0x2800  }
0x50: {  	[sflag:s16] =	ssyncset.done $0x0  }
0x51: {  	[sflag:s16] =	ssyncadd.s32 $0xFFFFD800  }
0x52: {  	[spmem:s2] =	stream.indirect.scatter.add.f32 [tilespmem:s14], [sflag:$0x3], $0x80, s19, s17, $0xb8;
	[tilespmem:$0x1CC00] =	vst v63  }
0x53: {  	_ =	swait.ge [sflag:s13], $0x2800  }
0x54: {  	[sflag:s13] =	ssyncset.done $0x0  }
0x55: {  	[sflag:s13] =	ssyncadd.s32 $0xFFFFD800  }
0x56: {  	_ =	swait.ge [sflag:s18], $0x2800  }
0x57: {  	[sflag:s18] =	ssyncset.done $0x0  }
0x58: {  	[sflag:s18] =	ssyncadd.s32 $0xFFFFD800  }
0x59: {  	[spmem:s2] =	stream.indirect.scatter.add.f32 [tilespmem:s15], [sflag:$0x3], $0x80, s20, s17, $0xb8;
	[tilespmem:$0x1CC00] =	vst v63  }
0x5a: {  	_ =	swait.ge [sflag:s13], $0x2800  }
0x5b: {  	s21 =	sadd.s32 $0x1, s21;
	[sflag:s13] =	ssyncset.done $0x0  }
0x5c: {  	p0 =	sne.s32 s21, s9;
	[sflag:s13] =	ssyncadd.s32 $0xFFFFD800  }
.Ltmp1:
0x5d: {  	[bflag:$0x0] =	sbarrier.arrive $0xFFFF;
	(pc) =	sbr.rel @p0 .LBB2_1-.Ltmp1, $4  }
0x5e: {  	[hbm:s8], [sflag:s5] =	dma.local [spmem:s12], $0x2780  }
0x5f: {  	_ =	swait.ge [sflag:s13], $0x2780  }
0x60: {  	[sflag:s13] =	ssyncset.done $0x0  }
0x61: {  	[sflag:s13] =	ssyncadd.s32 $0xFFFFD880  }
0x62: {  	_ =	sfence.sel $0x180000  }
0x63: {  	[bflag:$0x0] =	sbarrier.arrive $0xFFFF  }
0x64: {  	p0 =	sne.s32 s1, $0x0;
	_ =	strace $0x9000005C  }
0x65: {  	s0 =	sadd.s32 @!p0 $0x100000, s0;
	[bflag:$0x2] =	sbarrier.arrive $0xFFFF  }
0x66: {  	[sflag:s0] =	ssyncadd.tile.s32 @!p0 $0x1;
	_ =	shalt  }
.Lfunc_end2:
_tile_overlayer_lowered:
.L_overlay_start_2:
0x67: {  	(tag) =	ssettag $0x2  }
0x68: {  	s0 =	rddreg [dreg:$0x0];
	s2 =	stileid.u32  }
0x69: {  	s1 =	rddreg [dreg:$0x1];
	p0 =	sne.s32 s2, $0x0  }
0x6a: {  	s3 =	rddreg [dreg:$0x2];
	[bflag:$0x3] =	sbarrier.arrive $0xFFFF;
	s2 =	simm.s32 @!p0 $0x1C03  }
0x6b: {  	[timem:s3], [sflag:s2] =	dma.local @!p0 [hbm:s0], s1  }
0x6c: {  	s0 =	simm.s32 @!p0 $0x3  }
0x6d: {  	_ =	swait.ge @!p0 [sflag:s0], s1  }
0x6e: {  	s1 =	ssub.s32 @!p0 $0x0, s1;
	[sflag:s0] =	ssyncset.done @!p0 $0x0  }
0x6f: {  	[sflag:s0] =	ssyncadd.s32 @!p0 s1  }
0x70: {  	[bflag:$0x3] =	sbarrier.arrive $0xFFFF  }
0x71: {  	_ =	shalt  }

// kernel: kernel.42.cloned.1.call-start
scs
__scs_entry_jumppad:
0x0: {  	(pc) =	sbr.rel $0x88, $3  }
0x1: {  	(tag) =	ssettag $0x0;
	lr =	simm.s32 $0x1  }
0x2: {  	[smem:$0x3F89] =	sst lr;
	_ =	strace $0xD0000000  }
0x3: {  	_ = 	snop  }
0x4: {  	_ = 	snop  }
0x5: {  	_ = 	snop  }
0x6: {  	_ = 	snop  }
0x7: {  	_ = 	snop  }
__scs_overlays_trampoline_lowered:
0x8: {  	[smem:$0x3F98] =	sst s0  }
0x9: {  	[smem:$0x3F99] =	sst s1  }
0xa: {  	[smem:$0x3F9A] =	sst s2  }
0xb: {  	[smem:$0x3F9B] =	sst s3  }
0xc: {  	[smem:$0x3F9C] =	sst s4  }
0xd: {  	[smem:$0x3F9D] =	sst s5  }
0xe: {  	[smem:$0x3F9E] =	sst s6  }
0xf: {  	[smem:$0x3F9F] =	sst s7  }
0x10: {  	[smem:$0x3FA0] =	sst s8  }
0x11: {  	[smem:$0x3FA1] =	sst s9;
	s0 =	simm.s32 @!p0 $0x0  }
0x12: {  	s1 =	sld [smem:$0x3F87];
	s0 =	simm.s32 @p0 $0x1  }
0x13: {  	[smem:$0x3FA2] =	sst s0;
	s0 =	simm.s32 @!p1 $0x0  }
0x14: {  	s2 =	sld [smem:$0x3F86];
	s0 =	simm.s32 @p1 $0x1  }
0x15: {  	[smem:$0x3FA3] =	sst s0;
	s0 =	simm.s32 @!p2 $0x0  }
0x16: {  	s3 =	sld [smem:$0x3FDB];
	s0 =	simm.s32 @p2 $0x1  }
0x17: {  	s4 =	simm.s32 $0x1BF5;
	[smem:$0x3FA5] =	sst s0  }
0x18: {  	s0 =	sld [smem:$0x3F88];
	_ =	swait.ge [sflag:s4], $0x0  }
0x19: {  	s7 =	sld [smem:$0x3F89]  }
0x1a: {  	s8 =	sadd.s32 $0xFFFFE003, lr  }
0x1b: {  	s9 =	sadd.s32 $0xFFFFFEF7, lr;
	s5 =	simm.s32 $0xFFFFFFFF;
	p2 =	slt.u32 s8, $0xFFFFF086  }
0x1c: {  	p1 =	slt.u32 s9, $0xF7A;
	s5 =	simm.s32 @!p2 $0x0  }
0x1d: {  	s5 =	simm.s32 @p1 $0x1;
	p0 =	seq.s32 s7, s2  }
0x1e: {  	s7 =	smul.u32 @!p0 $0xF7A, s2;
	p2 =	seq.s32 @!p0 s5, $0x0  }
0x1f: {  	s9 =	smul.u32 $0xF7A, s1;
	s8 =	simm.s32 @!p0 $0x1BF5;
	p2 =	por !p2, p0  }
0x20: {  	[sflag:s8] =	ssyncset.s32 @!p0 $0xFFFFF086;
	s6 =	sadd.s32 @!p0 s3, s7;
	s7 =	simm.s32 @!p0 $0x108  }
0x21: {  	s3 =	sadd.s32 s3, s9;
	s6 =	sadd.s32 @!p0 $0x88, s6;
	s7 =	simm.s32 @p2 $0x1082  }
0x22: {  	[simem:s7], [sflag:s8] =	dma.local @!p0 [hbm:s6], $0xF7A  }
0x23: {  	s9 =	sor.u32 $0xD0000000, s2;
	s6 =	simm.s32 $0x108;
	_ =	swait.ge @!p0 [sflag:s8], $0x0  }
0x24: {  	s3 =	sadd.s32 $0x88, s3;
	s6 =	simm.s32 @!p1 $0x1082;
	[sflag:s4] =	ssyncset.s32 $0xFFFFF086  }
0x25: {  	[simem:s6], [sflag:s4] =	dma.local [hbm:s3], $0xF7A  }
0x26: {  	[smem:$0x3F89] =	sst s1;
	(tag) =	ssettag s2;
	_ =	strace s9  }
0x27: {  	s1 =	sld [smem:$0x3F99]  }
0x28: {  	s2 =	sld [smem:$0x3F9A]  }
0x29: {  	s4 =	sld [smem:$0x3F9C]  }
0x2a: {  	p0 =	seq.s32 s5, $0x0;
	s5 =	sld [smem:$0x3F9D]  }
0x2b: {  	s6 =	sld [smem:$0x3F9E]  }
0x2c: {  	s7 =	sld [smem:$0x3F9F]  }
0x2d: {  	s3 =	simm.s32 $0x108;
	s8 =	sld [smem:$0x3FA0]  }
0x2e: {  	s3 =	simm.s32 @!p0 $0x1082;
	s9 =	sld [smem:$0x3FA1]  }
0x2f: {  	lr =	sadd.s32 s0, s3;
	s0 =	sld [smem:$0x3F98]  }
0x30: {  	s3 =	sld [smem:$0x3F9B]  }
0x31: {  	[smem:$0x3FA4] =	sst s10  }
0x32: {  	s10 =	sld [smem:$0x3FA2];
	_ =	sdelay $0x3  }
0x33: {  	p0 =	seq.s32 s10, $0x1;
	s10 =	sld [smem:$0x3FA4];
	_ =	sdelay $0x3  }
0x34: {  	[smem:$0x3FA4] =	sst s10  }
0x35: {  	s10 =	sld [smem:$0x3FA3];
	_ =	sdelay $0x3  }
0x36: {  	p1 =	seq.s32 s10, $0x1;
	s10 =	sld [smem:$0x3FA4];
	_ =	sdelay $0x3  }
0x37: {  	[smem:$0x3FA4] =	sst s10  }
0x38: {  	s10 =	sld [smem:$0x3FA5]  }
0x39: {  	_ = 	snop;
	(pc) =	sbr.ind lr, $3  }
0x3a: {  	_ = 	snop  }
0x3b: {  	_ = 	snop  }
0x3c: {  	p2 =	seq.s32 s10, $0x1;
	s10 =	sld [smem:$0x3FA4]  }
0x3d: {  	_ =	shalt  }
0x3e: {  	_ =	shalt  }
0x3f: {  	_ =	shalt  }
0x40: {  	_ =	shalt  }
0x41: {  	_ =	shalt  }
0x42: {  	_ =	shalt  }
0x43: {  	_ =	shalt  }
0x44: {  	_ =	shalt  }
0x45: {  	_ =	shalt  }
0x46: {  	_ =	shalt  }
0x47: {  	_ =	shalt  }
0x48: {  	_ =	shalt  }
0x49: {  	_ =	shalt  }
0x4a: {  	_ =	shalt  }
0x4b: {  	_ =	shalt  }
0x4c: {  	_ =	shalt  }
0x4d: {  	_ =	shalt  }
0x4e: {  	_ =	shalt  }
0x4f: {  	_ =	shalt  }
0x50: {  	_ =	shalt  }
0x51: {  	_ =	shalt  }
0x52: {  	_ =	shalt  }
0x53: {  	_ =	shalt  }
0x54: {  	_ =	shalt  }
0x55: {  	_ =	shalt  }
0x56: {  	_ =	shalt  }
0x57: {  	_ =	shalt  }
0x58: {  	_ =	shalt  }
0x59: {  	_ =	shalt  }
0x5a: {  	_ =	shalt  }
0x5b: {  	_ =	shalt  }
0x5c: {  	_ =	shalt  }
0x5d: {  	_ =	shalt  }
0x5e: {  	_ =	shalt  }
0x5f: {  	_ =	shalt  }
0x60: {  	_ =	shalt  }
0x61: {  	_ =	shalt  }
0x62: {  	_ =	shalt  }
0x63: {  	_ =	shalt  }
0x64: {  	_ =	shalt  }
0x65: {  	_ =	shalt  }
0x66: {  	_ =	shalt  }
0x67: {  	_ =	shalt  }
0x68: {  	_ =	shalt  }
0x69: {  	_ =	shalt  }
0x6a: {  	_ =	shalt  }
0x6b: {  	_ =	shalt  }
0x6c: {  	_ =	shalt  }
0x6d: {  	_ =	shalt  }
0x6e: {  	_ =	shalt  }
0x6f: {  	_ =	shalt  }
0x70: {  	_ =	shalt  }
0x71: {  	_ =	shalt  }
0x72: {  	_ =	shalt  }
0x73: {  	_ =	shalt  }
0x74: {  	_ =	shalt  }
0x75: {  	_ =	shalt  }
0x76: {  	_ =	shalt  }
0x77: {  	_ =	shalt  }
0x78: {  	_ =	shalt  }
0x79: {  	_ =	shalt  }
0x7a: {  	_ =	shalt  }
0x7b: {  	_ =	shalt  }
0x7c: {  	_ =	shalt  }
0x7d: {  	_ =	shalt  }
0x7e: {  	_ =	shalt  }
0x7f: {  	_ =	shalt  }
0x80: {  	_ =	shalt  }
0x81: {  	_ =	shalt  }
0x82: {  	_ =	shalt  }
0x83: {  	_ =	shalt  }
0x84: {  	_ =	shalt  }
0x85: {  	_ =	shalt  }
0x86: {  	_ =	shalt  }
0x87: {  	_ =	shalt  }
.Lfunc_end0:
.L_simem_size_0:
called_computation.8_lowered:
.L_overlay_start_0:
0x88: {  	s2 =	sld [smem:$0x3FD9]  }
0x89: {  	s3 =	sld [smem:$0x3FFE];
	_ =	sdelay $0x1  }
0x8a: {  	s1 =	srdreg.scid  }
0x8b: {  	s0 =	sand.u32 $0x1, s1  }
0x8c: {  	s16 =	sshll.u32 s0, $0xA;
	s2 =	sadd.s32 s3, s2  }
0x8d: {  	s2 =	sadd.s32 s2, s16  }
0x8e: {  	[smem:$0x3FB0] =	sst s2  }
0x8f: {  	_ = 	snop  }
0x90: {  	(tm) =	ssettm $0x1  }
0x91: {  	s17 =	sld [smem:$0x3FFB];
	_ =	sdelay $0x3  }
0x92: {  	_ =	strace s17  }
0x93: {  	s2 =	sld [smem:$0x3FFC];
	_ =	sdelay $0x3  }
0x94: {  	_ =	strace s2  }
0x95: {  	s2 =	sld [smem:$0x3FFD];
	_ =	sdelay $0x3  }
0x96: {  	_ =	strace s2  }
0x97: {  	_ =	strace $0x8FFFFFFF  }
0x98: {  	s18 =	sld [smem:$0x3FDB];
	_ =	sdelay $0x1  }
0x99: {  	s19 =	simm.s32 $_scs_section_size  }
0x9a: {  	s4 =	simm.s32 $_size__tile_overlayer_lowered;
	s5 =	simm.s32 $_tile_overlayer_lowered  }
0x9b: {  	s22 =	simm.s32 $0x1BFF;
	s21 =	sshll.u32 s5, $0x1;
	s2 =	sadd.s32 s19, s18  }
0x9c: {  	s6 =	simm.s32 $0x0;
	s20 =	sshll.u32 s4, $0x1;
	s4 =	sadd.s32 s21, s2  }
0x9d: {  	[timem:s6], [sflag:s22] =	dma.local [hbm:s4], s20  }
0x9e: {  	_ =	swait.ge [sflag:s22], s20  }
0x9f: {  	s3 =	ssub.s32 $0x0, s20;
	[sflag:s22] =	ssyncset.done $0x0  }
0xa0: {  	[sflag:s22] =	ssyncadd.s32 s3;
	_ =	sdelay $0x1  }
0xa1: {  	s23 =	simm.s32 $0x1B8B  }
0xa2: {  	_ =	swait.ge [sflag:s23], $0x1  }
0xa3: {  	[sflag:s23] =	ssyncset.done $0x0  }
0xa4: {  	s25 =	simm.s32 $0x1B8E;
	s24 =	sld [smem:$0x3FFE];
	[sflag:s23] =	ssyncadd.s32 $0xFFFFFFFF  }
0xa5: {  	s26 =	simm.s32 $execute0_lowered;
	[smem:$0x3FD2] =	sst s25  }
0xa6: {  	s4 =	sshll.u32 s26, $0x1;
	_ =	strace $0x8000005E;
	[dreg:$0x1] =	wrdreg $0xFFFFFFFF  }
0xa7: {  	s28 =	simm.s32 $_size_execute0_lowered;
	s2 =	sadd.s32 s2, s4;
	[dreg:$0x0] =	wrdreg $0x0  }
0xa8: {  	s4 =	sshll.u32 s28, $0x1;
	[dreg:$0x2] =	wrdreg s2  }
0xa9: {  	[dreg:$0x3] =	wrdreg s4  }
0xaa: {  	[dreg:$0x4] =	wrdreg $0xC0  }
0xab: {  	_ =	task [dreg:s6], $0x5FFFF  }
0xac: {  	[dreg:$0x1] =	wrdreg $0xFFFFFFFF  }
0xad: {  	[dreg:$0x0] =	wrdreg $0x60  }
0xae: {  	[dreg:$0x2] =	wrdreg s24  }
0xaf: {  	[dreg:$0x3] =	wrdreg $0x9  }
0xb0: {  	_ =	task.clear_ibuf [dreg:s6], $0x4FFFF;
	_ =	strace $0x9000005E  }
0xb1: {  	s29 =	simm.s32 $0x9;
	_ =	strace $0x80000060  }
0xb2: {  	_ =	swait.ge [sflag:s29], $0x1  }
0xb3: {  	[sflag:s29] =	ssyncadd.s32 $0xFFFFFFFF  }
0xb4: {  	_ =	strace $0x90000060  }
0xb5: {  	_ =	sfence  }
0xb6: {  	s30 =	sld [smem:$0x0];
	_ =	sdelay $0x2  }
0xb7: {  	s31 =	sshll.u32 s1, $0xD;
	s1 =	sshrl.u32 s1, $0x2  }
0xb8: {  	s3 =	sand.u32 $0x4000, s31;
	s1 =	sadd.s32 s1, s30  }
0xb9: {  	s0 =	sor.u32 s3, s0;
	s1 =	sshll.u32 s1, $0x11  }
0xba: {  	s0 =	sor.u32 s1, s0  }
0xbb: {  	s0 =	sadd.s32 $0x8F2B, s0  }
0xbc: {  	[sflag:s0] =	ssyncadd.remote.s32 $0x1  }
0xbd: {  	_ =	sfence.sel $0xFFFF  }
0xbe: {  	[dreg:$0x0] =	wrdreg $0xFFFFFFFF;
	(pc) =	sbr.abs _section_cstart, $3  }
0xbf: {  	[dreg:$0x1] =	wrdreg $0xFFFFFFFF  }
0xc0: {  	_ =	task.clear_ibuf [dreg:s6], $0x2FFFF;
	_ =	strace $0x9FFFFFFF  }
0xc1: {  	(tm) =	ssettm $0x7FFFFFFF  }
tec
execute0_lowered:
.L_overlay_start_1:
0x0: {  	(tag) =	ssettag $0x1  }
0x1: {  	s5 =	rddreg [dreg:$0x0];
	s2 =	simm.s32 $0x0  }
0x2: {  	s3 =	srdreg.scid;
	s0 =	stileid.u32;
	s17 =	simm.s32 $0x8000  }
0x3: {  	s18 =	simm.s32 $0xD000;
	s19 =	simm.s32 $0xA800;
	s20 =	simm.s32 $0xF800  }
0x4: {  	s21 =	simm.s32 $0x1;
	s22 =	simm.s32 $0x3;
	s23 =	simm.s32 $0x2  }
0x5: {  	s24 =	simm.s32 $0x4;
	s26 =	simm.s32 $0x7F80;
	s28 =	simm.s32 $0x0  }
0x6: {  	[smem:$0x7FF] =	sst s2;
	s9 =	sand.u32 $0x1, s3;
	s29 =	sshll.u32 s0, $0x1  }
0x7: {  	s3 =	sadd.s32 $0xEA00, s5;
	s4 =	sadd.s32 $0x81600, s5;
	s13 =	sadd.s32 $0x5CFA00, s5  }
0x8: {  	s11 =	sadd.s32 $0xCFA00, s5;
	s14 =	smul.u32 $0x50000, s0;
	_ =	strace $0x8000005F  }
0x9: {  	s6 =	sor.u32 s9, s29;
	s8 =	ssub.s32 $0x2, s9;
	s16 =	smul.u32 $0x28000, s9  }
0xa: {  	s7 =	sshll.u32 s6, $0xB;
	s30 =	sshrl.u32 s8, $0x1;
	s10 =	smul.u32 $0x28000, s6  }
0xb: {  	s31 =	sadd.s32 s14, s11;
	s7 =	sadd.s32 s7, s5;
	s8 =	ssub.s32 s8, s30  }
0xc: {  	s5 =	sadd.s32 $0x61600, s7;
	s6 =	sadd.s32 $0x71600, s7;
	s12 =	sadd.s32 $0x27600, s10  }
0xd: {  	s7 =	smax.u32 s8, $0x1;
	s15 =	sadd.s32 $0x27B00, s10;
	s8 =	sadd.s32 s11, s12  }
0xe: {  	s9 =	sadd.s32 s13, s12;
	s10 =	sadd.s32 s11, s15;
	s11 =	sadd.s32 s13, s15  }
0xf: {  	s12 =	sadd.s32 s16, s31;
	s13 =	sadd.s32 s14, s13;
	s14 =	simm.s32 $0x5  }
0x10: {  	s15 =	simm.s32 $0x4000;
	s13 =	sadd.s32 s16, s13;
	s16 =	simm.s32 $0x50  }
.LBB2_1:
0x11: {  	[tilespmem:s2], [sflag:$0x5] =	stream.linear.gather [hbm4b:s5+s2], $0x4000, $0x38;
	[tilespmem:$0x12000] =	vst v63  }
0x12: {  	_ =	swait.ge [sflag:s14], $0x4000  }
0x13: {  	[sflag:s14] =	ssyncset.done $0x0  }
0x14: {  	[sflag:s14] =	ssyncadd.s32 $0xFFFFC000  }
0x15: {  	[tilespmem:s15], [sflag:$0x5] =	stream.linear.gather [hbm4b:s6+s2], $0x4000, $0x38;
	[tilespmem:$0x12000] =	vst v63  }
0x16: {  	_ =	swait.ge [sflag:s14], $0x4000  }
0x17: {  	[sflag:s14] =	ssyncset.done $0x0  }
0x18: {  	[sflag:s14] =	ssyncadd.s32 $0xFFFFC000  }
0x19: {  	[tilespmem:s17], [sflag:$0x1] =	stream.indirect.gather [hbm4b:s3+s16], $0x80, s2, s16, $0xb8;
	[tilespmem:$0x12000] =	vst v63  }
0x1a: {  	_ = 	snop  }
0x1b: {  	[tilespmem:s18], [sflag:$0x3] =	stream.indirect.gather [hbm4b:s4+s16], $0x80, s15, s16, $0xb8;
	[tilespmem:$0x12000] =	vst v63  }
0x1c: {  	s29 =	simm.s32 $0x80  }
0x1d: {  	[tilespmem:s19], [sflag:$0x2] =	stream.indirect.gather [hbm4b:s3+s16], $0x80, s29, s16, $0xb8;
	[tilespmem:$0x12000] =	vst v63  }
0x1e: {  	s30 =	simm.s32 $0x4080  }
0x1f: {  	[tilespmem:s20], [sflag:$0x4] =	stream.indirect.gather [hbm4b:s4+s16], $0x80, s30, s16, $0xb8;
	[tilespmem:$0x12000] =	vst v63  }
0x20: {  	_ =	swait.ge [sflag:s21], $0x2800  }
0x21: {  	[sflag:s21] =	ssyncset.done $0x0  }
0x22: {  	s31 =	sadd.s32 $0x0, s12;
	[sflag:s21] =	ssyncadd.s32 $0xFFFFD800  }
0x23: {  	[hbm4b:s31+s2] =	stream.linear.scatter [tilespmem:s17], [sflag:$0x5], $0x2800, $0x38;
	[tilespmem:$0x12000] =	vst v63  }
0x24: {  	_ =	swait.ge [sflag:s14], $0x2800  }
0x25: {  	[sflag:s14] =	ssyncset.done $0x0  }
0x26: {  	[sflag:s14] =	ssyncadd.s32 $0xFFFFD800  }
0x27: {  	_ =	swait.ge [sflag:s22], $0x2800  }
0x28: {  	[sflag:s22] =	ssyncset.done $0x0  }
0x29: {  	s0 =	sadd.s32 $0x0, s13;
	[sflag:s22] =	ssyncadd.s32 $0xFFFFD800  }
0x2a: {  	[hbm4b:s0+s2] =	stream.linear.scatter [tilespmem:s18], [sflag:$0x5], $0x2800, $0x38;
	[tilespmem:$0x12000] =	vst v63  }
0x2b: {  	_ =	swait.ge [sflag:s14], $0x2800  }
0x2c: {  	[sflag:s14] =	ssyncset.done $0x0  }
0x2d: {  	s1 =	simm.s32 $0x100;
	[sflag:s14] =	ssyncadd.s32 $0xFFFFD800  }
0x2e: {  	[tilespmem:s17], [sflag:$0x1] =	stream.indirect.gather [hbm4b:s3+s16], $0x80, s1, s16, $0xb8;
	[tilespmem:$0x12000] =	vst v63  }
0x2f: {  	s25 =	simm.s32 $0x4100  }
0x30: {  	[tilespmem:s18], [sflag:$0x3] =	stream.indirect.gather [hbm4b:s4+s16], $0x80, s25, s16, $0xb8;
	[tilespmem:$0x12000] =	vst v63  }
0x31: {  	_ =	swait.ge [sflag:s23], $0x2800  }
0x32: {  	[sflag:s23] =	ssyncset.done $0x0  }
0x33: {  	s25 =	sadd.s32 $0x500, s31;
	[sflag:s23] =	ssyncadd.s32 $0xFFFFD800  }
0x34: {  	[hbm4b:s25+s2] =	stream.linear.scatter [tilespmem:s19], [sflag:$0x5], $0x2800, $0x38;
	[tilespmem:$0x12000] =	vst v63  }
0x35: {  	_ =	swait.ge [sflag:s14], $0x2800  }
0x36: {  	[sflag:s14] =	ssyncset.done $0x0  }
0x37: {  	[sflag:s14] =	ssyncadd.s32 $0xFFFFD800  }
0x38: {  	_ =	swait.ge [sflag:s24], $0x2800  }
0x39: {  	[sflag:s24] =	ssyncset.done $0x0  }
0x3a: {  	s0 =	sadd.s32 $0x500, s0;
	[sflag:s24] =	ssyncadd.s32 $0xFFFFD800  }
0x3b: {  	[hbm4b:s0+s2] =	stream.linear.scatter [tilespmem:s20], [sflag:$0x5], $0x2800, $0x38;
	[tilespmem:$0x12000] =	vst v63  }
0x3c: {  	_ =	swait.ge [sflag:s14], $0x2800  }
0x3d: {  	s31 =	simm.s32 $0xA00;
	[sflag:s14] =	ssyncset.done $0x0  }
.LBB2_2:
0x3e: {  	[sflag:s14] =	ssyncadd.s32 $0xFFFFD800;
	s29 =	sadd.s32 $0x100, s29;
	s30 =	sadd.s32 $0x100, s30  }
0x3f: {  	[tilespmem:s19], [sflag:$0x2] =	stream.indirect.gather [hbm4b:s3+s16], $0x80, s29, s16, $0xb8;
	[tilespmem:$0x12000] =	vst v63  }
0x40: {  	p0 =	sne.s32 s31, $0x26C00;
	s0 =	smov.u32 s31;
	s31 =	sadd.s32 $0xA00, s31  }
0x41: {  	[tilespmem:s20], [sflag:$0x4] =	stream.indirect.gather [hbm4b:s4+s16], $0x80, s30, s16, $0xb8;
	[tilespmem:$0x12000] =	vst v63  }
0x42: {  	_ =	swait.ge [sflag:s21], $0x2800  }
0x43: {  	[sflag:s21] =	ssyncset.done $0x0  }
0x44: {  	s1 =	sadd.s32 s0, s12;
	[sflag:s21] =	ssyncadd.s32 $0xFFFFD800  }
0x45: {  	[hbm4b:s1+s2] =	stream.linear.scatter [tilespmem:s17], [sflag:$0x5], $0x2800, $0x38;
	[tilespmem:$0x12000] =	vst v63  }
0x46: {  	_ =	swait.ge [sflag:s14], $0x2800  }
0x47: {  	[sflag:s14] =	ssyncset.done $0x0  }
0x48: {  	[sflag:s14] =	ssyncadd.s32 $0xFFFFD800  }
0x49: {  	_ =	swait.ge [sflag:s22], $0x2800  }
0x4a: {  	[sflag:s22] =	ssyncset.done $0x0  }
0x4b: {  	s0 =	sadd.s32 s0, s13;
	[sflag:s22] =	ssyncadd.s32 $0xFFFFD800  }
0x4c: {  	[hbm4b:s0+s2] =	stream.linear.scatter [tilespmem:s18], [sflag:$0x5], $0x2800, $0x38;
	[tilespmem:$0x12000] =	vst v63  }
0x4d: {  	_ =	swait.ge [sflag:s14], $0x2800  }
0x4e: {  	[sflag:s14] =	ssyncset.done $0x0  }
0x4f: {  	s25 =	sadd.s32 $0x80, s29;
	[sflag:s14] =	ssyncadd.s32 $0xFFFFD800  }
0x50: {  	[tilespmem:s17], [sflag:$0x1] =	stream.indirect.gather [hbm4b:s3+s16], $0x80, s25, s16, $0xb8;
	[tilespmem:$0x12000] =	vst v63  }
0x51: {  	s25 =	sadd.s32 $0x80, s30  }
0x52: {  	[tilespmem:s18], [sflag:$0x3] =	stream.indirect.gather [hbm4b:s4+s16], $0x80, s25, s16, $0xb8;
	[tilespmem:$0x12000] =	vst v63  }
0x53: {  	_ =	swait.ge [sflag:s23], $0x2800  }
0x54: {  	[sflag:s23] =	ssyncset.done $0x0  }
0x55: {  	s1 =	sadd.s32 $0x500, s1;
	[sflag:s23] =	ssyncadd.s32 $0xFFFFD800  }
0x56: {  	[hbm4b:s1+s2] =	stream.linear.scatter [tilespmem:s19], [sflag:$0x5], $0x2800, $0x38;
	[tilespmem:$0x12000] =	vst v63  }
0x57: {  	_ =	swait.ge [sflag:s14], $0x2800  }
0x58: {  	[sflag:s14] =	ssyncset.done $0x0  }
0x59: {  	[sflag:s14] =	ssyncadd.s32 $0xFFFFD800  }
0x5a: {  	_ =	swait.ge [sflag:s24], $0x2800  }
.Ltmp0:
0x5b: {  	[sflag:s24] =	ssyncset.done $0x0;
	(pc) =	sbr.rel @p0 .LBB2_2-.Ltmp0, $4  }
0x5c: {  	s0 =	sadd.s32 $0x500, s0;
	[sflag:s24] =	ssyncadd.s32 $0xFFFFD800  }
0x5d: {  	[hbm4b:s0+s2] =	stream.linear.scatter [tilespmem:s20], [sflag:$0x5], $0x2800, $0x38;
	[tilespmem:$0x12000] =	vst v63  }
0x5e: {  	_ =	swait.ge [sflag:s14], $0x2800  }
0x5f: {  	[sflag:s14] =	ssyncset.done $0x0  }
0x60: {  	[sflag:s14] =	ssyncadd.s32 $0xFFFFD800;
	s0 =	simm.s32 $0x3F80  }
0x61: {  	[tilespmem:s19], [sflag:$0x2] =	stream.indirect.gather [hbm4b:s3+s16], $0x80, s0, s16, $0xb8;
	[tilespmem:$0x12000] =	vst v63  }
0x62: {  	_ = 	snop  }
0x63: {  	[tilespmem:s20], [sflag:$0x4] =	stream.indirect.gather [hbm4b:s4+s16], $0x80, s26, s16, $0xb8;
	[tilespmem:$0x12000] =	vst v63  }
0x64: {  	_ =	swait.ge [sflag:s21], $0x2800  }
0x65: {  	[sflag:s21] =	ssyncset.done $0x0  }
0x66: {  	[sflag:s21] =	ssyncadd.s32 $0xFFFFD800  }
0x67: {  	[hbm4b:s8+s2] =	stream.linear.scatter [tilespmem:s17], [sflag:$0x5], $0x2800, $0x38;
	[tilespmem:$0x12000] =	vst v63  }
0x68: {  	_ =	swait.ge [sflag:s14], $0x2800  }
0x69: {  	[sflag:s14] =	ssyncset.done $0x0  }
0x6a: {  	[sflag:s14] =	ssyncadd.s32 $0xFFFFD800  }
0x6b: {  	_ =	swait.ge [sflag:s22], $0x2800  }
0x6c: {  	[sflag:s22] =	ssyncset.done $0x0  }
0x6d: {  	[sflag:s22] =	ssyncadd.s32 $0xFFFFD800  }
0x6e: {  	[hbm4b:s9+s2] =	stream.linear.scatter [tilespmem:s18], [sflag:$0x5], $0x2800, $0x38;
	[tilespmem:$0x12000] =	vst v63  }
0x6f: {  	_ =	swait.ge [sflag:s14], $0x2800  }
0x70: {  	[sflag:s14] =	ssyncset.done $0x0  }
0x71: {  	[sflag:s14] =	ssyncadd.s32 $0xFFFFD800  }
0x72: {  	_ =	swait.ge [sflag:s23], $0x2800  }
0x73: {  	[sflag:s23] =	ssyncset.done $0x0  }
0x74: {  	[sflag:s23] =	ssyncadd.s32 $0xFFFFD800  }
0x75: {  	[hbm4b:s10+s2] =	stream.linear.scatter [tilespmem:s19], [sflag:$0x5], $0x2800, $0x38;
	[tilespmem:$0x12000] =	vst v63  }
0x76: {  	_ =	swait.ge [sflag:s14], $0x2800  }
0x77: {  	[sflag:s14] =	ssyncset.done $0x0  }
0x78: {  	[sflag:s14] =	ssyncadd.s32 $0xFFFFD800  }
0x79: {  	s28 =	sadd.s32 $0x1, s28;
	_ =	swait.ge [sflag:s24], $0x2800  }
0x7a: {  	p0 =	sne.s32 s28, s7;
	[sflag:s24] =	ssyncset.done $0x0  }
.Ltmp1:
0x7b: {  	[sflag:s24] =	ssyncadd.s32 $0xFFFFD800;
	(pc) =	sbr.rel @p0 .LBB2_1-.Ltmp1, $4  }
0x7c: {  	[hbm4b:s11+s2] =	stream.linear.scatter [tilespmem:s20], [sflag:$0x5], $0x2800, $0x38;
	[tilespmem:$0x12000] =	vst v63  }
0x7d: {  	_ =	swait.ge [sflag:s14], $0x2800  }
0x7e: {  	[sflag:s14] =	ssyncset.done $0x0  }
0x7f: {  	[sflag:s14] =	ssyncadd.s32 $0xFFFFD800  }
0x80: {  	_ =	sfence.sel $0x180000  }
0x81: {  	[bflag:$0x0] =	sbarrier.arrive $0xFFFF  }
0x82: {  	_ =	strace $0x9000005F  }
0x83: {  	s0 =	stileid.u32;
	[bflag:$0x2] =	sbarrier.arrive $0xFFFF  }
0x84: {  	p0 =	sne.s32 s0, $0x0;
	s0 =	rddreg [dreg:$0x1]  }
0x85: {  	s0 =	sadd.s32 @!p0 $0x100000, s0  }
0x86: {  	[sflag:s0] =	ssyncadd.tile.s32 @!p0 $0x1;
	_ =	shalt  }
.Lfunc_end2:
_tile_overlayer_lowered:
.L_overlay_start_2:
0x87: {  	(tag) =	ssettag $0x2  }
0x88: {  	s0 =	rddreg [dreg:$0x0];
	s2 =	stileid.u32  }
0x89: {  	s1 =	rddreg [dreg:$0x1];
	p0 =	sne.s32 s2, $0x0  }
0x8a: {  	s3 =	rddreg [dreg:$0x2];
	[bflag:$0x3] =	sbarrier.arrive $0xFFFF;
	s2 =	simm.s32 @!p0 $0x1C05  }
0x8b: {  	[timem:s3], [sflag:s2] =	dma.local @!p0 [hbm:s0], s1  }
0x8c: {  	s0 =	simm.s32 @!p0 $0x5  }
0x8d: {  	_ =	swait.ge @!p0 [sflag:s0], s1  }
0x8e: {  	s1 =	ssub.s32 @!p0 $0x0, s1;
	[sflag:s0] =	ssyncset.done @!p0 $0x0  }
0x8f: {  	[sflag:s0] =	ssyncadd.s32 @!p0 s1  }
0x90: {  	[bflag:$0x3] =	sbarrier.arrive $0xFFFF  }
0x91: {  	_ =	shalt  }

// kernel: kernel.45.cloned.1.call-start
scs
__scs_entry_jumppad:
0x0: {  	(pc) =	sbr.rel $0x88, $3  }
0x1: {  	(tag) =	ssettag $0x0;
	lr =	simm.s32 $0x1  }
0x2: {  	[smem:$0x3F89] =	sst lr;
	_ =	strace $0xD0000000  }
0x3: {  	_ = 	snop  }
0x4: {  	_ = 	snop  }
0x5: {  	_ = 	snop  }
0x6: {  	_ = 	snop  }
0x7: {  	_ = 	snop  }
__scs_overlays_trampoline_lowered:
0x8: {  	[smem:$0x3F98] =	sst s0  }
0x9: {  	[smem:$0x3F99] =	sst s1  }
0xa: {  	[smem:$0x3F9A] =	sst s2  }
0xb: {  	[smem:$0x3F9B] =	sst s3  }
0xc: {  	[smem:$0x3F9C] =	sst s4  }
0xd: {  	[smem:$0x3F9D] =	sst s5  }
0xe: {  	[smem:$0x3F9E] =	sst s6  }
0xf: {  	[smem:$0x3F9F] =	sst s7  }
0x10: {  	[smem:$0x3FA0] =	sst s8  }
0x11: {  	[smem:$0x3FA1] =	sst s9;
	s0 =	simm.s32 @!p0 $0x0  }
0x12: {  	s1 =	sld [smem:$0x3F87];
	s0 =	simm.s32 @p0 $0x1  }
0x13: {  	[smem:$0x3FA2] =	sst s0;
	s0 =	simm.s32 @!p1 $0x0  }
0x14: {  	s2 =	sld [smem:$0x3F86];
	s0 =	simm.s32 @p1 $0x1  }
0x15: {  	[smem:$0x3FA3] =	sst s0;
	s0 =	simm.s32 @!p2 $0x0  }
0x16: {  	s3 =	sld [smem:$0x3FDB];
	s0 =	simm.s32 @p2 $0x1  }
0x17: {  	s4 =	simm.s32 $0x1BF5;
	[smem:$0x3FA5] =	sst s0  }
0x18: {  	s0 =	sld [smem:$0x3F88];
	_ =	swait.ge [sflag:s4], $0x0  }
0x19: {  	s7 =	sld [smem:$0x3F89]  }
0x1a: {  	s8 =	sadd.s32 $0xFFFFE003, lr  }
0x1b: {  	s9 =	sadd.s32 $0xFFFFFEF7, lr;
	s5 =	simm.s32 $0xFFFFFFFF;
	p2 =	slt.u32 s8, $0xFFFFF086  }
0x1c: {  	p1 =	slt.u32 s9, $0xF7A;
	s5 =	simm.s32 @!p2 $0x0  }
0x1d: {  	s5 =	simm.s32 @p1 $0x1;
	p0 =	seq.s32 s7, s2  }
0x1e: {  	s7 =	smul.u32 @!p0 $0xF7A, s2;
	p2 =	seq.s32 @!p0 s5, $0x0  }
0x1f: {  	s9 =	smul.u32 $0xF7A, s1;
	s8 =	simm.s32 @!p0 $0x1BF5;
	p2 =	por !p2, p0  }
0x20: {  	[sflag:s8] =	ssyncset.s32 @!p0 $0xFFFFF086;
	s6 =	sadd.s32 @!p0 s3, s7;
	s7 =	simm.s32 @!p0 $0x108  }
0x21: {  	s3 =	sadd.s32 s3, s9;
	s6 =	sadd.s32 @!p0 $0x88, s6;
	s7 =	simm.s32 @p2 $0x1082  }
0x22: {  	[simem:s7], [sflag:s8] =	dma.local @!p0 [hbm:s6], $0xF7A  }
0x23: {  	s9 =	sor.u32 $0xD0000000, s2;
	s6 =	simm.s32 $0x108;
	_ =	swait.ge @!p0 [sflag:s8], $0x0  }
0x24: {  	s3 =	sadd.s32 $0x88, s3;
	s6 =	simm.s32 @!p1 $0x1082;
	[sflag:s4] =	ssyncset.s32 $0xFFFFF086  }
0x25: {  	[simem:s6], [sflag:s4] =	dma.local [hbm:s3], $0xF7A  }
0x26: {  	[smem:$0x3F89] =	sst s1;
	(tag) =	ssettag s2;
	_ =	strace s9  }
0x27: {  	s1 =	sld [smem:$0x3F99]  }
0x28: {  	s2 =	sld [smem:$0x3F9A]  }
0x29: {  	s4 =	sld [smem:$0x3F9C]  }
0x2a: {  	p0 =	seq.s32 s5, $0x0;
	s5 =	sld [smem:$0x3F9D]  }
0x2b: {  	s6 =	sld [smem:$0x3F9E]  }
0x2c: {  	s7 =	sld [smem:$0x3F9F]  }
0x2d: {  	s3 =	simm.s32 $0x108;
	s8 =	sld [smem:$0x3FA0]  }
0x2e: {  	s3 =	simm.s32 @!p0 $0x1082;
	s9 =	sld [smem:$0x3FA1]  }
0x2f: {  	lr =	sadd.s32 s0, s3;
	s0 =	sld [smem:$0x3F98]  }
0x30: {  	s3 =	sld [smem:$0x3F9B]  }
0x31: {  	[smem:$0x3FA4] =	sst s10  }
0x32: {  	s10 =	sld [smem:$0x3FA2];
	_ =	sdelay $0x3  }
0x33: {  	p0 =	seq.s32 s10, $0x1;
	s10 =	sld [smem:$0x3FA4];
	_ =	sdelay $0x3  }
0x34: {  	[smem:$0x3FA4] =	sst s10  }
0x35: {  	s10 =	sld [smem:$0x3FA3];
	_ =	sdelay $0x3  }
0x36: {  	p1 =	seq.s32 s10, $0x1;
	s10 =	sld [smem:$0x3FA4];
	_ =	sdelay $0x3  }
0x37: {  	[smem:$0x3FA4] =	sst s10  }
0x38: {  	s10 =	sld [smem:$0x3FA5]  }
0x39: {  	_ = 	snop;
	(pc) =	sbr.ind lr, $3  }
0x3a: {  	_ = 	snop  }
0x3b: {  	_ = 	snop  }
0x3c: {  	p2 =	seq.s32 s10, $0x1;
	s10 =	sld [smem:$0x3FA4]  }
0x3d: {  	_ =	shalt  }
0x3e: {  	_ =	shalt  }
0x3f: {  	_ =	shalt  }
0x40: {  	_ =	shalt  }
0x41: {  	_ =	shalt  }
0x42: {  	_ =	shalt  }
0x43: {  	_ =	shalt  }
0x44: {  	_ =	shalt  }
0x45: {  	_ =	shalt  }
0x46: {  	_ =	shalt  }
0x47: {  	_ =	shalt  }
0x48: {  	_ =	shalt  }
0x49: {  	_ =	shalt  }
0x4a: {  	_ =	shalt  }
0x4b: {  	_ =	shalt  }
0x4c: {  	_ =	shalt  }
0x4d: {  	_ =	shalt  }
0x4e: {  	_ =	shalt  }
0x4f: {  	_ =	shalt  }
0x50: {  	_ =	shalt  }
0x51: {  	_ =	shalt  }
0x52: {  	_ =	shalt  }
0x53: {  	_ =	shalt  }
0x54: {  	_ =	shalt  }
0x55: {  	_ =	shalt  }
0x56: {  	_ =	shalt  }
0x57: {  	_ =	shalt  }
0x58: {  	_ =	shalt  }
0x59: {  	_ =	shalt  }
0x5a: {  	_ =	shalt  }
0x5b: {  	_ =	shalt  }
0x5c: {  	_ =	shalt  }
0x5d: {  	_ =	shalt  }
0x5e: {  	_ =	shalt  }
0x5f: {  	_ =	shalt  }
0x60: {  	_ =	shalt  }
0x61: {  	_ =	shalt  }
0x62: {  	_ =	shalt  }
0x63: {  	_ =	shalt  }
0x64: {  	_ =	shalt  }
0x65: {  	_ =	shalt  }
0x66: {  	_ =	shalt  }
0x67: {  	_ =	shalt  }
0x68: {  	_ =	shalt  }
0x69: {  	_ =	shalt  }
0x6a: {  	_ =	shalt  }
0x6b: {  	_ =	shalt  }
0x6c: {  	_ =	shalt  }
0x6d: {  	_ =	shalt  }
0x6e: {  	_ =	shalt  }
0x6f: {  	_ =	shalt  }
0x70: {  	_ =	shalt  }
0x71: {  	_ =	shalt  }
0x72: {  	_ =	shalt  }
0x73: {  	_ =	shalt  }
0x74: {  	_ =	shalt  }
0x75: {  	_ =	shalt  }
0x76: {  	_ =	shalt  }
0x77: {  	_ =	shalt  }
0x78: {  	_ =	shalt  }
0x79: {  	_ =	shalt  }
0x7a: {  	_ =	shalt  }
0x7b: {  	_ =	shalt  }
0x7c: {  	_ =	shalt  }
0x7d: {  	_ =	shalt  }
0x7e: {  	_ =	shalt  }
0x7f: {  	_ =	shalt  }
0x80: {  	_ =	shalt  }
0x81: {  	_ =	shalt  }
0x82: {  	_ =	shalt  }
0x83: {  	_ =	shalt  }
0x84: {  	_ =	shalt  }
0x85: {  	_ =	shalt  }
0x86: {  	_ =	shalt  }
0x87: {  	_ =	shalt  }
.Lfunc_end0:
.L_simem_size_0:
called_computation.9_lowered:
.L_overlay_start_0:
0x88: {  	s2 =	sld [smem:$0x3FD9]  }
0x89: {  	s3 =	sld [smem:$0x3FFE];
	_ =	sdelay $0x1  }
0x8a: {  	s1 =	srdreg.scid  }
0x8b: {  	s0 =	sand.u32 $0x1, s1  }
0x8c: {  	s16 =	sshll.u32 s0, $0xA;
	s2 =	sadd.s32 s3, s2  }
0x8d: {  	s2 =	sadd.s32 s2, s16  }
0x8e: {  	[smem:$0x3FB0] =	sst s2  }
0x8f: {  	_ = 	snop  }
0x90: {  	(tm) =	ssettm $0x1  }
0x91: {  	s17 =	sld [smem:$0x3FFB];
	_ =	sdelay $0x3  }
0x92: {  	_ =	strace s17  }
0x93: {  	s2 =	sld [smem:$0x3FFC];
	_ =	sdelay $0x3  }
0x94: {  	_ =	strace s2  }
0x95: {  	s2 =	sld [smem:$0x3FFD];
	_ =	sdelay $0x3  }
0x96: {  	_ =	strace s2  }
0x97: {  	_ =	strace $0x8FFFFFFF  }
0x98: {  	s18 =	sld [smem:$0x3FDB];
	_ =	sdelay $0x1  }
0x99: {  	s19 =	simm.s32 $_scs_section_size  }
0x9a: {  	s4 =	simm.s32 $_size__tile_overlayer_lowered;
	s5 =	simm.s32 $_tile_overlayer_lowered  }
0x9b: {  	s22 =	simm.s32 $0x1BFF;
	s21 =	sshll.u32 s5, $0x1;
	s2 =	sadd.s32 s19, s18  }
0x9c: {  	s6 =	simm.s32 $0x0;
	s20 =	sshll.u32 s4, $0x1;
	s4 =	sadd.s32 s21, s2  }
0x9d: {  	[timem:s6], [sflag:s22] =	dma.local [hbm:s4], s20  }
0x9e: {  	_ =	swait.ge [sflag:s22], s20  }
0x9f: {  	s3 =	ssub.s32 $0x0, s20;
	[sflag:s22] =	ssyncset.done $0x0  }
0xa0: {  	[sflag:s22] =	ssyncadd.s32 s3;
	_ =	sdelay $0x1  }
0xa1: {  	s23 =	simm.s32 $0x1B8B  }
0xa2: {  	_ =	swait.ge [sflag:s23], $0x1  }
0xa3: {  	[sflag:s23] =	ssyncset.done $0x0  }
0xa4: {  	s25 =	simm.s32 $0x1B8E;
	s24 =	sld [smem:$0x3FFE];
	[sflag:s23] =	ssyncadd.s32 $0xFFFFFFFF  }
0xa5: {  	s26 =	simm.s32 $execute0_lowered;
	[smem:$0x3FD2] =	sst s25  }
0xa6: {  	s4 =	sshll.u32 s26, $0x1;
	_ =	strace $0x80000061;
	[dreg:$0x1] =	wrdreg $0xFFFFFFFF  }
0xa7: {  	s28 =	simm.s32 $_size_execute0_lowered;
	s2 =	sadd.s32 s2, s4;
	[dreg:$0x0] =	wrdreg $0x0  }
0xa8: {  	s4 =	sshll.u32 s28, $0x1;
	[dreg:$0x2] =	wrdreg s2  }
0xa9: {  	[dreg:$0x3] =	wrdreg s4  }
0xaa: {  	[dreg:$0x4] =	wrdreg $0xC0  }
0xab: {  	_ =	task [dreg:s6], $0x5FFFF  }
0xac: {  	[dreg:$0x1] =	wrdreg $0xFFFFFFFF  }
0xad: {  	[dreg:$0x0] =	wrdreg $0x60  }
0xae: {  	[dreg:$0x2] =	wrdreg s24  }
0xaf: {  	[dreg:$0x3] =	wrdreg $0x40000  }
0xb0: {  	[dreg:$0x4] =	wrdreg $0x9  }
0xb1: {  	_ =	task.clear_ibuf [dreg:s6], $0x5FFFF;
	_ =	strace $0x90000061  }
0xb2: {  	s29 =	simm.s32 $0x9;
	_ =	strace $0x80000063  }
0xb3: {  	_ =	swait.ge [sflag:s29], $0x1  }
0xb4: {  	[sflag:s29] =	ssyncadd.s32 $0xFFFFFFFF  }
0xb5: {  	_ =	strace $0x90000063  }
0xb6: {  	_ =	sfence  }
0xb7: {  	s30 =	sld [smem:$0x0];
	_ =	sdelay $0x2  }
0xb8: {  	s31 =	sshll.u32 s1, $0xD;
	s1 =	sshrl.u32 s1, $0x2  }
0xb9: {  	s3 =	sand.u32 $0x4000, s31;
	s1 =	sadd.s32 s1, s30  }
0xba: {  	s0 =	sor.u32 s3, s0;
	s1 =	sshll.u32 s1, $0x11  }
0xbb: {  	s0 =	sor.u32 s1, s0  }
0xbc: {  	s0 =	sadd.s32 $0x8F2B, s0  }
0xbd: {  	[sflag:s0] =	ssyncadd.remote.s32 $0x1  }
0xbe: {  	_ =	sfence.sel $0xFFFF  }
0xbf: {  	[dreg:$0x0] =	wrdreg $0xFFFFFFFF;
	(pc) =	sbr.abs _section_cstart, $3  }
0xc0: {  	[dreg:$0x1] =	wrdreg $0xFFFFFFFF  }
0xc1: {  	_ =	task.clear_ibuf [dreg:s6], $0x2FFFF;
	_ =	strace $0x9FFFFFFF  }
0xc2: {  	(tm) =	ssettm $0x7FFFFFFF  }
0xc3: {  	_ =	shalt  }
tec
execute0_lowered:
.L_overlay_start_1:
0x0: {  	(tag) =	ssettag $0x1  }
0x1: {  	s5 =	rddreg [dreg:$0x0]  }
0x2: {  	s2 =	rddreg [dreg:$0x1]  }
0x3: {  	s3 =	srdreg.scid;
	s1 =	stileid.u32  }
0x4: {  	s0 =	rddreg [dreg:$0x2];
	s15 =	simm.s32 $0x1A400;
	s16 =	simm.s32 $0x1  }
0x5: {  	s17 =	simm.s32 $0x50;
	s18 =	simm.s32 $0x2;
	s19 =	simm.s32 $0x3F00  }
0x6: {  	s20 =	simm.s32 $0x3F80;
	s21 =	simm.s32 $0x0;
	s9 =	smul.u32 $0x13C00, s1  }
0x7: {  	s6 =	sand.u32 $0x1, s3;
	s4 =	sshll.u32 s1, $0x1;
	s13 =	smul.u32 $0x4F000, s1  }
0x8: {  	s3 =	simm.s32 $0x0;
	s10 =	sadd.s32 $0xACFA00, s5;
	s29 =	smul.u32 $0x50000, s1  }
0x9: {  	s28 =	sshll.u32 s1, $0x6;
	s7 =	sor.u32 s6, s4;
	s8 =	smul.u32 $0x13C000, s6  }
0xa: {  	[smem:$0x7FF] =	sst s3;
	s25 =	ssub.s32 $0x2, s6;
	s30 =	smul.u32 $0x28000, s6  }
0xb: {  	s4 =	sshll.u32 s7, $0xB;
	_ =	strace $0x80000062;
	s12 =	sshrl.u32 s25, $0x1  }
0xc: {  	s7 =	smul.u32 $0x28000, s7;
	s26 =	sshrl.u32 s13, $0x2;
	s13 =	simm.s32 $0x3  }
0xd: {  	s11 =	sadd.s32 s4, s5;
	s4 =	sadd.s32 $0x36200, s5;
	s8 =	sadd.s32 s9, s8  }
0xe: {  	s9 =	ssub.s32 s25, s12;
	s14 =	sadd.s32 s26, s2;
	s8 =	sshrl.u32 s8, $0x3  }
0xf: {  	s6 =	sadd.s32 $0x71600, s11;
	s7 =	sadd.s32 s10, s7;
	s10 =	sadd.s32 s29, s10  }
0x10: {  	s9 =	smax.u32 s9, $0x1;
	s12 =	sshrl.u32 s14, $0x3;
	s14 =	simm.s32 $0x17C00  }
0x11: {  	s8 =	sadd.s32 s8, s5;
	s5 =	sor.u32 $0x1C03, s28;
	s31 =	sadd.s32 s30, s10  }
0x12: {  	s10 =	sadd.s32 $0x27B00, s7;
	s8 =	sadd.s32 $0xCFA00, s8;
	s11 =	sadd.s32 $0xA00, s31  }
.LBB2_1:
0x13: {  	[spmem:s12], [sflag:s5] =	dma.local [hbm:s4], $0x2780  }
0x14: {  	_ =	swait.ge [sflag:s13], $0x2780  }
0x15: {  	[sflag:s13] =	ssyncset.done $0x0  }
0x16: {  	[sflag:s13] =	ssyncadd.s32 $0xFFFFD880  }
0x17: {  	[tilespmem:s3], [sflag:$0x3] =	stream.linear.gather [hbm4b:s6+s3], $0x4000, $0x38;
	[tilespmem:$0x1CC00] =	vst v63  }
0x18: {  	_ =	swait.ge [sflag:s13], $0x4000  }
0x19: {  	[sflag:s13] =	ssyncset.done $0x0  }
0x1a: {  	[sflag:s13] =	ssyncadd.s32 $0xFFFFC000  }
0x1b: {  	[bflag:$0x0] =	sbarrier.arrive $0xFFFF  }
0x1c: {  	[tilespmem:s14], [sflag:$0x1] =	stream.linear.gather [hbm4b:s7+s3], $0x2800, $0x38;
	[tilespmem:$0x1CC00] =	vst v63  }
0x1d: {  	s22 =	sadd.s32 $0xFFFFFB00, s11  }
0x1e: {  	[tilespmem:s15], [sflag:$0x2] =	stream.linear.gather [hbm4b:s22+s3], $0x2800, $0x38;
	[tilespmem:$0x1CC00] =	vst v63  }
0x1f: {  	_ =	swait.ge [sflag:s16], $0x2800  }
0x20: {  	[sflag:s16] =	ssyncset.done $0x0  }
0x21: {  	s30 =	simm.s32 $0x0;
	[sflag:s16] =	ssyncadd.s32 $0xFFFFD800  }
0x22: {  	[spmem:s2] =	stream.indirect.scatter.add.f32 [tilespmem:s14], [sflag:$0x3], $0x80, s30, s17, $0xb8;
	[tilespmem:$0x1CC00] =	vst v63  }
0x23: {  	_ =	swait.ge [sflag:s13], $0x2800  }
0x24: {  	[sflag:s13] =	ssyncset.done $0x0  }
0x25: {  	[sflag:s13] =	ssyncadd.s32 $0xFFFFD800  }
0x26: {  	[tilespmem:s14], [sflag:$0x1] =	stream.linear.gather [hbm4b:s11+s3], $0x2800, $0x38;
	[tilespmem:$0x1CC00] =	vst v63  }
0x27: {  	_ =	swait.ge [sflag:s18], $0x2800  }
0x28: {  	[sflag:s18] =	ssyncset.done $0x0  }
0x29: {  	s31 =	simm.s32 $0x80;
	[sflag:s18] =	ssyncadd.s32 $0xFFFFD800  }
0x2a: {  	[spmem:s2] =	stream.indirect.scatter.add.f32 [tilespmem:s15], [sflag:$0x3], $0x80, s31, s17, $0xb8;
	[tilespmem:$0x1CC00] =	vst v63  }
0x2b: {  	s23 =	simm.s32 $0x400;
	_ =	swait.ge [sflag:s13], $0x2800  }
0x2c: {  	s24 =	simm.s32 $0x800;
	s22 =	sadd.s32 $0xA00, s11;
	[sflag:s13] =	ssyncset.done $0x0  }
.LBB2_2:
0x2d: {  	p0 =	sne.s32 s24, $0xF800;
	s25 =	sadd.s32 $0xFFFFFB00, s22;
	[sflag:s13] =	ssyncadd.s32 $0xFFFFD800  }
0x2e: {  	[tilespmem:s15], [sflag:$0x2] =	stream.linear.gather [hbm4b:s25+s3], $0x2800, $0x38;
	[tilespmem:$0x1CC00] =	vst v63  }
0x2f: {  	s25 =	smov.u32 s24;
	s24 =	sadd.s32 $0x400, s24;
	_ =	swait.ge [sflag:s16], $0x2800  }
0x30: {  	[sflag:s16] =	ssyncset.done $0x0  }
0x31: {  	s26 =	sshra.s32 s23, $0x2;
	s23 =	smov.u32 s25;
	[sflag:s16] =	ssyncadd.s32 $0xFFFFD800  }
0x32: {  	[spmem:s2] =	stream.indirect.scatter.add.f32 [tilespmem:s14], [sflag:$0x3], $0x80, s26, s17, $0xb8;
	[tilespmem:$0x1CC00] =	vst v63  }
0x33: {  	_ =	swait.ge [sflag:s13], $0x2800  }
0x34: {  	[sflag:s13] =	ssyncset.done $0x0  }
0x35: {  	[sflag:s13] =	ssyncadd.s32 $0xFFFFD800  }
0x36: {  	[tilespmem:s14], [sflag:$0x1] =	stream.linear.gather [hbm4b:s22+s3], $0x2800, $0x38;
	[tilespmem:$0x1CC00] =	vst v63  }
0x37: {  	_ =	swait.ge [sflag:s18], $0x2800  }
.Ltmp0:
0x38: {  	[sflag:s18] =	ssyncset.done $0x0;
	(pc) =	sbr.rel @p0 .LBB2_2-.Ltmp0, $4  }
0x39: {  	s25 =	sadd.s32 $0x80, s26;
	[sflag:s18] =	ssyncadd.s32 $0xFFFFD800  }
0x3a: {  	[spmem:s2] =	stream.indirect.scatter.add.f32 [tilespmem:s15], [sflag:$0x3], $0x80, s25, s17, $0xb8;
	[tilespmem:$0x1CC00] =	vst v63  }
0x3b: {  	_ =	swait.ge [sflag:s13], $0x2800  }
0x3c: {  	s22 =	sadd.s32 $0xA00, s22;
	[sflag:s13] =	ssyncset.done $0x0  }
0x3d: {  	s24 =	sadd.s32 $0xFFFFFB00, s22;
	[sflag:s13] =	ssyncadd.s32 $0xFFFFD800  }
0x3e: {  	[tilespmem:s15], [sflag:$0x2] =	stream.linear.gather [hbm4b:s24+s3], $0x2800, $0x38;
	[tilespmem:$0x1CC00] =	vst v63  }
0x3f: {  	_ =	swait.ge [sflag:s16], $0x2800  }
0x40: {  	[sflag:s16] =	ssyncset.done $0x0  }
0x41: {  	s23 =	sshra.s32 s23, $0x2;
	[sflag:s16] =	ssyncadd.s32 $0xFFFFD800  }
0x42: {  	[spmem:s2] =	stream.indirect.scatter.add.f32 [tilespmem:s14], [sflag:$0x3], $0x80, s23, s17, $0xb8;
	[tilespmem:$0x1CC00] =	vst v63  }
0x43: {  	_ =	swait.ge [sflag:s13], $0x2800  }
0x44: {  	[sflag:s13] =	ssyncset.done $0x0  }
0x45: {  	[sflag:s13] =	ssyncadd.s32 $0xFFFFD800  }
0x46: {  	[tilespmem:s14], [sflag:$0x1] =	stream.linear.gather [hbm4b:s22+s3], $0x2800, $0x38;
	[tilespmem:$0x1CC00] =	vst v63  }
0x47: {  	_ =	swait.ge [sflag:s18], $0x2800  }
0x48: {  	[sflag:s18] =	ssyncset.done $0x0  }
0x49: {  	s31 =	sadd.s32 $0x80, s23;
	[sflag:s18] =	ssyncadd.s32 $0xFFFFD800  }
0x4a: {  	[spmem:s2] =	stream.indirect.scatter.add.f32 [tilespmem:s15], [sflag:$0x3], $0x80, s31, s17, $0xb8;
	[tilespmem:$0x1CC00] =	vst v63  }
0x4b: {  	_ =	swait.ge [sflag:s13], $0x2800  }
0x4c: {  	[sflag:s13] =	ssyncset.done $0x0  }
0x4d: {  	[sflag:s13] =	ssyncadd.s32 $0xFFFFD800  }
0x4e: {  	[tilespmem:s15], [sflag:$0x2] =	stream.linear.gather [hbm4b:s10+s3], $0x2800, $0x38;
	[tilespmem:$0x1CC00] =	vst v63  }
0x4f: {  	_ =	swait.ge [sflag:s16], $0x2800  }
0x50: {  	[sflag:s16] =	ssyncset.done $0x0  }
0x51: {  	[sflag:s16] =	ssyncadd.s32 $0xFFFFD800  }
0x52: {  	[spmem:s2] =	stream.indirect.scatter.add.f32 [tilespmem:s14], [sflag:$0x3], $0x80, s19, s17, $0xb8;
	[tilespmem:$0x1CC00] =	vst v63  }
0x53: {  	_ =	swait.ge [sflag:s13], $0x2800  }
0x54: {  	[sflag:s13] =	ssyncset.done $0x0  }
0x55: {  	[sflag:s13] =	ssyncadd.s32 $0xFFFFD800  }
0x56: {  	_ =	swait.ge [sflag:s18], $0x2800  }
0x57: {  	[sflag:s18] =	ssyncset.done $0x0  }
0x58: {  	[sflag:s18] =	ssyncadd.s32 $0xFFFFD800  }
0x59: {  	[spmem:s2] =	stream.indirect.scatter.add.f32 [tilespmem:s15], [sflag:$0x3], $0x80, s20, s17, $0xb8;
	[tilespmem:$0x1CC00] =	vst v63  }
0x5a: {  	_ =	swait.ge [sflag:s13], $0x2800  }
0x5b: {  	s21 =	sadd.s32 $0x1, s21;
	[sflag:s13] =	ssyncset.done $0x0  }
0x5c: {  	p0 =	sne.s32 s21, s9;
	[sflag:s13] =	ssyncadd.s32 $0xFFFFD800  }
.Ltmp1:
0x5d: {  	[bflag:$0x0] =	sbarrier.arrive $0xFFFF;
	(pc) =	sbr.rel @p0 .LBB2_1-.Ltmp1, $4  }
0x5e: {  	[hbm:s8], [sflag:s5] =	dma.local [spmem:s12], $0x2780  }
0x5f: {  	_ =	swait.ge [sflag:s13], $0x2780  }
0x60: {  	[sflag:s13] =	ssyncset.done $0x0  }
0x61: {  	[sflag:s13] =	ssyncadd.s32 $0xFFFFD880  }
0x62: {  	_ =	sfence.sel $0x180000  }
0x63: {  	[bflag:$0x0] =	sbarrier.arrive $0xFFFF  }
0x64: {  	p0 =	sne.s32 s1, $0x0;
	_ =	strace $0x90000062  }
0x65: {  	s0 =	sadd.s32 @!p0 $0x100000, s0;
	[bflag:$0x2] =	sbarrier.arrive $0xFFFF  }
0x66: {  	[sflag:s0] =	ssyncadd.tile.s32 @!p0 $0x1;
	_ =	shalt  }
.Lfunc_end2:
_tile_overlayer_lowered:
.L_overlay_start_2:
0x67: {  	(tag) =	ssettag $0x2  }
0x68: {  	s0 =	rddreg [dreg:$0x0];
	s2 =	stileid.u32  }
0x69: {  	s1 =	rddreg [dreg:$0x1];
	p0 =	sne.s32 s2, $0x0  }
0x6a: {  	s3 =	rddreg [dreg:$0x2];
	[bflag:$0x3] =	sbarrier.arrive $0xFFFF;
	s2 =	simm.s32 @!p0 $0x1C03  }
0x6b: {  	[timem:s3], [sflag:s2] =	dma.local @!p0 [hbm:s0], s1  }
0x6c: {  	s0 =	simm.s32 @!p0 $0x3  }
0x6d: {  	_ =	swait.ge @!p0 [sflag:s0], s1  }
0x6e: {  	s1 =	ssub.s32 @!p0 $0x0, s1;
	[sflag:s0] =	ssyncset.done @!p0 $0x0  }
0x6f: {  	[sflag:s0] =	ssyncadd.s32 @!p0 s1  }
0x70: {  	[bflag:$0x3] =	sbarrier.arrive $0xFFFF  }
0x71: {  	_ =	shalt  }

</sc_bundles>
